<compile_context>
chip_gen: v7x
topology: tpu7x:2x2x1
jax: 0.10.2.dev20260603
libtpu: 0.0.44.dev20260713+nightly
codegen_flags: <defaults>
</compile_context>

<pallas_src>
import functools

import jax
import jax.numpy as jnp
from jax import lax
from jax.experimental import pallas as pl
from jax.experimental.pallas import tpu as pltpu
from jax.experimental.pallas import tpu_sc as plsc

B = 16384
F = 32
NW = 32
BPW = B // NW
L = 16
CHUNK = 128
NCHUNK = BPW // CHUNK
CGROUPS = CHUNK // L


def _bpr_body(customer, article_i, article_j, emb_c, emb_a, out_i, out_j,
              idx_c, idx_i, idx_j, rows_c, rows_i, rows_j,
              oi_v, oj_v, sem_c, sem_i, sem_j):
    wid = lax.axis_index("s") * 2 + lax.axis_index("c")
    base = wid * BPW

    pltpu.sync_copy(customer.at[pl.ds(base, BPW)], idx_c)
    pltpu.sync_copy(article_i.at[pl.ds(base, BPW)], idx_i)
    pltpu.sync_copy(article_j.at[pl.ds(base, BPW)], idx_j)

    lane = lax.iota(jnp.int32, L)

    def fire(k):
        h = lax.rem(k, 2) * CHUNK

        def fire_group(g, carry):
            s = k * CHUNK + g * L
            iv_c = idx_c[pl.ds(s, L)]
            iv_i = idx_i[pl.ds(s, L)]
            iv_j = idx_j[pl.ds(s, L)]
            for l in range(L):
                d = h + g * L + l
                pltpu.async_copy(emb_c.at[pl.ds(iv_c[l], 1), :],
                                 rows_c.at[pl.ds(d, 1), :], sem_c)
                pltpu.async_copy(emb_a.at[pl.ds(iv_i[l], 1), :],
                                 rows_i.at[pl.ds(d, 1), :], sem_i)
                pltpu.async_copy(emb_a.at[pl.ds(iv_j[l], 1), :],
                                 rows_j.at[pl.ds(d, 1), :], sem_j)
            return carry

        lax.fori_loop(0, CGROUPS, fire_group, 0)

    def drain(k):
        h = lax.rem(k, 2) * CHUNK
        pltpu.make_async_copy(emb_c.at[pl.ds(0, CHUNK), :],
                              rows_c.at[pl.ds(h, CHUNK), :], sem_c).wait()
        pltpu.make_async_copy(emb_a.at[pl.ds(0, CHUNK), :],
                              rows_i.at[pl.ds(h, CHUNK), :], sem_i).wait()
        pltpu.make_async_copy(emb_a.at[pl.ds(0, CHUNK), :],
                              rows_j.at[pl.ds(h, CHUNK), :], sem_j).wait()

    def compute(k):
        h = lax.rem(k, 2) * CHUNK

        def group(g, carry):
            b0 = k * CHUNK + g * L
            acc_i = jnp.zeros((L,), jnp.float32)
            acc_j = jnp.zeros((L,), jnp.float32)
            for l in range(L):
                r = h + g * L + l
                c0 = rows_c[r, pl.ds(0, L)]
                c1 = rows_c[r, pl.ds(L, L)]
                i0 = rows_i[r, pl.ds(0, L)]
                i1 = rows_i[r, pl.ds(L, L)]
                j0 = rows_j[r, pl.ds(0, L)]
                j1 = rows_j[r, pl.ds(L, L)]
                si = jnp.sum(c0 * i0 + c1 * i1)
                sj = jnp.sum(c0 * j0 + c1 * j1)
                onehot = lane == l
                acc_i = jnp.where(onehot, si, acc_i)
                acc_j = jnp.where(onehot, sj, acc_j)
            oi_v[pl.ds(b0, L)] = 1.0 / (1.0 + jnp.exp(-acc_i))
            oj_v[pl.ds(b0, L)] = 1.0 / (1.0 + jnp.exp(-acc_j))
            return carry

        lax.fori_loop(0, CGROUPS, group, 0)

    fire(jnp.int32(0))

    def step(k, carry):
        drain(k)

        @pl.when(k < NCHUNK - 1)
        def _():
            fire(k + 1)

        compute(k)
        return carry

    lax.fori_loop(0, NCHUNK, step, 0)

    pltpu.sync_copy(oi_v, out_i.at[pl.ds(base, BPW)])
    pltpu.sync_copy(oj_v, out_j.at[pl.ds(base, BPW)])


@functools.partial(
    pl.kernel,
    out_type=[
        jax.ShapeDtypeStruct((B,), jnp.float32),
        jax.ShapeDtypeStruct((B,), jnp.float32),
    ],
    mesh=plsc.VectorSubcoreMesh(core_axis_name="c", subcore_axis_name="s"),
    compiler_params=pltpu.CompilerParams(
        needs_layout_passes=False,
        disable_bounds_checks=True,
        disable_semaphore_checks=True,
        skip_device_barrier=True,
    ),
    scratch_types=[
        pltpu.VMEM((BPW,), jnp.int32),
        pltpu.VMEM((BPW,), jnp.int32),
        pltpu.VMEM((BPW,), jnp.int32),
        pltpu.VMEM((2 * CHUNK, F), jnp.float32),
        pltpu.VMEM((2 * CHUNK, F), jnp.float32),
        pltpu.VMEM((2 * CHUNK, F), jnp.float32),
        pltpu.VMEM((BPW,), jnp.float32),
        pltpu.VMEM((BPW,), jnp.float32),
        pltpu.SemaphoreType.DMA,
        pltpu.SemaphoreType.DMA,
        pltpu.SemaphoreType.DMA,
    ],
)
def _bpr_sc(customer, article_i, article_j, emb_c, emb_a, out_i, out_j,
            idx_c, idx_i, idx_j, rows_c, rows_i, rows_j,
            oi_v, oj_v, sem_c, sem_i, sem_j):
    _bpr_body(customer, article_i, article_j, emb_c, emb_a, out_i, out_j,
              idx_c, idx_i, idx_j, rows_c, rows_i, rows_j,
              oi_v, oj_v, sem_c, sem_i, sem_j)


def kernel(customer, article_i, article_j, embed_customer, embed_article):
    oi, oj = _bpr_sc(customer, article_i, article_j,
                     embed_customer, embed_article)
    return (oi.reshape(B, 1), oj.reshape(B, 1))

# --- scband reference (transcript-rebuilt; emitter-appended) ---
"""Pipeline reference for scband-bpr-model-59244778881288 (READ-ONLY COPY).

The authoritative reference and input builder live on the scoring server;
editing this copy changes nothing except your own understanding.
"""

import jax, jax.numpy as jnp
import numpy as np

CUSTOMER_COUNT = 1000000
ARTICLE_COUNT = 1000000
FACTOR_NUM = 32
BATCH = 16384


def setup_inputs(seed: int = 0) -> dict:
    key = jax.random.key(seed)
    k1, k2, k3, k4, k5 = jax.random.split(key, 5)
    customer = jax.random.randint(k1, (BATCH,), 0, CUSTOMER_COUNT, dtype=jnp.int64 if jax.config.jax_enable_x64 else jnp.int32)
    article_i = jax.random.randint(k2, (BATCH,), 0, ARTICLE_COUNT, dtype=jnp.int64 if jax.config.jax_enable_x64 else jnp.int32)
    article_j = jax.random.randint(k3, (BATCH,), 0, ARTICLE_COUNT, dtype=jnp.int64 if jax.config.jax_enable_x64 else jnp.int32)
    embed_customer = jax.random.normal(k4, (CUSTOMER_COUNT, FACTOR_NUM), dtype=jnp.float32) * 0.01
    embed_article = jax.random.normal(k5, (ARTICLE_COUNT, FACTOR_NUM), dtype=jnp.float32) * 0.01
    return {
        "customer": customer,
        "article_i": article_i,
        "article_j": article_j,
        "embed_customer": embed_customer,
        "embed_article": embed_article,
    }


def reference(customer, article_i, article_j, embed_customer, embed_article):
    # Embedding lookups (gather)
    e_customer = jnp.take(embed_customer, customer, axis=0)   # [B, F]
    e_item_i = jnp.take(embed_article, article_i, axis=0)     # [B, F]
    e_item_j = jnp.take(embed_article, article_j, axis=0)     # [B, F]
    # Per-row dot products (the torch loop of torch.dot is a batched rowwise dot)
    prediction_i = jnp.sum(e_customer * e_item_i, axis=1, keepdims=True)  # [B, 1]
    prediction_j = jnp.sum(e_customer * e_item_j, axis=1, keepdims=True)  # [B, 1]
    return (jax.nn.sigmoid(prediction_i), jax.nn.sigmoid(prediction_j))

if __name__ == "__main__":
    import jax
    _d = setup_inputs()
    print(jax.jit(kernel)(*tuple(_d.values())))

</pallas_src>

<mosaic_0001>
#map = affine_map<(d0, d1) -> (0)>
#map1 = affine_map<(d0, d1) -> (0, 0)>
module attributes {stable_mosaic.version = 14 : i64} {
  func.func @_bpr_sc(%arg0: i32, %arg1: i32, %arg2: memref<16384xi32, #tpu.memory_space<hbm>>, %arg3: memref<16384xi32, #tpu.memory_space<hbm>>, %arg4: memref<16384xi32, #tpu.memory_space<hbm>>, %arg5: memref<1000000x32xf32, #tpu.memory_space<hbm>>, %arg6: memref<1000000x32xf32, #tpu.memory_space<hbm>>, %arg7: memref<16384xf32, #tpu.memory_space<hbm>>, %arg8: memref<16384xf32, #tpu.memory_space<hbm>>, %arg9: memref<512xi32, #tpu.memory_space<vmem>>, %arg10: memref<512xi32, #tpu.memory_space<vmem>>, %arg11: memref<512xi32, #tpu.memory_space<vmem>>, %arg12: memref<256x32xf32, #tpu.memory_space<vmem>>, %arg13: memref<256x32xf32, #tpu.memory_space<vmem>>, %arg14: memref<256x32xf32, #tpu.memory_space<vmem>>, %arg15: memref<512xf32, #tpu.memory_space<vmem>>, %arg16: memref<512xf32, #tpu.memory_space<vmem>>, %arg17: memref<!tpu.dma_semaphore, #tpu.memory_space<semaphore_mem>>, %arg18: memref<!tpu.dma_semaphore, #tpu.memory_space<semaphore_mem>>, %arg19: memref<!tpu.dma_semaphore, #tpu.memory_space<semaphore_mem>>) attributes {dimension_semantics = [#tpu.dimension_semantics<core_parallel>, #tpu.dimension_semantics<subcore_parallel>], iteration_bounds = array<i64: 2, 16>, scalar_prefetch = 0 : i64, scratch_operands = 11 : i64, tpu.core_type = #tpu.core_type<sc_vector_subcore>, window_params = [{transform_indices = #map}, {transform_indices = #map}, {transform_indices = #map}, {transform_indices = #map1}, {transform_indices = #map1}, {transform_indices = #map}, {transform_indices = #map}]} {
    %mul3A = arith.constant 2 : i32
    %mul3A_0 = arith.muli %arg1, %mul3A : i32
    %add3A = arith.addi %mul3A_0, %arg0 : i32
    %mul3A_1 = arith.constant 512 : i32
    %mul3A_2 = arith.muli %add3A, %mul3A_1 : i32
    "tpu.region"() ({
      %run_scoped3A = tpu.sem_alloc : memref<!tpu.dma_semaphore, #tpu.memory_space<semaphore_mem>>
      %dma_start3A = tpu.memref_slice %arg2[%mul3A_2] : memref<16384xi32, #tpu.memory_space<hbm>> -> memref<512xi32, #tpu.memory_space<hbm>>
      %dma_start3A_19 = tpu.memref_slice %arg2[%mul3A_2] : memref<16384xi32, #tpu.memory_space<hbm>> -> memref<512xi32, #tpu.memory_space<hbm>>
      tpu.enqueue_dma source(%dma_start3A_19 : memref<512xi32, #tpu.memory_space<hbm>>) target(%arg9 : memref<512xi32, #tpu.memory_space<vmem>>) target_semaphore(%run_scoped3A : memref<!tpu.dma_semaphore, #tpu.memory_space<semaphore_mem>>)
      %dma_wait3A = tpu.memref_slice %arg2[%mul3A_2] : memref<16384xi32, #tpu.memory_space<hbm>> -> memref<512xi32, #tpu.memory_space<hbm>>
      %dma_wait3A_20 = tpu.memref_slice %arg2[%mul3A_2] : memref<16384xi32, #tpu.memory_space<hbm>> -> memref<512xi32, #tpu.memory_space<hbm>>
      tpu.wait_dma2 semaphore(%run_scoped3A : memref<!tpu.dma_semaphore, #tpu.memory_space<semaphore_mem>>) src(%dma_wait3A_20 : memref<512xi32, #tpu.memory_space<hbm>>) dst(%arg9 : memref<512xi32, #tpu.memory_space<vmem>>)
      tpu.yield
    }) : () -> ()
    "tpu.region"() ({
      %run_scoped3A = tpu.sem_alloc : memref<!tpu.dma_semaphore, #tpu.memory_space<semaphore_mem>>
      %dma_start3A = tpu.memref_slice %arg3[%mul3A_2] : memref<16384xi32, #tpu.memory_space<hbm>> -> memref<512xi32, #tpu.memory_space<hbm>>
      %dma_start3A_19 = tpu.memref_slice %arg3[%mul3A_2] : memref<16384xi32, #tpu.memory_space<hbm>> -> memref<512xi32, #tpu.memory_space<hbm>>
      tpu.enqueue_dma source(%dma_start3A_19 : memref<512xi32, #tpu.memory_space<hbm>>) target(%arg10 : memref<512xi32, #tpu.memory_space<vmem>>) target_semaphore(%run_scoped3A : memref<!tpu.dma_semaphore, #tpu.memory_space<semaphore_mem>>)
      %dma_wait3A = tpu.memref_slice %arg3[%mul3A_2] : memref<16384xi32, #tpu.memory_space<hbm>> -> memref<512xi32, #tpu.memory_space<hbm>>
      %dma_wait3A_20 = tpu.memref_slice %arg3[%mul3A_2] : memref<16384xi32, #tpu.memory_space<hbm>> -> memref<512xi32, #tpu.memory_space<hbm>>
      tpu.wait_dma2 semaphore(%run_scoped3A : memref<!tpu.dma_semaphore, #tpu.memory_space<semaphore_mem>>) src(%dma_wait3A_20 : memref<512xi32, #tpu.memory_space<hbm>>) dst(%arg10 : memref<512xi32, #tpu.memory_space<vmem>>)
      tpu.yield
    }) : () -> ()
    "tpu.region"() ({
      %run_scoped3A = tpu.sem_alloc : memref<!tpu.dma_semaphore, #tpu.memory_space<semaphore_mem>>
      %dma_start3A = tpu.memref_slice %arg4[%mul3A_2] : memref<16384xi32, #tpu.memory_space<hbm>> -> memref<512xi32, #tpu.memory_space<hbm>>
      %dma_start3A_19 = tpu.memref_slice %arg4[%mul3A_2] : memref<16384xi32, #tpu.memory_space<hbm>> -> memref<512xi32, #tpu.memory_space<hbm>>
      tpu.enqueue_dma source(%dma_start3A_19 : memref<512xi32, #tpu.memory_space<hbm>>) target(%arg11 : memref<512xi32, #tpu.memory_space<vmem>>) target_semaphore(%run_scoped3A : memref<!tpu.dma_semaphore, #tpu.memory_space<semaphore_mem>>)
      %dma_wait3A = tpu.memref_slice %arg4[%mul3A_2] : memref<16384xi32, #tpu.memory_space<hbm>> -> memref<512xi32, #tpu.memory_space<hbm>>
      %dma_wait3A_20 = tpu.memref_slice %arg4[%mul3A_2] : memref<16384xi32, #tpu.memory_space<hbm>> -> memref<512xi32, #tpu.memory_space<hbm>>
      tpu.wait_dma2 semaphore(%run_scoped3A : memref<!tpu.dma_semaphore, #tpu.memory_space<semaphore_mem>>) src(%dma_wait3A_20 : memref<512xi32, #tpu.memory_space<hbm>>) dst(%arg11 : memref<512xi32, #tpu.memory_space<vmem>>)
      tpu.yield
    }) : () -> ()
    %iota3A = tpu.iota {dimensions = array<i32: 0>} : vector<16xi32>
    %rem3A = arith.constant 0 : i32
    %rem3A_3 = arith.constant 2 : i32
    %rem3A_4 = arith.remsi %rem3A, %rem3A_3 : i32
    %mul3A_5 = arith.constant 128 : i32
    %mul3A_6 = arith.muli %rem3A_4, %mul3A_5 : i32
    %scan3A = arith.constant 0 : i32
    %scan3A_7 = arith.constant 0 : i32
    %scan3A_8 = arith.constant 0 : i32
    %scan3A_9 = arith.constant 8 : i32
    %scan3A_10 = arith.addi %scan3A_8, %scan3A_9 : i32
    %scan3A_11 = arith.constant 1 : i32
    scf.for %scan3A_19 = %scan3A_8 to %scan3A_10 step %scan3A_11  : i32 {
      %mul3A_20 = arith.constant 128 : i32
      %mul3A_21 = arith.muli %scan3A_7, %mul3A_20 : i32
      %mul3A_22 = arith.constant 16 : i32
      %mul3A_23 = arith.muli %scan3A_19, %mul3A_22 : i32
      %add3A_24 = arith.addi %mul3A_21, %mul3A_23 : i32
      %get3A = arith.index_cast %add3A_24 : i32 to index
      %get3A_25 = tpu.vector_load %arg9[%get3A] {strides = array<i32>} : memref<512xi32, #tpu.memory_space<vmem>>, vector<16xi32>,
      %get3A_26 = arith.index_cast %add3A_24 : i32 to index
      %get3A_27 = tpu.vector_load %arg10[%get3A_26] {strides = array<i32>} : memref<512xi32, #tpu.memory_space<vmem>>, vector<16xi32>,
      %get3A_28 = arith.index_cast %add3A_24 : i32 to index
      %get3A_29 = tpu.vector_load %arg11[%get3A_28] {strides = array<i32>} : memref<512xi32, #tpu.memory_space<vmem>>, vector<16xi32>,
      %mul3A_30 = arith.constant 16 : i32
      %mul3A_31 = arith.muli %scan3A_19, %mul3A_30 : i32
      %add3A_32 = arith.addi %mul3A_6, %mul3A_31 : i32
      %add3A_33 = arith.constant 0 : i32
      %add3A_34 = arith.addi %add3A_32, %add3A_33 : i32
      %slice3A = vector.extract_strided_slice %get3A_25 {offsets = [0], sizes = [1], strides = [1]} : vector<16xi32> to vector<1xi32>
      %squeeze3A = vector.extract %slice3A[0] : i32 from vector<1xi32>
      %dma_start3A = arith.constant 0 : i32
      %dma_start3A_35 = tpu.memref_slice %arg12[%add3A_34, %dma_start3A] : memref<256x32xf32, #tpu.memory_space<vmem>> -> memref<1x32xf32, #tpu.memory_space<vmem>>
      %dma_start3A_36 = arith.constant 0 : i32
      %dma_start3A_37 = tpu.memref_slice %arg5[%squeeze3A, %dma_start3A_36] : memref<1000000x32xf32, #tpu.memory_space<hbm>> -> memref<1x32xf32, #tpu.memory_space<hbm>>
      %dma_start3A_38 = arith.constant 0 : i32
      %dma_start3A_39 = tpu.memref_slice %arg12[%add3A_34, %dma_start3A_38] : memref<256x32xf32, #tpu.memory_space<vmem>> -> memref<1x32xf32, #tpu.memory_space<vmem>>
      %dma_start3A_40 = arith.constant 0 : i32
      %dma_start3A_41 = tpu.memref_slice %arg5[%squeeze3A, %dma_start3A_40] : memref<1000000x32xf32, #tpu.memory_space<hbm>> -> memref<1x32xf32, #tpu.memory_space<hbm>>
      tpu.enqueue_dma source(%dma_start3A_41 : memref<1x32xf32, #tpu.memory_space<hbm>>) target(%dma_start3A_39 : memref<1x32xf32, #tpu.memory_space<vmem>>) target_semaphore(%arg17 : memref<!tpu.dma_semaphore, #tpu.memory_space<semaphore_mem>>)
      %slice3A_42 = vector.extract_strided_slice %get3A_27 {offsets = [0], sizes = [1], strides = [1]} : vector<16xi32> to vector<1xi32>
      %squeeze3A_43 = vector.extract %slice3A_42[0] : i32 from vector<1xi32>
      %dma_start3A_44 = arith.constant 0 : i32
      %dma_start3A_45 = tpu.memref_slice %arg13[%add3A_34, %dma_start3A_44] : memref<256x32xf32, #tpu.memory_space<vmem>> -> memref<1x32xf32, #tpu.memory_space<vmem>>
      %dma_start3A_46 = arith.constant 0 : i32
      %dma_start3A_47 = tpu.memref_slice %arg6[%squeeze3A_43, %dma_start3A_46] : memref<1000000x32xf32, #tpu.memory_space<hbm>> -> memref<1x32xf32, #tpu.memory_space<hbm>>
      %dma_start3A_48 = arith.constant 0 : i32
      %dma_start3A_49 = tpu.memref_slice %arg13[%add3A_34, %dma_start3A_48] : memref<256x32xf32, #tpu.memory_space<vmem>> -> memref<1x32xf32, #tpu.memory_space<vmem>>
      %dma_start3A_50 = arith.constant 0 : i32
      %dma_start3A_51 = tpu.memref_slice %arg6[%squeeze3A_43, %dma_start3A_50] : memref<1000000x32xf32, #tpu.memory_space<hbm>> -> memref<1x32xf32, #tpu.memory_space<hbm>>
      tpu.enqueue_dma source(%dma_start3A_51 : memref<1x32xf32, #tpu.memory_space<hbm>>) target(%dma_start3A_49 : memref<1x32xf32, #tpu.memory_space<vmem>>) target_semaphore(%arg18 : memref<!tpu.dma_semaphore, #tpu.memory_space<semaphore_mem>>)
      %slice3A_52 = vector.extract_strided_slice %get3A_29 {offsets = [0], sizes = [1], strides = [1]} : vector<16xi32> to vector<1xi32>
      %squeeze3A_53 = vector.extract %slice3A_52[0] : i32 from vector<1xi32>
      %dma_start3A_54 = arith.constant 0 : i32
      %dma_start3A_55 = tpu.memref_slice %arg14[%add3A_34, %dma_start3A_54] : memref<256x32xf32, #tpu.memory_space<vmem>> -> memref<1x32xf32, #tpu.memory_space<vmem>>
      %dma_start3A_56 = arith.constant 0 : i32
      %dma_start3A_57 = tpu.memref_slice %arg6[%squeeze3A_53, %dma_start3A_56] : memref<1000000x32xf32, #tpu.memory_space<hbm>> -> memref<1x32xf32, #tpu.memory_space<hbm>>
      %dma_start3A_58 = arith.constant 0 : i32
      %dma_start3A_59 = tpu.memref_slice %arg14[%add3A_34, %dma_start3A_58] : memref<256x32xf32, #tpu.memory_space<vmem>> -> memref<1x32xf32, #tpu.memory_space<vmem>>
      %dma_start3A_60 = arith.constant 0 : i32
      %dma_start3A_61 = tpu.memref_slice %arg6[%squeeze3A_53, %dma_start3A_60] : memref<1000000x32xf32, #tpu.memory_space<hbm>> -> memref<1x32xf32, #tpu.memory_space<hbm>>
      tpu.enqueue_dma source(%dma_start3A_61 : memref<1x32xf32, #tpu.memory_space<hbm>>) target(%dma_start3A_59 : memref<1x32xf32, #tpu.memory_space<vmem>>) target_semaphore(%arg19 : memref<!tpu.dma_semaphore, #tpu.memory_space<semaphore_mem>>)
      %mul3A_62 = arith.constant 16 : i32
      %mul3A_63 = arith.muli %scan3A_19, %mul3A_62 : i32
      %add3A_64 = arith.addi %mul3A_6, %mul3A_63 : i32
      %add3A_65 = arith.constant 1 : i32
      %add3A_66 = arith.addi %add3A_64, %add3A_65 : i32
      %slice3A_67 = vector.extract_strided_slice %get3A_25 {offsets = [1], sizes = [1], strides = [1]} : vector<16xi32> to vector<1xi32>
      %squeeze3A_68 = vector.extract %slice3A_67[0] : i32 from vector<1xi32>
      %dma_start3A_69 = arith.constant 0 : i32
      %dma_start3A_70 = tpu.memref_slice %arg12[%add3A_66, %dma_start3A_69] : memref<256x32xf32, #tpu.memory_space<vmem>> -> memref<1x32xf32, #tpu.memory_space<vmem>>
      %dma_start3A_71 = arith.constant 0 : i32
      %dma_start3A_72 = tpu.memref_slice %arg5[%squeeze3A_68, %dma_start3A_71] : memref<1000000x32xf32, #tpu.memory_space<hbm>> -> memref<1x32xf32, #tpu.memory_space<hbm>>
      %dma_start3A_73 = arith.constant 0 : i32
      %dma_start3A_74 = tpu.memref_slice %arg12[%add3A_66, %dma_start3A_73] : memref<256x32xf32, #tpu.memory_space<vmem>> -> memref<1x32xf32, #tpu.memory_space<vmem>>
      %dma_start3A_75 = arith.constant 0 : i32
      %dma_start3A_76 = tpu.memref_slice %arg5[%squeeze3A_68, %dma_start3A_75] : memref<1000000x32xf32, #tpu.memory_space<hbm>> -> memref<1x32xf32, #tpu.memory_space<hbm>>
      tpu.enqueue_dma source(%dma_start3A_76 : memref<1x32xf32, #tpu.memory_space<hbm>>) target(%dma_start3A_74 : memref<1x32xf32, #tpu.memory_space<vmem>>) target_semaphore(%arg17 : memref<!tpu.dma_semaphore, #tpu.memory_space<semaphore_mem>>)
      %slice3A_77 = vector.extract_strided_slice %get3A_27 {offsets = [1], sizes = [1], strides = [1]} : vector<16xi32> to vector<1xi32>
      %squeeze3A_78 = vector.extract %slice3A_77[0] : i32 from vector<1xi32>
      %dma_start3A_79 = arith.constant 0 : i32
      %dma_start3A_80 = tpu.memref_slice %arg13[%add3A_66, %dma_start3A_79] : memref<256x32xf32, #tpu.memory_space<vmem>> -> memref<1x32xf32, #tpu.memory_space<vmem>>
      %dma_start3A_81 = arith.constant 0 : i32
      %dma_start3A_82 = tpu.memref_slice %arg6[%squeeze3A_78, %dma_start3A_81] : memref<1000000x32xf32, #tpu.memory_space<hbm>> -> memref<1x32xf32, #tpu.memory_space<hbm>>
      %dma_start3A_83 = arith.constant 0 : i32
      %dma_start3A_84 = tpu.memref_slice %arg13[%add3A_66, %dma_start3A_83] : memref<256x32xf32, #tpu.memory_space<vmem>> -> memref<1x32xf32, #tpu.memory_space<vmem>>
      %dma_start3A_85 = arith.constant 0 : i32
      %dma_start3A_86 = tpu.memref_slice %arg6[%squeeze3A_78, %dma_start3A_85] : memref<1000000x32xf32, #tpu.memory_space<hbm>> -> memref<1x32xf32, #tpu.memory_space<hbm>>
      tpu.enqueue_dma source(%dma_start3A_86 : memref<1x32xf32, #tpu.memory_space<hbm>>) target(%dma_start3A_84 : memref<1x32xf32, #tpu.memory_space<vmem>>) target_semaphore(%arg18 : memref<!tpu.dma_semaphore, #tpu.memory_space<semaphore_mem>>)
      %slice3A_87 = vector.extract_strided_slice %get3A_29 {offsets = [1], sizes = [1], strides = [1]} : vector<16xi32> to vector<1xi32>
      %squeeze3A_88 = vector.extract %slice3A_87[0] : i32 from vector<1xi32>
      %dma_start3A_89 = arith.constant 0 : i32
      %dma_start3A_90 = tpu.memref_slice %arg14[%add3A_66, %dma_start3A_89] : memref<256x32xf32, #tpu.memory_space<vmem>> -> memref<1x32xf32, #tpu.memory_space<vmem>>
      %dma_start3A_91 = arith.constant 0 : i32
      %dma_start3A_92 = tpu.memref_slice %arg6[%squeeze3A_88, %dma_start3A_91] : memref<1000000x32xf32, #tpu.memory_space<hbm>> -> memref<1x32xf32, #tpu.memory_space<hbm>>
      %dma_start3A_93 = arith.constant 0 : i32
      %dma_start3A_94 = tpu.memref_slice %arg14[%add3A_66, %dma_start3A_93] : memref<256x32xf32, #tpu.memory_space<vmem>> -> memref<1x32xf32, #tpu.memory_space<vmem>>
      %dma_start3A_95 = arith.constant 0 : i32
      %dma_start3A_96 = tpu.memref_slice %arg6[%squeeze3A_88, %dma_start3A_95] : memref<1000000x32xf32, #tpu.memory_space<hbm>> -> memref<1x32xf32, #tpu.memory_space<hbm>>
      tpu.enqueue_dma source(%dma_start3A_96 : memref<1x32xf32, #tpu.memory_space<hbm>>) target(%dma_start3A_94 : memref<1x32xf32, #tpu.memory_space<vmem>>) target_semaphore(%arg19 : memref<!tpu.dma_semaphore, #tpu.memory_space<semaphore_mem>>)
      %mul3A_97 = arith.constant 16 : i32
      %mul3A_98 = arith.muli %scan3A_19, %mul3A_97 : i32
      %add3A_99 = arith.addi %mul3A_6, %mul3A_98 : i32
      %add3A_100 = arith.constant 2 : i32
      %add3A_101 = arith.addi %add3A_99, %add3A_100 : i32
      %slice3A_102 = vector.extract_strided_slice %get3A_25 {offsets = [2], sizes = [1], strides = [1]} : vector<16xi32> to vector<1xi32>
      %squeeze3A_103 = vector.extract %slice3A_102[0] : i32 from vector<1xi32>
      %dma_start3A_104 = arith.constant 0 : i32
      %dma_start3A_105 = tpu.memref_slice %arg12[%add3A_101, %dma_start3A_104] : memref<256x32xf32, #tpu.memory_space<vmem>> -> memref<1x32xf32, #tpu.memory_space<vmem>>
      %dma_start3A_106 = arith.constant 0 : i32
      %dma_start3A_107 = tpu.memref_slice %arg5[%squeeze3A_103, %dma_start3A_106] : memref<1000000x32xf32, #tpu.memory_space<hbm>> -> memref<1x32xf32, #tpu.memory_space<hbm>>
      %dma_start3A_108 = arith.constant 0 : i32
      %dma_start3A_109 = tpu.memref_slice %arg12[%add3A_101, %dma_start3A_108] : memref<256x32xf32, #tpu.memory_space<vmem>> -> memref<1x32xf32, #tpu.memory_space<vmem>>
      %dma_start3A_110 = arith.constant 0 : i32
      %dma_start3A_111 = tpu.memref_slice %arg5[%squeeze3A_103, %dma_start3A_110] : memref<1000000x32xf32, #tpu.memory_space<hbm>> -> memref<1x32xf32, #tpu.memory_space<hbm>>
      tpu.enqueue_dma source(%dma_start3A_111 : memref<1x32xf32, #tpu.memory_space<hbm>>) target(%dma_start3A_109 : memref<1x32xf32, #tpu.memory_space<vmem>>) target_semaphore(%arg17 : memref<!tpu.dma_semaphore, #tpu.memory_space<semaphore_mem>>)
      %slice3A_112 = vector.extract_strided_slice %get3A_27 {offsets = [2], sizes = [1], strides = [1]} : vector<16xi32> to vector<1xi32>
      %squeeze3A_113 = vector.extract %slice3A_112[0] : i32 from vector<1xi32>
      %dma_start3A_114 = arith.constant 0 : i32
      %dma_start3A_115 = tpu.memref_slice %arg13[%add3A_101, %dma_start3A_114] : memref<256x32xf32, #tpu.memory_space<vmem>> -> memref<1x32xf32, #tpu.memory_space<vmem>>
      %dma_start3A_116 = arith.constant 0 : i32
      %dma_start3A_117 = tpu.memref_slice %arg6[%squeeze3A_113, %dma_start3A_116] : memref<1000000x32xf32, #tpu.memory_space<hbm>> -> memref<1x32xf32, #tpu.memory_space<hbm>>
      %dma_start3A_118 = arith.constant 0 : i32
      %dma_start3A_119 = tpu.memref_slice %arg13[%add3A_101, %dma_start3A_118] : memref<256x32xf32, #tpu.memory_space<vmem>> -> memref<1x32xf32, #tpu.memory_space<vmem>>
      %dma_start3A_120 = arith.constant 0 : i32
      %dma_start3A_121 = tpu.memref_slice %arg6[%squeeze3A_113, %dma_start3A_120] : memref<1000000x32xf32, #tpu.memory_space<hbm>> -> memref<1x32xf32, #tpu.memory_space<hbm>>
      tpu.enqueue_dma source(%dma_start3A_121 : memref<1x32xf32, #tpu.memory_space<hbm>>) target(%dma_start3A_119 : memref<1x32xf32, #tpu.memory_space<vmem>>) target_semaphore(%arg18 : memref<!tpu.dma_semaphore, #tpu.memory_space<semaphore_mem>>)
      %slice3A_122 = vector.extract_strided_slice %get3A_29 {offsets = [2], sizes = [1], strides = [1]} : vector<16xi32> to vector<1xi32>
      %squeeze3A_123 = vector.extract %slice3A_122[0] : i32 from vector<1xi32>
      %dma_start3A_124 = arith.constant 0 : i32
      %dma_start3A_125 = tpu.memref_slice %arg14[%add3A_101, %dma_start3A_124] : memref<256x32xf32, #tpu.memory_space<vmem>> -> memref<1x32xf32, #tpu.memory_space<vmem>>
      %dma_start3A_126 = arith.constant 0 : i32
      %dma_start3A_127 = tpu.memref_slice %arg6[%squeeze3A_123, %dma_start3A_126] : memref<1000000x32xf32, #tpu.memory_space<hbm>> -> memref<1x32xf32, #tpu.memory_space<hbm>>
      %dma_start3A_128 = arith.constant 0 : i32
      %dma_start3A_129 = tpu.memref_slice %arg14[%add3A_101, %dma_start3A_128] : memref<256x32xf32, #tpu.memory_space<vmem>> -> memref<1x32xf32, #tpu.memory_space<vmem>>
      %dma_start3A_130 = arith.constant 0 : i32
      %dma_start3A_131 = tpu.memref_slice %arg6[%squeeze3A_123, %dma_start3A_130] : memref<1000000x32xf32, #tpu.memory_space<hbm>> -> memref<1x32xf32, #tpu.memory_space<hbm>>
      tpu.enqueue_dma source(%dma_start3A_131 : memref<1x32xf32, #tpu.memory_space<hbm>>) target(%dma_start3A_129 : memref<1x32xf32, #tpu.memory_space<vmem>>) target_semaphore(%arg19 : memref<!tpu.dma_semaphore, #tpu.memory_space<semaphore_mem>>)
      %mul3A_132 = arith.constant 16 : i32
      %mul3A_133 = arith.muli %scan3A_19, %mul3A_132 : i32
      %add3A_134 = arith.addi %mul3A_6, %mul3A_133 : i32
      %add3A_135 = arith.constant 3 : i32
      %add3A_136 = arith.addi %add3A_134, %add3A_135 : i32
      %slice3A_137 = vector.extract_strided_slice %get3A_25 {offsets = [3], sizes = [1], strides = [1]} : vector<16xi32> to vector<1xi32>
      %squeeze3A_138 = vector.extract %slice3A_137[0] : i32 from vector<1xi32>
      %dma_start3A_139 = arith.constant 0 : i32
      %dma_start3A_140 = tpu.memref_slice %arg12[%add3A_136, %dma_start3A_139] : memref<256x32xf32, #tpu.memory_space<vmem>> -> memref<1x32xf32, #tpu.memory_space<vmem>>
      %dma_start3A_141 = arith.constant 0 : i32
      %dma_start3A_142 = tpu.memref_slice %arg5[%squeeze3A_138, %dma_start3A_141] : memref<1000000x32xf32, #tpu.memory_space<hbm>> -> memref<1x32xf32, #tpu.memory_space<hbm>>
      %dma_start3A_143 = arith.constant 0 : i32
      %dma_start3A_144 = tpu.memref_slice %arg12[%add3A_136, %dma_start3A_143] : memref<256x32xf32, #tpu.memory_space<vmem>> -> memref<1x32xf32, #tpu.memory_space<vmem>>
      %dma_start3A_145 = arith.constant 0 : i32
      %dma_start3A_146 = tpu.memref_slice %arg5[%squeeze3A_138, %dma_start3A_145] : memref<1000000x32xf32, #tpu.memory_space<hbm>> -> memref<1x32xf32, #tpu.memory_space<hbm>>
      tpu.enqueue_dma source(%dma_start3A_146 : memref<1x32xf32, #tpu.memory_space<hbm>>) target(%dma_start3A_144 : memref<1x32xf32, #tpu.memory_space<vmem>>) target_semaphore(%arg17 : memref<!tpu.dma_semaphore, #tpu.memory_space<semaphore_mem>>)
      %slice3A_147 = vector.extract_strided_slice %get3A_27 {offsets = [3], sizes = [1], strides = [1]} : vector<16xi32> to vector<1xi32>
      %squeeze3A_148 = vector.extract %slice3A_147[0] : i32 from vector<1xi32>
      %dma_start3A_149 = arith.constant 0 : i32
      %dma_start3A_150 = tpu.memref_slice %arg13[%add3A_136, %dma_start3A_149] : memref<256x32xf32, #tpu.memory_space<vmem>> -> memref<1x32xf32, #tpu.memory_space<vmem>>
      %dma_start3A_151 = arith.constant 0 : i32
      %dma_start3A_152 = tpu.memref_slice %arg6[%squeeze3A_148, %dma_start3A_151] : memref<1000000x32xf32, #tpu.memory_space<hbm>> -> memref<1x32xf32, #tpu.memory_space<hbm>>
      %dma_start3A_153 = arith.constant 0 : i32
      %dma_start3A_154 = tpu.memref_slice %arg13[%add3A_136, %dma_start3A_153] : memref<256x32xf32, #tpu.memory_space<vmem>> -> memref<1x32xf32, #tpu.memory_space<vmem>>
      %dma_start3A_155 = arith.constant 0 : i32
      %dma_start3A_156 = tpu.memref_slice %arg6[%squeeze3A_148, %dma_start3A_155] : memref<1000000x32xf32, #tpu.memory_space<hbm>> -> memref<1x32xf32, #tpu.memory_space<hbm>>
      tpu.enqueue_dma source(%dma_start3A_156 : memref<1x32xf32, #tpu.memory_space<hbm>>) target(%dma_start3A_154 : memref<1x32xf32, #tpu.memory_space<vmem>>) target_semaphore(%arg18 : memref<!tpu.dma_semaphore, #tpu.memory_space<semaphore_mem>>)
      %slice3A_157 = vector.extract_strided_slice %get3A_29 {offsets = [3], sizes = [1], strides = [1]} : vector<16xi32> to vector<1xi32>
      %squeeze3A_158 = vector.extract %slice3A_157[0] : i32 from vector<1xi32>
      %dma_start3A_159 = arith.constant 0 : i32
      %dma_start3A_160 = tpu.memref_slice %arg14[%add3A_136, %dma_start3A_159] : memref<256x32xf32, #tpu.memory_space<vmem>> -> memref<1x32xf32, #tpu.memory_space<vmem>>
      %dma_start3A_161 = arith.constant 0 : i32
      %dma_start3A_162 = tpu.memref_slice %arg6[%squeeze3A_158, %dma_start3A_161] : memref<1000000x32xf32, #tpu.memory_space<hbm>> -> memref<1x32xf32, #tpu.memory_space<hbm>>
      %dma_start3A_163 = arith.constant 0 : i32
      %dma_start3A_164 = tpu.memref_slice %arg14[%add3A_136, %dma_start3A_163] : memref<256x32xf32, #tpu.memory_space<vmem>> -> memref<1x32xf32, #tpu.memory_space<vmem>>
      %dma_start3A_165 = arith.constant 0 : i32
      %dma_start3A_166 = tpu.memref_slice %arg6[%squeeze3A_158, %dma_start3A_165] : memref<1000000x32xf32, #tpu.memory_space<hbm>> -> memref<1x32xf32, #tpu.memory_space<hbm>>
      tpu.enqueue_dma source(%dma_start3A_166 : memref<1x32xf32, #tpu.memory_space<hbm>>) target(%dma_start3A_164 : memref<1x32xf32, #tpu.memory_space<vmem>>) target_semaphore(%arg19 : memref<!tpu.dma_semaphore, #tpu.memory_space<semaphore_mem>>)
      %mul3A_167 = arith.constant 16 : i32
      %mul3A_168 = arith.muli %scan3A_19, %mul3A_167 : i32
      %add3A_169 = arith.addi %mul3A_6, %mul3A_168 : i32
      %add3A_170 = arith.constant 4 : i32
      %add3A_171 = arith.addi %add3A_169, %add3A_170 : i32
      %slice3A_172 = vector.extract_strided_slice %get3A_25 {offsets = [4], sizes = [1], strides = [1]} : vector<16xi32> to vector<1xi32>
      %squeeze3A_173 = vector.extract %slice3A_172[0] : i32 from vector<1xi32>
      %dma_start3A_174 = arith.constant 0 : i32
      %dma_start3A_175 = tpu.memref_slice %arg12[%add3A_171, %dma_start3A_174] : memref<256x32xf32, #tpu.memory_space<vmem>> -> memref<1x32xf32, #tpu.memory_space<vmem>>
      %dma_start3A_176 = arith.constant 0 : i32
      %dma_start3A_177 = tpu.memref_slice %arg5[%squeeze3A_173, %dma_start3A_176] : memref<1000000x32xf32, #tpu.memory_space<hbm>> -> memref<1x32xf32, #tpu.memory_space<hbm>>
      %dma_start3A_178 = arith.constant 0 : i32
      %dma_start3A_179 = tpu.memref_slice %arg12[%add3A_171, %dma_start3A_178] : memref<256x32xf32, #tpu.memory_space<vmem>> -> memref<1x32xf32, #tpu.memory_space<vmem>>
      %dma_start3A_180 = arith.constant 0 : i32
      %dma_start3A_181 = tpu.memref_slice %arg5[%squeeze3A_173, %dma_start3A_180] : memref<1000000x32xf32, #tpu.memory_space<hbm>> -> memref<1x32xf32, #tpu.memory_space<hbm>>
      tpu.enqueue_dma source(%dma_start3A_181 : memref<1x32xf32, #tpu.memory_space<hbm>>) target(%dma_start3A_179 : memref<1x32xf32, #tpu.memory_space<vmem>>) target_semaphore(%arg17 : memref<!tpu.dma_semaphore, #tpu.memory_space<semaphore_mem>>)
      %slice3A_182 = vector.extract_strided_slice %get3A_27 {offsets = [4], sizes = [1], strides = [1]} : vector<16xi32> to vector<1xi32>
      %squeeze3A_183 = vector.extract %slice3A_182[0] : i32 from vector<1xi32>
      %dma_start3A_184 = arith.constant 0 : i32
      %dma_start3A_185 = tpu.memref_slice %arg13[%add3A_171, %dma_start3A_184] : memref<256x32xf32, #tpu.memory_space<vmem>> -> memref<1x32xf32, #tpu.memory_space<vmem>>
      %dma_start3A_186 = arith.constant 0 : i32
      %dma_start3A_187 = tpu.memref_slice %arg6[%squeeze3A_183, %dma_start3A_186] : memref<1000000x32xf32, #tpu.memory_space<hbm>> -> memref<1x32xf32, #tpu.memory_space<hbm>>
      %dma_start3A_188 = arith.constant 0 : i32
      %dma_start3A_189 = tpu.memref_slice %arg13[%add3A_171, %dma_start3A_188] : memref<256x32xf32, #tpu.memory_space<vmem>> -> memref<1x32xf32, #tpu.memory_space<vmem>>
      %dma_start3A_190 = arith.constant 0 : i32
      %dma_start3A_191 = tpu.memref_slice %arg6[%squeeze3A_183, %dma_start3A_190] : memref<1000000x32xf32, #tpu.memory_space<hbm>> -> memref<1x32xf32, #tpu.memory_space<hbm>>
      tpu.enqueue_dma source(%dma_start3A_191 : memref<1x32xf32, #tpu.memory_space<hbm>>) target(%dma_start3A_189 : memref<1x32xf32, #tpu.memory_space<vmem>>) target_semaphore(%arg18 : memref<!tpu.dma_semaphore, #tpu.memory_space<semaphore_mem>>)
      %slice3A_192 = vector.extract_strided_slice %get3A_29 {offsets = [4], sizes = [1], strides = [1]} : vector<16xi32> to vector<1xi32>
      %squeeze3A_193 = vector.extract %slice3A_192[0] : i32 from vector<1xi32>
      %dma_start3A_194 = arith.constant 0 : i32
      %dma_start3A_195 = tpu.memref_slice %arg14[%add3A_171, %dma_start3A_194] : memref<256x32xf32, #tpu.memory_space<vmem>> -> memref<1x32xf32, #tpu.memory_space<vmem>>
      %dma_start3A_196 = arith.constant 0 : i32
      %dma_start3A_197 = tpu.memref_slice %arg6[%squeeze3A_193, %dma_start3A_196] : memref<1000000x32xf32, #tpu.memory_space<hbm>> -> memref<1x32xf32, #tpu.memory_space<hbm>>
      %dma_start3A_198 = arith.constant 0 : i32
      %dma_start3A_199 = tpu.memref_slice %arg14[%add3A_171, %dma_start3A_198] : memref<256x32xf32, #tpu.memory_space<vmem>> -> memref<1x32xf32, #tpu.memory_space<vmem>>
      %dma_start3A_200 = arith.constant 0 : i32
      %dma_start3A_201 = tpu.memref_slice %arg6[%squeeze3A_193, %dma_start3A_200] : memref<1000000x32xf32, #tpu.memory_space<hbm>> -> memref<1x32xf32, #tpu.memory_space<hbm>>
      tpu.enqueue_dma source(%dma_start3A_201 : memref<1x32xf32, #tpu.memory_space<hbm>>) target(%dma_start3A_199 : memref<1x32xf32, #tpu.memory_space<vmem>>) target_semaphore(%arg19 : memref<!tpu.dma_semaphore, #tpu.memory_space<semaphore_mem>>)
      %mul3A_202 = arith.constant 16 : i32
      %mul3A_203 = arith.muli %scan3A_19, %mul3A_202 : i32
      %add3A_204 = arith.addi %mul3A_6, %mul3A_203 : i32
      %add3A_205 = arith.constant 5 : i32
      %add3A_206 = arith.addi %add3A_204, %add3A_205 : i32
      %slice3A_207 = vector.extract_strided_slice %get3A_25 {offsets = [5], sizes = [1], strides = [1]} : vector<16xi32> to vector<1xi32>
      %squeeze3A_208 = vector.extract %slice3A_207[0] : i32 from vector<1xi32>
      %dma_start3A_209 = arith.constant 0 : i32
      %dma_start3A_210 = tpu.memref_slice %arg12[%add3A_206, %dma_start3A_209] : memref<256x32xf32, #tpu.memory_space<vmem>> -> memref<1x32xf32, #tpu.memory_space<vmem>>
      %dma_start3A_211 = arith.constant 0 : i32
      %dma_start3A_212 = tpu.memref_slice %arg5[%squeeze3A_208, %dma_start3A_211] : memref<1000000x32xf32, #tpu.memory_space<hbm>> -> memref<1x32xf32, #tpu.memory_space<hbm>>
      %dma_start3A_213 = arith.constant 0 : i32
      %dma_start3A_214 = tpu.memref_slice %arg12[%add3A_206, %dma_start3A_213] : memref<256x32xf32, #tpu.memory_space<vmem>> -> memref<1x32xf32, #tpu.memory_space<vmem>>
      %dma_start3A_215 = arith.constant 0 : i32
      %dma_start3A_216 = tpu.memref_slice %arg5[%squeeze3A_208, %dma_start3A_215] : memref<1000000x32xf32, #tpu.memory_space<hbm>> -> memref<1x32xf32, #tpu.memory_space<hbm>>
      tpu.enqueue_dma source(%dma_start3A_216 : memref<1x32xf32, #tpu.memory_space<hbm>>) target(%dma_start3A_214 : memref<1x32xf32, #tpu.memory_space<vmem>>) target_semaphore(%arg17 : memref<!tpu.dma_semaphore, #tpu.memory_space<semaphore_mem>>)
      %slice3A_217 = vector.extract_strided_slice %get3A_27 {offsets = [5], sizes = [1], strides = [1]} : vector<16xi32> to vector<1xi32>
      %squeeze3A_218 = vector.extract %slice3A_217[0] : i32 from vector<1xi32>
      %dma_start3A_219 = arith.constant 0 : i32
      %dma_start3A_220 = tpu.memref_slice %arg13[%add3A_206, %dma_start3A_219] : memref<256x32xf32, #tpu.memory_space<vmem>> -> memref<1x32xf32, #tpu.memory_space<vmem>>
      %dma_start3A_221 = arith.constant 0 : i32
      %dma_start3A_222 = tpu.memref_slice %arg6[%squeeze3A_218, %dma_start3A_221] : memref<1000000x32xf32, #tpu.memory_space<hbm>> -> memref<1x32xf32, #tpu.memory_space<hbm>>
      %dma_start3A_223 = arith.constant 0 : i32
      %dma_start3A_224 = tpu.memref_slice %arg13[%add3A_206, %dma_start3A_223] : memref<256x32xf32, #tpu.memory_space<vmem>> -> memref<1x32xf32, #tpu.memory_space<vmem>>
      %dma_start3A_225 = arith.constant 0 : i32
      %dma_start3A_226 = tpu.memref_slice %arg6[%squeeze3A_218, %dma_start3A_225] : memref<1000000x32xf32, #tpu.memory_space<hbm>> -> memref<1x32xf32, #tpu.memory_space<hbm>>
      tpu.enqueue_dma source(%dma_start3A_226 : memref<1x32xf32, #tpu.memory_space<hbm>>) target(%dma_start3A_224 : memref<1x32xf32, #tpu.memory_space<vmem>>) target_semaphore(%arg18 : memref<!tpu.dma_semaphore, #tpu.memory_space<semaphore_mem>>)
      %slice3A_227 = vector.extract_strided_slice %get3A_29 {offsets = [5], sizes = [1], strides = [1]} : vector<16xi32> to vector<1xi32>
      %squeeze3A_228 = vector.extract %slice3A_227[0] : i32 from vector<1xi32>
      %dma_start3A_229 = arith.constant 0 : i32
      %dma_start3A_230 = tpu.memref_slice %arg14[%add3A_206, %dma_start3A_229] : memref<256x32xf32, #tpu.memory_space<vmem>> -> memref<1x32xf32, #tpu.memory_space<vmem>>
      %dma_start3A_231 = arith.constant 0 : i32
      %dma_start3A_232 = tpu.memref_slice %arg6[%squeeze3A_228, %dma_start3A_231] : memref<1000000x32xf32, #tpu.memory_space<hbm>> -> memref<1x32xf32, #tpu.memory_space<hbm>>
      %dma_start3A_233 = arith.constant 0 : i32
      %dma_start3A_234 = tpu.memref_slice %arg14[%add3A_206, %dma_start3A_233] : memref<256x32xf32, #tpu.memory_space<vmem>> -> memref<1x32xf32, #tpu.memory_space<vmem>>
      %dma_start3A_235 = arith.constant 0 : i32
      %dma_start3A_236 = tpu.memref_slice %arg6[%squeeze3A_228, %dma_start3A_235] : memref<1000000x32xf32, #tpu.memory_space<hbm>> -> memref<1x32xf32, #tpu.memory_space<hbm>>
      tpu.enqueue_dma source(%dma_start3A_236 : memref<1x32xf32, #tpu.memory_space<hbm>>) target(%dma_start3A_234 : memref<1x32xf32, #tpu.memory_space<vmem>>) target_semaphore(%arg19 : memref<!tpu.dma_semaphore, #tpu.memory_space<semaphore_mem>>)
      %mul3A_237 = arith.constant 16 : i32
      %mul3A_238 = arith.muli %scan3A_19, %mul3A_237 : i32
      %add3A_239 = arith.addi %mul3A_6, %mul3A_238 : i32
      %add3A_240 = arith.constant 6 : i32
      %add3A_241 = arith.addi %add3A_239, %add3A_240 : i32
      %slice3A_242 = vector.extract_strided_slice %get3A_25 {offsets = [6], sizes = [1], strides = [1]} : vector<16xi32> to vector<1xi32>
      %squeeze3A_243 = vector.extract %slice3A_242[0] : i32 from vector<1xi32>
      %dma_start3A_244 = arith.constant 0 : i32
      %dma_start3A_245 = tpu.memref_slice %arg12[%add3A_241, %dma_start3A_244] : memref<256x32xf32, #tpu.memory_space<vmem>> -> memref<1x32xf32, #tpu.memory_space<vmem>>
      %dma_start3A_246 = arith.constant 0 : i32
      %dma_start3A_247 = tpu.memref_slice %arg5[%squeeze3A_243, %dma_start3A_246] : memref<1000000x32xf32, #tpu.memory_space<hbm>> -> memref<1x32xf32, #tpu.memory_space<hbm>>
      %dma_start3A_248 = arith.constant 0 : i32
      %dma_start3A_249 = tpu.memref_slice %arg12[%add3A_241, %dma_start3A_248] : memref<256x32xf32, #tpu.memory_space<vmem>> -> memref<1x32xf32, #tpu.memory_space<vmem>>
      %dma_start3A_250 = arith.constant 0 : i32
      %dma_start3A_251 = tpu.memref_slice %arg5[%squeeze3A_243, %dma_start3A_250] : memref<1000000x32xf32, #tpu.memory_space<hbm>> -> memref<1x32xf32, #tpu.memory_space<hbm>>
      tpu.enqueue_dma source(%dma_start3A_251 : memref<1x32xf32, #tpu.memory_space<hbm>>) target(%dma_start3A_249 : memref<1x32xf32, #tpu.memory_space<vmem>>) target_semaphore(%arg17 : memref<!tpu.dma_semaphore, #tpu.memory_space<semaphore_mem>>)
      %slice3A_252 = vector.extract_strided_slice %get3A_27 {offsets = [6], sizes = [1], strides = [1]} : vector<16xi32> to vector<1xi32>
      %squeeze3A_253 = vector.extract %slice3A_252[0] : i32 from vector<1xi32>
      %dma_start3A_254 = arith.constant 0 : i32
      %dma_start3A_255 = tpu.memref_slice %arg13[%add3A_241, %dma_start3A_254] : memref<256x32xf32, #tpu.memory_space<vmem>> -> memref<1x32xf32, #tpu.memory_space<vmem>>
      %dma_start3A_256 = arith.constant 0 : i32
      %dma_start3A_257 = tpu.memref_slice %arg6[%squeeze3A_253, %dma_start3A_256] : memref<1000000x32xf32, #tpu.memory_space<hbm>> -> memref<1x32xf32, #tpu.memory_space<hbm>>
      %dma_start3A_258 = arith.constant 0 : i32
      %dma_start3A_259 = tpu.memref_slice %arg13[%add3A_241, %dma_start3A_258] : memref<256x32xf32, #tpu.memory_space<vmem>> -> memref<1x32xf32, #tpu.memory_space<vmem>>
      %dma_start3A_260 = arith.constant 0 : i32
      %dma_start3A_261 = tpu.memref_slice %arg6[%squeeze3A_253, %dma_start3A_260] : memref<1000000x32xf32, #tpu.memory_space<hbm>> -> memref<1x32xf32, #tpu.memory_space<hbm>>
      tpu.enqueue_dma source(%dma_start3A_261 : memref<1x32xf32, #tpu.memory_space<hbm>>) target(%dma_start3A_259 : memref<1x32xf32, #tpu.memory_space<vmem>>) target_semaphore(%arg18 : memref<!tpu.dma_semaphore, #tpu.memory_space<semaphore_mem>>)
      %slice3A_262 = vector.extract_strided_slice %get3A_29 {offsets = [6], sizes = [1], strides = [1]} : vector<16xi32> to vector<1xi32>
      %squeeze3A_263 = vector.extract %slice3A_262[0] : i32 from vector<1xi32>
      %dma_start3A_264 = arith.constant 0 : i32
      %dma_start3A_265 = tpu.memref_slice %arg14[%add3A_241, %dma_start3A_264] : memref<256x32xf32, #tpu.memory_space<vmem>> -> memref<1x32xf32, #tpu.memory_space<vmem>>
      %dma_start3A_266 = arith.constant 0 : i32
      %dma_start3A_267 = tpu.memref_slice %arg6[%squeeze3A_263, %dma_start3A_266] : memref<1000000x32xf32, #tpu.memory_space<hbm>> -> memref<1x32xf32, #tpu.memory_space<hbm>>
      %dma_start3A_268 = arith.constant 0 : i32
      %dma_start3A_269 = tpu.memref_slice %arg14[%add3A_241, %dma_start3A_268] : memref<256x32xf32, #tpu.memory_space<vmem>> -> memref<1x32xf32, #tpu.memory_space<vmem>>
      %dma_start3A_270 = arith.constant 0 : i32
      %dma_start3A_271 = tpu.memref_slice %arg6[%squeeze3A_263, %dma_start3A_270] : memref<1000000x32xf32, #tpu.memory_space<hbm>> -> memref<1x32xf32, #tpu.memory_space<hbm>>
      tpu.enqueue_dma source(%dma_start3A_271 : memref<1x32xf32, #tpu.memory_space<hbm>>) target(%dma_start3A_269 : memref<1x32xf32, #tpu.memory_space<vmem>>) target_semaphore(%arg19 : memref<!tpu.dma_semaphore, #tpu.memory_space<semaphore_mem>>)
      %mul3A_272 = arith.constant 16 : i32
      %mul3A_273 = arith.muli %scan3A_19, %mul3A_272 : i32
      %add3A_274 = arith.addi %mul3A_6, %mul3A_273 : i32
      %add3A_275 = arith.constant 7 : i32
      %add3A_276 = arith.addi %add3A_274, %add3A_275 : i32
      %slice3A_277 = vector.extract_strided_slice %get3A_25 {offsets = [7], sizes = [1], strides = [1]} : vector<16xi32> to vector<1xi32>
      %squeeze3A_278 = vector.extract %slice3A_277[0] : i32 from vector<1xi32>
      %dma_start3A_279 = arith.constant 0 : i32
      %dma_start3A_280 = tpu.memref_slice %arg12[%add3A_276, %dma_start3A_279] : memref<256x32xf32, #tpu.memory_space<vmem>> -> memref<1x32xf32, #tpu.memory_space<vmem>>
      %dma_start3A_281 = arith.constant 0 : i32
      %dma_start3A_282 = tpu.memref_slice %arg5[%squeeze3A_278, %dma_start3A_281] : memref<1000000x32xf32, #tpu.memory_space<hbm>> -> memref<1x32xf32, #tpu.memory_space<hbm>>
      %dma_start3A_283 = arith.constant 0 : i32
      %dma_start3A_284 = tpu.memref_slice %arg12[%add3A_276, %dma_start3A_283] : memref<256x32xf32, #tpu.memory_space<vmem>> -> memref<1x32xf32, #tpu.memory_space<vmem>>
      %dma_start3A_285 = arith.constant 0 : i32
      %dma_start3A_286 = tpu.memref_slice %arg5[%squeeze3A_278, %dma_start3A_285] : memref<1000000x32xf32, #tpu.memory_space<hbm>> -> memref<1x32xf32, #tpu.memory_space<hbm>>
      tpu.enqueue_dma source(%dma_start3A_286 : memref<1x32xf32, #tpu.memory_space<hbm>>) target(%dma_start3A_284 : memref<1x32xf32, #tpu.memory_space<vmem>>) target_semaphore(%arg17 : memref<!tpu.dma_semaphore, #tpu.memory_space<semaphore_mem>>)
      %slice3A_287 = vector.extract_strided_slice %get3A_27 {offsets = [7], sizes = [1], strides = [1]} : vector<16xi32> to vector<1xi32>
      %squeeze3A_288 = vector.extract %slice3A_287[0] : i32 from vector<1xi32>
      %dma_start3A_289 = arith.constant 0 : i32
      %dma_start3A_290 = tpu.memref_slice %arg13[%add3A_276, %dma_start3A_289] : memref<256x32xf32, #tpu.memory_space<vmem>> -> memref<1x32xf32, #tpu.memory_space<vmem>>
      %dma_start3A_291 = arith.constant 0 : i32
      %dma_start3A_292 = tpu.memref_slice %arg6[%squeeze3A_288, %dma_start3A_291] : memref<1000000x32xf32, #tpu.memory_space<hbm>> -> memref<1x32xf32, #tpu.memory_space<hbm>>
      %dma_start3A_293 = arith.constant 0 : i32
      %dma_start3A_294 = tpu.memref_slice %arg13[%add3A_276, %dma_start3A_293] : memref<256x32xf32, #tpu.memory_space<vmem>> -> memref<1x32xf32, #tpu.memory_space<vmem>>
      %dma_start3A_295 = arith.constant 0 : i32
      %dma_start3A_296 = tpu.memref_slice %arg6[%squeeze3A_288, %dma_start3A_295] : memref<1000000x32xf32, #tpu.memory_space<hbm>> -> memref<1x32xf32, #tpu.memory_space<hbm>>
      tpu.enqueue_dma source(%dma_start3A_296 : memref<1x32xf32, #tpu.memory_space<hbm>>) target(%dma_start3A_294 : memref<1x32xf32, #tpu.memory_space<vmem>>) target_semaphore(%arg18 : memref<!tpu.dma_semaphore, #tpu.memory_space<semaphore_mem>>)
      %slice3A_297 = vector.extract_strided_slice %get3A_29 {offsets = [7], sizes = [1], strides = [1]} : vector<16xi32> to vector<1xi32>
      %squeeze3A_298 = vector.extract %slice3A_297[0] : i32 from vector<1xi32>
      %dma_start3A_299 = arith.constant 0 : i32
      %dma_start3A_300 = tpu.memref_slice %arg14[%add3A_276, %dma_start3A_299] : memref<256x32xf32, #tpu.memory_space<vmem>> -> memref<1x32xf32, #tpu.memory_space<vmem>>
      %dma_start3A_301 = arith.constant 0 : i32
      %dma_start3A_302 = tpu.memref_slice %arg6[%squeeze3A_298, %dma_start3A_301] : memref<1000000x32xf32, #tpu.memory_space<hbm>> -> memref<1x32xf32, #tpu.memory_space<hbm>>
      %dma_start3A_303 = arith.constant 0 : i32
      %dma_start3A_304 = tpu.memref_slice %arg14[%add3A_276, %dma_start3A_303] : memref<256x32xf32, #tpu.memory_space<vmem>> -> memref<1x32xf32, #tpu.memory_space<vmem>>
      %dma_start3A_305 = arith.constant 0 : i32
      %dma_start3A_306 = tpu.memref_slice %arg6[%squeeze3A_298, %dma_start3A_305] : memref<1000000x32xf32, #tpu.memory_space<hbm>> -> memref<1x32xf32, #tpu.memory_space<hbm>>
      tpu.enqueue_dma source(%dma_start3A_306 : memref<1x32xf32, #tpu.memory_space<hbm>>) target(%dma_start3A_304 : memref<1x32xf32, #tpu.memory_space<vmem>>) target_semaphore(%arg19 : memref<!tpu.dma_semaphore, #tpu.memory_space<semaphore_mem>>)
      %mul3A_307 = arith.constant 16 : i32
      %mul3A_308 = arith.muli %scan3A_19, %mul3A_307 : i32
      %add3A_309 = arith.addi %mul3A_6, %mul3A_308 : i32
      %add3A_310 = arith.constant 8 : i32
      %add3A_311 = arith.addi %add3A_309, %add3A_310 : i32
      %slice3A_312 = vector.extract_strided_slice %get3A_25 {offsets = [8], sizes = [1], strides = [1]} : vector<16xi32> to vector<1xi32>
      %squeeze3A_313 = vector.extract %slice3A_312[0] : i32 from vector<1xi32>
      %dma_start3A_314 = arith.constant 0 : i32
      %dma_start3A_315 = tpu.memref_slice %arg12[%add3A_311, %dma_start3A_314] : memref<256x32xf32, #tpu.memory_space<vmem>> -> memref<1x32xf32, #tpu.memory_space<vmem>>
      %dma_start3A_316 = arith.constant 0 : i32
      %dma_start3A_317 = tpu.memref_slice %arg5[%squeeze3A_313, %dma_start3A_316] : memref<1000000x32xf32, #tpu.memory_space<hbm>> -> memref<1x32xf32, #tpu.memory_space<hbm>>
      %dma_start3A_318 = arith.constant 0 : i32
      %dma_start3A_319 = tpu.memref_slice %arg12[%add3A_311, %dma_start3A_318] : memref<256x32xf32, #tpu.memory_space<vmem>> -> memref<1x32xf32, #tpu.memory_space<vmem>>
      %dma_start3A_320 = arith.constant 0 : i32
      %dma_start3A_321 = tpu.memref_slice %arg5[%squeeze3A_313, %dma_start3A_320] : memref<1000000x32xf32, #tpu.memory_space<hbm>> -> memref<1x32xf32, #tpu.memory_space<hbm>>
      tpu.enqueue_dma source(%dma_start3A_321 : memref<1x32xf32, #tpu.memory_space<hbm>>) target(%dma_start3A_319 : memref<1x32xf32, #tpu.memory_space<vmem>>) target_semaphore(%arg17 : memref<!tpu.dma_semaphore, #tpu.memory_space<semaphore_mem>>)
      %slice3A_322 = vector.extract_strided_slice %get3A_27 {offsets = [8], sizes = [1], strides = [1]} : vector<16xi32> to vector<1xi32>
      %squeeze3A_323 = vector.extract %slice3A_322[0] : i32 from vector<1xi32>
      %dma_start3A_324 = arith.constant 0 : i32
      %dma_start3A_325 = tpu.memref_slice %arg13[%add3A_311, %dma_start3A_324] : memref<256x32xf32, #tpu.memory_space<vmem>> -> memref<1x32xf32, #tpu.memory_space<vmem>>
      %dma_start3A_326 = arith.constant 0 : i32
      %dma_start3A_327 = tpu.memref_slice %arg6[%squeeze3A_323, %dma_start3A_326] : memref<1000000x32xf32, #tpu.memory_space<hbm>> -> memref<1x32xf32, #tpu.memory_space<hbm>>
      %dma_start3A_328 = arith.constant 0 : i32
      %dma_start3A_329 = tpu.memref_slice %arg13[%add3A_311, %dma_start3A_328] : memref<256x32xf32, #tpu.memory_space<vmem>> -> memref<1x32xf32, #tpu.memory_space<vmem>>
      %dma_start3A_330 = arith.constant 0 : i32
      %dma_start3A_331 = tpu.memref_slice %arg6[%squeeze3A_323, %dma_start3A_330] : memref<1000000x32xf32, #tpu.memory_space<hbm>> -> memref<1x32xf32, #tpu.memory_space<hbm>>
      tpu.enqueue_dma source(%dma_start3A_331 : memref<1x32xf32, #tpu.memory_space<hbm>>) target(%dma_start3A_329 : memref<1x32xf32, #tpu.memory_space<vmem>>) target_semaphore(%arg18 : memref<!tpu.dma_semaphore, #tpu.memory_space<semaphore_mem>>)
      %slice3A_332 = vector.extract_strided_slice %get3A_29 {offsets = [8], sizes = [1], strides = [1]} : vector<16xi32> to vector<1xi32>
      %squeeze3A_333 = vector.extract %slice3A_332[0] : i32 from vector<1xi32>
      %dma_start3A_334 = arith.constant 0 : i32
      %dma_start3A_335 = tpu.memref_slice %arg14[%add3A_311, %dma_start3A_334] : memref<256x32xf32, #tpu.memory_space<vmem>> -> memref<1x32xf32, #tpu.memory_space<vmem>>
      %dma_start3A_336 = arith.constant 0 : i32
      %dma_start3A_337 = tpu.memref_slice %arg6[%squeeze3A_333, %dma_start3A_336] : memref<1000000x32xf32, #tpu.memory_space<hbm>> -> memref<1x32xf32, #tpu.memory_space<hbm>>
      %dma_start3A_338 = arith.constant 0 : i32
      %dma_start3A_339 = tpu.memref_slice %arg14[%add3A_311, %dma_start3A_338] : memref<256x32xf32, #tpu.memory_space<vmem>> -> memref<1x32xf32, #tpu.memory_space<vmem>>
      %dma_start3A_340 = arith.constant 0 : i32
      %dma_start3A_341 = tpu.memref_slice %arg6[%squeeze3A_333, %dma_start3A_340] : memref<1000000x32xf32, #tpu.memory_space<hbm>> -> memref<1x32xf32, #tpu.memory_space<hbm>>
      tpu.enqueue_dma source(%dma_start3A_341 : memref<1x32xf32, #tpu.memory_space<hbm>>) target(%dma_start3A_339 : memref<1x32xf32, #tpu.memory_space<vmem>>) target_semaphore(%arg19 : memref<!tpu.dma_semaphore, #tpu.memory_space<semaphore_mem>>)
      %mul3A_342 = arith.constant 16 : i32
      %mul3A_343 = arith.muli %scan3A_19, %mul3A_342 : i32
      %add3A_344 = arith.addi %mul3A_6, %mul3A_343 : i32
      %add3A_345 = arith.constant 9 : i32
      %add3A_346 = arith.addi %add3A_344, %add3A_345 : i32
      %slice3A_347 = vector.extract_strided_slice %get3A_25 {offsets = [9], sizes = [1], strides = [1]} : vector<16xi32> to vector<1xi32>
      %squeeze3A_348 = vector.extract %slice3A_347[0] : i32 from vector<1xi32>
      %dma_start3A_349 = arith.constant 0 : i32
      %dma_start3A_350 = tpu.memref_slice %arg12[%add3A_346, %dma_start3A_349] : memref<256x32xf32, #tpu.memory_space<vmem>> -> memref<1x32xf32, #tpu.memory_space<vmem>>
      %dma_start3A_351 = arith.constant 0 : i32
      %dma_start3A_352 = tpu.memref_slice %arg5[%squeeze3A_348, %dma_start3A_351] : memref<1000000x32xf32, #tpu.memory_space<hbm>> -> memref<1x32xf32, #tpu.memory_space<hbm>>
      %dma_start3A_353 = arith.constant 0 : i32
      %dma_start3A_354 = tpu.memref_slice %arg12[%add3A_346, %dma_start3A_353] : memref<256x32xf32, #tpu.memory_space<vmem>> -> memref<1x32xf32, #tpu.memory_space<vmem>>
      %dma_start3A_355 = arith.constant 0 : i32
      %dma_start3A_356 = tpu.memref_slice %arg5[%squeeze3A_348, %dma_start3A_355] : memref<1000000x32xf32, #tpu.memory_space<hbm>> -> memref<1x32xf32, #tpu.memory_space<hbm>>
      tpu.enqueue_dma source(%dma_start3A_356 : memref<1x32xf32, #tpu.memory_space<hbm>>) target(%dma_start3A_354 : memref<1x32xf32, #tpu.memory_space<vmem>>) target_semaphore(%arg17 : memref<!tpu.dma_semaphore, #tpu.memory_space<semaphore_mem>>)
      %slice3A_357 = vector.extract_strided_slice %get3A_27 {offsets = [9], sizes = [1], strides = [1]} : vector<16xi32> to vector<1xi32>
      %squeeze3A_358 = vector.extract %slice3A_357[0] : i32 from vector<1xi32>
      %dma_start3A_359 = arith.constant 0 : i32
      %dma_start3A_360 = tpu.memref_slice %arg13[%add3A_346, %dma_start3A_359] : memref<256x32xf32, #tpu.memory_space<vmem>> -> memref<1x32xf32, #tpu.memory_space<vmem>>
      %dma_start3A_361 = arith.constant 0 : i32
      %dma_start3A_362 = tpu.memref_slice %arg6[%squeeze3A_358, %dma_start3A_361] : memref<1000000x32xf32, #tpu.memory_space<hbm>> -> memref<1x32xf32, #tpu.memory_space<hbm>>
      %dma_start3A_363 = arith.constant 0 : i32
      %dma_start3A_364 = tpu.memref_slice %arg13[%add3A_346, %dma_start3A_363] : memref<256x32xf32, #tpu.memory_space<vmem>> -> memref<1x32xf32, #tpu.memory_space<vmem>>
      %dma_start3A_365 = arith.constant 0 : i32
      %dma_start3A_366 = tpu.memref_slice %arg6[%squeeze3A_358, %dma_start3A_365] : memref<1000000x32xf32, #tpu.memory_space<hbm>> -> memref<1x32xf32, #tpu.memory_space<hbm>>
      tpu.enqueue_dma source(%dma_start3A_366 : memref<1x32xf32, #tpu.memory_space<hbm>>) target(%dma_start3A_364 : memref<1x32xf32, #tpu.memory_space<vmem>>) target_semaphore(%arg18 : memref<!tpu.dma_semaphore, #tpu.memory_space<semaphore_mem>>)
      %slice3A_367 = vector.extract_strided_slice %get3A_29 {offsets = [9], sizes = [1], strides = [1]} : vector<16xi32> to vector<1xi32>
      %squeeze3A_368 = vector.extract %slice3A_367[0] : i32 from vector<1xi32>
      %dma_start3A_369 = arith.constant 0 : i32
      %dma_start3A_370 = tpu.memref_slice %arg14[%add3A_346, %dma_start3A_369] : memref<256x32xf32, #tpu.memory_space<vmem>> -> memref<1x32xf32, #tpu.memory_space<vmem>>
      %dma_start3A_371 = arith.constant 0 : i32
      %dma_start3A_372 = tpu.memref_slice %arg6[%squeeze3A_368, %dma_start3A_371] : memref<1000000x32xf32, #tpu.memory_space<hbm>> -> memref<1x32xf32, #tpu.memory_space<hbm>>
      %dma_start3A_373 = arith.constant 0 : i32
      %dma_start3A_374 = tpu.memref_slice %arg14[%add3A_346, %dma_start3A_373] : memref<256x32xf32, #tpu.memory_space<vmem>> -> memref<1x32xf32, #tpu.memory_space<vmem>>
      %dma_start3A_375 = arith.constant 0 : i32
      %dma_start3A_376 = tpu.memref_slice %arg6[%squeeze3A_368, %dma_start3A_375] : memref<1000000x32xf32, #tpu.memory_space<hbm>> -> memref<1x32xf32, #tpu.memory_space<hbm>>
      tpu.enqueue_dma source(%dma_start3A_376 : memref<1x32xf32, #tpu.memory_space<hbm>>) target(%dma_start3A_374 : memref<1x32xf32, #tpu.memory_space<vmem>>) target_semaphore(%arg19 : memref<!tpu.dma_semaphore, #tpu.memory_space<semaphore_mem>>)
      %mul3A_377 = arith.constant 16 : i32
      %mul3A_378 = arith.muli %scan3A_19, %mul3A_377 : i32
      %add3A_379 = arith.addi %mul3A_6, %mul3A_378 : i32
      %add3A_380 = arith.constant 10 : i32
      %add3A_381 = arith.addi %add3A_379, %add3A_380 : i32
      %slice3A_382 = vector.extract_strided_slice %get3A_25 {offsets = [10], sizes = [1], strides = [1]} : vector<16xi32> to vector<1xi32>
      %squeeze3A_383 = vector.extract %slice3A_382[0] : i32 from vector<1xi32>
      %dma_start3A_384 = arith.constant 0 : i32
      %dma_start3A_385 = tpu.memref_slice %arg12[%add3A_381, %dma_start3A_384] : memref<256x32xf32, #tpu.memory_space<vmem>> -> memref<1x32xf32, #tpu.memory_space<vmem>>
      %dma_start3A_386 = arith.constant 0 : i32
      %dma_start3A_387 = tpu.memref_slice %arg5[%squeeze3A_383, %dma_start3A_386] : memref<1000000x32xf32, #tpu.memory_space<hbm>> -> memref<1x32xf32, #tpu.memory_space<hbm>>
      %dma_start3A_388 = arith.constant 0 : i32
      %dma_start3A_389 = tpu.memref_slice %arg12[%add3A_381, %dma_start3A_388] : memref<256x32xf32, #tpu.memory_space<vmem>> -> memref<1x32xf32, #tpu.memory_space<vmem>>
      %dma_start3A_390 = arith.constant 0 : i32
      %dma_start3A_391 = tpu.memref_slice %arg5[%squeeze3A_383, %dma_start3A_390] : memref<1000000x32xf32, #tpu.memory_space<hbm>> -> memref<1x32xf32, #tpu.memory_space<hbm>>
      tpu.enqueue_dma source(%dma_start3A_391 : memref<1x32xf32, #tpu.memory_space<hbm>>) target(%dma_start3A_389 : memref<1x32xf32, #tpu.memory_space<vmem>>) target_semaphore(%arg17 : memref<!tpu.dma_semaphore, #tpu.memory_space<semaphore_mem>>)
      %slice3A_392 = vector.extract_strided_slice %get3A_27 {offsets = [10], sizes = [1], strides = [1]} : vector<16xi32> to vector<1xi32>
      %squeeze3A_393 = vector.extract %slice3A_392[0] : i32 from vector<1xi32>
      %dma_start3A_394 = arith.constant 0 : i32
      %dma_start3A_395 = tpu.memref_slice %arg13[%add3A_381, %dma_start3A_394] : memref<256x32xf32, #tpu.memory_space<vmem>> -> memref<1x32xf32, #tpu.memory_space<vmem>>
      %dma_start3A_396 = arith.constant 0 : i32
      %dma_start3A_397 = tpu.memref_slice %arg6[%squeeze3A_393, %dma_start3A_396] : memref<1000000x32xf32, #tpu.memory_space<hbm>> -> memref<1x32xf32, #tpu.memory_space<hbm>>
      %dma_start3A_398 = arith.constant 0 : i32
      %dma_start3A_399 = tpu.memref_slice %arg13[%add3A_381, %dma_start3A_398] : memref<256x32xf32, #tpu.memory_space<vmem>> -> memref<1x32xf32, #tpu.memory_space<vmem>>
      %dma_start3A_400 = arith.constant 0 : i32
      %dma_start3A_401 = tpu.memref_slice %arg6[%squeeze3A_393, %dma_start3A_400] : memref<1000000x32xf32, #tpu.memory_space<hbm>> -> memref<1x32xf32, #tpu.memory_space<hbm>>
      tpu.enqueue_dma source(%dma_start3A_401 : memref<1x32xf32, #tpu.memory_space<hbm>>) target(%dma_start3A_399 : memref<1x32xf32, #tpu.memory_space<vmem>>) target_semaphore(%arg18 : memref<!tpu.dma_semaphore, #tpu.memory_space<semaphore_mem>>)
      %slice3A_402 = vector.extract_strided_slice %get3A_29 {offsets = [10], sizes = [1], strides = [1]} : vector<16xi32> to vector<1xi32>
      %squeeze3A_403 = vector.extract %slice3A_402[0] : i32 from vector<1xi32>
      %dma_start3A_404 = arith.constant 0 : i32
      %dma_start3A_405 = tpu.memref_slice %arg14[%add3A_381, %dma_start3A_404] : memref<256x32xf32, #tpu.memory_space<vmem>> -> memref<1x32xf32, #tpu.memory_space<vmem>>
      %dma_start3A_406 = arith.constant 0 : i32
      %dma_start3A_407 = tpu.memref_slice %arg6[%squeeze3A_403, %dma_start3A_406] : memref<1000000x32xf32, #tpu.memory_space<hbm>> -> memref<1x32xf32, #tpu.memory_space<hbm>>
      %dma_start3A_408 = arith.constant 0 : i32
      %dma_start3A_409 = tpu.memref_slice %arg14[%add3A_381, %dma_start3A_408] : memref<256x32xf32, #tpu.memory_space<vmem>> -> memref<1x32xf32, #tpu.memory_space<vmem>>
      %dma_start3A_410 = arith.constant 0 : i32
      %dma_start3A_411 = tpu.memref_slice %arg6[%squeeze3A_403, %dma_start3A_410] : memref<1000000x32xf32, #tpu.memory_space<hbm>> -> memref<1x32xf32, #tpu.memory_space<hbm>>
      tpu.enqueue_dma source(%dma_start3A_411 : memref<1x32xf32, #tpu.memory_space<hbm>>) target(%dma_start3A_409 : memref<1x32xf32, #tpu.memory_space<vmem>>) target_semaphore(%arg19 : memref<!tpu.dma_semaphore, #tpu.memory_space<semaphore_mem>>)
      %mul3A_412 = arith.constant 16 : i32
      %mul3A_413 = arith.muli %scan3A_19, %mul3A_412 : i32
      %add3A_414 = arith.addi %mul3A_6, %mul3A_413 : i32
      %add3A_415 = arith.constant 11 : i32
      %add3A_416 = arith.addi %add3A_414, %add3A_415 : i32
      %slice3A_417 = vector.extract_strided_slice %get3A_25 {offsets = [11], sizes = [1], strides = [1]} : vector<16xi32> to vector<1xi32>
      %squeeze3A_418 = vector.extract %slice3A_417[0] : i32 from vector<1xi32>
      %dma_start3A_419 = arith.constant 0 : i32
      %dma_start3A_420 = tpu.memref_slice %arg12[%add3A_416, %dma_start3A_419] : memref<256x32xf32, #tpu.memory_space<vmem>> -> memref<1x32xf32, #tpu.memory_space<vmem>>
      %dma_start3A_421 = arith.constant 0 : i32
      %dma_start3A_422 = tpu.memref_slice %arg5[%squeeze3A_418, %dma_start3A_421] : memref<1000000x32xf32, #tpu.memory_space<hbm>> -> memref<1x32xf32, #tpu.memory_space<hbm>>
      %dma_start3A_423 = arith.constant 0 : i32
      %dma_start3A_424 = tpu.memref_slice %arg12[%add3A_416, %dma_start3A_423] : memref<256x32xf32, #tpu.memory_space<vmem>> -> memref<1x32xf32, #tpu.memory_space<vmem>>
      %dma_start3A_425 = arith.constant 0 : i32
      %dma_start3A_426 = tpu.memref_slice %arg5[%squeeze3A_418, %dma_start3A_425] : memref<1000000x32xf32, #tpu.memory_space<hbm>> -> memref<1x32xf32, #tpu.memory_space<hbm>>
      tpu.enqueue_dma source(%dma_start3A_426 : memref<1x32xf32, #tpu.memory_space<hbm>>) target(%dma_start3A_424 : memref<1x32xf32, #tpu.memory_space<vmem>>) target_semaphore(%arg17 : memref<!tpu.dma_semaphore, #tpu.memory_space<semaphore_mem>>)
      %slice3A_427 = vector.extract_strided_slice %get3A_27 {offsets = [11], sizes = [1], strides = [1]} : vector<16xi32> to vector<1xi32>
      %squeeze3A_428 = vector.extract %slice3A_427[0] : i32 from vector<1xi32>
      %dma_start3A_429 = arith.constant 0 : i32
      %dma_start3A_430 = tpu.memref_slice %arg13[%add3A_416, %dma_start3A_429] : memref<256x32xf32, #tpu.memory_space<vmem>> -> memref<1x32xf32, #tpu.memory_space<vmem>>
      %dma_start3A_431 = arith.constant 0 : i32
      %dma_start3A_432 = tpu.memref_slice %arg6[%squeeze3A_428, %dma_start3A_431] : memref<1000000x32xf32, #tpu.memory_space<hbm>> -> memref<1x32xf32, #tpu.memory_space<hbm>>
      %dma_start3A_433 = arith.constant 0 : i32
      %dma_start3A_434 = tpu.memref_slice %arg13[%add3A_416, %dma_start3A_433] : memref<256x32xf32, #tpu.memory_space<vmem>> -> memref<1x32xf32, #tpu.memory_space<vmem>>
      %dma_start3A_435 = arith.constant 0 : i32
      %dma_start3A_436 = tpu.memref_slice %arg6[%squeeze3A_428, %dma_start3A_435] : memref<1000000x32xf32, #tpu.memory_space<hbm>> -> memref<1x32xf32, #tpu.memory_space<hbm>>
      tpu.enqueue_dma source(%dma_start3A_436 : memref<1x32xf32, #tpu.memory_space<hbm>>) target(%dma_start3A_434 : memref<1x32xf32, #tpu.memory_space<vmem>>) target_semaphore(%arg18 : memref<!tpu.dma_semaphore, #tpu.memory_space<semaphore_mem>>)
      %slice3A_437 = vector.extract_strided_slice %get3A_29 {offsets = [11], sizes = [1], strides = [1]} : vector<16xi32> to vector<1xi32>
      %squeeze3A_438 = vector.extract %slice3A_437[0] : i32 from vector<1xi32>
      %dma_start3A_439 = arith.constant 0 : i32
      %dma_start3A_440 = tpu.memref_slice %arg14[%add3A_416, %dma_start3A_439] : memref<256x32xf32, #tpu.memory_space<vmem>> -> memref<1x32xf32, #tpu.memory_space<vmem>>
      %dma_start3A_441 = arith.constant 0 : i32
      %dma_start3A_442 = tpu.memref_slice %arg6[%squeeze3A_438, %dma_start3A_441] : memref<1000000x32xf32, #tpu.memory_space<hbm>> -> memref<1x32xf32, #tpu.memory_space<hbm>>
      %dma_start3A_443 = arith.constant 0 : i32
      %dma_start3A_444 = tpu.memref_slice %arg14[%add3A_416, %dma_start3A_443] : memref<256x32xf32, #tpu.memory_space<vmem>> -> memref<1x32xf32, #tpu.memory_space<vmem>>
      %dma_start3A_445 = arith.constant 0 : i32
      %dma_start3A_446 = tpu.memref_slice %arg6[%squeeze3A_438, %dma_start3A_445] : memref<1000000x32xf32, #tpu.memory_space<hbm>> -> memref<1x32xf32, #tpu.memory_space<hbm>>
      tpu.enqueue_dma source(%dma_start3A_446 : memref<1x32xf32, #tpu.memory_space<hbm>>) target(%dma_start3A_444 : memref<1x32xf32, #tpu.memory_space<vmem>>) target_semaphore(%arg19 : memref<!tpu.dma_semaphore, #tpu.memory_space<semaphore_mem>>)
      %mul3A_447 = arith.constant 16 : i32
      %mul3A_448 = arith.muli %scan3A_19, %mul3A_447 : i32
      %add3A_449 = arith.addi %mul3A_6, %mul3A_448 : i32
      %add3A_450 = arith.constant 12 : i32
      %add3A_451 = arith.addi %add3A_449, %add3A_450 : i32
      %slice3A_452 = vector.extract_strided_slice %get3A_25 {offsets = [12], sizes = [1], strides = [1]} : vector<16xi32> to vector<1xi32>
      %squeeze3A_453 = vector.extract %slice3A_452[0] : i32 from vector<1xi32>
      %dma_start3A_454 = arith.constant 0 : i32
      %dma_start3A_455 = tpu.memref_slice %arg12[%add3A_451, %dma_start3A_454] : memref<256x32xf32, #tpu.memory_space<vmem>> -> memref<1x32xf32, #tpu.memory_space<vmem>>
      %dma_start3A_456 = arith.constant 0 : i32
      %dma_start3A_457 = tpu.memref_slice %arg5[%squeeze3A_453, %dma_start3A_456] : memref<1000000x32xf32, #tpu.memory_space<hbm>> -> memref<1x32xf32, #tpu.memory_space<hbm>>
      %dma_start3A_458 = arith.constant 0 : i32
      %dma_start3A_459 = tpu.memref_slice %arg12[%add3A_451, %dma_start3A_458] : memref<256x32xf32, #tpu.memory_space<vmem>> -> memref<1x32xf32, #tpu.memory_space<vmem>>
      %dma_start3A_460 = arith.constant 0 : i32
      %dma_start3A_461 = tpu.memref_slice %arg5[%squeeze3A_453, %dma_start3A_460] : memref<1000000x32xf32, #tpu.memory_space<hbm>> -> memref<1x32xf32, #tpu.memory_space<hbm>>
      tpu.enqueue_dma source(%dma_start3A_461 : memref<1x32xf32, #tpu.memory_space<hbm>>) target(%dma_start3A_459 : memref<1x32xf32, #tpu.memory_space<vmem>>) target_semaphore(%arg17 : memref<!tpu.dma_semaphore, #tpu.memory_space<semaphore_mem>>)
      %slice3A_462 = vector.extract_strided_slice %get3A_27 {offsets = [12], sizes = [1], strides = [1]} : vector<16xi32> to vector<1xi32>
      %squeeze3A_463 = vector.extract %slice3A_462[0] : i32 from vector<1xi32>
      %dma_start3A_464 = arith.constant 0 : i32
      %dma_start3A_465 = tpu.memref_slice %arg13[%add3A_451, %dma_start3A_464] : memref<256x32xf32, #tpu.memory_space<vmem>> -> memref<1x32xf32, #tpu.memory_space<vmem>>
      %dma_start3A_466 = arith.constant 0 : i32
      %dma_start3A_467 = tpu.memref_slice %arg6[%squeeze3A_463, %dma_start3A_466] : memref<1000000x32xf32, #tpu.memory_space<hbm>> -> memref<1x32xf32, #tpu.memory_space<hbm>>
      %dma_start3A_468 = arith.constant 0 : i32
      %dma_start3A_469 = tpu.memref_slice %arg13[%add3A_451, %dma_start3A_468] : memref<256x32xf32, #tpu.memory_space<vmem>> -> memref<1x32xf32, #tpu.memory_space<vmem>>
      %dma_start3A_470 = arith.constant 0 : i32
      %dma_start3A_471 = tpu.memref_slice %arg6[%squeeze3A_463, %dma_start3A_470] : memref<1000000x32xf32, #tpu.memory_space<hbm>> -> memref<1x32xf32, #tpu.memory_space<hbm>>
      tpu.enqueue_dma source(%dma_start3A_471 : memref<1x32xf32, #tpu.memory_space<hbm>>) target(%dma_start3A_469 : memref<1x32xf32, #tpu.memory_space<vmem>>) target_semaphore(%arg18 : memref<!tpu.dma_semaphore, #tpu.memory_space<semaphore_mem>>)
      %slice3A_472 = vector.extract_strided_slice %get3A_29 {offsets = [12], sizes = [1], strides = [1]} : vector<16xi32> to vector<1xi32>
      %squeeze3A_473 = vector.extract %slice3A_472[0] : i32 from vector<1xi32>
      %dma_start3A_474 = arith.constant 0 : i32
      %dma_start3A_475 = tpu.memref_slice %arg14[%add3A_451, %dma_start3A_474] : memref<256x32xf32, #tpu.memory_space<vmem>> -> memref<1x32xf32, #tpu.memory_space<vmem>>
      %dma_start3A_476 = arith.constant 0 : i32
      %dma_start3A_477 = tpu.memref_slice %arg6[%squeeze3A_473, %dma_start3A_476] : memref<1000000x32xf32, #tpu.memory_space<hbm>> -> memref<1x32xf32, #tpu.memory_space<hbm>>
      %dma_start3A_478 = arith.constant 0 : i32
      %dma_start3A_479 = tpu.memref_slice %arg14[%add3A_451, %dma_start3A_478] : memref<256x32xf32, #tpu.memory_space<vmem>> -> memref<1x32xf32, #tpu.memory_space<vmem>>
      %dma_start3A_480 = arith.constant 0 : i32
      %dma_start3A_481 = tpu.memref_slice %arg6[%squeeze3A_473, %dma_start3A_480] : memref<1000000x32xf32, #tpu.memory_space<hbm>> -> memref<1x32xf32, #tpu.memory_space<hbm>>
      tpu.enqueue_dma source(%dma_start3A_481 : memref<1x32xf32, #tpu.memory_space<hbm>>) target(%dma_start3A_479 : memref<1x32xf32, #tpu.memory_space<vmem>>) target_semaphore(%arg19 : memref<!tpu.dma_semaphore, #tpu.memory_space<semaphore_mem>>)
      %mul3A_482 = arith.constant 16 : i32
      %mul3A_483 = arith.muli %scan3A_19, %mul3A_482 : i32
      %add3A_484 = arith.addi %mul3A_6, %mul3A_483 : i32
      %add3A_485 = arith.constant 13 : i32
      %add3A_486 = arith.addi %add3A_484, %add3A_485 : i32
      %slice3A_487 = vector.extract_strided_slice %get3A_25 {offsets = [13], sizes = [1], strides = [1]} : vector<16xi32> to vector<1xi32>
      %squeeze3A_488 = vector.extract %slice3A_487[0] : i32 from vector<1xi32>
      %dma_start3A_489 = arith.constant 0 : i32
      %dma_start3A_490 = tpu.memref_slice %arg12[%add3A_486, %dma_start3A_489] : memref<256x32xf32, #tpu.memory_space<vmem>> -> memref<1x32xf32, #tpu.memory_space<vmem>>
      %dma_start3A_491 = arith.constant 0 : i32
      %dma_start3A_492 = tpu.memref_slice %arg5[%squeeze3A_488, %dma_start3A_491] : memref<1000000x32xf32, #tpu.memory_space<hbm>> -> memref<1x32xf32, #tpu.memory_space<hbm>>
      %dma_start3A_493 = arith.constant 0 : i32
      %dma_start3A_494 = tpu.memref_slice %arg12[%add3A_486, %dma_start3A_493] : memref<256x32xf32, #tpu.memory_space<vmem>> -> memref<1x32xf32, #tpu.memory_space<vmem>>
      %dma_start3A_495 = arith.constant 0 : i32
      %dma_start3A_496 = tpu.memref_slice %arg5[%squeeze3A_488, %dma_start3A_495] : memref<1000000x32xf32, #tpu.memory_space<hbm>> -> memref<1x32xf32, #tpu.memory_space<hbm>>
      tpu.enqueue_dma source(%dma_start3A_496 : memref<1x32xf32, #tpu.memory_space<hbm>>) target(%dma_start3A_494 : memref<1x32xf32, #tpu.memory_space<vmem>>) target_semaphore(%arg17 : memref<!tpu.dma_semaphore, #tpu.memory_space<semaphore_mem>>)
      %slice3A_497 = vector.extract_strided_slice %get3A_27 {offsets = [13], sizes = [1], strides = [1]} : vector<16xi32> to vector<1xi32>
      %squeeze3A_498 = vector.extract %slice3A_497[0] : i32 from vector<1xi32>
      %dma_start3A_499 = arith.constant 0 : i32
      %dma_start3A_500 = tpu.memref_slice %arg13[%add3A_486, %dma_start3A_499] : memref<256x32xf32, #tpu.memory_space<vmem>> -> memref<1x32xf32, #tpu.memory_space<vmem>>
      %dma_start3A_501 = arith.constant 0 : i32
      %dma_start3A_502 = tpu.memref_slice %arg6[%squeeze3A_498, %dma_start3A_501] : memref<1000000x32xf32, #tpu.memory_space<hbm>> -> memref<1x32xf32, #tpu.memory_space<hbm>>
      %dma_start3A_503 = arith.constant 0 : i32
      %dma_start3A_504 = tpu.memref_slice %arg13[%add3A_486, %dma_start3A_503] : memref<256x32xf32, #tpu.memory_space<vmem>> -> memref<1x32xf32, #tpu.memory_space<vmem>>
      %dma_start3A_505 = arith.constant 0 : i32
      %dma_start3A_506 = tpu.memref_slice %arg6[%squeeze3A_498, %dma_start3A_505] : memref<1000000x32xf32, #tpu.memory_space<hbm>> -> memref<1x32xf32, #tpu.memory_space<hbm>>
      tpu.enqueue_dma source(%dma_start3A_506 : memref<1x32xf32, #tpu.memory_space<hbm>>) target(%dma_start3A_504 : memref<1x32xf32, #tpu.memory_space<vmem>>) target_semaphore(%arg18 : memref<!tpu.dma_semaphore, #tpu.memory_space<semaphore_mem>>)
      %slice3A_507 = vector.extract_strided_slice %get3A_29 {offsets = [13], sizes = [1], strides = [1]} : vector<16xi32> to vector<1xi32>
      %squeeze3A_508 = vector.extract %slice3A_507[0] : i32 from vector<1xi32>
      %dma_start3A_509 = arith.constant 0 : i32
      %dma_start3A_510 = tpu.memref_slice %arg14[%add3A_486, %dma_start3A_509] : memref<256x32xf32, #tpu.memory_space<vmem>> -> memref<1x32xf32, #tpu.memory_space<vmem>>
      %dma_start3A_511 = arith.constant 0 : i32
      %dma_start3A_512 = tpu.memref_slice %arg6[%squeeze3A_508, %dma_start3A_511] : memref<1000000x32xf32, #tpu.memory_space<hbm>> -> memref<1x32xf32, #tpu.memory_space<hbm>>
      %dma_start3A_513 = arith.constant 0 : i32
      %dma_start3A_514 = tpu.memref_slice %arg14[%add3A_486, %dma_start3A_513] : memref<256x32xf32, #tpu.memory_space<vmem>> -> memref<1x32xf32, #tpu.memory_space<vmem>>
      %dma_start3A_515 = arith.constant 0 : i32
      %dma_start3A_516 = tpu.memref_slice %arg6[%squeeze3A_508, %dma_start3A_515] : memref<1000000x32xf32, #tpu.memory_space<hbm>> -> memref<1x32xf32, #tpu.memory_space<hbm>>
      tpu.enqueue_dma source(%dma_start3A_516 : memref<1x32xf32, #tpu.memory_space<hbm>>) target(%dma_start3A_514 : memref<1x32xf32, #tpu.memory_space<vmem>>) target_semaphore(%arg19 : memref<!tpu.dma_semaphore, #tpu.memory_space<semaphore_mem>>)
      %mul3A_517 = arith.constant 16 : i32
      %mul3A_518 = arith.muli %scan3A_19, %mul3A_517 : i32
      %add3A_519 = arith.addi %mul3A_6, %mul3A_518 : i32
      %add3A_520 = arith.constant 14 : i32
      %add3A_521 = arith.addi %add3A_519, %add3A_520 : i32
      %slice3A_522 = vector.extract_strided_slice %get3A_25 {offsets = [14], sizes = [1], strides = [1]} : vector<16xi32> to vector<1xi32>
      %squeeze3A_523 = vector.extract %slice3A_522[0] : i32 from vector<1xi32>
      %dma_start3A_524 = arith.constant 0 : i32
      %dma_start3A_525 = tpu.memref_slice %arg12[%add3A_521, %dma_start3A_524] : memref<256x32xf32, #tpu.memory_space<vmem>> -> memref<1x32xf32, #tpu.memory_space<vmem>>
      %dma_start3A_526 = arith.constant 0 : i32
      %dma_start3A_527 = tpu.memref_slice %arg5[%squeeze3A_523, %dma_start3A_526] : memref<1000000x32xf32, #tpu.memory_space<hbm>> -> memref<1x32xf32, #tpu.memory_space<hbm>>
      %dma_start3A_528 = arith.constant 0 : i32
      %dma_start3A_529 = tpu.memref_slice %arg12[%add3A_521, %dma_start3A_528] : memref<256x32xf32, #tpu.memory_space<vmem>> -> memref<1x32xf32, #tpu.memory_space<vmem>>
      %dma_start3A_530 = arith.constant 0 : i32
      %dma_start3A_531 = tpu.memref_slice %arg5[%squeeze3A_523, %dma_start3A_530] : memref<1000000x32xf32, #tpu.memory_space<hbm>> -> memref<1x32xf32, #tpu.memory_space<hbm>>
      tpu.enqueue_dma source(%dma_start3A_531 : memref<1x32xf32, #tpu.memory_space<hbm>>) target(%dma_start3A_529 : memref<1x32xf32, #tpu.memory_space<vmem>>) target_semaphore(%arg17 : memref<!tpu.dma_semaphore, #tpu.memory_space<semaphore_mem>>)
      %slice3A_532 = vector.extract_strided_slice %get3A_27 {offsets = [14], sizes = [1], strides = [1]} : vector<16xi32> to vector<1xi32>
      %squeeze3A_533 = vector.extract %slice3A_532[0] : i32 from vector<1xi32>
      %dma_start3A_534 = arith.constant 0 : i32
      %dma_start3A_535 = tpu.memref_slice %arg13[%add3A_521, %dma_start3A_534] : memref<256x32xf32, #tpu.memory_space<vmem>> -> memref<1x32xf32, #tpu.memory_space<vmem>>
      %dma_start3A_536 = arith.constant 0 : i32
      %dma_start3A_537 = tpu.memref_slice %arg6[%squeeze3A_533, %dma_start3A_536] : memref<1000000x32xf32, #tpu.memory_space<hbm>> -> memref<1x32xf32, #tpu.memory_space<hbm>>
      %dma_start3A_538 = arith.constant 0 : i32
      %dma_start3A_539 = tpu.memref_slice %arg13[%add3A_521, %dma_start3A_538] : memref<256x32xf32, #tpu.memory_space<vmem>> -> memref<1x32xf32, #tpu.memory_space<vmem>>
      %dma_start3A_540 = arith.constant 0 : i32
      %dma_start3A_541 = tpu.memref_slice %arg6[%squeeze3A_533, %dma_start3A_540] : memref<1000000x32xf32, #tpu.memory_space<hbm>> -> memref<1x32xf32, #tpu.memory_space<hbm>>
      tpu.enqueue_dma source(%dma_start3A_541 : memref<1x32xf32, #tpu.memory_space<hbm>>) target(%dma_start3A_539 : memref<1x32xf32, #tpu.memory_space<vmem>>) target_semaphore(%arg18 : memref<!tpu.dma_semaphore, #tpu.memory_space<semaphore_mem>>)
      %slice3A_542 = vector.extract_strided_slice %get3A_29 {offsets = [14], sizes = [1], strides = [1]} : vector<16xi32> to vector<1xi32>
      %squeeze3A_543 = vector.extract %slice3A_542[0] : i32 from vector<1xi32>
      %dma_start3A_544 = arith.constant 0 : i32
      %dma_start3A_545 = tpu.memref_slice %arg14[%add3A_521, %dma_start3A_544] : memref<256x32xf32, #tpu.memory_space<vmem>> -> memref<1x32xf32, #tpu.memory_space<vmem>>
      %dma_start3A_546 = arith.constant 0 : i32
      %dma_start3A_547 = tpu.memref_slice %arg6[%squeeze3A_543, %dma_start3A_546] : memref<1000000x32xf32, #tpu.memory_space<hbm>> -> memref<1x32xf32, #tpu.memory_space<hbm>>
      %dma_start3A_548 = arith.constant 0 : i32
      %dma_start3A_549 = tpu.memref_slice %arg14[%add3A_521, %dma_start3A_548] : memref<256x32xf32, #tpu.memory_space<vmem>> -> memref<1x32xf32, #tpu.memory_space<vmem>>
      %dma_start3A_550 = arith.constant 0 : i32
      %dma_start3A_551 = tpu.memref_slice %arg6[%squeeze3A_543, %dma_start3A_550] : memref<1000000x32xf32, #tpu.memory_space<hbm>> -> memref<1x32xf32, #tpu.memory_space<hbm>>
      tpu.enqueue_dma source(%dma_start3A_551 : memref<1x32xf32, #tpu.memory_space<hbm>>) target(%dma_start3A_549 : memref<1x32xf32, #tpu.memory_space<vmem>>) target_semaphore(%arg19 : memref<!tpu.dma_semaphore, #tpu.memory_space<semaphore_mem>>)
      %mul3A_552 = arith.constant 16 : i32
      %mul3A_553 = arith.muli %scan3A_19, %mul3A_552 : i32
      %add3A_554 = arith.addi %mul3A_6, %mul3A_553 : i32
      %add3A_555 = arith.constant 15 : i32
      %add3A_556 = arith.addi %add3A_554, %add3A_555 : i32
      %slice3A_557 = vector.extract_strided_slice %get3A_25 {offsets = [15], sizes = [1], strides = [1]} : vector<16xi32> to vector<1xi32>
      %squeeze3A_558 = vector.extract %slice3A_557[0] : i32 from vector<1xi32>
      %dma_start3A_559 = arith.constant 0 : i32
      %dma_start3A_560 = tpu.memref_slice %arg12[%add3A_556, %dma_start3A_559] : memref<256x32xf32, #tpu.memory_space<vmem>> -> memref<1x32xf32, #tpu.memory_space<vmem>>
      %dma_start3A_561 = arith.constant 0 : i32
      %dma_start3A_562 = tpu.memref_slice %arg5[%squeeze3A_558, %dma_start3A_561] : memref<1000000x32xf32, #tpu.memory_space<hbm>> -> memref<1x32xf32, #tpu.memory_space<hbm>>
      %dma_start3A_563 = arith.constant 0 : i32
      %dma_start3A_564 = tpu.memref_slice %arg12[%add3A_556, %dma_start3A_563] : memref<256x32xf32, #tpu.memory_space<vmem>> -> memref<1x32xf32, #tpu.memory_space<vmem>>
      %dma_start3A_565 = arith.constant 0 : i32
      %dma_start3A_566 = tpu.memref_slice %arg5[%squeeze3A_558, %dma_start3A_565] : memref<1000000x32xf32, #tpu.memory_space<hbm>> -> memref<1x32xf32, #tpu.memory_space<hbm>>
      tpu.enqueue_dma source(%dma_start3A_566 : memref<1x32xf32, #tpu.memory_space<hbm>>) target(%dma_start3A_564 : memref<1x32xf32, #tpu.memory_space<vmem>>) target_semaphore(%arg17 : memref<!tpu.dma_semaphore, #tpu.memory_space<semaphore_mem>>)
      %slice3A_567 = vector.extract_strided_slice %get3A_27 {offsets = [15], sizes = [1], strides = [1]} : vector<16xi32> to vector<1xi32>
      %squeeze3A_568 = vector.extract %slice3A_567[0] : i32 from vector<1xi32>
      %dma_start3A_569 = arith.constant 0 : i32
      %dma_start3A_570 = tpu.memref_slice %arg13[%add3A_556, %dma_start3A_569] : memref<256x32xf32, #tpu.memory_space<vmem>> -> memref<1x32xf32, #tpu.memory_space<vmem>>
      %dma_start3A_571 = arith.constant 0 : i32
      %dma_start3A_572 = tpu.memref_slice %arg6[%squeeze3A_568, %dma_start3A_571] : memref<1000000x32xf32, #tpu.memory_space<hbm>> -> memref<1x32xf32, #tpu.memory_space<hbm>>
      %dma_start3A_573 = arith.constant 0 : i32
      %dma_start3A_574 = tpu.memref_slice %arg13[%add3A_556, %dma_start3A_573] : memref<256x32xf32, #tpu.memory_space<vmem>> -> memref<1x32xf32, #tpu.memory_space<vmem>>
      %dma_start3A_575 = arith.constant 0 : i32
      %dma_start3A_576 = tpu.memref_slice %arg6[%squeeze3A_568, %dma_start3A_575] : memref<1000000x32xf32, #tpu.memory_space<hbm>> -> memref<1x32xf32, #tpu.memory_space<hbm>>
      tpu.enqueue_dma source(%dma_start3A_576 : memref<1x32xf32, #tpu.memory_space<hbm>>) target(%dma_start3A_574 : memref<1x32xf32, #tpu.memory_space<vmem>>) target_semaphore(%arg18 : memref<!tpu.dma_semaphore, #tpu.memory_space<semaphore_mem>>)
      %slice3A_577 = vector.extract_strided_slice %get3A_29 {offsets = [15], sizes = [1], strides = [1]} : vector<16xi32> to vector<1xi32>
      %squeeze3A_578 = vector.extract %slice3A_577[0] : i32 from vector<1xi32>
      %dma_start3A_579 = arith.constant 0 : i32
      %dma_start3A_580 = tpu.memref_slice %arg14[%add3A_556, %dma_start3A_579] : memref<256x32xf32, #tpu.memory_space<vmem>> -> memref<1x32xf32, #tpu.memory_space<vmem>>
      %dma_start3A_581 = arith.constant 0 : i32
      %dma_start3A_582 = tpu.memref_slice %arg6[%squeeze3A_578, %dma_start3A_581] : memref<1000000x32xf32, #tpu.memory_space<hbm>> -> memref<1x32xf32, #tpu.memory_space<hbm>>
      %dma_start3A_583 = arith.constant 0 : i32
      %dma_start3A_584 = tpu.memref_slice %arg14[%add3A_556, %dma_start3A_583] : memref<256x32xf32, #tpu.memory_space<vmem>> -> memref<1x32xf32, #tpu.memory_space<vmem>>
      %dma_start3A_585 = arith.constant 0 : i32
      %dma_start3A_586 = tpu.memref_slice %arg6[%squeeze3A_578, %dma_start3A_585] : memref<1000000x32xf32, #tpu.memory_space<hbm>> -> memref<1x32xf32, #tpu.memory_space<hbm>>
      tpu.enqueue_dma source(%dma_start3A_586 : memref<1x32xf32, #tpu.memory_space<hbm>>) target(%dma_start3A_584 : memref<1x32xf32, #tpu.memory_space<vmem>>) target_semaphore(%arg19 : memref<!tpu.dma_semaphore, #tpu.memory_space<semaphore_mem>>)
    }
    %scan3A_12 = arith.constant 8 : i32
    %scan3A_13 = arith.constant 0 : i32
    %scan3A_14 = arith.constant 0 : i32
    %scan3A_15 = arith.constant 4 : i32
    %scan3A_16 = arith.addi %scan3A_14, %scan3A_15 : i32
    %scan3A_17 = arith.constant 1 : i32
    scf.for %scan3A_19 = %scan3A_14 to %scan3A_16 step %scan3A_17  : i32 {
      %rem3A_20 = arith.constant 2 : i32
      %rem3A_21 = arith.remsi %scan3A_19, %rem3A_20 : i32
      %mul3A_22 = arith.constant 128 : i32
      %mul3A_23 = arith.muli %rem3A_21, %mul3A_22 : i32
      %dma_wait3A = arith.constant 0 : i32
      %dma_wait3A_24 = tpu.memref_slice %arg12[%mul3A_23, %dma_wait3A] : memref<256x32xf32, #tpu.memory_space<vmem>> -> memref<128x32xf32, #tpu.memory_space<vmem>>
      %dma_wait3A_25 = arith.constant 0 : i32
      %dma_wait3A_26 = arith.constant 0 : i32
      %dma_wait3A_27 = tpu.memref_slice %arg5[%dma_wait3A_25, %dma_wait3A_26] : memref<1000000x32xf32, #tpu.memory_space<hbm>> -> memref<128x32xf32, #tpu.memory_space<hbm>>
      %dma_wait3A_28 = arith.constant 0 : i32
      %dma_wait3A_29 = tpu.memref_slice %arg12[%mul3A_23, %dma_wait3A_28] : memref<256x32xf32, #tpu.memory_space<vmem>> -> memref<128x32xf32, #tpu.memory_space<vmem>>
      %dma_wait3A_30 = arith.constant 0 : i32
      %dma_wait3A_31 = arith.constant 0 : i32
      %dma_wait3A_32 = tpu.memref_slice %arg5[%dma_wait3A_30, %dma_wait3A_31] : memref<1000000x32xf32, #tpu.memory_space<hbm>> -> memref<128x32xf32, #tpu.memory_space<hbm>>
      tpu.wait_dma2 semaphore(%arg17 : memref<!tpu.dma_semaphore, #tpu.memory_space<semaphore_mem>>) src(%dma_wait3A_32 : memref<128x32xf32, #tpu.memory_space<hbm>>) dst(%dma_wait3A_29 : memref<128x32xf32, #tpu.memory_space<vmem>>)
      %dma_wait3A_33 = arith.constant 0 : i32
      %dma_wait3A_34 = tpu.memref_slice %arg13[%mul3A_23, %dma_wait3A_33] : memref<256x32xf32, #tpu.memory_space<vmem>> -> memref<128x32xf32, #tpu.memory_space<vmem>>
      %dma_wait3A_35 = arith.constant 0 : i32
      %dma_wait3A_36 = arith.constant 0 : i32
      %dma_wait3A_37 = tpu.memref_slice %arg6[%dma_wait3A_35, %dma_wait3A_36] : memref<1000000x32xf32, #tpu.memory_space<hbm>> -> memref<128x32xf32, #tpu.memory_space<hbm>>
      %dma_wait3A_38 = arith.constant 0 : i32
      %dma_wait3A_39 = tpu.memref_slice %arg13[%mul3A_23, %dma_wait3A_38] : memref<256x32xf32, #tpu.memory_space<vmem>> -> memref<128x32xf32, #tpu.memory_space<vmem>>
      %dma_wait3A_40 = arith.constant 0 : i32
      %dma_wait3A_41 = arith.constant 0 : i32
      %dma_wait3A_42 = tpu.memref_slice %arg6[%dma_wait3A_40, %dma_wait3A_41] : memref<1000000x32xf32, #tpu.memory_space<hbm>> -> memref<128x32xf32, #tpu.memory_space<hbm>>
      tpu.wait_dma2 semaphore(%arg18 : memref<!tpu.dma_semaphore, #tpu.memory_space<semaphore_mem>>) src(%dma_wait3A_42 : memref<128x32xf32, #tpu.memory_space<hbm>>) dst(%dma_wait3A_39 : memref<128x32xf32, #tpu.memory_space<vmem>>)
      %dma_wait3A_43 = arith.constant 0 : i32
      %dma_wait3A_44 = tpu.memref_slice %arg14[%mul3A_23, %dma_wait3A_43] : memref<256x32xf32, #tpu.memory_space<vmem>> -> memref<128x32xf32, #tpu.memory_space<vmem>>
      %dma_wait3A_45 = arith.constant 0 : i32
      %dma_wait3A_46 = arith.constant 0 : i32
      %dma_wait3A_47 = tpu.memref_slice %arg6[%dma_wait3A_45, %dma_wait3A_46] : memref<1000000x32xf32, #tpu.memory_space<hbm>> -> memref<128x32xf32, #tpu.memory_space<hbm>>
      %dma_wait3A_48 = arith.constant 0 : i32
      %dma_wait3A_49 = tpu.memref_slice %arg14[%mul3A_23, %dma_wait3A_48] : memref<256x32xf32, #tpu.memory_space<vmem>> -> memref<128x32xf32, #tpu.memory_space<vmem>>
      %dma_wait3A_50 = arith.constant 0 : i32
      %dma_wait3A_51 = arith.constant 0 : i32
      %dma_wait3A_52 = tpu.memref_slice %arg6[%dma_wait3A_50, %dma_wait3A_51] : memref<1000000x32xf32, #tpu.memory_space<hbm>> -> memref<128x32xf32, #tpu.memory_space<hbm>>
      tpu.wait_dma2 semaphore(%arg19 : memref<!tpu.dma_semaphore, #tpu.memory_space<semaphore_mem>>) src(%dma_wait3A_52 : memref<128x32xf32, #tpu.memory_space<hbm>>) dst(%dma_wait3A_49 : memref<128x32xf32, #tpu.memory_space<vmem>>)
      %lt3A = arith.constant 3 : i32
      %lt3A_53 = arith.cmpi slt, %scan3A_19, %lt3A : i32
      %convert_element_type3A = arith.extui %lt3A_53 : i1 to i32
      %cond3A = arith.constant 0 : i32
      %cond3A_54 = arith.cmpi ne, %convert_element_type3A, %cond3A : i32
      scf.if %cond3A_54 {
        %add3A_65 = arith.constant 1 : i32
        %add3A_66 = arith.addi %scan3A_19, %add3A_65 : i32
        %rem3A_67 = arith.constant 2 : i32
        %rem3A_68 = arith.remsi %add3A_66, %rem3A_67 : i32
        %mul3A_69 = arith.constant 128 : i32
        %mul3A_70 = arith.muli %rem3A_68, %mul3A_69 : i32
        %scan3A_71 = arith.constant 0 : i32
        %scan3A_72 = arith.constant 0 : i32
        %scan3A_73 = arith.constant 8 : i32
        %scan3A_74 = arith.addi %scan3A_72, %scan3A_73 : i32
        %scan3A_75 = arith.constant 1 : i32
        scf.for %scan3A_77 = %scan3A_72 to %scan3A_74 step %scan3A_75  : i32 {
          %mul3A_78 = arith.constant 128 : i32
          %mul3A_79 = arith.muli %add3A_66, %mul3A_78 : i32
          %mul3A_80 = arith.constant 16 : i32
          %mul3A_81 = arith.muli %scan3A_77, %mul3A_80 : i32
          %add3A_82 = arith.addi %mul3A_79, %mul3A_81 : i32
          %get3A = arith.index_cast %add3A_82 : i32 to index
          %get3A_83 = tpu.vector_load %arg9[%get3A] {strides = array<i32>} : memref<512xi32, #tpu.memory_space<vmem>>, vector<16xi32>,
          %get3A_84 = arith.index_cast %add3A_82 : i32 to index
          %get3A_85 = tpu.vector_load %arg10[%get3A_84] {strides = array<i32>} : memref<512xi32, #tpu.memory_space<vmem>>, vector<16xi32>,
          %get3A_86 = arith.index_cast %add3A_82 : i32 to index
          %get3A_87 = tpu.vector_load %arg11[%get3A_86] {strides = array<i32>} : memref<512xi32, #tpu.memory_space<vmem>>, vector<16xi32>,
          %mul3A_88 = arith.constant 16 : i32
          %mul3A_89 = arith.muli %scan3A_77, %mul3A_88 : i32
          %add3A_90 = arith.addi %mul3A_70, %mul3A_89 : i32
          %add3A_91 = arith.constant 0 : i32
          %add3A_92 = arith.addi %add3A_90, %add3A_91 : i32
          %slice3A = vector.extract_strided_slice %get3A_83 {offsets = [0], sizes = [1], strides = [1]} : vector<16xi32> to vector<1xi32>
          %squeeze3A = vector.extract %slice3A[0] : i32 from vector<1xi32>
          %dma_start3A = arith.constant 0 : i32
          %dma_start3A_93 = tpu.memref_slice %arg12[%add3A_92, %dma_start3A] : memref<256x32xf32, #tpu.memory_space<vmem>> -> memref<1x32xf32, #tpu.memory_space<vmem>>
          %dma_start3A_94 = arith.constant 0 : i32
          %dma_start3A_95 = tpu.memref_slice %arg5[%squeeze3A, %dma_start3A_94] : memref<1000000x32xf32, #tpu.memory_space<hbm>> -> memref<1x32xf32, #tpu.memory_space<hbm>>
          %dma_start3A_96 = arith.constant 0 : i32
          %dma_start3A_97 = tpu.memref_slice %arg12[%add3A_92, %dma_start3A_96] : memref<256x32xf32, #tpu.memory_space<vmem>> -> memref<1x32xf32, #tpu.memory_space<vmem>>
          %dma_start3A_98 = arith.constant 0 : i32
          %dma_start3A_99 = tpu.memref_slice %arg5[%squeeze3A, %dma_start3A_98] : memref<1000000x32xf32, #tpu.memory_space<hbm>> -> memref<1x32xf32, #tpu.memory_space<hbm>>
          tpu.enqueue_dma source(%dma_start3A_99 : memref<1x32xf32, #tpu.memory_space<hbm>>) target(%dma_start3A_97 : memref<1x32xf32, #tpu.memory_space<vmem>>) target_semaphore(%arg17 : memref<!tpu.dma_semaphore, #tpu.memory_space<semaphore_mem>>)
          %slice3A_100 = vector.extract_strided_slice %get3A_85 {offsets = [0], sizes = [1], strides = [1]} : vector<16xi32> to vector<1xi32>
          %squeeze3A_101 = vector.extract %slice3A_100[0] : i32 from vector<1xi32>
          %dma_start3A_102 = arith.constant 0 : i32
          %dma_start3A_103 = tpu.memref_slice %arg13[%add3A_92, %dma_start3A_102] : memref<256x32xf32, #tpu.memory_space<vmem>> -> memref<1x32xf32, #tpu.memory_space<vmem>>
          %dma_start3A_104 = arith.constant 0 : i32
          %dma_start3A_105 = tpu.memref_slice %arg6[%squeeze3A_101, %dma_start3A_104] : memref<1000000x32xf32, #tpu.memory_space<hbm>> -> memref<1x32xf32, #tpu.memory_space<hbm>>
          %dma_start3A_106 = arith.constant 0 : i32
          %dma_start3A_107 = tpu.memref_slice %arg13[%add3A_92, %dma_start3A_106] : memref<256x32xf32, #tpu.memory_space<vmem>> -> memref<1x32xf32, #tpu.memory_space<vmem>>
          %dma_start3A_108 = arith.constant 0 : i32
          %dma_start3A_109 = tpu.memref_slice %arg6[%squeeze3A_101, %dma_start3A_108] : memref<1000000x32xf32, #tpu.memory_space<hbm>> -> memref<1x32xf32, #tpu.memory_space<hbm>>
          tpu.enqueue_dma source(%dma_start3A_109 : memref<1x32xf32, #tpu.memory_space<hbm>>) target(%dma_start3A_107 : memref<1x32xf32, #tpu.memory_space<vmem>>) target_semaphore(%arg18 : memref<!tpu.dma_semaphore, #tpu.memory_space<semaphore_mem>>)
          %slice3A_110 = vector.extract_strided_slice %get3A_87 {offsets = [0], sizes = [1], strides = [1]} : vector<16xi32> to vector<1xi32>
          %squeeze3A_111 = vector.extract %slice3A_110[0] : i32 from vector<1xi32>
          %dma_start3A_112 = arith.constant 0 : i32
          %dma_start3A_113 = tpu.memref_slice %arg14[%add3A_92, %dma_start3A_112] : memref<256x32xf32, #tpu.memory_space<vmem>> -> memref<1x32xf32, #tpu.memory_space<vmem>>
          %dma_start3A_114 = arith.constant 0 : i32
          %dma_start3A_115 = tpu.memref_slice %arg6[%squeeze3A_111, %dma_start3A_114] : memref<1000000x32xf32, #tpu.memory_space<hbm>> -> memref<1x32xf32, #tpu.memory_space<hbm>>
          %dma_start3A_116 = arith.constant 0 : i32
          %dma_start3A_117 = tpu.memref_slice %arg14[%add3A_92, %dma_start3A_116] : memref<256x32xf32, #tpu.memory_space<vmem>> -> memref<1x32xf32, #tpu.memory_space<vmem>>
          %dma_start3A_118 = arith.constant 0 : i32
          %dma_start3A_119 = tpu.memref_slice %arg6[%squeeze3A_111, %dma_start3A_118] : memref<1000000x32xf32, #tpu.memory_space<hbm>> -> memref<1x32xf32, #tpu.memory_space<hbm>>
          tpu.enqueue_dma source(%dma_start3A_119 : memref<1x32xf32, #tpu.memory_space<hbm>>) target(%dma_start3A_117 : memref<1x32xf32, #tpu.memory_space<vmem>>) target_semaphore(%arg19 : memref<!tpu.dma_semaphore, #tpu.memory_space<semaphore_mem>>)
          %mul3A_120 = arith.constant 16 : i32
          %mul3A_121 = arith.muli %scan3A_77, %mul3A_120 : i32
          %add3A_122 = arith.addi %mul3A_70, %mul3A_121 : i32
          %add3A_123 = arith.constant 1 : i32
          %add3A_124 = arith.addi %add3A_122, %add3A_123 : i32
          %slice3A_125 = vector.extract_strided_slice %get3A_83 {offsets = [1], sizes = [1], strides = [1]} : vector<16xi32> to vector<1xi32>
          %squeeze3A_126 = vector.extract %slice3A_125[0] : i32 from vector<1xi32>
          %dma_start3A_127 = arith.constant 0 : i32
          %dma_start3A_128 = tpu.memref_slice %arg12[%add3A_124, %dma_start3A_127] : memref<256x32xf32, #tpu.memory_space<vmem>> -> memref<1x32xf32, #tpu.memory_space<vmem>>
          %dma_start3A_129 = arith.constant 0 : i32
          %dma_start3A_130 = tpu.memref_slice %arg5[%squeeze3A_126, %dma_start3A_129] : memref<1000000x32xf32, #tpu.memory_space<hbm>> -> memref<1x32xf32, #tpu.memory_space<hbm>>
          %dma_start3A_131 = arith.constant 0 : i32
          %dma_start3A_132 = tpu.memref_slice %arg12[%add3A_124, %dma_start3A_131] : memref<256x32xf32, #tpu.memory_space<vmem>> -> memref<1x32xf32, #tpu.memory_space<vmem>>
          %dma_start3A_133 = arith.constant 0 : i32
          %dma_start3A_134 = tpu.memref_slice %arg5[%squeeze3A_126, %dma_start3A_133] : memref<1000000x32xf32, #tpu.memory_space<hbm>> -> memref<1x32xf32, #tpu.memory_space<hbm>>
          tpu.enqueue_dma source(%dma_start3A_134 : memref<1x32xf32, #tpu.memory_space<hbm>>) target(%dma_start3A_132 : memref<1x32xf32, #tpu.memory_space<vmem>>) target_semaphore(%arg17 : memref<!tpu.dma_semaphore, #tpu.memory_space<semaphore_mem>>)
          %slice3A_135 = vector.extract_strided_slice %get3A_85 {offsets = [1], sizes = [1], strides = [1]} : vector<16xi32> to vector<1xi32>
          %squeeze3A_136 = vector.extract %slice3A_135[0] : i32 from vector<1xi32>
          %dma_start3A_137 = arith.constant 0 : i32
          %dma_start3A_138 = tpu.memref_slice %arg13[%add3A_124, %dma_start3A_137] : memref<256x32xf32, #tpu.memory_space<vmem>> -> memref<1x32xf32, #tpu.memory_space<vmem>>
          %dma_start3A_139 = arith.constant 0 : i32
          %dma_start3A_140 = tpu.memref_slice %arg6[%squeeze3A_136, %dma_start3A_139] : memref<1000000x32xf32, #tpu.memory_space<hbm>> -> memref<1x32xf32, #tpu.memory_space<hbm>>
          %dma_start3A_141 = arith.constant 0 : i32
          %dma_start3A_142 = tpu.memref_slice %arg13[%add3A_124, %dma_start3A_141] : memref<256x32xf32, #tpu.memory_space<vmem>> -> memref<1x32xf32, #tpu.memory_space<vmem>>
          %dma_start3A_143 = arith.constant 0 : i32
          %dma_start3A_144 = tpu.memref_slice %arg6[%squeeze3A_136, %dma_start3A_143] : memref<1000000x32xf32, #tpu.memory_space<hbm>> -> memref<1x32xf32, #tpu.memory_space<hbm>>
          tpu.enqueue_dma source(%dma_start3A_144 : memref<1x32xf32, #tpu.memory_space<hbm>>) target(%dma_start3A_142 : memref<1x32xf32, #tpu.memory_space<vmem>>) target_semaphore(%arg18 : memref<!tpu.dma_semaphore, #tpu.memory_space<semaphore_mem>>)
          %slice3A_145 = vector.extract_strided_slice %get3A_87 {offsets = [1], sizes = [1], strides = [1]} : vector<16xi32> to vector<1xi32>
          %squeeze3A_146 = vector.extract %slice3A_145[0] : i32 from vector<1xi32>
          %dma_start3A_147 = arith.constant 0 : i32
          %dma_start3A_148 = tpu.memref_slice %arg14[%add3A_124, %dma_start3A_147] : memref<256x32xf32, #tpu.memory_space<vmem>> -> memref<1x32xf32, #tpu.memory_space<vmem>>
          %dma_start3A_149 = arith.constant 0 : i32
          %dma_start3A_150 = tpu.memref_slice %arg6[%squeeze3A_146, %dma_start3A_149] : memref<1000000x32xf32, #tpu.memory_space<hbm>> -> memref<1x32xf32, #tpu.memory_space<hbm>>
          %dma_start3A_151 = arith.constant 0 : i32
          %dma_start3A_152 = tpu.memref_slice %arg14[%add3A_124, %dma_start3A_151] : memref<256x32xf32, #tpu.memory_space<vmem>> -> memref<1x32xf32, #tpu.memory_space<vmem>>
          %dma_start3A_153 = arith.constant 0 : i32
          %dma_start3A_154 = tpu.memref_slice %arg6[%squeeze3A_146, %dma_start3A_153] : memref<1000000x32xf32, #tpu.memory_space<hbm>> -> memref<1x32xf32, #tpu.memory_space<hbm>>
          tpu.enqueue_dma source(%dma_start3A_154 : memref<1x32xf32, #tpu.memory_space<hbm>>) target(%dma_start3A_152 : memref<1x32xf32, #tpu.memory_space<vmem>>) target_semaphore(%arg19 : memref<!tpu.dma_semaphore, #tpu.memory_space<semaphore_mem>>)
          %mul3A_155 = arith.constant 16 : i32
          %mul3A_156 = arith.muli %scan3A_77, %mul3A_155 : i32
          %add3A_157 = arith.addi %mul3A_70, %mul3A_156 : i32
          %add3A_158 = arith.constant 2 : i32
          %add3A_159 = arith.addi %add3A_157, %add3A_158 : i32
          %slice3A_160 = vector.extract_strided_slice %get3A_83 {offsets = [2], sizes = [1], strides = [1]} : vector<16xi32> to vector<1xi32>
          %squeeze3A_161 = vector.extract %slice3A_160[0] : i32 from vector<1xi32>
          %dma_start3A_162 = arith.constant 0 : i32
          %dma_start3A_163 = tpu.memref_slice %arg12[%add3A_159, %dma_start3A_162] : memref<256x32xf32, #tpu.memory_space<vmem>> -> memref<1x32xf32, #tpu.memory_space<vmem>>
          %dma_start3A_164 = arith.constant 0 : i32
          %dma_start3A_165 = tpu.memref_slice %arg5[%squeeze3A_161, %dma_start3A_164] : memref<1000000x32xf32, #tpu.memory_space<hbm>> -> memref<1x32xf32, #tpu.memory_space<hbm>>
          %dma_start3A_166 = arith.constant 0 : i32
          %dma_start3A_167 = tpu.memref_slice %arg12[%add3A_159, %dma_start3A_166] : memref<256x32xf32, #tpu.memory_space<vmem>> -> memref<1x32xf32, #tpu.memory_space<vmem>>
          %dma_start3A_168 = arith.constant 0 : i32
          %dma_start3A_169 = tpu.memref_slice %arg5[%squeeze3A_161, %dma_start3A_168] : memref<1000000x32xf32, #tpu.memory_space<hbm>> -> memref<1x32xf32, #tpu.memory_space<hbm>>
          tpu.enqueue_dma source(%dma_start3A_169 : memref<1x32xf32, #tpu.memory_space<hbm>>) target(%dma_start3A_167 : memref<1x32xf32, #tpu.memory_space<vmem>>) target_semaphore(%arg17 : memref<!tpu.dma_semaphore, #tpu.memory_space<semaphore_mem>>)
          %slice3A_170 = vector.extract_strided_slice %get3A_85 {offsets = [2], sizes = [1], strides = [1]} : vector<16xi32> to vector<1xi32>
          %squeeze3A_171 = vector.extract %slice3A_170[0] : i32 from vector<1xi32>
          %dma_start3A_172 = arith.constant 0 : i32
          %dma_start3A_173 = tpu.memref_slice %arg13[%add3A_159, %dma_start3A_172] : memref<256x32xf32, #tpu.memory_space<vmem>> -> memref<1x32xf32, #tpu.memory_space<vmem>>
          %dma_start3A_174 = arith.constant 0 : i32
          %dma_start3A_175 = tpu.memref_slice %arg6[%squeeze3A_171, %dma_start3A_174] : memref<1000000x32xf32, #tpu.memory_space<hbm>> -> memref<1x32xf32, #tpu.memory_space<hbm>>
          %dma_start3A_176 = arith.constant 0 : i32
          %dma_start3A_177 = tpu.memref_slice %arg13[%add3A_159, %dma_start3A_176] : memref<256x32xf32, #tpu.memory_space<vmem>> -> memref<1x32xf32, #tpu.memory_space<vmem>>
          %dma_start3A_178 = arith.constant 0 : i32
          %dma_start3A_179 = tpu.memref_slice %arg6[%squeeze3A_171, %dma_start3A_178] : memref<1000000x32xf32, #tpu.memory_space<hbm>> -> memref<1x32xf32, #tpu.memory_space<hbm>>
          tpu.enqueue_dma source(%dma_start3A_179 : memref<1x32xf32, #tpu.memory_space<hbm>>) target(%dma_start3A_177 : memref<1x32xf32, #tpu.memory_space<vmem>>) target_semaphore(%arg18 : memref<!tpu.dma_semaphore, #tpu.memory_space<semaphore_mem>>)
          %slice3A_180 = vector.extract_strided_slice %get3A_87 {offsets = [2], sizes = [1], strides = [1]} : vector<16xi32> to vector<1xi32>
          %squeeze3A_181 = vector.extract %slice3A_180[0] : i32 from vector<1xi32>
          %dma_start3A_182 = arith.constant 0 : i32
          %dma_start3A_183 = tpu.memref_slice %arg14[%add3A_159, %dma_start3A_182] : memref<256x32xf32, #tpu.memory_space<vmem>> -> memref<1x32xf32, #tpu.memory_space<vmem>>
          %dma_start3A_184 = arith.constant 0 : i32
          %dma_start3A_185 = tpu.memref_slice %arg6[%squeeze3A_181, %dma_start3A_184] : memref<1000000x32xf32, #tpu.memory_space<hbm>> -> memref<1x32xf32, #tpu.memory_space<hbm>>
          %dma_start3A_186 = arith.constant 0 : i32
          %dma_start3A_187 = tpu.memref_slice %arg14[%add3A_159, %dma_start3A_186] : memref<256x32xf32, #tpu.memory_space<vmem>> -> memref<1x32xf32, #tpu.memory_space<vmem>>
          %dma_start3A_188 = arith.constant 0 : i32
          %dma_start3A_189 = tpu.memref_slice %arg6[%squeeze3A_181, %dma_start3A_188] : memref<1000000x32xf32, #tpu.memory_space<hbm>> -> memref<1x32xf32, #tpu.memory_space<hbm>>
          tpu.enqueue_dma source(%dma_start3A_189 : memref<1x32xf32, #tpu.memory_space<hbm>>) target(%dma_start3A_187 : memref<1x32xf32, #tpu.memory_space<vmem>>) target_semaphore(%arg19 : memref<!tpu.dma_semaphore, #tpu.memory_space<semaphore_mem>>)
          %mul3A_190 = arith.constant 16 : i32
          %mul3A_191 = arith.muli %scan3A_77, %mul3A_190 : i32
          %add3A_192 = arith.addi %mul3A_70, %mul3A_191 : i32
          %add3A_193 = arith.constant 3 : i32
          %add3A_194 = arith.addi %add3A_192, %add3A_193 : i32
          %slice3A_195 = vector.extract_strided_slice %get3A_83 {offsets = [3], sizes = [1], strides = [1]} : vector<16xi32> to vector<1xi32>
          %squeeze3A_196 = vector.extract %slice3A_195[0] : i32 from vector<1xi32>
          %dma_start3A_197 = arith.constant 0 : i32
          %dma_start3A_198 = tpu.memref_slice %arg12[%add3A_194, %dma_start3A_197] : memref<256x32xf32, #tpu.memory_space<vmem>> -> memref<1x32xf32, #tpu.memory_space<vmem>>
          %dma_start3A_199 = arith.constant 0 : i32
          %dma_start3A_200 = tpu.memref_slice %arg5[%squeeze3A_196, %dma_start3A_199] : memref<1000000x32xf32, #tpu.memory_space<hbm>> -> memref<1x32xf32, #tpu.memory_space<hbm>>
          %dma_start3A_201 = arith.constant 0 : i32
          %dma_start3A_202 = tpu.memref_slice %arg12[%add3A_194, %dma_start3A_201] : memref<256x32xf32, #tpu.memory_space<vmem>> -> memref<1x32xf32, #tpu.memory_space<vmem>>
          %dma_start3A_203 = arith.constant 0 : i32
          %dma_start3A_204 = tpu.memref_slice %arg5[%squeeze3A_196, %dma_start3A_203] : memref<1000000x32xf32, #tpu.memory_space<hbm>> -> memref<1x32xf32, #tpu.memory_space<hbm>>
          tpu.enqueue_dma source(%dma_start3A_204 : memref<1x32xf32, #tpu.memory_space<hbm>>) target(%dma_start3A_202 : memref<1x32xf32, #tpu.memory_space<vmem>>) target_semaphore(%arg17 : memref<!tpu.dma_semaphore, #tpu.memory_space<semaphore_mem>>)
          %slice3A_205 = vector.extract_strided_slice %get3A_85 {offsets = [3], sizes = [1], strides = [1]} : vector<16xi32> to vector<1xi32>
          %squeeze3A_206 = vector.extract %slice3A_205[0] : i32 from vector<1xi32>
          %dma_start3A_207 = arith.constant 0 : i32
          %dma_start3A_208 = tpu.memref_slice %arg13[%add3A_194, %dma_start3A_207] : memref<256x32xf32, #tpu.memory_space<vmem>> -> memref<1x32xf32, #tpu.memory_space<vmem>>
          %dma_start3A_209 = arith.constant 0 : i32
          %dma_start3A_210 = tpu.memref_slice %arg6[%squeeze3A_206, %dma_start3A_209] : memref<1000000x32xf32, #tpu.memory_space<hbm>> -> memref<1x32xf32, #tpu.memory_space<hbm>>
          %dma_start3A_211 = arith.constant 0 : i32
          %dma_start3A_212 = tpu.memref_slice %arg13[%add3A_194, %dma_start3A_211] : memref<256x32xf32, #tpu.memory_space<vmem>> -> memref<1x32xf32, #tpu.memory_space<vmem>>
          %dma_start3A_213 = arith.constant 0 : i32
          %dma_start3A_214 = tpu.memref_slice %arg6[%squeeze3A_206, %dma_start3A_213] : memref<1000000x32xf32, #tpu.memory_space<hbm>> -> memref<1x32xf32, #tpu.memory_space<hbm>>
          tpu.enqueue_dma source(%dma_start3A_214 : memref<1x32xf32, #tpu.memory_space<hbm>>) target(%dma_start3A_212 : memref<1x32xf32, #tpu.memory_space<vmem>>) target_semaphore(%arg18 : memref<!tpu.dma_semaphore, #tpu.memory_space<semaphore_mem>>)
          %slice3A_215 = vector.extract_strided_slice %get3A_87 {offsets = [3], sizes = [1], strides = [1]} : vector<16xi32> to vector<1xi32>
          %squeeze3A_216 = vector.extract %slice3A_215[0] : i32 from vector<1xi32>
          %dma_start3A_217 = arith.constant 0 : i32
          %dma_start3A_218 = tpu.memref_slice %arg14[%add3A_194, %dma_start3A_217] : memref<256x32xf32, #tpu.memory_space<vmem>> -> memref<1x32xf32, #tpu.memory_space<vmem>>
          %dma_start3A_219 = arith.constant 0 : i32
          %dma_start3A_220 = tpu.memref_slice %arg6[%squeeze3A_216, %dma_start3A_219] : memref<1000000x32xf32, #tpu.memory_space<hbm>> -> memref<1x32xf32, #tpu.memory_space<hbm>>
          %dma_start3A_221 = arith.constant 0 : i32
          %dma_start3A_222 = tpu.memref_slice %arg14[%add3A_194, %dma_start3A_221] : memref<256x32xf32, #tpu.memory_space<vmem>> -> memref<1x32xf32, #tpu.memory_space<vmem>>
          %dma_start3A_223 = arith.constant 0 : i32
          %dma_start3A_224 = tpu.memref_slice %arg6[%squeeze3A_216, %dma_start3A_223] : memref<1000000x32xf32, #tpu.memory_space<hbm>> -> memref<1x32xf32, #tpu.memory_space<hbm>>
          tpu.enqueue_dma source(%dma_start3A_224 : memref<1x32xf32, #tpu.memory_space<hbm>>) target(%dma_start3A_222 : memref<1x32xf32, #tpu.memory_space<vmem>>) target_semaphore(%arg19 : memref<!tpu.dma_semaphore, #tpu.memory_space<semaphore_mem>>)
          %mul3A_225 = arith.constant 16 : i32
          %mul3A_226 = arith.muli %scan3A_77, %mul3A_225 : i32
          %add3A_227 = arith.addi %mul3A_70, %mul3A_226 : i32
          %add3A_228 = arith.constant 4 : i32
          %add3A_229 = arith.addi %add3A_227, %add3A_228 : i32
          %slice3A_230 = vector.extract_strided_slice %get3A_83 {offsets = [4], sizes = [1], strides = [1]} : vector<16xi32> to vector<1xi32>
          %squeeze3A_231 = vector.extract %slice3A_230[0] : i32 from vector<1xi32>
          %dma_start3A_232 = arith.constant 0 : i32
          %dma_start3A_233 = tpu.memref_slice %arg12[%add3A_229, %dma_start3A_232] : memref<256x32xf32, #tpu.memory_space<vmem>> -> memref<1x32xf32, #tpu.memory_space<vmem>>
          %dma_start3A_234 = arith.constant 0 : i32
          %dma_start3A_235 = tpu.memref_slice %arg5[%squeeze3A_231, %dma_start3A_234] : memref<1000000x32xf32, #tpu.memory_space<hbm>> -> memref<1x32xf32, #tpu.memory_space<hbm>>
          %dma_start3A_236 = arith.constant 0 : i32
          %dma_start3A_237 = tpu.memref_slice %arg12[%add3A_229, %dma_start3A_236] : memref<256x32xf32, #tpu.memory_space<vmem>> -> memref<1x32xf32, #tpu.memory_space<vmem>>
          %dma_start3A_238 = arith.constant 0 : i32
          %dma_start3A_239 = tpu.memref_slice %arg5[%squeeze3A_231, %dma_start3A_238] : memref<1000000x32xf32, #tpu.memory_space<hbm>> -> memref<1x32xf32, #tpu.memory_space<hbm>>
          tpu.enqueue_dma source(%dma_start3A_239 : memref<1x32xf32, #tpu.memory_space<hbm>>) target(%dma_start3A_237 : memref<1x32xf32, #tpu.memory_space<vmem>>) target_semaphore(%arg17 : memref<!tpu.dma_semaphore, #tpu.memory_space<semaphore_mem>>)
          %slice3A_240 = vector.extract_strided_slice %get3A_85 {offsets = [4], sizes = [1], strides = [1]} : vector<16xi32> to vector<1xi32>
          %squeeze3A_241 = vector.extract %slice3A_240[0] : i32 from vector<1xi32>
          %dma_start3A_242 = arith.constant 0 : i32
          %dma_start3A_243 = tpu.memref_slice %arg13[%add3A_229, %dma_start3A_242] : memref<256x32xf32, #tpu.memory_space<vmem>> -> memref<1x32xf32, #tpu.memory_space<vmem>>
          %dma_start3A_244 = arith.constant 0 : i32
          %dma_start3A_245 = tpu.memref_slice %arg6[%squeeze3A_241, %dma_start3A_244] : memref<1000000x32xf32, #tpu.memory_space<hbm>> -> memref<1x32xf32, #tpu.memory_space<hbm>>
          %dma_start3A_246 = arith.constant 0 : i32
          %dma_start3A_247 = tpu.memref_slice %arg13[%add3A_229, %dma_start3A_246] : memref<256x32xf32, #tpu.memory_space<vmem>> -> memref<1x32xf32, #tpu.memory_space<vmem>>
          %dma_start3A_248 = arith.constant 0 : i32
          %dma_start3A_249 = tpu.memref_slice %arg6[%squeeze3A_241, %dma_start3A_248] : memref<1000000x32xf32, #tpu.memory_space<hbm>> -> memref<1x32xf32, #tpu.memory_space<hbm>>
          tpu.enqueue_dma source(%dma_start3A_249 : memref<1x32xf32, #tpu.memory_space<hbm>>) target(%dma_start3A_247 : memref<1x32xf32, #tpu.memory_space<vmem>>) target_semaphore(%arg18 : memref<!tpu.dma_semaphore, #tpu.memory_space<semaphore_mem>>)
          %slice3A_250 = vector.extract_strided_slice %get3A_87 {offsets = [4], sizes = [1], strides = [1]} : vector<16xi32> to vector<1xi32>
          %squeeze3A_251 = vector.extract %slice3A_250[0] : i32 from vector<1xi32>
          %dma_start3A_252 = arith.constant 0 : i32
          %dma_start3A_253 = tpu.memref_slice %arg14[%add3A_229, %dma_start3A_252] : memref<256x32xf32, #tpu.memory_space<vmem>> -> memref<1x32xf32, #tpu.memory_space<vmem>>
          %dma_start3A_254 = arith.constant 0 : i32
          %dma_start3A_255 = tpu.memref_slice %arg6[%squeeze3A_251, %dma_start3A_254] : memref<1000000x32xf32, #tpu.memory_space<hbm>> -> memref<1x32xf32, #tpu.memory_space<hbm>>
          %dma_start3A_256 = arith.constant 0 : i32
          %dma_start3A_257 = tpu.memref_slice %arg14[%add3A_229, %dma_start3A_256] : memref<256x32xf32, #tpu.memory_space<vmem>> -> memref<1x32xf32, #tpu.memory_space<vmem>>
          %dma_start3A_258 = arith.constant 0 : i32
          %dma_start3A_259 = tpu.memref_slice %arg6[%squeeze3A_251, %dma_start3A_258] : memref<1000000x32xf32, #tpu.memory_space<hbm>> -> memref<1x32xf32, #tpu.memory_space<hbm>>
          tpu.enqueue_dma source(%dma_start3A_259 : memref<1x32xf32, #tpu.memory_space<hbm>>) target(%dma_start3A_257 : memref<1x32xf32, #tpu.memory_space<vmem>>) target_semaphore(%arg19 : memref<!tpu.dma_semaphore, #tpu.memory_space<semaphore_mem>>)
          %mul3A_260 = arith.constant 16 : i32
          %mul3A_261 = arith.muli %scan3A_77, %mul3A_260 : i32
          %add3A_262 = arith.addi %mul3A_70, %mul3A_261 : i32
          %add3A_263 = arith.constant 5 : i32
          %add3A_264 = arith.addi %add3A_262, %add3A_263 : i32
          %slice3A_265 = vector.extract_strided_slice %get3A_83 {offsets = [5], sizes = [1], strides = [1]} : vector<16xi32> to vector<1xi32>
          %squeeze3A_266 = vector.extract %slice3A_265[0] : i32 from vector<1xi32>
          %dma_start3A_267 = arith.constant 0 : i32
          %dma_start3A_268 = tpu.memref_slice %arg12[%add3A_264, %dma_start3A_267] : memref<256x32xf32, #tpu.memory_space<vmem>> -> memref<1x32xf32, #tpu.memory_space<vmem>>
          %dma_start3A_269 = arith.constant 0 : i32
          %dma_start3A_270 = tpu.memref_slice %arg5[%squeeze3A_266, %dma_start3A_269] : memref<1000000x32xf32, #tpu.memory_space<hbm>> -> memref<1x32xf32, #tpu.memory_space<hbm>>
          %dma_start3A_271 = arith.constant 0 : i32
          %dma_start3A_272 = tpu.memref_slice %arg12[%add3A_264, %dma_start3A_271] : memref<256x32xf32, #tpu.memory_space<vmem>> -> memref<1x32xf32, #tpu.memory_space<vmem>>
          %dma_start3A_273 = arith.constant 0 : i32
          %dma_start3A_274 = tpu.memref_slice %arg5[%squeeze3A_266, %dma_start3A_273] : memref<1000000x32xf32, #tpu.memory_space<hbm>> -> memref<1x32xf32, #tpu.memory_space<hbm>>
          tpu.enqueue_dma source(%dma_start3A_274 : memref<1x32xf32, #tpu.memory_space<hbm>>) target(%dma_start3A_272 : memref<1x32xf32, #tpu.memory_space<vmem>>) target_semaphore(%arg17 : memref<!tpu.dma_semaphore, #tpu.memory_space<semaphore_mem>>)
          %slice3A_275 = vector.extract_strided_slice %get3A_85 {offsets = [5], sizes = [1], strides = [1]} : vector<16xi32> to vector<1xi32>
          %squeeze3A_276 = vector.extract %slice3A_275[0] : i32 from vector<1xi32>
          %dma_start3A_277 = arith.constant 0 : i32
          %dma_start3A_278 = tpu.memref_slice %arg13[%add3A_264, %dma_start3A_277] : memref<256x32xf32, #tpu.memory_space<vmem>> -> memref<1x32xf32, #tpu.memory_space<vmem>>
          %dma_start3A_279 = arith.constant 0 : i32
          %dma_start3A_280 = tpu.memref_slice %arg6[%squeeze3A_276, %dma_start3A_279] : memref<1000000x32xf32, #tpu.memory_space<hbm>> -> memref<1x32xf32, #tpu.memory_space<hbm>>
          %dma_start3A_281 = arith.constant 0 : i32
          %dma_start3A_282 = tpu.memref_slice %arg13[%add3A_264, %dma_start3A_281] : memref<256x32xf32, #tpu.memory_space<vmem>> -> memref<1x32xf32, #tpu.memory_space<vmem>>
          %dma_start3A_283 = arith.constant 0 : i32
          %dma_start3A_284 = tpu.memref_slice %arg6[%squeeze3A_276, %dma_start3A_283] : memref<1000000x32xf32, #tpu.memory_space<hbm>> -> memref<1x32xf32, #tpu.memory_space<hbm>>
          tpu.enqueue_dma source(%dma_start3A_284 : memref<1x32xf32, #tpu.memory_space<hbm>>) target(%dma_start3A_282 : memref<1x32xf32, #tpu.memory_space<vmem>>) target_semaphore(%arg18 : memref<!tpu.dma_semaphore, #tpu.memory_space<semaphore_mem>>)
          %slice3A_285 = vector.extract_strided_slice %get3A_87 {offsets = [5], sizes = [1], strides = [1]} : vector<16xi32> to vector<1xi32>
          %squeeze3A_286 = vector.extract %slice3A_285[0] : i32 from vector<1xi32>
          %dma_start3A_287 = arith.constant 0 : i32
          %dma_start3A_288 = tpu.memref_slice %arg14[%add3A_264, %dma_start3A_287] : memref<256x32xf32, #tpu.memory_space<vmem>> -> memref<1x32xf32, #tpu.memory_space<vmem>>
          %dma_start3A_289 = arith.constant 0 : i32
          %dma_start3A_290 = tpu.memref_slice %arg6[%squeeze3A_286, %dma_start3A_289] : memref<1000000x32xf32, #tpu.memory_space<hbm>> -> memref<1x32xf32, #tpu.memory_space<hbm>>
          %dma_start3A_291 = arith.constant 0 : i32
          %dma_start3A_292 = tpu.memref_slice %arg14[%add3A_264, %dma_start3A_291] : memref<256x32xf32, #tpu.memory_space<vmem>> -> memref<1x32xf32, #tpu.memory_space<vmem>>
          %dma_start3A_293 = arith.constant 0 : i32
          %dma_start3A_294 = tpu.memref_slice %arg6[%squeeze3A_286, %dma_start3A_293] : memref<1000000x32xf32, #tpu.memory_space<hbm>> -> memref<1x32xf32, #tpu.memory_space<hbm>>
          tpu.enqueue_dma source(%dma_start3A_294 : memref<1x32xf32, #tpu.memory_space<hbm>>) target(%dma_start3A_292 : memref<1x32xf32, #tpu.memory_space<vmem>>) target_semaphore(%arg19 : memref<!tpu.dma_semaphore, #tpu.memory_space<semaphore_mem>>)
          %mul3A_295 = arith.constant 16 : i32
          %mul3A_296 = arith.muli %scan3A_77, %mul3A_295 : i32
          %add3A_297 = arith.addi %mul3A_70, %mul3A_296 : i32
          %add3A_298 = arith.constant 6 : i32
          %add3A_299 = arith.addi %add3A_297, %add3A_298 : i32
          %slice3A_300 = vector.extract_strided_slice %get3A_83 {offsets = [6], sizes = [1], strides = [1]} : vector<16xi32> to vector<1xi32>
          %squeeze3A_301 = vector.extract %slice3A_300[0] : i32 from vector<1xi32>
          %dma_start3A_302 = arith.constant 0 : i32
          %dma_start3A_303 = tpu.memref_slice %arg12[%add3A_299, %dma_start3A_302] : memref<256x32xf32, #tpu.memory_space<vmem>> -> memref<1x32xf32, #tpu.memory_space<vmem>>
          %dma_start3A_304 = arith.constant 0 : i32
          %dma_start3A_305 = tpu.memref_slice %arg5[%squeeze3A_301, %dma_start3A_304] : memref<1000000x32xf32, #tpu.memory_space<hbm>> -> memref<1x32xf32, #tpu.memory_space<hbm>>
          %dma_start3A_306 = arith.constant 0 : i32
          %dma_start3A_307 = tpu.memref_slice %arg12[%add3A_299, %dma_start3A_306] : memref<256x32xf32, #tpu.memory_space<vmem>> -> memref<1x32xf32, #tpu.memory_space<vmem>>
          %dma_start3A_308 = arith.constant 0 : i32
          %dma_start3A_309 = tpu.memref_slice %arg5[%squeeze3A_301, %dma_start3A_308] : memref<1000000x32xf32, #tpu.memory_space<hbm>> -> memref<1x32xf32, #tpu.memory_space<hbm>>
          tpu.enqueue_dma source(%dma_start3A_309 : memref<1x32xf32, #tpu.memory_space<hbm>>) target(%dma_start3A_307 : memref<1x32xf32, #tpu.memory_space<vmem>>) target_semaphore(%arg17 : memref<!tpu.dma_semaphore, #tpu.memory_space<semaphore_mem>>)
          %slice3A_310 = vector.extract_strided_slice %get3A_85 {offsets = [6], sizes = [1], strides = [1]} : vector<16xi32> to vector<1xi32>
          %squeeze3A_311 = vector.extract %slice3A_310[0] : i32 from vector<1xi32>
          %dma_start3A_312 = arith.constant 0 : i32
          %dma_start3A_313 = tpu.memref_slice %arg13[%add3A_299, %dma_start3A_312] : memref<256x32xf32, #tpu.memory_space<vmem>> -> memref<1x32xf32, #tpu.memory_space<vmem>>
          %dma_start3A_314 = arith.constant 0 : i32
          %dma_start3A_315 = tpu.memref_slice %arg6[%squeeze3A_311, %dma_start3A_314] : memref<1000000x32xf32, #tpu.memory_space<hbm>> -> memref<1x32xf32, #tpu.memory_space<hbm>>
          %dma_start3A_316 = arith.constant 0 : i32
          %dma_start3A_317 = tpu.memref_slice %arg13[%add3A_299, %dma_start3A_316] : memref<256x32xf32, #tpu.memory_space<vmem>> -> memref<1x32xf32, #tpu.memory_space<vmem>>
          %dma_start3A_318 = arith.constant 0 : i32
          %dma_start3A_319 = tpu.memref_slice %arg6[%squeeze3A_311, %dma_start3A_318] : memref<1000000x32xf32, #tpu.memory_space<hbm>> -> memref<1x32xf32, #tpu.memory_space<hbm>>
          tpu.enqueue_dma source(%dma_start3A_319 : memref<1x32xf32, #tpu.memory_space<hbm>>) target(%dma_start3A_317 : memref<1x32xf32, #tpu.memory_space<vmem>>) target_semaphore(%arg18 : memref<!tpu.dma_semaphore, #tpu.memory_space<semaphore_mem>>)
          %slice3A_320 = vector.extract_strided_slice %get3A_87 {offsets = [6], sizes = [1], strides = [1]} : vector<16xi32> to vector<1xi32>
          %squeeze3A_321 = vector.extract %slice3A_320[0] : i32 from vector<1xi32>
          %dma_start3A_322 = arith.constant 0 : i32
          %dma_start3A_323 = tpu.memref_slice %arg14[%add3A_299, %dma_start3A_322] : memref<256x32xf32, #tpu.memory_space<vmem>> -> memref<1x32xf32, #tpu.memory_space<vmem>>
          %dma_start3A_324 = arith.constant 0 : i32
          %dma_start3A_325 = tpu.memref_slice %arg6[%squeeze3A_321, %dma_start3A_324] : memref<1000000x32xf32, #tpu.memory_space<hbm>> -> memref<1x32xf32, #tpu.memory_space<hbm>>
          %dma_start3A_326 = arith.constant 0 : i32
          %dma_start3A_327 = tpu.memref_slice %arg14[%add3A_299, %dma_start3A_326] : memref<256x32xf32, #tpu.memory_space<vmem>> -> memref<1x32xf32, #tpu.memory_space<vmem>>
          %dma_start3A_328 = arith.constant 0 : i32
          %dma_start3A_329 = tpu.memref_slice %arg6[%squeeze3A_321, %dma_start3A_328] : memref<1000000x32xf32, #tpu.memory_space<hbm>> -> memref<1x32xf32, #tpu.memory_space<hbm>>
          tpu.enqueue_dma source(%dma_start3A_329 : memref<1x32xf32, #tpu.memory_space<hbm>>) target(%dma_start3A_327 : memref<1x32xf32, #tpu.memory_space<vmem>>) target_semaphore(%arg19 : memref<!tpu.dma_semaphore, #tpu.memory_space<semaphore_mem>>)
          %mul3A_330 = arith.constant 16 : i32
          %mul3A_331 = arith.muli %scan3A_77, %mul3A_330 : i32
          %add3A_332 = arith.addi %mul3A_70, %mul3A_331 : i32
          %add3A_333 = arith.constant 7 : i32
          %add3A_334 = arith.addi %add3A_332, %add3A_333 : i32
          %slice3A_335 = vector.extract_strided_slice %get3A_83 {offsets = [7], sizes = [1], strides = [1]} : vector<16xi32> to vector<1xi32>
          %squeeze3A_336 = vector.extract %slice3A_335[0] : i32 from vector<1xi32>
          %dma_start3A_337 = arith.constant 0 : i32
          %dma_start3A_338 = tpu.memref_slice %arg12[%add3A_334, %dma_start3A_337] : memref<256x32xf32, #tpu.memory_space<vmem>> -> memref<1x32xf32, #tpu.memory_space<vmem>>
          %dma_start3A_339 = arith.constant 0 : i32
          %dma_start3A_340 = tpu.memref_slice %arg5[%squeeze3A_336, %dma_start3A_339] : memref<1000000x32xf32, #tpu.memory_space<hbm>> -> memref<1x32xf32, #tpu.memory_space<hbm>>
          %dma_start3A_341 = arith.constant 0 : i32
          %dma_start3A_342 = tpu.memref_slice %arg12[%add3A_334, %dma_start3A_341] : memref<256x32xf32, #tpu.memory_space<vmem>> -> memref<1x32xf32, #tpu.memory_space<vmem>>
          %dma_start3A_343 = arith.constant 0 : i32
          %dma_start3A_344 = tpu.memref_slice %arg5[%squeeze3A_336, %dma_start3A_343] : memref<1000000x32xf32, #tpu.memory_space<hbm>> -> memref<1x32xf32, #tpu.memory_space<hbm>>
          tpu.enqueue_dma source(%dma_start3A_344 : memref<1x32xf32, #tpu.memory_space<hbm>>) target(%dma_start3A_342 : memref<1x32xf32, #tpu.memory_space<vmem>>) target_semaphore(%arg17 : memref<!tpu.dma_semaphore, #tpu.memory_space<semaphore_mem>>)
          %slice3A_345 = vector.extract_strided_slice %get3A_85 {offsets = [7], sizes = [1], strides = [1]} : vector<16xi32> to vector<1xi32>
          %squeeze3A_346 = vector.extract %slice3A_345[0] : i32 from vector<1xi32>
          %dma_start3A_347 = arith.constant 0 : i32
          %dma_start3A_348 = tpu.memref_slice %arg13[%add3A_334, %dma_start3A_347] : memref<256x32xf32, #tpu.memory_space<vmem>> -> memref<1x32xf32, #tpu.memory_space<vmem>>
          %dma_start3A_349 = arith.constant 0 : i32
          %dma_start3A_350 = tpu.memref_slice %arg6[%squeeze3A_346, %dma_start3A_349] : memref<1000000x32xf32, #tpu.memory_space<hbm>> -> memref<1x32xf32, #tpu.memory_space<hbm>>
          %dma_start3A_351 = arith.constant 0 : i32
          %dma_start3A_352 = tpu.memref_slice %arg13[%add3A_334, %dma_start3A_351] : memref<256x32xf32, #tpu.memory_space<vmem>> -> memref<1x32xf32, #tpu.memory_space<vmem>>
          %dma_start3A_353 = arith.constant 0 : i32
          %dma_start3A_354 = tpu.memref_slice %arg6[%squeeze3A_346, %dma_start3A_353] : memref<1000000x32xf32, #tpu.memory_space<hbm>> -> memref<1x32xf32, #tpu.memory_space<hbm>>
          tpu.enqueue_dma source(%dma_start3A_354 : memref<1x32xf32, #tpu.memory_space<hbm>>) target(%dma_start3A_352 : memref<1x32xf32, #tpu.memory_space<vmem>>) target_semaphore(%arg18 : memref<!tpu.dma_semaphore, #tpu.memory_space<semaphore_mem>>)
          %slice3A_355 = vector.extract_strided_slice %get3A_87 {offsets = [7], sizes = [1], strides = [1]} : vector<16xi32> to vector<1xi32>
          %squeeze3A_356 = vector.extract %slice3A_355[0] : i32 from vector<1xi32>
          %dma_start3A_357 = arith.constant 0 : i32
          %dma_start3A_358 = tpu.memref_slice %arg14[%add3A_334, %dma_start3A_357] : memref<256x32xf32, #tpu.memory_space<vmem>> -> memref<1x32xf32, #tpu.memory_space<vmem>>
          %dma_start3A_359 = arith.constant 0 : i32
          %dma_start3A_360 = tpu.memref_slice %arg6[%squeeze3A_356, %dma_start3A_359] : memref<1000000x32xf32, #tpu.memory_space<hbm>> -> memref<1x32xf32, #tpu.memory_space<hbm>>
          %dma_start3A_361 = arith.constant 0 : i32
          %dma_start3A_362 = tpu.memref_slice %arg14[%add3A_334, %dma_start3A_361] : memref<256x32xf32, #tpu.memory_space<vmem>> -> memref<1x32xf32, #tpu.memory_space<vmem>>
          %dma_start3A_363 = arith.constant 0 : i32
          %dma_start3A_364 = tpu.memref_slice %arg6[%squeeze3A_356, %dma_start3A_363] : memref<1000000x32xf32, #tpu.memory_space<hbm>> -> memref<1x32xf32, #tpu.memory_space<hbm>>
          tpu.enqueue_dma source(%dma_start3A_364 : memref<1x32xf32, #tpu.memory_space<hbm>>) target(%dma_start3A_362 : memref<1x32xf32, #tpu.memory_space<vmem>>) target_semaphore(%arg19 : memref<!tpu.dma_semaphore, #tpu.memory_space<semaphore_mem>>)
          %mul3A_365 = arith.constant 16 : i32
          %mul3A_366 = arith.muli %scan3A_77, %mul3A_365 : i32
          %add3A_367 = arith.addi %mul3A_70, %mul3A_366 : i32
          %add3A_368 = arith.constant 8 : i32
          %add3A_369 = arith.addi %add3A_367, %add3A_368 : i32
          %slice3A_370 = vector.extract_strided_slice %get3A_83 {offsets = [8], sizes = [1], strides = [1]} : vector<16xi32> to vector<1xi32>
          %squeeze3A_371 = vector.extract %slice3A_370[0] : i32 from vector<1xi32>
          %dma_start3A_372 = arith.constant 0 : i32
          %dma_start3A_373 = tpu.memref_slice %arg12[%add3A_369, %dma_start3A_372] : memref<256x32xf32, #tpu.memory_space<vmem>> -> memref<1x32xf32, #tpu.memory_space<vmem>>
          %dma_start3A_374 = arith.constant 0 : i32
          %dma_start3A_375 = tpu.memref_slice %arg5[%squeeze3A_371, %dma_start3A_374] : memref<1000000x32xf32, #tpu.memory_space<hbm>> -> memref<1x32xf32, #tpu.memory_space<hbm>>
          %dma_start3A_376 = arith.constant 0 : i32
          %dma_start3A_377 = tpu.memref_slice %arg12[%add3A_369, %dma_start3A_376] : memref<256x32xf32, #tpu.memory_space<vmem>> -> memref<1x32xf32, #tpu.memory_space<vmem>>
          %dma_start3A_378 = arith.constant 0 : i32
          %dma_start3A_379 = tpu.memref_slice %arg5[%squeeze3A_371, %dma_start3A_378] : memref<1000000x32xf32, #tpu.memory_space<hbm>> -> memref<1x32xf32, #tpu.memory_space<hbm>>
          tpu.enqueue_dma source(%dma_start3A_379 : memref<1x32xf32, #tpu.memory_space<hbm>>) target(%dma_start3A_377 : memref<1x32xf32, #tpu.memory_space<vmem>>) target_semaphore(%arg17 : memref<!tpu.dma_semaphore, #tpu.memory_space<semaphore_mem>>)
          %slice3A_380 = vector.extract_strided_slice %get3A_85 {offsets = [8], sizes = [1], strides = [1]} : vector<16xi32> to vector<1xi32>
          %squeeze3A_381 = vector.extract %slice3A_380[0] : i32 from vector<1xi32>
          %dma_start3A_382 = arith.constant 0 : i32
          %dma_start3A_383 = tpu.memref_slice %arg13[%add3A_369, %dma_start3A_382] : memref<256x32xf32, #tpu.memory_space<vmem>> -> memref<1x32xf32, #tpu.memory_space<vmem>>
          %dma_start3A_384 = arith.constant 0 : i32
          %dma_start3A_385 = tpu.memref_slice %arg6[%squeeze3A_381, %dma_start3A_384] : memref<1000000x32xf32, #tpu.memory_space<hbm>> -> memref<1x32xf32, #tpu.memory_space<hbm>>
          %dma_start3A_386 = arith.constant 0 : i32
          %dma_start3A_387 = tpu.memref_slice %arg13[%add3A_369, %dma_start3A_386] : memref<256x32xf32, #tpu.memory_space<vmem>> -> memref<1x32xf32, #tpu.memory_space<vmem>>
          %dma_start3A_388 = arith.constant 0 : i32
          %dma_start3A_389 = tpu.memref_slice %arg6[%squeeze3A_381, %dma_start3A_388] : memref<1000000x32xf32, #tpu.memory_space<hbm>> -> memref<1x32xf32, #tpu.memory_space<hbm>>
          tpu.enqueue_dma source(%dma_start3A_389 : memref<1x32xf32, #tpu.memory_space<hbm>>) target(%dma_start3A_387 : memref<1x32xf32, #tpu.memory_space<vmem>>) target_semaphore(%arg18 : memref<!tpu.dma_semaphore, #tpu.memory_space<semaphore_mem>>)
          %slice3A_390 = vector.extract_strided_slice %get3A_87 {offsets = [8], sizes = [1], strides = [1]} : vector<16xi32> to vector<1xi32>
          %squeeze3A_391 = vector.extract %slice3A_390[0] : i32 from vector<1xi32>
          %dma_start3A_392 = arith.constant 0 : i32
          %dma_start3A_393 = tpu.memref_slice %arg14[%add3A_369, %dma_start3A_392] : memref<256x32xf32, #tpu.memory_space<vmem>> -> memref<1x32xf32, #tpu.memory_space<vmem>>
          %dma_start3A_394 = arith.constant 0 : i32
          %dma_start3A_395 = tpu.memref_slice %arg6[%squeeze3A_391, %dma_start3A_394] : memref<1000000x32xf32, #tpu.memory_space<hbm>> -> memref<1x32xf32, #tpu.memory_space<hbm>>
          %dma_start3A_396 = arith.constant 0 : i32
          %dma_start3A_397 = tpu.memref_slice %arg14[%add3A_369, %dma_start3A_396] : memref<256x32xf32, #tpu.memory_space<vmem>> -> memref<1x32xf32, #tpu.memory_space<vmem>>
          %dma_start3A_398 = arith.constant 0 : i32
          %dma_start3A_399 = tpu.memref_slice %arg6[%squeeze3A_391, %dma_start3A_398] : memref<1000000x32xf32, #tpu.memory_space<hbm>> -> memref<1x32xf32, #tpu.memory_space<hbm>>
          tpu.enqueue_dma source(%dma_start3A_399 : memref<1x32xf32, #tpu.memory_space<hbm>>) target(%dma_start3A_397 : memref<1x32xf32, #tpu.memory_space<vmem>>) target_semaphore(%arg19 : memref<!tpu.dma_semaphore, #tpu.memory_space<semaphore_mem>>)
          %mul3A_400 = arith.constant 16 : i32
          %mul3A_401 = arith.muli %scan3A_77, %mul3A_400 : i32
          %add3A_402 = arith.addi %mul3A_70, %mul3A_401 : i32
          %add3A_403 = arith.constant 9 : i32
          %add3A_404 = arith.addi %add3A_402, %add3A_403 : i32
          %slice3A_405 = vector.extract_strided_slice %get3A_83 {offsets = [9], sizes = [1], strides = [1]} : vector<16xi32> to vector<1xi32>
          %squeeze3A_406 = vector.extract %slice3A_405[0] : i32 from vector<1xi32>
          %dma_start3A_407 = arith.constant 0 : i32
          %dma_start3A_408 = tpu.memref_slice %arg12[%add3A_404, %dma_start3A_407] : memref<256x32xf32, #tpu.memory_space<vmem>> -> memref<1x32xf32, #tpu.memory_space<vmem>>
          %dma_start3A_409 = arith.constant 0 : i32
          %dma_start3A_410 = tpu.memref_slice %arg5[%squeeze3A_406, %dma_start3A_409] : memref<1000000x32xf32, #tpu.memory_space<hbm>> -> memref<1x32xf32, #tpu.memory_space<hbm>>
          %dma_start3A_411 = arith.constant 0 : i32
          %dma_start3A_412 = tpu.memref_slice %arg12[%add3A_404, %dma_start3A_411] : memref<256x32xf32, #tpu.memory_space<vmem>> -> memref<1x32xf32, #tpu.memory_space<vmem>>
          %dma_start3A_413 = arith.constant 0 : i32
          %dma_start3A_414 = tpu.memref_slice %arg5[%squeeze3A_406, %dma_start3A_413] : memref<1000000x32xf32, #tpu.memory_space<hbm>> -> memref<1x32xf32, #tpu.memory_space<hbm>>
          tpu.enqueue_dma source(%dma_start3A_414 : memref<1x32xf32, #tpu.memory_space<hbm>>) target(%dma_start3A_412 : memref<1x32xf32, #tpu.memory_space<vmem>>) target_semaphore(%arg17 : memref<!tpu.dma_semaphore, #tpu.memory_space<semaphore_mem>>)
          %slice3A_415 = vector.extract_strided_slice %get3A_85 {offsets = [9], sizes = [1], strides = [1]} : vector<16xi32> to vector<1xi32>
          %squeeze3A_416 = vector.extract %slice3A_415[0] : i32 from vector<1xi32>
          %dma_start3A_417 = arith.constant 0 : i32
          %dma_start3A_418 = tpu.memref_slice %arg13[%add3A_404, %dma_start3A_417] : memref<256x32xf32, #tpu.memory_space<vmem>> -> memref<1x32xf32, #tpu.memory_space<vmem>>
          %dma_start3A_419 = arith.constant 0 : i32
          %dma_start3A_420 = tpu.memref_slice %arg6[%squeeze3A_416, %dma_start3A_419] : memref<1000000x32xf32, #tpu.memory_space<hbm>> -> memref<1x32xf32, #tpu.memory_space<hbm>>
          %dma_start3A_421 = arith.constant 0 : i32
          %dma_start3A_422 = tpu.memref_slice %arg13[%add3A_404, %dma_start3A_421] : memref<256x32xf32, #tpu.memory_space<vmem>> -> memref<1x32xf32, #tpu.memory_space<vmem>>
          %dma_start3A_423 = arith.constant 0 : i32
          %dma_start3A_424 = tpu.memref_slice %arg6[%squeeze3A_416, %dma_start3A_423] : memref<1000000x32xf32, #tpu.memory_space<hbm>> -> memref<1x32xf32, #tpu.memory_space<hbm>>
          tpu.enqueue_dma source(%dma_start3A_424 : memref<1x32xf32, #tpu.memory_space<hbm>>) target(%dma_start3A_422 : memref<1x32xf32, #tpu.memory_space<vmem>>) target_semaphore(%arg18 : memref<!tpu.dma_semaphore, #tpu.memory_space<semaphore_mem>>)
          %slice3A_425 = vector.extract_strided_slice %get3A_87 {offsets = [9], sizes = [1], strides = [1]} : vector<16xi32> to vector<1xi32>
          %squeeze3A_426 = vector.extract %slice3A_425[0] : i32 from vector<1xi32>
          %dma_start3A_427 = arith.constant 0 : i32
          %dma_start3A_428 = tpu.memref_slice %arg14[%add3A_404, %dma_start3A_427] : memref<256x32xf32, #tpu.memory_space<vmem>> -> memref<1x32xf32, #tpu.memory_space<vmem>>
          %dma_start3A_429 = arith.constant 0 : i32
          %dma_start3A_430 = tpu.memref_slice %arg6[%squeeze3A_426, %dma_start3A_429] : memref<1000000x32xf32, #tpu.memory_space<hbm>> -> memref<1x32xf32, #tpu.memory_space<hbm>>
          %dma_start3A_431 = arith.constant 0 : i32
          %dma_start3A_432 = tpu.memref_slice %arg14[%add3A_404, %dma_start3A_431] : memref<256x32xf32, #tpu.memory_space<vmem>> -> memref<1x32xf32, #tpu.memory_space<vmem>>
          %dma_start3A_433 = arith.constant 0 : i32
          %dma_start3A_434 = tpu.memref_slice %arg6[%squeeze3A_426, %dma_start3A_433] : memref<1000000x32xf32, #tpu.memory_space<hbm>> -> memref<1x32xf32, #tpu.memory_space<hbm>>
          tpu.enqueue_dma source(%dma_start3A_434 : memref<1x32xf32, #tpu.memory_space<hbm>>) target(%dma_start3A_432 : memref<1x32xf32, #tpu.memory_space<vmem>>) target_semaphore(%arg19 : memref<!tpu.dma_semaphore, #tpu.memory_space<semaphore_mem>>)
          %mul3A_435 = arith.constant 16 : i32
          %mul3A_436 = arith.muli %scan3A_77, %mul3A_435 : i32
          %add3A_437 = arith.addi %mul3A_70, %mul3A_436 : i32
          %add3A_438 = arith.constant 10 : i32
          %add3A_439 = arith.addi %add3A_437, %add3A_438 : i32
          %slice3A_440 = vector.extract_strided_slice %get3A_83 {offsets = [10], sizes = [1], strides = [1]} : vector<16xi32> to vector<1xi32>
          %squeeze3A_441 = vector.extract %slice3A_440[0] : i32 from vector<1xi32>
          %dma_start3A_442 = arith.constant 0 : i32
          %dma_start3A_443 = tpu.memref_slice %arg12[%add3A_439, %dma_start3A_442] : memref<256x32xf32, #tpu.memory_space<vmem>> -> memref<1x32xf32, #tpu.memory_space<vmem>>
          %dma_start3A_444 = arith.constant 0 : i32
          %dma_start3A_445 = tpu.memref_slice %arg5[%squeeze3A_441, %dma_start3A_444] : memref<1000000x32xf32, #tpu.memory_space<hbm>> -> memref<1x32xf32, #tpu.memory_space<hbm>>
          %dma_start3A_446 = arith.constant 0 : i32
          %dma_start3A_447 = tpu.memref_slice %arg12[%add3A_439, %dma_start3A_446] : memref<256x32xf32, #tpu.memory_space<vmem>> -> memref<1x32xf32, #tpu.memory_space<vmem>>
          %dma_start3A_448 = arith.constant 0 : i32
          %dma_start3A_449 = tpu.memref_slice %arg5[%squeeze3A_441, %dma_start3A_448] : memref<1000000x32xf32, #tpu.memory_space<hbm>> -> memref<1x32xf32, #tpu.memory_space<hbm>>
          tpu.enqueue_dma source(%dma_start3A_449 : memref<1x32xf32, #tpu.memory_space<hbm>>) target(%dma_start3A_447 : memref<1x32xf32, #tpu.memory_space<vmem>>) target_semaphore(%arg17 : memref<!tpu.dma_semaphore, #tpu.memory_space<semaphore_mem>>)
          %slice3A_450 = vector.extract_strided_slice %get3A_85 {offsets = [10], sizes = [1], strides = [1]} : vector<16xi32> to vector<1xi32>
          %squeeze3A_451 = vector.extract %slice3A_450[0] : i32 from vector<1xi32>
          %dma_start3A_452 = arith.constant 0 : i32
          %dma_start3A_453 = tpu.memref_slice %arg13[%add3A_439, %dma_start3A_452] : memref<256x32xf32, #tpu.memory_space<vmem>> -> memref<1x32xf32, #tpu.memory_space<vmem>>
          %dma_start3A_454 = arith.constant 0 : i32
          %dma_start3A_455 = tpu.memref_slice %arg6[%squeeze3A_451, %dma_start3A_454] : memref<1000000x32xf32, #tpu.memory_space<hbm>> -> memref<1x32xf32, #tpu.memory_space<hbm>>
          %dma_start3A_456 = arith.constant 0 : i32
          %dma_start3A_457 = tpu.memref_slice %arg13[%add3A_439, %dma_start3A_456] : memref<256x32xf32, #tpu.memory_space<vmem>> -> memref<1x32xf32, #tpu.memory_space<vmem>>
          %dma_start3A_458 = arith.constant 0 : i32
          %dma_start3A_459 = tpu.memref_slice %arg6[%squeeze3A_451, %dma_start3A_458] : memref<1000000x32xf32, #tpu.memory_space<hbm>> -> memref<1x32xf32, #tpu.memory_space<hbm>>
          tpu.enqueue_dma source(%dma_start3A_459 : memref<1x32xf32, #tpu.memory_space<hbm>>) target(%dma_start3A_457 : memref<1x32xf32, #tpu.memory_space<vmem>>) target_semaphore(%arg18 : memref<!tpu.dma_semaphore, #tpu.memory_space<semaphore_mem>>)
          %slice3A_460 = vector.extract_strided_slice %get3A_87 {offsets = [10], sizes = [1], strides = [1]} : vector<16xi32> to vector<1xi32>
          %squeeze3A_461 = vector.extract %slice3A_460[0] : i32 from vector<1xi32>
          %dma_start3A_462 = arith.constant 0 : i32
          %dma_start3A_463 = tpu.memref_slice %arg14[%add3A_439, %dma_start3A_462] : memref<256x32xf32, #tpu.memory_space<vmem>> -> memref<1x32xf32, #tpu.memory_space<vmem>>
          %dma_start3A_464 = arith.constant 0 : i32
          %dma_start3A_465 = tpu.memref_slice %arg6[%squeeze3A_461, %dma_start3A_464] : memref<1000000x32xf32, #tpu.memory_space<hbm>> -> memref<1x32xf32, #tpu.memory_space<hbm>>
          %dma_start3A_466 = arith.constant 0 : i32
          %dma_start3A_467 = tpu.memref_slice %arg14[%add3A_439, %dma_start3A_466] : memref<256x32xf32, #tpu.memory_space<vmem>> -> memref<1x32xf32, #tpu.memory_space<vmem>>
          %dma_start3A_468 = arith.constant 0 : i32
          %dma_start3A_469 = tpu.memref_slice %arg6[%squeeze3A_461, %dma_start3A_468] : memref<1000000x32xf32, #tpu.memory_space<hbm>> -> memref<1x32xf32, #tpu.memory_space<hbm>>
          tpu.enqueue_dma source(%dma_start3A_469 : memref<1x32xf32, #tpu.memory_space<hbm>>) target(%dma_start3A_467 : memref<1x32xf32, #tpu.memory_space<vmem>>) target_semaphore(%arg19 : memref<!tpu.dma_semaphore, #tpu.memory_space<semaphore_mem>>)
          %mul3A_470 = arith.constant 16 : i32
          %mul3A_471 = arith.muli %scan3A_77, %mul3A_470 : i32
          %add3A_472 = arith.addi %mul3A_70, %mul3A_471 : i32
          %add3A_473 = arith.constant 11 : i32
          %add3A_474 = arith.addi %add3A_472, %add3A_473 : i32
          %slice3A_475 = vector.extract_strided_slice %get3A_83 {offsets = [11], sizes = [1], strides = [1]} : vector<16xi32> to vector<1xi32>
          %squeeze3A_476 = vector.extract %slice3A_475[0] : i32 from vector<1xi32>
          %dma_start3A_477 = arith.constant 0 : i32
          %dma_start3A_478 = tpu.memref_slice %arg12[%add3A_474, %dma_start3A_477] : memref<256x32xf32, #tpu.memory_space<vmem>> -> memref<1x32xf32, #tpu.memory_space<vmem>>
          %dma_start3A_479 = arith.constant 0 : i32
          %dma_start3A_480 = tpu.memref_slice %arg5[%squeeze3A_476, %dma_start3A_479] : memref<1000000x32xf32, #tpu.memory_space<hbm>> -> memref<1x32xf32, #tpu.memory_space<hbm>>
          %dma_start3A_481 = arith.constant 0 : i32
          %dma_start3A_482 = tpu.memref_slice %arg12[%add3A_474, %dma_start3A_481] : memref<256x32xf32, #tpu.memory_space<vmem>> -> memref<1x32xf32, #tpu.memory_space<vmem>>
          %dma_start3A_483 = arith.constant 0 : i32
          %dma_start3A_484 = tpu.memref_slice %arg5[%squeeze3A_476, %dma_start3A_483] : memref<1000000x32xf32, #tpu.memory_space<hbm>> -> memref<1x32xf32, #tpu.memory_space<hbm>>
          tpu.enqueue_dma source(%dma_start3A_484 : memref<1x32xf32, #tpu.memory_space<hbm>>) target(%dma_start3A_482 : memref<1x32xf32, #tpu.memory_space<vmem>>) target_semaphore(%arg17 : memref<!tpu.dma_semaphore, #tpu.memory_space<semaphore_mem>>)
          %slice3A_485 = vector.extract_strided_slice %get3A_85 {offsets = [11], sizes = [1], strides = [1]} : vector<16xi32> to vector<1xi32>
          %squeeze3A_486 = vector.extract %slice3A_485[0] : i32 from vector<1xi32>
          %dma_start3A_487 = arith.constant 0 : i32
          %dma_start3A_488 = tpu.memref_slice %arg13[%add3A_474, %dma_start3A_487] : memref<256x32xf32, #tpu.memory_space<vmem>> -> memref<1x32xf32, #tpu.memory_space<vmem>>
          %dma_start3A_489 = arith.constant 0 : i32
          %dma_start3A_490 = tpu.memref_slice %arg6[%squeeze3A_486, %dma_start3A_489] : memref<1000000x32xf32, #tpu.memory_space<hbm>> -> memref<1x32xf32, #tpu.memory_space<hbm>>
          %dma_start3A_491 = arith.constant 0 : i32
          %dma_start3A_492 = tpu.memref_slice %arg13[%add3A_474, %dma_start3A_491] : memref<256x32xf32, #tpu.memory_space<vmem>> -> memref<1x32xf32, #tpu.memory_space<vmem>>
          %dma_start3A_493 = arith.constant 0 : i32
          %dma_start3A_494 = tpu.memref_slice %arg6[%squeeze3A_486, %dma_start3A_493] : memref<1000000x32xf32, #tpu.memory_space<hbm>> -> memref<1x32xf32, #tpu.memory_space<hbm>>
          tpu.enqueue_dma source(%dma_start3A_494 : memref<1x32xf32, #tpu.memory_space<hbm>>) target(%dma_start3A_492 : memref<1x32xf32, #tpu.memory_space<vmem>>) target_semaphore(%arg18 : memref<!tpu.dma_semaphore, #tpu.memory_space<semaphore_mem>>)
          %slice3A_495 = vector.extract_strided_slice %get3A_87 {offsets = [11], sizes = [1], strides = [1]} : vector<16xi32> to vector<1xi32>
          %squeeze3A_496 = vector.extract %slice3A_495[0] : i32 from vector<1xi32>
          %dma_start3A_497 = arith.constant 0 : i32
          %dma_start3A_498 = tpu.memref_slice %arg14[%add3A_474, %dma_start3A_497] : memref<256x32xf32, #tpu.memory_space<vmem>> -> memref<1x32xf32, #tpu.memory_space<vmem>>
          %dma_start3A_499 = arith.constant 0 : i32
          %dma_start3A_500 = tpu.memref_slice %arg6[%squeeze3A_496, %dma_start3A_499] : memref<1000000x32xf32, #tpu.memory_space<hbm>> -> memref<1x32xf32, #tpu.memory_space<hbm>>
          %dma_start3A_501 = arith.constant 0 : i32
          %dma_start3A_502 = tpu.memref_slice %arg14[%add3A_474, %dma_start3A_501] : memref<256x32xf32, #tpu.memory_space<vmem>> -> memref<1x32xf32, #tpu.memory_space<vmem>>
          %dma_start3A_503 = arith.constant 0 : i32
          %dma_start3A_504 = tpu.memref_slice %arg6[%squeeze3A_496, %dma_start3A_503] : memref<1000000x32xf32, #tpu.memory_space<hbm>> -> memref<1x32xf32, #tpu.memory_space<hbm>>
          tpu.enqueue_dma source(%dma_start3A_504 : memref<1x32xf32, #tpu.memory_space<hbm>>) target(%dma_start3A_502 : memref<1x32xf32, #tpu.memory_space<vmem>>) target_semaphore(%arg19 : memref<!tpu.dma_semaphore, #tpu.memory_space<semaphore_mem>>)
          %mul3A_505 = arith.constant 16 : i32
          %mul3A_506 = arith.muli %scan3A_77, %mul3A_505 : i32
          %add3A_507 = arith.addi %mul3A_70, %mul3A_506 : i32
          %add3A_508 = arith.constant 12 : i32
          %add3A_509 = arith.addi %add3A_507, %add3A_508 : i32
          %slice3A_510 = vector.extract_strided_slice %get3A_83 {offsets = [12], sizes = [1], strides = [1]} : vector<16xi32> to vector<1xi32>
          %squeeze3A_511 = vector.extract %slice3A_510[0] : i32 from vector<1xi32>
          %dma_start3A_512 = arith.constant 0 : i32
          %dma_start3A_513 = tpu.memref_slice %arg12[%add3A_509, %dma_start3A_512] : memref<256x32xf32, #tpu.memory_space<vmem>> -> memref<1x32xf32, #tpu.memory_space<vmem>>
          %dma_start3A_514 = arith.constant 0 : i32
          %dma_start3A_515 = tpu.memref_slice %arg5[%squeeze3A_511, %dma_start3A_514] : memref<1000000x32xf32, #tpu.memory_space<hbm>> -> memref<1x32xf32, #tpu.memory_space<hbm>>
          %dma_start3A_516 = arith.constant 0 : i32
          %dma_start3A_517 = tpu.memref_slice %arg12[%add3A_509, %dma_start3A_516] : memref<256x32xf32, #tpu.memory_space<vmem>> -> memref<1x32xf32, #tpu.memory_space<vmem>>
          %dma_start3A_518 = arith.constant 0 : i32
          %dma_start3A_519 = tpu.memref_slice %arg5[%squeeze3A_511, %dma_start3A_518] : memref<1000000x32xf32, #tpu.memory_space<hbm>> -> memref<1x32xf32, #tpu.memory_space<hbm>>
          tpu.enqueue_dma source(%dma_start3A_519 : memref<1x32xf32, #tpu.memory_space<hbm>>) target(%dma_start3A_517 : memref<1x32xf32, #tpu.memory_space<vmem>>) target_semaphore(%arg17 : memref<!tpu.dma_semaphore, #tpu.memory_space<semaphore_mem>>)
          %slice3A_520 = vector.extract_strided_slice %get3A_85 {offsets = [12], sizes = [1], strides = [1]} : vector<16xi32> to vector<1xi32>
          %squeeze3A_521 = vector.extract %slice3A_520[0] : i32 from vector<1xi32>
          %dma_start3A_522 = arith.constant 0 : i32
          %dma_start3A_523 = tpu.memref_slice %arg13[%add3A_509, %dma_start3A_522] : memref<256x32xf32, #tpu.memory_space<vmem>> -> memref<1x32xf32, #tpu.memory_space<vmem>>
          %dma_start3A_524 = arith.constant 0 : i32
          %dma_start3A_525 = tpu.memref_slice %arg6[%squeeze3A_521, %dma_start3A_524] : memref<1000000x32xf32, #tpu.memory_space<hbm>> -> memref<1x32xf32, #tpu.memory_space<hbm>>
          %dma_start3A_526 = arith.constant 0 : i32
          %dma_start3A_527 = tpu.memref_slice %arg13[%add3A_509, %dma_start3A_526] : memref<256x32xf32, #tpu.memory_space<vmem>> -> memref<1x32xf32, #tpu.memory_space<vmem>>
          %dma_start3A_528 = arith.constant 0 : i32
          %dma_start3A_529 = tpu.memref_slice %arg6[%squeeze3A_521, %dma_start3A_528] : memref<1000000x32xf32, #tpu.memory_space<hbm>> -> memref<1x32xf32, #tpu.memory_space<hbm>>
          tpu.enqueue_dma source(%dma_start3A_529 : memref<1x32xf32, #tpu.memory_space<hbm>>) target(%dma_start3A_527 : memref<1x32xf32, #tpu.memory_space<vmem>>) target_semaphore(%arg18 : memref<!tpu.dma_semaphore, #tpu.memory_space<semaphore_mem>>)
          %slice3A_530 = vector.extract_strided_slice %get3A_87 {offsets = [12], sizes = [1], strides = [1]} : vector<16xi32> to vector<1xi32>
          %squeeze3A_531 = vector.extract %slice3A_530[0] : i32 from vector<1xi32>
          %dma_start3A_532 = arith.constant 0 : i32
          %dma_start3A_533 = tpu.memref_slice %arg14[%add3A_509, %dma_start3A_532] : memref<256x32xf32, #tpu.memory_space<vmem>> -> memref<1x32xf32, #tpu.memory_space<vmem>>
          %dma_start3A_534 = arith.constant 0 : i32
          %dma_start3A_535 = tpu.memref_slice %arg6[%squeeze3A_531, %dma_start3A_534] : memref<1000000x32xf32, #tpu.memory_space<hbm>> -> memref<1x32xf32, #tpu.memory_space<hbm>>
          %dma_start3A_536 = arith.constant 0 : i32
          %dma_start3A_537 = tpu.memref_slice %arg14[%add3A_509, %dma_start3A_536] : memref<256x32xf32, #tpu.memory_space<vmem>> -> memref<1x32xf32, #tpu.memory_space<vmem>>
          %dma_start3A_538 = arith.constant 0 : i32
          %dma_start3A_539 = tpu.memref_slice %arg6[%squeeze3A_531, %dma_start3A_538] : memref<1000000x32xf32, #tpu.memory_space<hbm>> -> memref<1x32xf32, #tpu.memory_space<hbm>>
          tpu.enqueue_dma source(%dma_start3A_539 : memref<1x32xf32, #tpu.memory_space<hbm>>) target(%dma_start3A_537 : memref<1x32xf32, #tpu.memory_space<vmem>>) target_semaphore(%arg19 : memref<!tpu.dma_semaphore, #tpu.memory_space<semaphore_mem>>)
          %mul3A_540 = arith.constant 16 : i32
          %mul3A_541 = arith.muli %scan3A_77, %mul3A_540 : i32
          %add3A_542 = arith.addi %mul3A_70, %mul3A_541 : i32
          %add3A_543 = arith.constant 13 : i32
          %add3A_544 = arith.addi %add3A_542, %add3A_543 : i32
          %slice3A_545 = vector.extract_strided_slice %get3A_83 {offsets = [13], sizes = [1], strides = [1]} : vector<16xi32> to vector<1xi32>
          %squeeze3A_546 = vector.extract %slice3A_545[0] : i32 from vector<1xi32>
          %dma_start3A_547 = arith.constant 0 : i32
          %dma_start3A_548 = tpu.memref_slice %arg12[%add3A_544, %dma_start3A_547] : memref<256x32xf32, #tpu.memory_space<vmem>> -> memref<1x32xf32, #tpu.memory_space<vmem>>
          %dma_start3A_549 = arith.constant 0 : i32
          %dma_start3A_550 = tpu.memref_slice %arg5[%squeeze3A_546, %dma_start3A_549] : memref<1000000x32xf32, #tpu.memory_space<hbm>> -> memref<1x32xf32, #tpu.memory_space<hbm>>
          %dma_start3A_551 = arith.constant 0 : i32
          %dma_start3A_552 = tpu.memref_slice %arg12[%add3A_544, %dma_start3A_551] : memref<256x32xf32, #tpu.memory_space<vmem>> -> memref<1x32xf32, #tpu.memory_space<vmem>>
          %dma_start3A_553 = arith.constant 0 : i32
          %dma_start3A_554 = tpu.memref_slice %arg5[%squeeze3A_546, %dma_start3A_553] : memref<1000000x32xf32, #tpu.memory_space<hbm>> -> memref<1x32xf32, #tpu.memory_space<hbm>>
          tpu.enqueue_dma source(%dma_start3A_554 : memref<1x32xf32, #tpu.memory_space<hbm>>) target(%dma_start3A_552 : memref<1x32xf32, #tpu.memory_space<vmem>>) target_semaphore(%arg17 : memref<!tpu.dma_semaphore, #tpu.memory_space<semaphore_mem>>)
          %slice3A_555 = vector.extract_strided_slice %get3A_85 {offsets = [13], sizes = [1], strides = [1]} : vector<16xi32> to vector<1xi32>
          %squeeze3A_556 = vector.extract %slice3A_555[0] : i32 from vector<1xi32>
          %dma_start3A_557 = arith.constant 0 : i32
          %dma_start3A_558 = tpu.memref_slice %arg13[%add3A_544, %dma_start3A_557] : memref<256x32xf32, #tpu.memory_space<vmem>> -> memref<1x32xf32, #tpu.memory_space<vmem>>
          %dma_start3A_559 = arith.constant 0 : i32
          %dma_start3A_560 = tpu.memref_slice %arg6[%squeeze3A_556, %dma_start3A_559] : memref<1000000x32xf32, #tpu.memory_space<hbm>> -> memref<1x32xf32, #tpu.memory_space<hbm>>
          %dma_start3A_561 = arith.constant 0 : i32
          %dma_start3A_562 = tpu.memref_slice %arg13[%add3A_544, %dma_start3A_561] : memref<256x32xf32, #tpu.memory_space<vmem>> -> memref<1x32xf32, #tpu.memory_space<vmem>>
          %dma_start3A_563 = arith.constant 0 : i32
          %dma_start3A_564 = tpu.memref_slice %arg6[%squeeze3A_556, %dma_start3A_563] : memref<1000000x32xf32, #tpu.memory_space<hbm>> -> memref<1x32xf32, #tpu.memory_space<hbm>>
          tpu.enqueue_dma source(%dma_start3A_564 : memref<1x32xf32, #tpu.memory_space<hbm>>) target(%dma_start3A_562 : memref<1x32xf32, #tpu.memory_space<vmem>>) target_semaphore(%arg18 : memref<!tpu.dma_semaphore, #tpu.memory_space<semaphore_mem>>)
          %slice3A_565 = vector.extract_strided_slice %get3A_87 {offsets = [13], sizes = [1], strides = [1]} : vector<16xi32> to vector<1xi32>
          %squeeze3A_566 = vector.extract %slice3A_565[0] : i32 from vector<1xi32>
          %dma_start3A_567 = arith.constant 0 : i32
          %dma_start3A_568 = tpu.memref_slice %arg14[%add3A_544, %dma_start3A_567] : memref<256x32xf32, #tpu.memory_space<vmem>> -> memref<1x32xf32, #tpu.memory_space<vmem>>
          %dma_start3A_569 = arith.constant 0 : i32
          %dma_start3A_570 = tpu.memref_slice %arg6[%squeeze3A_566, %dma_start3A_569] : memref<1000000x32xf32, #tpu.memory_space<hbm>> -> memref<1x32xf32, #tpu.memory_space<hbm>>
          %dma_start3A_571 = arith.constant 0 : i32
          %dma_start3A_572 = tpu.memref_slice %arg14[%add3A_544, %dma_start3A_571] : memref<256x32xf32, #tpu.memory_space<vmem>> -> memref<1x32xf32, #tpu.memory_space<vmem>>
          %dma_start3A_573 = arith.constant 0 : i32
          %dma_start3A_574 = tpu.memref_slice %arg6[%squeeze3A_566, %dma_start3A_573] : memref<1000000x32xf32, #tpu.memory_space<hbm>> -> memref<1x32xf32, #tpu.memory_space<hbm>>
          tpu.enqueue_dma source(%dma_start3A_574 : memref<1x32xf32, #tpu.memory_space<hbm>>) target(%dma_start3A_572 : memref<1x32xf32, #tpu.memory_space<vmem>>) target_semaphore(%arg19 : memref<!tpu.dma_semaphore, #tpu.memory_space<semaphore_mem>>)
          %mul3A_575 = arith.constant 16 : i32
          %mul3A_576 = arith.muli %scan3A_77, %mul3A_575 : i32
          %add3A_577 = arith.addi %mul3A_70, %mul3A_576 : i32
          %add3A_578 = arith.constant 14 : i32
          %add3A_579 = arith.addi %add3A_577, %add3A_578 : i32
          %slice3A_580 = vector.extract_strided_slice %get3A_83 {offsets = [14], sizes = [1], strides = [1]} : vector<16xi32> to vector<1xi32>
          %squeeze3A_581 = vector.extract %slice3A_580[0] : i32 from vector<1xi32>
          %dma_start3A_582 = arith.constant 0 : i32
          %dma_start3A_583 = tpu.memref_slice %arg12[%add3A_579, %dma_start3A_582] : memref<256x32xf32, #tpu.memory_space<vmem>> -> memref<1x32xf32, #tpu.memory_space<vmem>>
          %dma_start3A_584 = arith.constant 0 : i32
          %dma_start3A_585 = tpu.memref_slice %arg5[%squeeze3A_581, %dma_start3A_584] : memref<1000000x32xf32, #tpu.memory_space<hbm>> -> memref<1x32xf32, #tpu.memory_space<hbm>>
          %dma_start3A_586 = arith.constant 0 : i32
          %dma_start3A_587 = tpu.memref_slice %arg12[%add3A_579, %dma_start3A_586] : memref<256x32xf32, #tpu.memory_space<vmem>> -> memref<1x32xf32, #tpu.memory_space<vmem>>
          %dma_start3A_588 = arith.constant 0 : i32
          %dma_start3A_589 = tpu.memref_slice %arg5[%squeeze3A_581, %dma_start3A_588] : memref<1000000x32xf32, #tpu.memory_space<hbm>> -> memref<1x32xf32, #tpu.memory_space<hbm>>
          tpu.enqueue_dma source(%dma_start3A_589 : memref<1x32xf32, #tpu.memory_space<hbm>>) target(%dma_start3A_587 : memref<1x32xf32, #tpu.memory_space<vmem>>) target_semaphore(%arg17 : memref<!tpu.dma_semaphore, #tpu.memory_space<semaphore_mem>>)
          %slice3A_590 = vector.extract_strided_slice %get3A_85 {offsets = [14], sizes = [1], strides = [1]} : vector<16xi32> to vector<1xi32>
          %squeeze3A_591 = vector.extract %slice3A_590[0] : i32 from vector<1xi32>
          %dma_start3A_592 = arith.constant 0 : i32
          %dma_start3A_593 = tpu.memref_slice %arg13[%add3A_579, %dma_start3A_592] : memref<256x32xf32, #tpu.memory_space<vmem>> -> memref<1x32xf32, #tpu.memory_space<vmem>>
          %dma_start3A_594 = arith.constant 0 : i32
          %dma_start3A_595 = tpu.memref_slice %arg6[%squeeze3A_591, %dma_start3A_594] : memref<1000000x32xf32, #tpu.memory_space<hbm>> -> memref<1x32xf32, #tpu.memory_space<hbm>>
          %dma_start3A_596 = arith.constant 0 : i32
          %dma_start3A_597 = tpu.memref_slice %arg13[%add3A_579, %dma_start3A_596] : memref<256x32xf32, #tpu.memory_space<vmem>> -> memref<1x32xf32, #tpu.memory_space<vmem>>
          %dma_start3A_598 = arith.constant 0 : i32
          %dma_start3A_599 = tpu.memref_slice %arg6[%squeeze3A_591, %dma_start3A_598] : memref<1000000x32xf32, #tpu.memory_space<hbm>> -> memref<1x32xf32, #tpu.memory_space<hbm>>
          tpu.enqueue_dma source(%dma_start3A_599 : memref<1x32xf32, #tpu.memory_space<hbm>>) target(%dma_start3A_597 : memref<1x32xf32, #tpu.memory_space<vmem>>) target_semaphore(%arg18 : memref<!tpu.dma_semaphore, #tpu.memory_space<semaphore_mem>>)
          %slice3A_600 = vector.extract_strided_slice %get3A_87 {offsets = [14], sizes = [1], strides = [1]} : vector<16xi32> to vector<1xi32>
          %squeeze3A_601 = vector.extract %slice3A_600[0] : i32 from vector<1xi32>
          %dma_start3A_602 = arith.constant 0 : i32
          %dma_start3A_603 = tpu.memref_slice %arg14[%add3A_579, %dma_start3A_602] : memref<256x32xf32, #tpu.memory_space<vmem>> -> memref<1x32xf32, #tpu.memory_space<vmem>>
          %dma_start3A_604 = arith.constant 0 : i32
          %dma_start3A_605 = tpu.memref_slice %arg6[%squeeze3A_601, %dma_start3A_604] : memref<1000000x32xf32, #tpu.memory_space<hbm>> -> memref<1x32xf32, #tpu.memory_space<hbm>>
          %dma_start3A_606 = arith.constant 0 : i32
          %dma_start3A_607 = tpu.memref_slice %arg14[%add3A_579, %dma_start3A_606] : memref<256x32xf32, #tpu.memory_space<vmem>> -> memref<1x32xf32, #tpu.memory_space<vmem>>
          %dma_start3A_608 = arith.constant 0 : i32
          %dma_start3A_609 = tpu.memref_slice %arg6[%squeeze3A_601, %dma_start3A_608] : memref<1000000x32xf32, #tpu.memory_space<hbm>> -> memref<1x32xf32, #tpu.memory_space<hbm>>
          tpu.enqueue_dma source(%dma_start3A_609 : memref<1x32xf32, #tpu.memory_space<hbm>>) target(%dma_start3A_607 : memref<1x32xf32, #tpu.memory_space<vmem>>) target_semaphore(%arg19 : memref<!tpu.dma_semaphore, #tpu.memory_space<semaphore_mem>>)
          %mul3A_610 = arith.constant 16 : i32
          %mul3A_611 = arith.muli %scan3A_77, %mul3A_610 : i32
          %add3A_612 = arith.addi %mul3A_70, %mul3A_611 : i32
          %add3A_613 = arith.constant 15 : i32
          %add3A_614 = arith.addi %add3A_612, %add3A_613 : i32
          %slice3A_615 = vector.extract_strided_slice %get3A_83 {offsets = [15], sizes = [1], strides = [1]} : vector<16xi32> to vector<1xi32>
          %squeeze3A_616 = vector.extract %slice3A_615[0] : i32 from vector<1xi32>
          %dma_start3A_617 = arith.constant 0 : i32
          %dma_start3A_618 = tpu.memref_slice %arg12[%add3A_614, %dma_start3A_617] : memref<256x32xf32, #tpu.memory_space<vmem>> -> memref<1x32xf32, #tpu.memory_space<vmem>>
          %dma_start3A_619 = arith.constant 0 : i32
          %dma_start3A_620 = tpu.memref_slice %arg5[%squeeze3A_616, %dma_start3A_619] : memref<1000000x32xf32, #tpu.memory_space<hbm>> -> memref<1x32xf32, #tpu.memory_space<hbm>>
          %dma_start3A_621 = arith.constant 0 : i32
          %dma_start3A_622 = tpu.memref_slice %arg12[%add3A_614, %dma_start3A_621] : memref<256x32xf32, #tpu.memory_space<vmem>> -> memref<1x32xf32, #tpu.memory_space<vmem>>
          %dma_start3A_623 = arith.constant 0 : i32
          %dma_start3A_624 = tpu.memref_slice %arg5[%squeeze3A_616, %dma_start3A_623] : memref<1000000x32xf32, #tpu.memory_space<hbm>> -> memref<1x32xf32, #tpu.memory_space<hbm>>
          tpu.enqueue_dma source(%dma_start3A_624 : memref<1x32xf32, #tpu.memory_space<hbm>>) target(%dma_start3A_622 : memref<1x32xf32, #tpu.memory_space<vmem>>) target_semaphore(%arg17 : memref<!tpu.dma_semaphore, #tpu.memory_space<semaphore_mem>>)
          %slice3A_625 = vector.extract_strided_slice %get3A_85 {offsets = [15], sizes = [1], strides = [1]} : vector<16xi32> to vector<1xi32>
          %squeeze3A_626 = vector.extract %slice3A_625[0] : i32 from vector<1xi32>
          %dma_start3A_627 = arith.constant 0 : i32
          %dma_start3A_628 = tpu.memref_slice %arg13[%add3A_614, %dma_start3A_627] : memref<256x32xf32, #tpu.memory_space<vmem>> -> memref<1x32xf32, #tpu.memory_space<vmem>>
          %dma_start3A_629 = arith.constant 0 : i32
          %dma_start3A_630 = tpu.memref_slice %arg6[%squeeze3A_626, %dma_start3A_629] : memref<1000000x32xf32, #tpu.memory_space<hbm>> -> memref<1x32xf32, #tpu.memory_space<hbm>>
          %dma_start3A_631 = arith.constant 0 : i32
          %dma_start3A_632 = tpu.memref_slice %arg13[%add3A_614, %dma_start3A_631] : memref<256x32xf32, #tpu.memory_space<vmem>> -> memref<1x32xf32, #tpu.memory_space<vmem>>
          %dma_start3A_633 = arith.constant 0 : i32
          %dma_start3A_634 = tpu.memref_slice %arg6[%squeeze3A_626, %dma_start3A_633] : memref<1000000x32xf32, #tpu.memory_space<hbm>> -> memref<1x32xf32, #tpu.memory_space<hbm>>
          tpu.enqueue_dma source(%dma_start3A_634 : memref<1x32xf32, #tpu.memory_space<hbm>>) target(%dma_start3A_632 : memref<1x32xf32, #tpu.memory_space<vmem>>) target_semaphore(%arg18 : memref<!tpu.dma_semaphore, #tpu.memory_space<semaphore_mem>>)
          %slice3A_635 = vector.extract_strided_slice %get3A_87 {offsets = [15], sizes = [1], strides = [1]} : vector<16xi32> to vector<1xi32>
          %squeeze3A_636 = vector.extract %slice3A_635[0] : i32 from vector<1xi32>
          %dma_start3A_637 = arith.constant 0 : i32
          %dma_start3A_638 = tpu.memref_slice %arg14[%add3A_614, %dma_start3A_637] : memref<256x32xf32, #tpu.memory_space<vmem>> -> memref<1x32xf32, #tpu.memory_space<vmem>>
          %dma_start3A_639 = arith.constant 0 : i32
          %dma_start3A_640 = tpu.memref_slice %arg6[%squeeze3A_636, %dma_start3A_639] : memref<1000000x32xf32, #tpu.memory_space<hbm>> -> memref<1x32xf32, #tpu.memory_space<hbm>>
          %dma_start3A_641 = arith.constant 0 : i32
          %dma_start3A_642 = tpu.memref_slice %arg14[%add3A_614, %dma_start3A_641] : memref<256x32xf32, #tpu.memory_space<vmem>> -> memref<1x32xf32, #tpu.memory_space<vmem>>
          %dma_start3A_643 = arith.constant 0 : i32
          %dma_start3A_644 = tpu.memref_slice %arg6[%squeeze3A_636, %dma_start3A_643] : memref<1000000x32xf32, #tpu.memory_space<hbm>> -> memref<1x32xf32, #tpu.memory_space<hbm>>
          tpu.enqueue_dma source(%dma_start3A_644 : memref<1x32xf32, #tpu.memory_space<hbm>>) target(%dma_start3A_642 : memref<1x32xf32, #tpu.memory_space<vmem>>) target_semaphore(%arg19 : memref<!tpu.dma_semaphore, #tpu.memory_space<semaphore_mem>>)
        }
        %scan3A_76 = arith.constant 8 : i32
      } else {
      }
      %rem3A_55 = arith.constant 2 : i32
      %rem3A_56 = arith.remsi %scan3A_19, %rem3A_55 : i32
      %mul3A_57 = arith.constant 128 : i32
      %mul3A_58 = arith.muli %rem3A_56, %mul3A_57 : i32
      %scan3A_59 = arith.constant 0 : i32
      %scan3A_60 = arith.constant 0 : i32
      %scan3A_61 = arith.constant 8 : i32
      %scan3A_62 = arith.addi %scan3A_60, %scan3A_61 : i32
      %scan3A_63 = arith.constant 1 : i32
      scf.for %scan3A_65 = %scan3A_60 to %scan3A_62 step %scan3A_63  : i32 {
        %mul3A_66 = arith.constant 128 : i32
        %mul3A_67 = arith.muli %scan3A_19, %mul3A_66 : i32
        %mul3A_68 = arith.constant 16 : i32
        %mul3A_69 = arith.muli %scan3A_65, %mul3A_68 : i32
        %add3A_70 = arith.addi %mul3A_67, %mul3A_69 : i32
        %broadcast_in_dim3A = arith.constant 0.000000e+00 : f32
        %broadcast_in_dim3A_71 = vector.broadcast %broadcast_in_dim3A : f32 to vector<16xf32>
        %broadcast_in_dim3A_72 = arith.constant 0.000000e+00 : f32
        %broadcast_in_dim3A_73 = vector.broadcast %broadcast_in_dim3A_72 : f32 to vector<16xf32>
        %mul3A_74 = arith.constant 16 : i32
        %mul3A_75 = arith.muli %scan3A_65, %mul3A_74 : i32
        %add3A_76 = arith.addi %mul3A_58, %mul3A_75 : i32
        %add3A_77 = arith.constant 0 : i32
        %add3A_78 = arith.addi %add3A_76, %add3A_77 : i32
        %get3A = arith.index_cast %add3A_78 : i32 to index
        %get3A_79 = arith.constant 0 : index
        %get3A_80 = tpu.vector_load %arg12[%get3A, %get3A_79] {strides = array<i32>} : memref<256x32xf32, #tpu.memory_space<vmem>>, vector<16xf32>,
        %get3A_81 = arith.index_cast %add3A_78 : i32 to index
        %get3A_82 = arith.constant 16 : index
        %get3A_83 = tpu.vector_load %arg12[%get3A_81, %get3A_82] {strides = array<i32>} : memref<256x32xf32, #tpu.memory_space<vmem>>, vector<16xf32>,
        %get3A_84 = arith.index_cast %add3A_78 : i32 to index
        %get3A_85 = arith.constant 0 : index
        %get3A_86 = tpu.vector_load %arg13[%get3A_84, %get3A_85] {strides = array<i32>} : memref<256x32xf32, #tpu.memory_space<vmem>>, vector<16xf32>,
        %get3A_87 = arith.index_cast %add3A_78 : i32 to index
        %get3A_88 = arith.constant 16 : index
        %get3A_89 = tpu.vector_load %arg13[%get3A_87, %get3A_88] {strides = array<i32>} : memref<256x32xf32, #tpu.memory_space<vmem>>, vector<16xf32>,
        %get3A_90 = arith.index_cast %add3A_78 : i32 to index
        %get3A_91 = arith.constant 0 : index
        %get3A_92 = tpu.vector_load %arg14[%get3A_90, %get3A_91] {strides = array<i32>} : memref<256x32xf32, #tpu.memory_space<vmem>>, vector<16xf32>,
        %get3A_93 = arith.index_cast %add3A_78 : i32 to index
        %get3A_94 = arith.constant 16 : index
        %get3A_95 = tpu.vector_load %arg14[%get3A_93, %get3A_94] {strides = array<i32>} : memref<256x32xf32, #tpu.memory_space<vmem>>, vector<16xf32>,
        %mul3A_96 = arith.mulf %get3A_80, %get3A_86 : vector<16xf32>
        %mul3A_97 = arith.mulf %get3A_83, %get3A_89 : vector<16xf32>
        %add3A_98 = arith.addf %mul3A_96, %mul3A_97 : vector<16xf32>
        %reduce_sum3A = arith.constant true
        %reduce_sum3A_99 = vector.broadcast %reduce_sum3A : i1 to vector<16xi1>
        %reduce_sum3A_100 = tpu.scan <sum>, %add3A_98 masked %reduce_sum3A_99 : vector<16xf32>, vector<16xi1> -> vector<16xf32>
        %reduce_sum3A_101 = vector.extract %reduce_sum3A_100[15] : f32 from vector<16xf32>
        %mul3A_102 = arith.mulf %get3A_80, %get3A_92 : vector<16xf32>
        %mul3A_103 = arith.mulf %get3A_83, %get3A_95 : vector<16xf32>
        %add3A_104 = arith.addf %mul3A_102, %mul3A_103 : vector<16xf32>
        %reduce_sum3A_105 = arith.constant true
        %reduce_sum3A_106 = vector.broadcast %reduce_sum3A_105 : i1 to vector<16xi1>
        %reduce_sum3A_107 = tpu.scan <sum>, %add3A_104 masked %reduce_sum3A_106 : vector<16xf32>, vector<16xi1> -> vector<16xf32>
        %reduce_sum3A_108 = vector.extract %reduce_sum3A_107[15] : f32 from vector<16xf32>
        %eq3A = arith.constant 0 : i32
        %eq3A_109 = vector.broadcast %eq3A : i32 to vector<16xi32>
        %eq3A_110 = arith.cmpi eq, %iota3A, %eq3A_109 : vector<16xi32>
        %broadcast_in_dim3A_111 = vector.broadcast %reduce_sum3A_101 : f32 to vector<16xf32>
        %select_n3A = arith.select %eq3A_110, %broadcast_in_dim3A_111, %broadcast_in_dim3A_71 : vector<16xi1>, vector<16xf32>
        %broadcast_in_dim3A_112 = vector.broadcast %reduce_sum3A_108 : f32 to vector<16xf32>
        %select_n3A_113 = arith.select %eq3A_110, %broadcast_in_dim3A_112, %broadcast_in_dim3A_73 : vector<16xi1>, vector<16xf32>
        %mul3A_114 = arith.constant 16 : i32
        %mul3A_115 = arith.muli %scan3A_65, %mul3A_114 : i32
        %add3A_116 = arith.addi %mul3A_58, %mul3A_115 : i32
        %add3A_117 = arith.constant 1 : i32
        %add3A_118 = arith.addi %add3A_116, %add3A_117 : i32
        %get3A_119 = arith.index_cast %add3A_118 : i32 to index
        %get3A_120 = arith.constant 0 : index
        %get3A_121 = tpu.vector_load %arg12[%get3A_119, %get3A_120] {strides = array<i32>} : memref<256x32xf32, #tpu.memory_space<vmem>>, vector<16xf32>,
        %get3A_122 = arith.index_cast %add3A_118 : i32 to index
        %get3A_123 = arith.constant 16 : index
        %get3A_124 = tpu.vector_load %arg12[%get3A_122, %get3A_123] {strides = array<i32>} : memref<256x32xf32, #tpu.memory_space<vmem>>, vector<16xf32>,
        %get3A_125 = arith.index_cast %add3A_118 : i32 to index
        %get3A_126 = arith.constant 0 : index
        %get3A_127 = tpu.vector_load %arg13[%get3A_125, %get3A_126] {strides = array<i32>} : memref<256x32xf32, #tpu.memory_space<vmem>>, vector<16xf32>,
        %get3A_128 = arith.index_cast %add3A_118 : i32 to index
        %get3A_129 = arith.constant 16 : index
        %get3A_130 = tpu.vector_load %arg13[%get3A_128, %get3A_129] {strides = array<i32>} : memref<256x32xf32, #tpu.memory_space<vmem>>, vector<16xf32>,
        %get3A_131 = arith.index_cast %add3A_118 : i32 to index
        %get3A_132 = arith.constant 0 : index
        %get3A_133 = tpu.vector_load %arg14[%get3A_131, %get3A_132] {strides = array<i32>} : memref<256x32xf32, #tpu.memory_space<vmem>>, vector<16xf32>,
        %get3A_134 = arith.index_cast %add3A_118 : i32 to index
        %get3A_135 = arith.constant 16 : index
        %get3A_136 = tpu.vector_load %arg14[%get3A_134, %get3A_135] {strides = array<i32>} : memref<256x32xf32, #tpu.memory_space<vmem>>, vector<16xf32>,
        %mul3A_137 = arith.mulf %get3A_121, %get3A_127 : vector<16xf32>
        %mul3A_138 = arith.mulf %get3A_124, %get3A_130 : vector<16xf32>
        %add3A_139 = arith.addf %mul3A_137, %mul3A_138 : vector<16xf32>
        %reduce_sum3A_140 = arith.constant true
        %reduce_sum3A_141 = vector.broadcast %reduce_sum3A_140 : i1 to vector<16xi1>
        %reduce_sum3A_142 = tpu.scan <sum>, %add3A_139 masked %reduce_sum3A_141 : vector<16xf32>, vector<16xi1> -> vector<16xf32>
        %reduce_sum3A_143 = vector.extract %reduce_sum3A_142[15] : f32 from vector<16xf32>
        %mul3A_144 = arith.mulf %get3A_121, %get3A_133 : vector<16xf32>
        %mul3A_145 = arith.mulf %get3A_124, %get3A_136 : vector<16xf32>
        %add3A_146 = arith.addf %mul3A_144, %mul3A_145 : vector<16xf32>
        %reduce_sum3A_147 = arith.constant true
        %reduce_sum3A_148 = vector.broadcast %reduce_sum3A_147 : i1 to vector<16xi1>
        %reduce_sum3A_149 = tpu.scan <sum>, %add3A_146 masked %reduce_sum3A_148 : vector<16xf32>, vector<16xi1> -> vector<16xf32>
        %reduce_sum3A_150 = vector.extract %reduce_sum3A_149[15] : f32 from vector<16xf32>
        %eq3A_151 = arith.constant 1 : i32
        %eq3A_152 = vector.broadcast %eq3A_151 : i32 to vector<16xi32>
        %eq3A_153 = arith.cmpi eq, %iota3A, %eq3A_152 : vector<16xi32>
        %broadcast_in_dim3A_154 = vector.broadcast %reduce_sum3A_143 : f32 to vector<16xf32>
        %select_n3A_155 = arith.select %eq3A_153, %broadcast_in_dim3A_154, %select_n3A : vector<16xi1>, vector<16xf32>
        %broadcast_in_dim3A_156 = vector.broadcast %reduce_sum3A_150 : f32 to vector<16xf32>
        %select_n3A_157 = arith.select %eq3A_153, %broadcast_in_dim3A_156, %select_n3A_113 : vector<16xi1>, vector<16xf32>
        %mul3A_158 = arith.constant 16 : i32
        %mul3A_159 = arith.muli %scan3A_65, %mul3A_158 : i32
        %add3A_160 = arith.addi %mul3A_58, %mul3A_159 : i32
        %add3A_161 = arith.constant 2 : i32
        %add3A_162 = arith.addi %add3A_160, %add3A_161 : i32
        %get3A_163 = arith.index_cast %add3A_162 : i32 to index
        %get3A_164 = arith.constant 0 : index
        %get3A_165 = tpu.vector_load %arg12[%get3A_163, %get3A_164] {strides = array<i32>} : memref<256x32xf32, #tpu.memory_space<vmem>>, vector<16xf32>,
        %get3A_166 = arith.index_cast %add3A_162 : i32 to index
        %get3A_167 = arith.constant 16 : index
        %get3A_168 = tpu.vector_load %arg12[%get3A_166, %get3A_167] {strides = array<i32>} : memref<256x32xf32, #tpu.memory_space<vmem>>, vector<16xf32>,
        %get3A_169 = arith.index_cast %add3A_162 : i32 to index
        %get3A_170 = arith.constant 0 : index
        %get3A_171 = tpu.vector_load %arg13[%get3A_169, %get3A_170] {strides = array<i32>} : memref<256x32xf32, #tpu.memory_space<vmem>>, vector<16xf32>,
        %get3A_172 = arith.index_cast %add3A_162 : i32 to index
        %get3A_173 = arith.constant 16 : index
        %get3A_174 = tpu.vector_load %arg13[%get3A_172, %get3A_173] {strides = array<i32>} : memref<256x32xf32, #tpu.memory_space<vmem>>, vector<16xf32>,
        %get3A_175 = arith.index_cast %add3A_162 : i32 to index
        %get3A_176 = arith.constant 0 : index
        %get3A_177 = tpu.vector_load %arg14[%get3A_175, %get3A_176] {strides = array<i32>} : memref<256x32xf32, #tpu.memory_space<vmem>>, vector<16xf32>,
        %get3A_178 = arith.index_cast %add3A_162 : i32 to index
        %get3A_179 = arith.constant 16 : index
        %get3A_180 = tpu.vector_load %arg14[%get3A_178, %get3A_179] {strides = array<i32>} : memref<256x32xf32, #tpu.memory_space<vmem>>, vector<16xf32>,
        %mul3A_181 = arith.mulf %get3A_165, %get3A_171 : vector<16xf32>
        %mul3A_182 = arith.mulf %get3A_168, %get3A_174 : vector<16xf32>
        %add3A_183 = arith.addf %mul3A_181, %mul3A_182 : vector<16xf32>
        %reduce_sum3A_184 = arith.constant true
        %reduce_sum3A_185 = vector.broadcast %reduce_sum3A_184 : i1 to vector<16xi1>
        %reduce_sum3A_186 = tpu.scan <sum>, %add3A_183 masked %reduce_sum3A_185 : vector<16xf32>, vector<16xi1> -> vector<16xf32>
        %reduce_sum3A_187 = vector.extract %reduce_sum3A_186[15] : f32 from vector<16xf32>
        %mul3A_188 = arith.mulf %get3A_165, %get3A_177 : vector<16xf32>
        %mul3A_189 = arith.mulf %get3A_168, %get3A_180 : vector<16xf32>
        %add3A_190 = arith.addf %mul3A_188, %mul3A_189 : vector<16xf32>
        %reduce_sum3A_191 = arith.constant true
        %reduce_sum3A_192 = vector.broadcast %reduce_sum3A_191 : i1 to vector<16xi1>
        %reduce_sum3A_193 = tpu.scan <sum>, %add3A_190 masked %reduce_sum3A_192 : vector<16xf32>, vector<16xi1> -> vector<16xf32>
        %reduce_sum3A_194 = vector.extract %reduce_sum3A_193[15] : f32 from vector<16xf32>
        %eq3A_195 = arith.constant 2 : i32
        %eq3A_196 = vector.broadcast %eq3A_195 : i32 to vector<16xi32>
        %eq3A_197 = arith.cmpi eq, %iota3A, %eq3A_196 : vector<16xi32>
        %broadcast_in_dim3A_198 = vector.broadcast %reduce_sum3A_187 : f32 to vector<16xf32>
        %select_n3A_199 = arith.select %eq3A_197, %broadcast_in_dim3A_198, %select_n3A_155 : vector<16xi1>, vector<16xf32>
        %broadcast_in_dim3A_200 = vector.broadcast %reduce_sum3A_194 : f32 to vector<16xf32>
        %select_n3A_201 = arith.select %eq3A_197, %broadcast_in_dim3A_200, %select_n3A_157 : vector<16xi1>, vector<16xf32>
        %mul3A_202 = arith.constant 16 : i32
        %mul3A_203 = arith.muli %scan3A_65, %mul3A_202 : i32
        %add3A_204 = arith.addi %mul3A_58, %mul3A_203 : i32
        %add3A_205 = arith.constant 3 : i32
        %add3A_206 = arith.addi %add3A_204, %add3A_205 : i32
        %get3A_207 = arith.index_cast %add3A_206 : i32 to index
        %get3A_208 = arith.constant 0 : index
        %get3A_209 = tpu.vector_load %arg12[%get3A_207, %get3A_208] {strides = array<i32>} : memref<256x32xf32, #tpu.memory_space<vmem>>, vector<16xf32>,
        %get3A_210 = arith.index_cast %add3A_206 : i32 to index
        %get3A_211 = arith.constant 16 : index
        %get3A_212 = tpu.vector_load %arg12[%get3A_210, %get3A_211] {strides = array<i32>} : memref<256x32xf32, #tpu.memory_space<vmem>>, vector<16xf32>,
        %get3A_213 = arith.index_cast %add3A_206 : i32 to index
        %get3A_214 = arith.constant 0 : index
        %get3A_215 = tpu.vector_load %arg13[%get3A_213, %get3A_214] {strides = array<i32>} : memref<256x32xf32, #tpu.memory_space<vmem>>, vector<16xf32>,
        %get3A_216 = arith.index_cast %add3A_206 : i32 to index
        %get3A_217 = arith.constant 16 : index
        %get3A_218 = tpu.vector_load %arg13[%get3A_216, %get3A_217] {strides = array<i32>} : memref<256x32xf32, #tpu.memory_space<vmem>>, vector<16xf32>,
        %get3A_219 = arith.index_cast %add3A_206 : i32 to index
        %get3A_220 = arith.constant 0 : index
        %get3A_221 = tpu.vector_load %arg14[%get3A_219, %get3A_220] {strides = array<i32>} : memref<256x32xf32, #tpu.memory_space<vmem>>, vector<16xf32>,
        %get3A_222 = arith.index_cast %add3A_206 : i32 to index
        %get3A_223 = arith.constant 16 : index
        %get3A_224 = tpu.vector_load %arg14[%get3A_222, %get3A_223] {strides = array<i32>} : memref<256x32xf32, #tpu.memory_space<vmem>>, vector<16xf32>,
        %mul3A_225 = arith.mulf %get3A_209, %get3A_215 : vector<16xf32>
        %mul3A_226 = arith.mulf %get3A_212, %get3A_218 : vector<16xf32>
        %add3A_227 = arith.addf %mul3A_225, %mul3A_226 : vector<16xf32>
        %reduce_sum3A_228 = arith.constant true
        %reduce_sum3A_229 = vector.broadcast %reduce_sum3A_228 : i1 to vector<16xi1>
        %reduce_sum3A_230 = tpu.scan <sum>, %add3A_227 masked %reduce_sum3A_229 : vector<16xf32>, vector<16xi1> -> vector<16xf32>
        %reduce_sum3A_231 = vector.extract %reduce_sum3A_230[15] : f32 from vector<16xf32>
        %mul3A_232 = arith.mulf %get3A_209, %get3A_221 : vector<16xf32>
        %mul3A_233 = arith.mulf %get3A_212, %get3A_224 : vector<16xf32>
        %add3A_234 = arith.addf %mul3A_232, %mul3A_233 : vector<16xf32>
        %reduce_sum3A_235 = arith.constant true
        %reduce_sum3A_236 = vector.broadcast %reduce_sum3A_235 : i1 to vector<16xi1>
        %reduce_sum3A_237 = tpu.scan <sum>, %add3A_234 masked %reduce_sum3A_236 : vector<16xf32>, vector<16xi1> -> vector<16xf32>
        %reduce_sum3A_238 = vector.extract %reduce_sum3A_237[15] : f32 from vector<16xf32>
        %eq3A_239 = arith.constant 3 : i32
        %eq3A_240 = vector.broadcast %eq3A_239 : i32 to vector<16xi32>
        %eq3A_241 = arith.cmpi eq, %iota3A, %eq3A_240 : vector<16xi32>
        %broadcast_in_dim3A_242 = vector.broadcast %reduce_sum3A_231 : f32 to vector<16xf32>
        %select_n3A_243 = arith.select %eq3A_241, %broadcast_in_dim3A_242, %select_n3A_199 : vector<16xi1>, vector<16xf32>
        %broadcast_in_dim3A_244 = vector.broadcast %reduce_sum3A_238 : f32 to vector<16xf32>
        %select_n3A_245 = arith.select %eq3A_241, %broadcast_in_dim3A_244, %select_n3A_201 : vector<16xi1>, vector<16xf32>
        %mul3A_246 = arith.constant 16 : i32
        %mul3A_247 = arith.muli %scan3A_65, %mul3A_246 : i32
        %add3A_248 = arith.addi %mul3A_58, %mul3A_247 : i32
        %add3A_249 = arith.constant 4 : i32
        %add3A_250 = arith.addi %add3A_248, %add3A_249 : i32
        %get3A_251 = arith.index_cast %add3A_250 : i32 to index
        %get3A_252 = arith.constant 0 : index
        %get3A_253 = tpu.vector_load %arg12[%get3A_251, %get3A_252] {strides = array<i32>} : memref<256x32xf32, #tpu.memory_space<vmem>>, vector<16xf32>,
        %get3A_254 = arith.index_cast %add3A_250 : i32 to index
        %get3A_255 = arith.constant 16 : index
        %get3A_256 = tpu.vector_load %arg12[%get3A_254, %get3A_255] {strides = array<i32>} : memref<256x32xf32, #tpu.memory_space<vmem>>, vector<16xf32>,
        %get3A_257 = arith.index_cast %add3A_250 : i32 to index
        %get3A_258 = arith.constant 0 : index
        %get3A_259 = tpu.vector_load %arg13[%get3A_257, %get3A_258] {strides = array<i32>} : memref<256x32xf32, #tpu.memory_space<vmem>>, vector<16xf32>,
        %get3A_260 = arith.index_cast %add3A_250 : i32 to index
        %get3A_261 = arith.constant 16 : index
        %get3A_262 = tpu.vector_load %arg13[%get3A_260, %get3A_261] {strides = array<i32>} : memref<256x32xf32, #tpu.memory_space<vmem>>, vector<16xf32>,
        %get3A_263 = arith.index_cast %add3A_250 : i32 to index
        %get3A_264 = arith.constant 0 : index
        %get3A_265 = tpu.vector_load %arg14[%get3A_263, %get3A_264] {strides = array<i32>} : memref<256x32xf32, #tpu.memory_space<vmem>>, vector<16xf32>,
        %get3A_266 = arith.index_cast %add3A_250 : i32 to index
        %get3A_267 = arith.constant 16 : index
        %get3A_268 = tpu.vector_load %arg14[%get3A_266, %get3A_267] {strides = array<i32>} : memref<256x32xf32, #tpu.memory_space<vmem>>, vector<16xf32>,
        %mul3A_269 = arith.mulf %get3A_253, %get3A_259 : vector<16xf32>
        %mul3A_270 = arith.mulf %get3A_256, %get3A_262 : vector<16xf32>
        %add3A_271 = arith.addf %mul3A_269, %mul3A_270 : vector<16xf32>
        %reduce_sum3A_272 = arith.constant true
        %reduce_sum3A_273 = vector.broadcast %reduce_sum3A_272 : i1 to vector<16xi1>
        %reduce_sum3A_274 = tpu.scan <sum>, %add3A_271 masked %reduce_sum3A_273 : vector<16xf32>, vector<16xi1> -> vector<16xf32>
        %reduce_sum3A_275 = vector.extract %reduce_sum3A_274[15] : f32 from vector<16xf32>
        %mul3A_276 = arith.mulf %get3A_253, %get3A_265 : vector<16xf32>
        %mul3A_277 = arith.mulf %get3A_256, %get3A_268 : vector<16xf32>
        %add3A_278 = arith.addf %mul3A_276, %mul3A_277 : vector<16xf32>
        %reduce_sum3A_279 = arith.constant true
        %reduce_sum3A_280 = vector.broadcast %reduce_sum3A_279 : i1 to vector<16xi1>
        %reduce_sum3A_281 = tpu.scan <sum>, %add3A_278 masked %reduce_sum3A_280 : vector<16xf32>, vector<16xi1> -> vector<16xf32>
        %reduce_sum3A_282 = vector.extract %reduce_sum3A_281[15] : f32 from vector<16xf32>
        %eq3A_283 = arith.constant 4 : i32
        %eq3A_284 = vector.broadcast %eq3A_283 : i32 to vector<16xi32>
        %eq3A_285 = arith.cmpi eq, %iota3A, %eq3A_284 : vector<16xi32>
        %broadcast_in_dim3A_286 = vector.broadcast %reduce_sum3A_275 : f32 to vector<16xf32>
        %select_n3A_287 = arith.select %eq3A_285, %broadcast_in_dim3A_286, %select_n3A_243 : vector<16xi1>, vector<16xf32>
        %broadcast_in_dim3A_288 = vector.broadcast %reduce_sum3A_282 : f32 to vector<16xf32>
        %select_n3A_289 = arith.select %eq3A_285, %broadcast_in_dim3A_288, %select_n3A_245 : vector<16xi1>, vector<16xf32>
        %mul3A_290 = arith.constant 16 : i32
        %mul3A_291 = arith.muli %scan3A_65, %mul3A_290 : i32
        %add3A_292 = arith.addi %mul3A_58, %mul3A_291 : i32
        %add3A_293 = arith.constant 5 : i32
        %add3A_294 = arith.addi %add3A_292, %add3A_293 : i32
        %get3A_295 = arith.index_cast %add3A_294 : i32 to index
        %get3A_296 = arith.constant 0 : index
        %get3A_297 = tpu.vector_load %arg12[%get3A_295, %get3A_296] {strides = array<i32>} : memref<256x32xf32, #tpu.memory_space<vmem>>, vector<16xf32>,
        %get3A_298 = arith.index_cast %add3A_294 : i32 to index
        %get3A_299 = arith.constant 16 : index
        %get3A_300 = tpu.vector_load %arg12[%get3A_298, %get3A_299] {strides = array<i32>} : memref<256x32xf32, #tpu.memory_space<vmem>>, vector<16xf32>,
        %get3A_301 = arith.index_cast %add3A_294 : i32 to index
        %get3A_302 = arith.constant 0 : index
        %get3A_303 = tpu.vector_load %arg13[%get3A_301, %get3A_302] {strides = array<i32>} : memref<256x32xf32, #tpu.memory_space<vmem>>, vector<16xf32>,
        %get3A_304 = arith.index_cast %add3A_294 : i32 to index
        %get3A_305 = arith.constant 16 : index
        %get3A_306 = tpu.vector_load %arg13[%get3A_304, %get3A_305] {strides = array<i32>} : memref<256x32xf32, #tpu.memory_space<vmem>>, vector<16xf32>,
        %get3A_307 = arith.index_cast %add3A_294 : i32 to index
        %get3A_308 = arith.constant 0 : index
        %get3A_309 = tpu.vector_load %arg14[%get3A_307, %get3A_308] {strides = array<i32>} : memref<256x32xf32, #tpu.memory_space<vmem>>, vector<16xf32>,
        %get3A_310 = arith.index_cast %add3A_294 : i32 to index
        %get3A_311 = arith.constant 16 : index
        %get3A_312 = tpu.vector_load %arg14[%get3A_310, %get3A_311] {strides = array<i32>} : memref<256x32xf32, #tpu.memory_space<vmem>>, vector<16xf32>,
        %mul3A_313 = arith.mulf %get3A_297, %get3A_303 : vector<16xf32>
        %mul3A_314 = arith.mulf %get3A_300, %get3A_306 : vector<16xf32>
        %add3A_315 = arith.addf %mul3A_313, %mul3A_314 : vector<16xf32>
        %reduce_sum3A_316 = arith.constant true
        %reduce_sum3A_317 = vector.broadcast %reduce_sum3A_316 : i1 to vector<16xi1>
        %reduce_sum3A_318 = tpu.scan <sum>, %add3A_315 masked %reduce_sum3A_317 : vector<16xf32>, vector<16xi1> -> vector<16xf32>
        %reduce_sum3A_319 = vector.extract %reduce_sum3A_318[15] : f32 from vector<16xf32>
        %mul3A_320 = arith.mulf %get3A_297, %get3A_309 : vector<16xf32>
        %mul3A_321 = arith.mulf %get3A_300, %get3A_312 : vector<16xf32>
        %add3A_322 = arith.addf %mul3A_320, %mul3A_321 : vector<16xf32>
        %reduce_sum3A_323 = arith.constant true
        %reduce_sum3A_324 = vector.broadcast %reduce_sum3A_323 : i1 to vector<16xi1>
        %reduce_sum3A_325 = tpu.scan <sum>, %add3A_322 masked %reduce_sum3A_324 : vector<16xf32>, vector<16xi1> -> vector<16xf32>
        %reduce_sum3A_326 = vector.extract %reduce_sum3A_325[15] : f32 from vector<16xf32>
        %eq3A_327 = arith.constant 5 : i32
        %eq3A_328 = vector.broadcast %eq3A_327 : i32 to vector<16xi32>
        %eq3A_329 = arith.cmpi eq, %iota3A, %eq3A_328 : vector<16xi32>
        %broadcast_in_dim3A_330 = vector.broadcast %reduce_sum3A_319 : f32 to vector<16xf32>
        %select_n3A_331 = arith.select %eq3A_329, %broadcast_in_dim3A_330, %select_n3A_287 : vector<16xi1>, vector<16xf32>
        %broadcast_in_dim3A_332 = vector.broadcast %reduce_sum3A_326 : f32 to vector<16xf32>
        %select_n3A_333 = arith.select %eq3A_329, %broadcast_in_dim3A_332, %select_n3A_289 : vector<16xi1>, vector<16xf32>
        %mul3A_334 = arith.constant 16 : i32
        %mul3A_335 = arith.muli %scan3A_65, %mul3A_334 : i32
        %add3A_336 = arith.addi %mul3A_58, %mul3A_335 : i32
        %add3A_337 = arith.constant 6 : i32
        %add3A_338 = arith.addi %add3A_336, %add3A_337 : i32
        %get3A_339 = arith.index_cast %add3A_338 : i32 to index
        %get3A_340 = arith.constant 0 : index
        %get3A_341 = tpu.vector_load %arg12[%get3A_339, %get3A_340] {strides = array<i32>} : memref<256x32xf32, #tpu.memory_space<vmem>>, vector<16xf32>,
        %get3A_342 = arith.index_cast %add3A_338 : i32 to index
        %get3A_343 = arith.constant 16 : index
        %get3A_344 = tpu.vector_load %arg12[%get3A_342, %get3A_343] {strides = array<i32>} : memref<256x32xf32, #tpu.memory_space<vmem>>, vector<16xf32>,
        %get3A_345 = arith.index_cast %add3A_338 : i32 to index
        %get3A_346 = arith.constant 0 : index
        %get3A_347 = tpu.vector_load %arg13[%get3A_345, %get3A_346] {strides = array<i32>} : memref<256x32xf32, #tpu.memory_space<vmem>>, vector<16xf32>,
        %get3A_348 = arith.index_cast %add3A_338 : i32 to index
        %get3A_349 = arith.constant 16 : index
        %get3A_350 = tpu.vector_load %arg13[%get3A_348, %get3A_349] {strides = array<i32>} : memref<256x32xf32, #tpu.memory_space<vmem>>, vector<16xf32>,
        %get3A_351 = arith.index_cast %add3A_338 : i32 to index
        %get3A_352 = arith.constant 0 : index
        %get3A_353 = tpu.vector_load %arg14[%get3A_351, %get3A_352] {strides = array<i32>} : memref<256x32xf32, #tpu.memory_space<vmem>>, vector<16xf32>,
        %get3A_354 = arith.index_cast %add3A_338 : i32 to index
        %get3A_355 = arith.constant 16 : index
        %get3A_356 = tpu.vector_load %arg14[%get3A_354, %get3A_355] {strides = array<i32>} : memref<256x32xf32, #tpu.memory_space<vmem>>, vector<16xf32>,
        %mul3A_357 = arith.mulf %get3A_341, %get3A_347 : vector<16xf32>
        %mul3A_358 = arith.mulf %get3A_344, %get3A_350 : vector<16xf32>
        %add3A_359 = arith.addf %mul3A_357, %mul3A_358 : vector<16xf32>
        %reduce_sum3A_360 = arith.constant true
        %reduce_sum3A_361 = vector.broadcast %reduce_sum3A_360 : i1 to vector<16xi1>
        %reduce_sum3A_362 = tpu.scan <sum>, %add3A_359 masked %reduce_sum3A_361 : vector<16xf32>, vector<16xi1> -> vector<16xf32>
        %reduce_sum3A_363 = vector.extract %reduce_sum3A_362[15] : f32 from vector<16xf32>
        %mul3A_364 = arith.mulf %get3A_341, %get3A_353 : vector<16xf32>
        %mul3A_365 = arith.mulf %get3A_344, %get3A_356 : vector<16xf32>
        %add3A_366 = arith.addf %mul3A_364, %mul3A_365 : vector<16xf32>
        %reduce_sum3A_367 = arith.constant true
        %reduce_sum3A_368 = vector.broadcast %reduce_sum3A_367 : i1 to vector<16xi1>
        %reduce_sum3A_369 = tpu.scan <sum>, %add3A_366 masked %reduce_sum3A_368 : vector<16xf32>, vector<16xi1> -> vector<16xf32>
        %reduce_sum3A_370 = vector.extract %reduce_sum3A_369[15] : f32 from vector<16xf32>
        %eq3A_371 = arith.constant 6 : i32
        %eq3A_372 = vector.broadcast %eq3A_371 : i32 to vector<16xi32>
        %eq3A_373 = arith.cmpi eq, %iota3A, %eq3A_372 : vector<16xi32>
        %broadcast_in_dim3A_374 = vector.broadcast %reduce_sum3A_363 : f32 to vector<16xf32>
        %select_n3A_375 = arith.select %eq3A_373, %broadcast_in_dim3A_374, %select_n3A_331 : vector<16xi1>, vector<16xf32>
        %broadcast_in_dim3A_376 = vector.broadcast %reduce_sum3A_370 : f32 to vector<16xf32>
        %select_n3A_377 = arith.select %eq3A_373, %broadcast_in_dim3A_376, %select_n3A_333 : vector<16xi1>, vector<16xf32>
        %mul3A_378 = arith.constant 16 : i32
        %mul3A_379 = arith.muli %scan3A_65, %mul3A_378 : i32
        %add3A_380 = arith.addi %mul3A_58, %mul3A_379 : i32
        %add3A_381 = arith.constant 7 : i32
        %add3A_382 = arith.addi %add3A_380, %add3A_381 : i32
        %get3A_383 = arith.index_cast %add3A_382 : i32 to index
        %get3A_384 = arith.constant 0 : index
        %get3A_385 = tpu.vector_load %arg12[%get3A_383, %get3A_384] {strides = array<i32>} : memref<256x32xf32, #tpu.memory_space<vmem>>, vector<16xf32>,
        %get3A_386 = arith.index_cast %add3A_382 : i32 to index
        %get3A_387 = arith.constant 16 : index
        %get3A_388 = tpu.vector_load %arg12[%get3A_386, %get3A_387] {strides = array<i32>} : memref<256x32xf32, #tpu.memory_space<vmem>>, vector<16xf32>,
        %get3A_389 = arith.index_cast %add3A_382 : i32 to index
        %get3A_390 = arith.constant 0 : index
        %get3A_391 = tpu.vector_load %arg13[%get3A_389, %get3A_390] {strides = array<i32>} : memref<256x32xf32, #tpu.memory_space<vmem>>, vector<16xf32>,
        %get3A_392 = arith.index_cast %add3A_382 : i32 to index
        %get3A_393 = arith.constant 16 : index
        %get3A_394 = tpu.vector_load %arg13[%get3A_392, %get3A_393] {strides = array<i32>} : memref<256x32xf32, #tpu.memory_space<vmem>>, vector<16xf32>,
        %get3A_395 = arith.index_cast %add3A_382 : i32 to index
        %get3A_396 = arith.constant 0 : index
        %get3A_397 = tpu.vector_load %arg14[%get3A_395, %get3A_396] {strides = array<i32>} : memref<256x32xf32, #tpu.memory_space<vmem>>, vector<16xf32>,
        %get3A_398 = arith.index_cast %add3A_382 : i32 to index
        %get3A_399 = arith.constant 16 : index
        %get3A_400 = tpu.vector_load %arg14[%get3A_398, %get3A_399] {strides = array<i32>} : memref<256x32xf32, #tpu.memory_space<vmem>>, vector<16xf32>,
        %mul3A_401 = arith.mulf %get3A_385, %get3A_391 : vector<16xf32>
        %mul3A_402 = arith.mulf %get3A_388, %get3A_394 : vector<16xf32>
        %add3A_403 = arith.addf %mul3A_401, %mul3A_402 : vector<16xf32>
        %reduce_sum3A_404 = arith.constant true
        %reduce_sum3A_405 = vector.broadcast %reduce_sum3A_404 : i1 to vector<16xi1>
        %reduce_sum3A_406 = tpu.scan <sum>, %add3A_403 masked %reduce_sum3A_405 : vector<16xf32>, vector<16xi1> -> vector<16xf32>
        %reduce_sum3A_407 = vector.extract %reduce_sum3A_406[15] : f32 from vector<16xf32>
        %mul3A_408 = arith.mulf %get3A_385, %get3A_397 : vector<16xf32>
        %mul3A_409 = arith.mulf %get3A_388, %get3A_400 : vector<16xf32>
        %add3A_410 = arith.addf %mul3A_408, %mul3A_409 : vector<16xf32>
        %reduce_sum3A_411 = arith.constant true
        %reduce_sum3A_412 = vector.broadcast %reduce_sum3A_411 : i1 to vector<16xi1>
        %reduce_sum3A_413 = tpu.scan <sum>, %add3A_410 masked %reduce_sum3A_412 : vector<16xf32>, vector<16xi1> -> vector<16xf32>
        %reduce_sum3A_414 = vector.extract %reduce_sum3A_413[15] : f32 from vector<16xf32>
        %eq3A_415 = arith.constant 7 : i32
        %eq3A_416 = vector.broadcast %eq3A_415 : i32 to vector<16xi32>
        %eq3A_417 = arith.cmpi eq, %iota3A, %eq3A_416 : vector<16xi32>
        %broadcast_in_dim3A_418 = vector.broadcast %reduce_sum3A_407 : f32 to vector<16xf32>
        %select_n3A_419 = arith.select %eq3A_417, %broadcast_in_dim3A_418, %select_n3A_375 : vector<16xi1>, vector<16xf32>
        %broadcast_in_dim3A_420 = vector.broadcast %reduce_sum3A_414 : f32 to vector<16xf32>
        %select_n3A_421 = arith.select %eq3A_417, %broadcast_in_dim3A_420, %select_n3A_377 : vector<16xi1>, vector<16xf32>
        %mul3A_422 = arith.constant 16 : i32
        %mul3A_423 = arith.muli %scan3A_65, %mul3A_422 : i32
        %add3A_424 = arith.addi %mul3A_58, %mul3A_423 : i32
        %add3A_425 = arith.constant 8 : i32
        %add3A_426 = arith.addi %add3A_424, %add3A_425 : i32
        %get3A_427 = arith.index_cast %add3A_426 : i32 to index
        %get3A_428 = arith.constant 0 : index
        %get3A_429 = tpu.vector_load %arg12[%get3A_427, %get3A_428] {strides = array<i32>} : memref<256x32xf32, #tpu.memory_space<vmem>>, vector<16xf32>,
        %get3A_430 = arith.index_cast %add3A_426 : i32 to index
        %get3A_431 = arith.constant 16 : index
        %get3A_432 = tpu.vector_load %arg12[%get3A_430, %get3A_431] {strides = array<i32>} : memref<256x32xf32, #tpu.memory_space<vmem>>, vector<16xf32>,
        %get3A_433 = arith.index_cast %add3A_426 : i32 to index
        %get3A_434 = arith.constant 0 : index
        %get3A_435 = tpu.vector_load %arg13[%get3A_433, %get3A_434] {strides = array<i32>} : memref<256x32xf32, #tpu.memory_space<vmem>>, vector<16xf32>,
        %get3A_436 = arith.index_cast %add3A_426 : i32 to index
        %get3A_437 = arith.constant 16 : index
        %get3A_438 = tpu.vector_load %arg13[%get3A_436, %get3A_437] {strides = array<i32>} : memref<256x32xf32, #tpu.memory_space<vmem>>, vector<16xf32>,
        %get3A_439 = arith.index_cast %add3A_426 : i32 to index
        %get3A_440 = arith.constant 0 : index
        %get3A_441 = tpu.vector_load %arg14[%get3A_439, %get3A_440] {strides = array<i32>} : memref<256x32xf32, #tpu.memory_space<vmem>>, vector<16xf32>,
        %get3A_442 = arith.index_cast %add3A_426 : i32 to index
        %get3A_443 = arith.constant 16 : index
        %get3A_444 = tpu.vector_load %arg14[%get3A_442, %get3A_443] {strides = array<i32>} : memref<256x32xf32, #tpu.memory_space<vmem>>, vector<16xf32>,
        %mul3A_445 = arith.mulf %get3A_429, %get3A_435 : vector<16xf32>
        %mul3A_446 = arith.mulf %get3A_432, %get3A_438 : vector<16xf32>
        %add3A_447 = arith.addf %mul3A_445, %mul3A_446 : vector<16xf32>
        %reduce_sum3A_448 = arith.constant true
        %reduce_sum3A_449 = vector.broadcast %reduce_sum3A_448 : i1 to vector<16xi1>
        %reduce_sum3A_450 = tpu.scan <sum>, %add3A_447 masked %reduce_sum3A_449 : vector<16xf32>, vector<16xi1> -> vector<16xf32>
        %reduce_sum3A_451 = vector.extract %reduce_sum3A_450[15] : f32 from vector<16xf32>
        %mul3A_452 = arith.mulf %get3A_429, %get3A_441 : vector<16xf32>
        %mul3A_453 = arith.mulf %get3A_432, %get3A_444 : vector<16xf32>
        %add3A_454 = arith.addf %mul3A_452, %mul3A_453 : vector<16xf32>
        %reduce_sum3A_455 = arith.constant true
        %reduce_sum3A_456 = vector.broadcast %reduce_sum3A_455 : i1 to vector<16xi1>
        %reduce_sum3A_457 = tpu.scan <sum>, %add3A_454 masked %reduce_sum3A_456 : vector<16xf32>, vector<16xi1> -> vector<16xf32>
        %reduce_sum3A_458 = vector.extract %reduce_sum3A_457[15] : f32 from vector<16xf32>
        %eq3A_459 = arith.constant 8 : i32
        %eq3A_460 = vector.broadcast %eq3A_459 : i32 to vector<16xi32>
        %eq3A_461 = arith.cmpi eq, %iota3A, %eq3A_460 : vector<16xi32>
        %broadcast_in_dim3A_462 = vector.broadcast %reduce_sum3A_451 : f32 to vector<16xf32>
        %select_n3A_463 = arith.select %eq3A_461, %broadcast_in_dim3A_462, %select_n3A_419 : vector<16xi1>, vector<16xf32>
        %broadcast_in_dim3A_464 = vector.broadcast %reduce_sum3A_458 : f32 to vector<16xf32>
        %select_n3A_465 = arith.select %eq3A_461, %broadcast_in_dim3A_464, %select_n3A_421 : vector<16xi1>, vector<16xf32>
        %mul3A_466 = arith.constant 16 : i32
        %mul3A_467 = arith.muli %scan3A_65, %mul3A_466 : i32
        %add3A_468 = arith.addi %mul3A_58, %mul3A_467 : i32
        %add3A_469 = arith.constant 9 : i32
        %add3A_470 = arith.addi %add3A_468, %add3A_469 : i32
        %get3A_471 = arith.index_cast %add3A_470 : i32 to index
        %get3A_472 = arith.constant 0 : index
        %get3A_473 = tpu.vector_load %arg12[%get3A_471, %get3A_472] {strides = array<i32>} : memref<256x32xf32, #tpu.memory_space<vmem>>, vector<16xf32>,
        %get3A_474 = arith.index_cast %add3A_470 : i32 to index
        %get3A_475 = arith.constant 16 : index
        %get3A_476 = tpu.vector_load %arg12[%get3A_474, %get3A_475] {strides = array<i32>} : memref<256x32xf32, #tpu.memory_space<vmem>>, vector<16xf32>,
        %get3A_477 = arith.index_cast %add3A_470 : i32 to index
        %get3A_478 = arith.constant 0 : index
        %get3A_479 = tpu.vector_load %arg13[%get3A_477, %get3A_478] {strides = array<i32>} : memref<256x32xf32, #tpu.memory_space<vmem>>, vector<16xf32>,
        %get3A_480 = arith.index_cast %add3A_470 : i32 to index
        %get3A_481 = arith.constant 16 : index
        %get3A_482 = tpu.vector_load %arg13[%get3A_480, %get3A_481] {strides = array<i32>} : memref<256x32xf32, #tpu.memory_space<vmem>>, vector<16xf32>,
        %get3A_483 = arith.index_cast %add3A_470 : i32 to index
        %get3A_484 = arith.constant 0 : index
        %get3A_485 = tpu.vector_load %arg14[%get3A_483, %get3A_484] {strides = array<i32>} : memref<256x32xf32, #tpu.memory_space<vmem>>, vector<16xf32>,
        %get3A_486 = arith.index_cast %add3A_470 : i32 to index
        %get3A_487 = arith.constant 16 : index
        %get3A_488 = tpu.vector_load %arg14[%get3A_486, %get3A_487] {strides = array<i32>} : memref<256x32xf32, #tpu.memory_space<vmem>>, vector<16xf32>,
        %mul3A_489 = arith.mulf %get3A_473, %get3A_479 : vector<16xf32>
        %mul3A_490 = arith.mulf %get3A_476, %get3A_482 : vector<16xf32>
        %add3A_491 = arith.addf %mul3A_489, %mul3A_490 : vector<16xf32>
        %reduce_sum3A_492 = arith.constant true
        %reduce_sum3A_493 = vector.broadcast %reduce_sum3A_492 : i1 to vector<16xi1>
        %reduce_sum3A_494 = tpu.scan <sum>, %add3A_491 masked %reduce_sum3A_493 : vector<16xf32>, vector<16xi1> -> vector<16xf32>
        %reduce_sum3A_495 = vector.extract %reduce_sum3A_494[15] : f32 from vector<16xf32>
        %mul3A_496 = arith.mulf %get3A_473, %get3A_485 : vector<16xf32>
        %mul3A_497 = arith.mulf %get3A_476, %get3A_488 : vector<16xf32>
        %add3A_498 = arith.addf %mul3A_496, %mul3A_497 : vector<16xf32>
        %reduce_sum3A_499 = arith.constant true
        %reduce_sum3A_500 = vector.broadcast %reduce_sum3A_499 : i1 to vector<16xi1>
        %reduce_sum3A_501 = tpu.scan <sum>, %add3A_498 masked %reduce_sum3A_500 : vector<16xf32>, vector<16xi1> -> vector<16xf32>
        %reduce_sum3A_502 = vector.extract %reduce_sum3A_501[15] : f32 from vector<16xf32>
        %eq3A_503 = arith.constant 9 : i32
        %eq3A_504 = vector.broadcast %eq3A_503 : i32 to vector<16xi32>
        %eq3A_505 = arith.cmpi eq, %iota3A, %eq3A_504 : vector<16xi32>
        %broadcast_in_dim3A_506 = vector.broadcast %reduce_sum3A_495 : f32 to vector<16xf32>
        %select_n3A_507 = arith.select %eq3A_505, %broadcast_in_dim3A_506, %select_n3A_463 : vector<16xi1>, vector<16xf32>
        %broadcast_in_dim3A_508 = vector.broadcast %reduce_sum3A_502 : f32 to vector<16xf32>
        %select_n3A_509 = arith.select %eq3A_505, %broadcast_in_dim3A_508, %select_n3A_465 : vector<16xi1>, vector<16xf32>
        %mul3A_510 = arith.constant 16 : i32
        %mul3A_511 = arith.muli %scan3A_65, %mul3A_510 : i32
        %add3A_512 = arith.addi %mul3A_58, %mul3A_511 : i32
        %add3A_513 = arith.constant 10 : i32
        %add3A_514 = arith.addi %add3A_512, %add3A_513 : i32
        %get3A_515 = arith.index_cast %add3A_514 : i32 to index
        %get3A_516 = arith.constant 0 : index
        %get3A_517 = tpu.vector_load %arg12[%get3A_515, %get3A_516] {strides = array<i32>} : memref<256x32xf32, #tpu.memory_space<vmem>>, vector<16xf32>,
        %get3A_518 = arith.index_cast %add3A_514 : i32 to index
        %get3A_519 = arith.constant 16 : index
        %get3A_520 = tpu.vector_load %arg12[%get3A_518, %get3A_519] {strides = array<i32>} : memref<256x32xf32, #tpu.memory_space<vmem>>, vector<16xf32>,
        %get3A_521 = arith.index_cast %add3A_514 : i32 to index
        %get3A_522 = arith.constant 0 : index
        %get3A_523 = tpu.vector_load %arg13[%get3A_521, %get3A_522] {strides = array<i32>} : memref<256x32xf32, #tpu.memory_space<vmem>>, vector<16xf32>,
        %get3A_524 = arith.index_cast %add3A_514 : i32 to index
        %get3A_525 = arith.constant 16 : index
        %get3A_526 = tpu.vector_load %arg13[%get3A_524, %get3A_525] {strides = array<i32>} : memref<256x32xf32, #tpu.memory_space<vmem>>, vector<16xf32>,
        %get3A_527 = arith.index_cast %add3A_514 : i32 to index
        %get3A_528 = arith.constant 0 : index
        %get3A_529 = tpu.vector_load %arg14[%get3A_527, %get3A_528] {strides = array<i32>} : memref<256x32xf32, #tpu.memory_space<vmem>>, vector<16xf32>,
        %get3A_530 = arith.index_cast %add3A_514 : i32 to index
        %get3A_531 = arith.constant 16 : index
        %get3A_532 = tpu.vector_load %arg14[%get3A_530, %get3A_531] {strides = array<i32>} : memref<256x32xf32, #tpu.memory_space<vmem>>, vector<16xf32>,
        %mul3A_533 = arith.mulf %get3A_517, %get3A_523 : vector<16xf32>
        %mul3A_534 = arith.mulf %get3A_520, %get3A_526 : vector<16xf32>
        %add3A_535 = arith.addf %mul3A_533, %mul3A_534 : vector<16xf32>
        %reduce_sum3A_536 = arith.constant true
        %reduce_sum3A_537 = vector.broadcast %reduce_sum3A_536 : i1 to vector<16xi1>
        %reduce_sum3A_538 = tpu.scan <sum>, %add3A_535 masked %reduce_sum3A_537 : vector<16xf32>, vector<16xi1> -> vector<16xf32>
        %reduce_sum3A_539 = vector.extract %reduce_sum3A_538[15] : f32 from vector<16xf32>
        %mul3A_540 = arith.mulf %get3A_517, %get3A_529 : vector<16xf32>
        %mul3A_541 = arith.mulf %get3A_520, %get3A_532 : vector<16xf32>
        %add3A_542 = arith.addf %mul3A_540, %mul3A_541 : vector<16xf32>
        %reduce_sum3A_543 = arith.constant true
        %reduce_sum3A_544 = vector.broadcast %reduce_sum3A_543 : i1 to vector<16xi1>
        %reduce_sum3A_545 = tpu.scan <sum>, %add3A_542 masked %reduce_sum3A_544 : vector<16xf32>, vector<16xi1> -> vector<16xf32>
        %reduce_sum3A_546 = vector.extract %reduce_sum3A_545[15] : f32 from vector<16xf32>
        %eq3A_547 = arith.constant 10 : i32
        %eq3A_548 = vector.broadcast %eq3A_547 : i32 to vector<16xi32>
        %eq3A_549 = arith.cmpi eq, %iota3A, %eq3A_548 : vector<16xi32>
        %broadcast_in_dim3A_550 = vector.broadcast %reduce_sum3A_539 : f32 to vector<16xf32>
        %select_n3A_551 = arith.select %eq3A_549, %broadcast_in_dim3A_550, %select_n3A_507 : vector<16xi1>, vector<16xf32>
        %broadcast_in_dim3A_552 = vector.broadcast %reduce_sum3A_546 : f32 to vector<16xf32>
        %select_n3A_553 = arith.select %eq3A_549, %broadcast_in_dim3A_552, %select_n3A_509 : vector<16xi1>, vector<16xf32>
        %mul3A_554 = arith.constant 16 : i32
        %mul3A_555 = arith.muli %scan3A_65, %mul3A_554 : i32
        %add3A_556 = arith.addi %mul3A_58, %mul3A_555 : i32
        %add3A_557 = arith.constant 11 : i32
        %add3A_558 = arith.addi %add3A_556, %add3A_557 : i32
        %get3A_559 = arith.index_cast %add3A_558 : i32 to index
        %get3A_560 = arith.constant 0 : index
        %get3A_561 = tpu.vector_load %arg12[%get3A_559, %get3A_560] {strides = array<i32>} : memref<256x32xf32, #tpu.memory_space<vmem>>, vector<16xf32>,
        %get3A_562 = arith.index_cast %add3A_558 : i32 to index
        %get3A_563 = arith.constant 16 : index
        %get3A_564 = tpu.vector_load %arg12[%get3A_562, %get3A_563] {strides = array<i32>} : memref<256x32xf32, #tpu.memory_space<vmem>>, vector<16xf32>,
        %get3A_565 = arith.index_cast %add3A_558 : i32 to index
        %get3A_566 = arith.constant 0 : index
        %get3A_567 = tpu.vector_load %arg13[%get3A_565, %get3A_566] {strides = array<i32>} : memref<256x32xf32, #tpu.memory_space<vmem>>, vector<16xf32>,
        %get3A_568 = arith.index_cast %add3A_558 : i32 to index
        %get3A_569 = arith.constant 16 : index
        %get3A_570 = tpu.vector_load %arg13[%get3A_568, %get3A_569] {strides = array<i32>} : memref<256x32xf32, #tpu.memory_space<vmem>>, vector<16xf32>,
        %get3A_571 = arith.index_cast %add3A_558 : i32 to index
        %get3A_572 = arith.constant 0 : index
        %get3A_573 = tpu.vector_load %arg14[%get3A_571, %get3A_572] {strides = array<i32>} : memref<256x32xf32, #tpu.memory_space<vmem>>, vector<16xf32>,
        %get3A_574 = arith.index_cast %add3A_558 : i32 to index
        %get3A_575 = arith.constant 16 : index
        %get3A_576 = tpu.vector_load %arg14[%get3A_574, %get3A_575] {strides = array<i32>} : memref<256x32xf32, #tpu.memory_space<vmem>>, vector<16xf32>,
        %mul3A_577 = arith.mulf %get3A_561, %get3A_567 : vector<16xf32>
        %mul3A_578 = arith.mulf %get3A_564, %get3A_570 : vector<16xf32>
        %add3A_579 = arith.addf %mul3A_577, %mul3A_578 : vector<16xf32>
        %reduce_sum3A_580 = arith.constant true
        %reduce_sum3A_581 = vector.broadcast %reduce_sum3A_580 : i1 to vector<16xi1>
        %reduce_sum3A_582 = tpu.scan <sum>, %add3A_579 masked %reduce_sum3A_581 : vector<16xf32>, vector<16xi1> -> vector<16xf32>
        %reduce_sum3A_583 = vector.extract %reduce_sum3A_582[15] : f32 from vector<16xf32>
        %mul3A_584 = arith.mulf %get3A_561, %get3A_573 : vector<16xf32>
        %mul3A_585 = arith.mulf %get3A_564, %get3A_576 : vector<16xf32>
        %add3A_586 = arith.addf %mul3A_584, %mul3A_585 : vector<16xf32>
        %reduce_sum3A_587 = arith.constant true
        %reduce_sum3A_588 = vector.broadcast %reduce_sum3A_587 : i1 to vector<16xi1>
        %reduce_sum3A_589 = tpu.scan <sum>, %add3A_586 masked %reduce_sum3A_588 : vector<16xf32>, vector<16xi1> -> vector<16xf32>
        %reduce_sum3A_590 = vector.extract %reduce_sum3A_589[15] : f32 from vector<16xf32>
        %eq3A_591 = arith.constant 11 : i32
        %eq3A_592 = vector.broadcast %eq3A_591 : i32 to vector<16xi32>
        %eq3A_593 = arith.cmpi eq, %iota3A, %eq3A_592 : vector<16xi32>
        %broadcast_in_dim3A_594 = vector.broadcast %reduce_sum3A_583 : f32 to vector<16xf32>
        %select_n3A_595 = arith.select %eq3A_593, %broadcast_in_dim3A_594, %select_n3A_551 : vector<16xi1>, vector<16xf32>
        %broadcast_in_dim3A_596 = vector.broadcast %reduce_sum3A_590 : f32 to vector<16xf32>
        %select_n3A_597 = arith.select %eq3A_593, %broadcast_in_dim3A_596, %select_n3A_553 : vector<16xi1>, vector<16xf32>
        %mul3A_598 = arith.constant 16 : i32
        %mul3A_599 = arith.muli %scan3A_65, %mul3A_598 : i32
        %add3A_600 = arith.addi %mul3A_58, %mul3A_599 : i32
        %add3A_601 = arith.constant 12 : i32
        %add3A_602 = arith.addi %add3A_600, %add3A_601 : i32
        %get3A_603 = arith.index_cast %add3A_602 : i32 to index
        %get3A_604 = arith.constant 0 : index
        %get3A_605 = tpu.vector_load %arg12[%get3A_603, %get3A_604] {strides = array<i32>} : memref<256x32xf32, #tpu.memory_space<vmem>>, vector<16xf32>,
        %get3A_606 = arith.index_cast %add3A_602 : i32 to index
        %get3A_607 = arith.constant 16 : index
        %get3A_608 = tpu.vector_load %arg12[%get3A_606, %get3A_607] {strides = array<i32>} : memref<256x32xf32, #tpu.memory_space<vmem>>, vector<16xf32>,
        %get3A_609 = arith.index_cast %add3A_602 : i32 to index
        %get3A_610 = arith.constant 0 : index
        %get3A_611 = tpu.vector_load %arg13[%get3A_609, %get3A_610] {strides = array<i32>} : memref<256x32xf32, #tpu.memory_space<vmem>>, vector<16xf32>,
        %get3A_612 = arith.index_cast %add3A_602 : i32 to index
        %get3A_613 = arith.constant 16 : index
        %get3A_614 = tpu.vector_load %arg13[%get3A_612, %get3A_613] {strides = array<i32>} : memref<256x32xf32, #tpu.memory_space<vmem>>, vector<16xf32>,
        %get3A_615 = arith.index_cast %add3A_602 : i32 to index
        %get3A_616 = arith.constant 0 : index
        %get3A_617 = tpu.vector_load %arg14[%get3A_615, %get3A_616] {strides = array<i32>} : memref<256x32xf32, #tpu.memory_space<vmem>>, vector<16xf32>,
        %get3A_618 = arith.index_cast %add3A_602 : i32 to index
        %get3A_619 = arith.constant 16 : index
        %get3A_620 = tpu.vector_load %arg14[%get3A_618, %get3A_619] {strides = array<i32>} : memref<256x32xf32, #tpu.memory_space<vmem>>, vector<16xf32>,
        %mul3A_621 = arith.mulf %get3A_605, %get3A_611 : vector<16xf32>
        %mul3A_622 = arith.mulf %get3A_608, %get3A_614 : vector<16xf32>
        %add3A_623 = arith.addf %mul3A_621, %mul3A_622 : vector<16xf32>
        %reduce_sum3A_624 = arith.constant true
        %reduce_sum3A_625 = vector.broadcast %reduce_sum3A_624 : i1 to vector<16xi1>
        %reduce_sum3A_626 = tpu.scan <sum>, %add3A_623 masked %reduce_sum3A_625 : vector<16xf32>, vector<16xi1> -> vector<16xf32>
        %reduce_sum3A_627 = vector.extract %reduce_sum3A_626[15] : f32 from vector<16xf32>
        %mul3A_628 = arith.mulf %get3A_605, %get3A_617 : vector<16xf32>
        %mul3A_629 = arith.mulf %get3A_608, %get3A_620 : vector<16xf32>
        %add3A_630 = arith.addf %mul3A_628, %mul3A_629 : vector<16xf32>
        %reduce_sum3A_631 = arith.constant true
        %reduce_sum3A_632 = vector.broadcast %reduce_sum3A_631 : i1 to vector<16xi1>
        %reduce_sum3A_633 = tpu.scan <sum>, %add3A_630 masked %reduce_sum3A_632 : vector<16xf32>, vector<16xi1> -> vector<16xf32>
        %reduce_sum3A_634 = vector.extract %reduce_sum3A_633[15] : f32 from vector<16xf32>
        %eq3A_635 = arith.constant 12 : i32
        %eq3A_636 = vector.broadcast %eq3A_635 : i32 to vector<16xi32>
        %eq3A_637 = arith.cmpi eq, %iota3A, %eq3A_636 : vector<16xi32>
        %broadcast_in_dim3A_638 = vector.broadcast %reduce_sum3A_627 : f32 to vector<16xf32>
        %select_n3A_639 = arith.select %eq3A_637, %broadcast_in_dim3A_638, %select_n3A_595 : vector<16xi1>, vector<16xf32>
        %broadcast_in_dim3A_640 = vector.broadcast %reduce_sum3A_634 : f32 to vector<16xf32>
        %select_n3A_641 = arith.select %eq3A_637, %broadcast_in_dim3A_640, %select_n3A_597 : vector<16xi1>, vector<16xf32>
        %mul3A_642 = arith.constant 16 : i32
        %mul3A_643 = arith.muli %scan3A_65, %mul3A_642 : i32
        %add3A_644 = arith.addi %mul3A_58, %mul3A_643 : i32
        %add3A_645 = arith.constant 13 : i32
        %add3A_646 = arith.addi %add3A_644, %add3A_645 : i32
        %get3A_647 = arith.index_cast %add3A_646 : i32 to index
        %get3A_648 = arith.constant 0 : index
        %get3A_649 = tpu.vector_load %arg12[%get3A_647, %get3A_648] {strides = array<i32>} : memref<256x32xf32, #tpu.memory_space<vmem>>, vector<16xf32>,
        %get3A_650 = arith.index_cast %add3A_646 : i32 to index
        %get3A_651 = arith.constant 16 : index
        %get3A_652 = tpu.vector_load %arg12[%get3A_650, %get3A_651] {strides = array<i32>} : memref<256x32xf32, #tpu.memory_space<vmem>>, vector<16xf32>,
        %get3A_653 = arith.index_cast %add3A_646 : i32 to index
        %get3A_654 = arith.constant 0 : index
        %get3A_655 = tpu.vector_load %arg13[%get3A_653, %get3A_654] {strides = array<i32>} : memref<256x32xf32, #tpu.memory_space<vmem>>, vector<16xf32>,
        %get3A_656 = arith.index_cast %add3A_646 : i32 to index
        %get3A_657 = arith.constant 16 : index
        %get3A_658 = tpu.vector_load %arg13[%get3A_656, %get3A_657] {strides = array<i32>} : memref<256x32xf32, #tpu.memory_space<vmem>>, vector<16xf32>,
        %get3A_659 = arith.index_cast %add3A_646 : i32 to index
        %get3A_660 = arith.constant 0 : index
        %get3A_661 = tpu.vector_load %arg14[%get3A_659, %get3A_660] {strides = array<i32>} : memref<256x32xf32, #tpu.memory_space<vmem>>, vector<16xf32>,
        %get3A_662 = arith.index_cast %add3A_646 : i32 to index
        %get3A_663 = arith.constant 16 : index
        %get3A_664 = tpu.vector_load %arg14[%get3A_662, %get3A_663] {strides = array<i32>} : memref<256x32xf32, #tpu.memory_space<vmem>>, vector<16xf32>,
        %mul3A_665 = arith.mulf %get3A_649, %get3A_655 : vector<16xf32>
        %mul3A_666 = arith.mulf %get3A_652, %get3A_658 : vector<16xf32>
        %add3A_667 = arith.addf %mul3A_665, %mul3A_666 : vector<16xf32>
        %reduce_sum3A_668 = arith.constant true
        %reduce_sum3A_669 = vector.broadcast %reduce_sum3A_668 : i1 to vector<16xi1>
        %reduce_sum3A_670 = tpu.scan <sum>, %add3A_667 masked %reduce_sum3A_669 : vector<16xf32>, vector<16xi1> -> vector<16xf32>
        %reduce_sum3A_671 = vector.extract %reduce_sum3A_670[15] : f32 from vector<16xf32>
        %mul3A_672 = arith.mulf %get3A_649, %get3A_661 : vector<16xf32>
        %mul3A_673 = arith.mulf %get3A_652, %get3A_664 : vector<16xf32>
        %add3A_674 = arith.addf %mul3A_672, %mul3A_673 : vector<16xf32>
        %reduce_sum3A_675 = arith.constant true
        %reduce_sum3A_676 = vector.broadcast %reduce_sum3A_675 : i1 to vector<16xi1>
        %reduce_sum3A_677 = tpu.scan <sum>, %add3A_674 masked %reduce_sum3A_676 : vector<16xf32>, vector<16xi1> -> vector<16xf32>
        %reduce_sum3A_678 = vector.extract %reduce_sum3A_677[15] : f32 from vector<16xf32>
        %eq3A_679 = arith.constant 13 : i32
        %eq3A_680 = vector.broadcast %eq3A_679 : i32 to vector<16xi32>
        %eq3A_681 = arith.cmpi eq, %iota3A, %eq3A_680 : vector<16xi32>
        %broadcast_in_dim3A_682 = vector.broadcast %reduce_sum3A_671 : f32 to vector<16xf32>
        %select_n3A_683 = arith.select %eq3A_681, %broadcast_in_dim3A_682, %select_n3A_639 : vector<16xi1>, vector<16xf32>
        %broadcast_in_dim3A_684 = vector.broadcast %reduce_sum3A_678 : f32 to vector<16xf32>
        %select_n3A_685 = arith.select %eq3A_681, %broadcast_in_dim3A_684, %select_n3A_641 : vector<16xi1>, vector<16xf32>
        %mul3A_686 = arith.constant 16 : i32
        %mul3A_687 = arith.muli %scan3A_65, %mul3A_686 : i32
        %add3A_688 = arith.addi %mul3A_58, %mul3A_687 : i32
        %add3A_689 = arith.constant 14 : i32
        %add3A_690 = arith.addi %add3A_688, %add3A_689 : i32
        %get3A_691 = arith.index_cast %add3A_690 : i32 to index
        %get3A_692 = arith.constant 0 : index
        %get3A_693 = tpu.vector_load %arg12[%get3A_691, %get3A_692] {strides = array<i32>} : memref<256x32xf32, #tpu.memory_space<vmem>>, vector<16xf32>,
        %get3A_694 = arith.index_cast %add3A_690 : i32 to index
        %get3A_695 = arith.constant 16 : index
        %get3A_696 = tpu.vector_load %arg12[%get3A_694, %get3A_695] {strides = array<i32>} : memref<256x32xf32, #tpu.memory_space<vmem>>, vector<16xf32>,
        %get3A_697 = arith.index_cast %add3A_690 : i32 to index
        %get3A_698 = arith.constant 0 : index
        %get3A_699 = tpu.vector_load %arg13[%get3A_697, %get3A_698] {strides = array<i32>} : memref<256x32xf32, #tpu.memory_space<vmem>>, vector<16xf32>,
        %get3A_700 = arith.index_cast %add3A_690 : i32 to index
        %get3A_701 = arith.constant 16 : index
        %get3A_702 = tpu.vector_load %arg13[%get3A_700, %get3A_701] {strides = array<i32>} : memref<256x32xf32, #tpu.memory_space<vmem>>, vector<16xf32>,
        %get3A_703 = arith.index_cast %add3A_690 : i32 to index
        %get3A_704 = arith.constant 0 : index
        %get3A_705 = tpu.vector_load %arg14[%get3A_703, %get3A_704] {strides = array<i32>} : memref<256x32xf32, #tpu.memory_space<vmem>>, vector<16xf32>,
        %get3A_706 = arith.index_cast %add3A_690 : i32 to index
        %get3A_707 = arith.constant 16 : index
        %get3A_708 = tpu.vector_load %arg14[%get3A_706, %get3A_707] {strides = array<i32>} : memref<256x32xf32, #tpu.memory_space<vmem>>, vector<16xf32>,
        %mul3A_709 = arith.mulf %get3A_693, %get3A_699 : vector<16xf32>
        %mul3A_710 = arith.mulf %get3A_696, %get3A_702 : vector<16xf32>
        %add3A_711 = arith.addf %mul3A_709, %mul3A_710 : vector<16xf32>
        %reduce_sum3A_712 = arith.constant true
        %reduce_sum3A_713 = vector.broadcast %reduce_sum3A_712 : i1 to vector<16xi1>
        %reduce_sum3A_714 = tpu.scan <sum>, %add3A_711 masked %reduce_sum3A_713 : vector<16xf32>, vector<16xi1> -> vector<16xf32>
        %reduce_sum3A_715 = vector.extract %reduce_sum3A_714[15] : f32 from vector<16xf32>
        %mul3A_716 = arith.mulf %get3A_693, %get3A_705 : vector<16xf32>
        %mul3A_717 = arith.mulf %get3A_696, %get3A_708 : vector<16xf32>
        %add3A_718 = arith.addf %mul3A_716, %mul3A_717 : vector<16xf32>
        %reduce_sum3A_719 = arith.constant true
        %reduce_sum3A_720 = vector.broadcast %reduce_sum3A_719 : i1 to vector<16xi1>
        %reduce_sum3A_721 = tpu.scan <sum>, %add3A_718 masked %reduce_sum3A_720 : vector<16xf32>, vector<16xi1> -> vector<16xf32>
        %reduce_sum3A_722 = vector.extract %reduce_sum3A_721[15] : f32 from vector<16xf32>
        %eq3A_723 = arith.constant 14 : i32
        %eq3A_724 = vector.broadcast %eq3A_723 : i32 to vector<16xi32>
        %eq3A_725 = arith.cmpi eq, %iota3A, %eq3A_724 : vector<16xi32>
        %broadcast_in_dim3A_726 = vector.broadcast %reduce_sum3A_715 : f32 to vector<16xf32>
        %select_n3A_727 = arith.select %eq3A_725, %broadcast_in_dim3A_726, %select_n3A_683 : vector<16xi1>, vector<16xf32>
        %broadcast_in_dim3A_728 = vector.broadcast %reduce_sum3A_722 : f32 to vector<16xf32>
        %select_n3A_729 = arith.select %eq3A_725, %broadcast_in_dim3A_728, %select_n3A_685 : vector<16xi1>, vector<16xf32>
        %mul3A_730 = arith.constant 16 : i32
        %mul3A_731 = arith.muli %scan3A_65, %mul3A_730 : i32
        %add3A_732 = arith.addi %mul3A_58, %mul3A_731 : i32
        %add3A_733 = arith.constant 15 : i32
        %add3A_734 = arith.addi %add3A_732, %add3A_733 : i32
        %get3A_735 = arith.index_cast %add3A_734 : i32 to index
        %get3A_736 = arith.constant 0 : index
        %get3A_737 = tpu.vector_load %arg12[%get3A_735, %get3A_736] {strides = array<i32>} : memref<256x32xf32, #tpu.memory_space<vmem>>, vector<16xf32>,
        %get3A_738 = arith.index_cast %add3A_734 : i32 to index
        %get3A_739 = arith.constant 16 : index
        %get3A_740 = tpu.vector_load %arg12[%get3A_738, %get3A_739] {strides = array<i32>} : memref<256x32xf32, #tpu.memory_space<vmem>>, vector<16xf32>,
        %get3A_741 = arith.index_cast %add3A_734 : i32 to index
        %get3A_742 = arith.constant 0 : index
        %get3A_743 = tpu.vector_load %arg13[%get3A_741, %get3A_742] {strides = array<i32>} : memref<256x32xf32, #tpu.memory_space<vmem>>, vector<16xf32>,
        %get3A_744 = arith.index_cast %add3A_734 : i32 to index
        %get3A_745 = arith.constant 16 : index
        %get3A_746 = tpu.vector_load %arg13[%get3A_744, %get3A_745] {strides = array<i32>} : memref<256x32xf32, #tpu.memory_space<vmem>>, vector<16xf32>,
        %get3A_747 = arith.index_cast %add3A_734 : i32 to index
        %get3A_748 = arith.constant 0 : index
        %get3A_749 = tpu.vector_load %arg14[%get3A_747, %get3A_748] {strides = array<i32>} : memref<256x32xf32, #tpu.memory_space<vmem>>, vector<16xf32>,
        %get3A_750 = arith.index_cast %add3A_734 : i32 to index
        %get3A_751 = arith.constant 16 : index
        %get3A_752 = tpu.vector_load %arg14[%get3A_750, %get3A_751] {strides = array<i32>} : memref<256x32xf32, #tpu.memory_space<vmem>>, vector<16xf32>,
        %mul3A_753 = arith.mulf %get3A_737, %get3A_743 : vector<16xf32>
        %mul3A_754 = arith.mulf %get3A_740, %get3A_746 : vector<16xf32>
        %add3A_755 = arith.addf %mul3A_753, %mul3A_754 : vector<16xf32>
        %reduce_sum3A_756 = arith.constant true
        %reduce_sum3A_757 = vector.broadcast %reduce_sum3A_756 : i1 to vector<16xi1>
        %reduce_sum3A_758 = tpu.scan <sum>, %add3A_755 masked %reduce_sum3A_757 : vector<16xf32>, vector<16xi1> -> vector<16xf32>
        %reduce_sum3A_759 = vector.extract %reduce_sum3A_758[15] : f32 from vector<16xf32>
        %mul3A_760 = arith.mulf %get3A_737, %get3A_749 : vector<16xf32>
        %mul3A_761 = arith.mulf %get3A_740, %get3A_752 : vector<16xf32>
        %add3A_762 = arith.addf %mul3A_760, %mul3A_761 : vector<16xf32>
        %reduce_sum3A_763 = arith.constant true
        %reduce_sum3A_764 = vector.broadcast %reduce_sum3A_763 : i1 to vector<16xi1>
        %reduce_sum3A_765 = tpu.scan <sum>, %add3A_762 masked %reduce_sum3A_764 : vector<16xf32>, vector<16xi1> -> vector<16xf32>
        %reduce_sum3A_766 = vector.extract %reduce_sum3A_765[15] : f32 from vector<16xf32>
        %eq3A_767 = arith.constant 15 : i32
        %eq3A_768 = vector.broadcast %eq3A_767 : i32 to vector<16xi32>
        %eq3A_769 = arith.cmpi eq, %iota3A, %eq3A_768 : vector<16xi32>
        %broadcast_in_dim3A_770 = vector.broadcast %reduce_sum3A_759 : f32 to vector<16xf32>
        %select_n3A_771 = arith.select %eq3A_769, %broadcast_in_dim3A_770, %select_n3A_727 : vector<16xi1>, vector<16xf32>
        %broadcast_in_dim3A_772 = vector.broadcast %reduce_sum3A_766 : f32 to vector<16xf32>
        %select_n3A_773 = arith.select %eq3A_769, %broadcast_in_dim3A_772, %select_n3A_729 : vector<16xi1>, vector<16xf32>
        %neg3A = arith.constant 0.000000e+00 : f32
        %neg3A_774 = vector.broadcast %neg3A : f32 to vector<16xf32>
        %neg3A_775 = arith.subf %neg3A_774, %select_n3A_771 : vector<16xf32>
        %exp3A = math.exp %neg3A_775 : vector<16xf32>
        %add3A_776 = arith.constant 1.000000e+00 : f32
        %add3A_777 = vector.broadcast %add3A_776 : f32 to vector<16xf32>
        %add3A_778 = arith.addf %add3A_777, %exp3A : vector<16xf32>
        %div3A = arith.constant 1.000000e+00 : f32
        %div3A_779 = vector.broadcast %div3A : f32 to vector<16xf32>
        %div3A_780 = arith.divf %div3A_779, %add3A_778 : vector<16xf32>
        %swap3A = arith.index_cast %add3A_70 : i32 to index
        %swap3A_781 = tpu.vector_load %arg15[%swap3A] {strides = array<i32>} : memref<512xf32, #tpu.memory_space<vmem>>, vector<16xf32>,
        tpu.vector_store %arg15[%swap3A], %div3A_780 {strides = array<i32>} : memref<512xf32, #tpu.memory_space<vmem>>, vector<16xf32>,
        %neg3A_782 = arith.constant 0.000000e+00 : f32
        %neg3A_783 = vector.broadcast %neg3A_782 : f32 to vector<16xf32>
        %neg3A_784 = arith.subf %neg3A_783, %select_n3A_773 : vector<16xf32>
        %exp3A_785 = math.exp %neg3A_784 : vector<16xf32>
        %add3A_786 = arith.constant 1.000000e+00 : f32
        %add3A_787 = vector.broadcast %add3A_786 : f32 to vector<16xf32>
        %add3A_788 = arith.addf %add3A_787, %exp3A_785 : vector<16xf32>
        %div3A_789 = arith.constant 1.000000e+00 : f32
        %div3A_790 = vector.broadcast %div3A_789 : f32 to vector<16xf32>
        %div3A_791 = arith.divf %div3A_790, %add3A_788 : vector<16xf32>
        %swap3A_792 = arith.index_cast %add3A_70 : i32 to index
        %swap3A_793 = tpu.vector_load %arg16[%swap3A_792] {strides = array<i32>} : memref<512xf32, #tpu.memory_space<vmem>>, vector<16xf32>,
        tpu.vector_store %arg16[%swap3A_792], %div3A_791 {strides = array<i32>} : memref<512xf32, #tpu.memory_space<vmem>>, vector<16xf32>,
      }
      %scan3A_64 = arith.constant 8 : i32
    }
    %scan3A_18 = arith.constant 4 : i32
    "tpu.region"() ({
      %run_scoped3A = tpu.sem_alloc : memref<!tpu.dma_semaphore, #tpu.memory_space<semaphore_mem>>
      %dma_start3A = tpu.memref_slice %arg7[%mul3A_2] : memref<16384xf32, #tpu.memory_space<hbm>> -> memref<512xf32, #tpu.memory_space<hbm>>
      %dma_start3A_19 = tpu.memref_slice %arg7[%mul3A_2] : memref<16384xf32, #tpu.memory_space<hbm>> -> memref<512xf32, #tpu.memory_space<hbm>>
      tpu.enqueue_dma source(%arg15 : memref<512xf32, #tpu.memory_space<vmem>>) target(%dma_start3A_19 : memref<512xf32, #tpu.memory_space<hbm>>) target_semaphore(%run_scoped3A : memref<!tpu.dma_semaphore, #tpu.memory_space<semaphore_mem>>)
      %dma_wait3A = tpu.memref_slice %arg7[%mul3A_2] : memref<16384xf32, #tpu.memory_space<hbm>> -> memref<512xf32, #tpu.memory_space<hbm>>
      %dma_wait3A_20 = tpu.memref_slice %arg7[%mul3A_2] : memref<16384xf32, #tpu.memory_space<hbm>> -> memref<512xf32, #tpu.memory_space<hbm>>
      tpu.wait_dma2 semaphore(%run_scoped3A : memref<!tpu.dma_semaphore, #tpu.memory_space<semaphore_mem>>) src(%arg15 : memref<512xf32, #tpu.memory_space<vmem>>) dst(%dma_wait3A_20 : memref<512xf32, #tpu.memory_space<hbm>>)
      tpu.yield
    }) : () -> ()
    "tpu.region"() ({
      %run_scoped3A = tpu.sem_alloc : memref<!tpu.dma_semaphore, #tpu.memory_space<semaphore_mem>>
      %dma_start3A = tpu.memref_slice %arg8[%mul3A_2] : memref<16384xf32, #tpu.memory_space<hbm>> -> memref<512xf32, #tpu.memory_space<hbm>>
      %dma_start3A_19 = tpu.memref_slice %arg8[%mul3A_2] : memref<16384xf32, #tpu.memory_space<hbm>> -> memref<512xf32, #tpu.memory_space<hbm>>
      tpu.enqueue_dma source(%arg16 : memref<512xf32, #tpu.memory_space<vmem>>) target(%dma_start3A_19 : memref<512xf32, #tpu.memory_space<hbm>>) target_semaphore(%run_scoped3A : memref<!tpu.dma_semaphore, #tpu.memory_space<semaphore_mem>>)
      %dma_wait3A = tpu.memref_slice %arg8[%mul3A_2] : memref<16384xf32, #tpu.memory_space<hbm>> -> memref<512xf32, #tpu.memory_space<hbm>>
      %dma_wait3A_20 = tpu.memref_slice %arg8[%mul3A_2] : memref<16384xf32, #tpu.memory_space<hbm>> -> memref<512xf32, #tpu.memory_space<hbm>>
      tpu.wait_dma2 semaphore(%run_scoped3A : memref<!tpu.dma_semaphore, #tpu.memory_space<semaphore_mem>>) src(%arg16 : memref<512xf32, #tpu.memory_space<vmem>>) dst(%dma_wait3A_20 : memref<512xf32, #tpu.memory_space<hbm>>)
      tpu.yield
    }) : () -> ()
    return
  }
}

</mosaic_0001>

<sc_bundles>
// kernel: kernel.3.cloned.1.call-start
scs
__scs_entry_jumppad:
0x0: {  	(pc) =	sbr.rel $0x88, $3  }
0x1: {  	(tag) =	ssettag $0x0;
	lr =	simm.s32 $0x1  }
0x2: {  	[smem:$0x3F9C] =	sst lr;
	_ =	strace $0xD0000000  }
0x3: {  	_ = 	snop  }
0x4: {  	_ = 	snop  }
0x5: {  	_ = 	snop  }
0x6: {  	_ = 	snop  }
0x7: {  	_ = 	snop  }
__scs_overlays_trampoline_lowered:
0x8: {  	[smem:$0x3FAB] =	sst s0  }
0x9: {  	[smem:$0x3FAC] =	sst s1  }
0xa: {  	[smem:$0x3FAD] =	sst s2  }
0xb: {  	[smem:$0x3FAE] =	sst s3  }
0xc: {  	[smem:$0x3FAF] =	sst s4  }
0xd: {  	[smem:$0x3FB0] =	sst s5  }
0xe: {  	[smem:$0x3FB1] =	sst s6  }
0xf: {  	[smem:$0x3FB2] =	sst s7  }
0x10: {  	[smem:$0x3FB3] =	sst s8  }
0x11: {  	[smem:$0x3FB4] =	sst s9;
	s0 =	simm.s32 @!p0 $0x0  }
0x12: {  	s1 =	sld [smem:$0x3F9A];
	s0 =	simm.s32 @p0 $0x1  }
0x13: {  	[smem:$0x3FB5] =	sst s0;
	s0 =	simm.s32 @!p1 $0x0  }
0x14: {  	s2 =	sld [smem:$0x3F99];
	s0 =	simm.s32 @p1 $0x1  }
0x15: {  	[smem:$0x3FB6] =	sst s0;
	s0 =	simm.s32 @!p2 $0x0  }
0x16: {  	s3 =	sld [smem:$0x3FDB];
	s0 =	simm.s32 @p2 $0x1  }
0x17: {  	s4 =	simm.s32 $0x1BF5;
	[smem:$0x3FB8] =	sst s0  }
0x18: {  	s0 =	sld [smem:$0x3F9B];
	_ =	swait.ge [sflag:s4], $0x0  }
0x19: {  	s7 =	sld [smem:$0x3F9C]  }
0x1a: {  	s8 =	sadd.s32 $0xFFFFE003, lr  }
0x1b: {  	s9 =	sadd.s32 $0xFFFFFEF7, lr;
	s5 =	simm.s32 $0xFFFFFFFF;
	p2 =	slt.u32 s8, $0xFFFFF086  }
0x1c: {  	p1 =	slt.u32 s9, $0xF7A;
	s5 =	simm.s32 @!p2 $0x0  }
0x1d: {  	s5 =	simm.s32 @p1 $0x1;
	p0 =	seq.s32 s7, s2  }
0x1e: {  	s7 =	smul.u32 @!p0 $0xF7A, s2;
	p2 =	seq.s32 @!p0 s5, $0x0  }
0x1f: {  	s9 =	smul.u32 $0xF7A, s1;
	s8 =	simm.s32 @!p0 $0x1BF5;
	p2 =	por !p2, p0  }
0x20: {  	[sflag:s8] =	ssyncset.s32 @!p0 $0xFFFFF086;
	s6 =	sadd.s32 @!p0 s3, s7;
	s7 =	simm.s32 @!p0 $0x108  }
0x21: {  	s3 =	sadd.s32 s3, s9;
	s6 =	sadd.s32 @!p0 $0x88, s6;
	s7 =	simm.s32 @p2 $0x1082  }
0x22: {  	[simem:s7], [sflag:s8] =	dma.local @!p0 [hbm:s6], $0xF7A  }
0x23: {  	s9 =	sor.u32 $0xD0000000, s2;
	s6 =	simm.s32 $0x108;
	_ =	swait.ge @!p0 [sflag:s8], $0x0  }
0x24: {  	s3 =	sadd.s32 $0x88, s3;
	s6 =	simm.s32 @!p1 $0x1082;
	[sflag:s4] =	ssyncset.s32 $0xFFFFF086  }
0x25: {  	[simem:s6], [sflag:s4] =	dma.local [hbm:s3], $0xF7A  }
0x26: {  	[smem:$0x3F9C] =	sst s1;
	(tag) =	ssettag s2;
	_ =	strace s9  }
0x27: {  	s1 =	sld [smem:$0x3FAC]  }
0x28: {  	s2 =	sld [smem:$0x3FAD]  }
0x29: {  	s4 =	sld [smem:$0x3FAF]  }
0x2a: {  	p0 =	seq.s32 s5, $0x0;
	s5 =	sld [smem:$0x3FB0]  }
0x2b: {  	s6 =	sld [smem:$0x3FB1]  }
0x2c: {  	s7 =	sld [smem:$0x3FB2]  }
0x2d: {  	s3 =	simm.s32 $0x108;
	s8 =	sld [smem:$0x3FB3]  }
0x2e: {  	s3 =	simm.s32 @!p0 $0x1082;
	s9 =	sld [smem:$0x3FB4]  }
0x2f: {  	lr =	sadd.s32 s0, s3;
	s0 =	sld [smem:$0x3FAB]  }
0x30: {  	s3 =	sld [smem:$0x3FAE]  }
0x31: {  	[smem:$0x3FB7] =	sst s10  }
0x32: {  	s10 =	sld [smem:$0x3FB5];
	_ =	sdelay $0x3  }
0x33: {  	p0 =	seq.s32 s10, $0x1;
	s10 =	sld [smem:$0x3FB7];
	_ =	sdelay $0x3  }
0x34: {  	[smem:$0x3FB7] =	sst s10  }
0x35: {  	s10 =	sld [smem:$0x3FB6];
	_ =	sdelay $0x3  }
0x36: {  	p1 =	seq.s32 s10, $0x1;
	s10 =	sld [smem:$0x3FB7];
	_ =	sdelay $0x3  }
0x37: {  	[smem:$0x3FB7] =	sst s10  }
0x38: {  	s10 =	sld [smem:$0x3FB8]  }
0x39: {  	_ = 	snop;
	(pc) =	sbr.ind lr, $3  }
0x3a: {  	_ = 	snop  }
0x3b: {  	_ = 	snop  }
0x3c: {  	p2 =	seq.s32 s10, $0x1;
	s10 =	sld [smem:$0x3FB7]  }
0x3d: {  	_ =	shalt  }
0x3e: {  	_ =	shalt  }
0x3f: {  	_ =	shalt  }
0x40: {  	_ =	shalt  }
0x41: {  	_ =	shalt  }
0x42: {  	_ =	shalt  }
0x43: {  	_ =	shalt  }
0x44: {  	_ =	shalt  }
0x45: {  	_ =	shalt  }
0x46: {  	_ =	shalt  }
0x47: {  	_ =	shalt  }
0x48: {  	_ =	shalt  }
0x49: {  	_ =	shalt  }
0x4a: {  	_ =	shalt  }
0x4b: {  	_ =	shalt  }
0x4c: {  	_ =	shalt  }
0x4d: {  	_ =	shalt  }
0x4e: {  	_ =	shalt  }
0x4f: {  	_ =	shalt  }
0x50: {  	_ =	shalt  }
0x51: {  	_ =	shalt  }
0x52: {  	_ =	shalt  }
0x53: {  	_ =	shalt  }
0x54: {  	_ =	shalt  }
0x55: {  	_ =	shalt  }
0x56: {  	_ =	shalt  }
0x57: {  	_ =	shalt  }
0x58: {  	_ =	shalt  }
0x59: {  	_ =	shalt  }
0x5a: {  	_ =	shalt  }
0x5b: {  	_ =	shalt  }
0x5c: {  	_ =	shalt  }
0x5d: {  	_ =	shalt  }
0x5e: {  	_ =	shalt  }
0x5f: {  	_ =	shalt  }
0x60: {  	_ =	shalt  }
0x61: {  	_ =	shalt  }
0x62: {  	_ =	shalt  }
0x63: {  	_ =	shalt  }
0x64: {  	_ =	shalt  }
0x65: {  	_ =	shalt  }
0x66: {  	_ =	shalt  }
0x67: {  	_ =	shalt  }
0x68: {  	_ =	shalt  }
0x69: {  	_ =	shalt  }
0x6a: {  	_ =	shalt  }
0x6b: {  	_ =	shalt  }
0x6c: {  	_ =	shalt  }
0x6d: {  	_ =	shalt  }
0x6e: {  	_ =	shalt  }
0x6f: {  	_ =	shalt  }
0x70: {  	_ =	shalt  }
0x71: {  	_ =	shalt  }
0x72: {  	_ =	shalt  }
0x73: {  	_ =	shalt  }
0x74: {  	_ =	shalt  }
0x75: {  	_ =	shalt  }
0x76: {  	_ =	shalt  }
0x77: {  	_ =	shalt  }
0x78: {  	_ =	shalt  }
0x79: {  	_ =	shalt  }
0x7a: {  	_ =	shalt  }
0x7b: {  	_ =	shalt  }
0x7c: {  	_ =	shalt  }
0x7d: {  	_ =	shalt  }
0x7e: {  	_ =	shalt  }
0x7f: {  	_ =	shalt  }
0x80: {  	_ =	shalt  }
0x81: {  	_ =	shalt  }
0x82: {  	_ =	shalt  }
0x83: {  	_ =	shalt  }
0x84: {  	_ =	shalt  }
0x85: {  	_ =	shalt  }
0x86: {  	_ =	shalt  }
0x87: {  	_ =	shalt  }
.Lfunc_end0:
.L_simem_size_0:
called_computation_lowered:
.L_overlay_start_0:
0x88: {  	s2 =	sld [smem:$0x3FD9]  }
0x89: {  	s3 =	sld [smem:$0x3FFE];
	_ =	sdelay $0x1  }
0x8a: {  	s1 =	srdreg.scid  }
0x8b: {  	s0 =	sand.u32 $0x1, s1  }
0x8c: {  	s14 =	sshll.u32 s0, $0xA;
	s2 =	sadd.s32 s3, s2  }
0x8d: {  	s2 =	sadd.s32 s2, s14  }
0x8e: {  	[smem:$0x3FC3] =	sst s2  }
0x8f: {  	_ = 	snop  }
0x90: {  	s2 =	sld [smem:$0x3FD0]  }
0x91: {  	s15 =	sld [smem:$0x3FC9]  }
0x92: {  	s4 =	sld [smem:$0x3FC8]  }
0x93: {  	s6 =	simm.s32 $0xA;
	s7 =	simm.s32 $0x10;
	s5 =	sld [smem:$0x3FC7]  }
0x94: {  	[smem:s7], [sflag:s6] =	dma.local [hbm:s2], $0x1  }
0x95: {  	_ =	swait.eq [sflag:s6], $0x1  }
0x96: {  	[sflag:s6] =	ssyncset.done $0x0  }
0x97: {  	s16 =	sld [smem:$0x10];
	[sflag:s6] =	ssyncadd.s32 $0xFFFFFFFF  }
0x98: {  	s17 =	sld [smem:$0x11];
	(tm) =	ssettm $0x1  }
0x99: {  	s18 =	sld [smem:$0x3FFB];
	_ =	sdelay $0x3  }
0x9a: {  	_ =	strace s18  }
0x9b: {  	s7 =	sld [smem:$0x3FFC];
	_ =	sdelay $0x3  }
0x9c: {  	_ =	strace s7  }
0x9d: {  	s7 =	sld [smem:$0x3FFD];
	_ =	sdelay $0x3  }
0x9e: {  	_ =	strace s7  }
0x9f: {  	_ =	strace $0x8FFFFFFF  }
0xa0: {  	s19 =	sld [smem:$0x3FDB];
	_ =	sdelay $0x1  }
0xa1: {  	s8 =	simm.s32 $_scs_section_size  }
0xa2: {  	s9 =	simm.s32 $_size__tile_overlayer_lowered;
	s10 =	simm.s32 $_tile_overlayer_lowered  }
0xa3: {  	s22 =	simm.s32 $0x1BFF;
	s21 =	sshll.u32 s10, $0x1;
	s7 =	sadd.s32 s8, s19  }
0xa4: {  	s11 =	simm.s32 $0x0;
	s20 =	sshll.u32 s9, $0x1;
	s9 =	sadd.s32 s21, s7  }
0xa5: {  	[timem:s11], [sflag:s22] =	dma.local [hbm:s9], s20  }
0xa6: {  	_ =	swait.ge [sflag:s22], s20  }
0xa7: {  	s8 =	ssub.s32 $0x0, s20;
	[sflag:s22] =	ssyncset.done $0x0  }
0xa8: {  	[sflag:s22] =	ssyncadd.s32 s8;
	_ =	sdelay $0x1  }
0xa9: {  	s23 =	simm.s32 $0x1B8B  }
0xaa: {  	_ =	swait.ge [sflag:s23], $0x1  }
0xab: {  	[sflag:s23] =	ssyncset.done $0x0  }
0xac: {  	s25 =	simm.s32 $0x1B8E;
	s24 =	sld [smem:$0x3FFE];
	[sflag:s23] =	ssyncadd.s32 $0xFFFFFFFF  }
0xad: {  	s26 =	simm.s32 $execute0_lowered;
	[smem:$0x3FD2] =	sst s25  }
0xae: {  	s9 =	sshll.u32 s26, $0x1;
	_ =	strace $0x80000046;
	[dreg:$0x1] =	wrdreg $0xFFFFFFFF  }
0xaf: {  	s28 =	simm.s32 $_size_execute0_lowered;
	s7 =	sadd.s32 s7, s9;
	[dreg:$0x0] =	wrdreg $0x0  }
0xb0: {  	s9 =	sshll.u32 s28, $0x1;
	[dreg:$0x2] =	wrdreg s7  }
0xb1: {  	[dreg:$0x3] =	wrdreg s9  }
0xb2: {  	[dreg:$0x4] =	wrdreg $0xC0  }
0xb3: {  	_ =	task [dreg:s11], $0x5FFFF  }
0xb4: {  	[dreg:$0x1] =	wrdreg $0xFFFFFFFF  }
0xb5: {  	[dreg:$0x0] =	wrdreg $0x60  }
0xb6: {  	[dreg:$0x2] =	wrdreg s15  }
0xb7: {  	[dreg:$0x3] =	wrdreg s4  }
0xb8: {  	[dreg:$0x4] =	wrdreg s5  }
0xb9: {  	[dreg:$0x5] =	wrdreg s24  }
0xba: {  	[dreg:$0x6] =	wrdreg s16  }
0xbb: {  	[dreg:$0x7] =	wrdreg s17  }
0xbc: {  	[dreg:$0x8] =	wrdreg $0x9  }
0xbd: {  	_ =	task.clear_ibuf [dreg:s11], $0x9FFFF;
	_ =	strace $0x90000046  }
0xbe: {  	s29 =	simm.s32 $0x9;
	_ =	strace $0x80000048  }
0xbf: {  	_ =	swait.ge [sflag:s29], $0x1  }
0xc0: {  	[sflag:s29] =	ssyncadd.s32 $0xFFFFFFFF  }
0xc1: {  	_ =	strace $0x90000048  }
0xc2: {  	_ =	sfence  }
0xc3: {  	s30 =	sld [smem:$0x0];
	_ =	sdelay $0x2  }
0xc4: {  	s31 =	sshll.u32 s1, $0xD;
	s1 =	sshrl.u32 s1, $0x2  }
0xc5: {  	s3 =	sand.u32 $0x4000, s31;
	s1 =	sadd.s32 s1, s30  }
0xc6: {  	s0 =	sor.u32 s3, s0;
	s1 =	sshll.u32 s1, $0x11  }
0xc7: {  	s0 =	sor.u32 s1, s0  }
0xc8: {  	s0 =	sadd.s32 $0x8F2B, s0  }
0xc9: {  	[sflag:s0] =	ssyncadd.remote.s32 $0x1  }
0xca: {  	_ =	sfence.sel $0xFFFF  }
0xcb: {  	[dreg:$0x0] =	wrdreg $0xFFFFFFFF;
	(pc) =	sbr.abs _section_cstart, $3  }
0xcc: {  	[dreg:$0x1] =	wrdreg $0xFFFFFFFF  }
0xcd: {  	_ =	task.clear_ibuf [dreg:s11], $0x2FFFF;
	_ =	strace $0x9FFFFFFF  }
0xce: {  	(tm) =	ssettm $0x7FFFFFFF  }
0xcf: {  	_ =	shalt  }
tec
execute0_lowered:
.L_overlay_start_1:
0x0: {  	(tag) =	ssettag $0x1  }
0x1: {  	s0 =	rddreg [dreg:$0x0]  }
0x2: {  	s1 =	rddreg [dreg:$0x1]  }
0x3: {  	s2 =	rddreg [dreg:$0x2]  }
0x4: {  	s3 =	rddreg [dreg:$0x3]  }
0x5: {  	s5 =	rddreg [dreg:$0x4]  }
0x6: {  	s6 =	rddreg [dreg:$0x5];
	s4 =	srdreg.scid  }
0x7: {  	s12 =	simm.s32 $0x0;
	s8 =	stileid.u32;
	s4 =	sand.u32 $0x1, s4  }
0x8: {  	s8 =	sshll.u32 s8, $0x7;
	s7 =	ssub.s32 $0x2, s4;
	s4 =	sshll.u32 s4, $0x6  }
0x9: {  	[smem:$0x7FF] =	sst s12;
	s23 =	sadd.s32 $0x800, s3;
	s8 =	sor.u32 s4, s8  }
0xa: {  	_ =	strace $0x80000047;
	[dreg:$0xa] =	wrdreg s23;
	s0 =	sadd.s32 s0, s8  }
0xb: {  	s26 =	sadd.s32 s1, s8;
	[smem:$0x7F8] =	sst s0  }
0xc: {  	vm0 =	vmmov $0x1;
	vm1 =	vmmov $0x3;
	vm2 =	vmmov $0x7;
	s28 =	sadd.s32 s2, s8;
	[smem:$0x7F9] =	sst s26  }
0xd: {  	vm3 =	vmmov $0xf;
	vm4 =	vmmov $0x1f;
	vm5 =	vmmov $0x3f;
	s9 =	sshrl.u32 s7, $0x1;
	s29 =	sadd.s32 s5, s8;
	[smem:$0x7FA] =	sst s28  }
0xe: {  	vm6 =	vmmov $0x7f;
	vm7 =	vmmov $0xff;
	vm8 =	vmmov $0x1ff;
	s25 =	ssub.s32 s7, s9;
	s30 =	sadd.s32 s6, s8;
	[smem:$0x7FB] =	sst s29  }
0xf: {  	vm9 =	vmmov $0x3ff;
	vm10 =	vmmov $0x7ff;
	vm11 =	vmmov $0xfff;
	s13 =	sadd.s32 $0xF42C00, s3;
	[smem:$0x7FC] =	sst s30;
	s31 =	smax.u32 s25, $0x1  }
0x10: {  	vm12 =	vmmov $0x1fff;
	vm13 =	vmmov $0x3fff;
	vm14 =	vmmov $0x7fff;
	s3 =	simm.s32 $0x4;
	s1 =	simm.s32 $0x0;
	[smem:$0x7FD] =	sst s31  }
.LBB2_1:
0x11: {  	s0 =	sld [smem:$0x7F8];
	_ =	sdelay $0x1  }
0x12: {  	[smem:$0x7F7] =	sst s1  }
0x13: {  	[tilespmem:s12], [sflag:$0x4] =	stream.linear.gather [hbm4b:s0+s12], $0x200, $0x38;
	[tilespmem:$0x18A00] =	vst v63  }
0x14: {  	_ =	swait.ge [sflag:s3], $0x200  }
0x15: {  	s15 =	sld [smem:$0x7F9]  }
0x16: {  	[sflag:s3] =	ssyncset.done $0x0  }
0x17: {  	s14 =	simm.s32 $0x200;
	[sflag:s3] =	ssyncadd.s32 $0xFFFFFE00  }
0x18: {  	[tilespmem:s14], [sflag:$0x4] =	stream.linear.gather [hbm4b:s15+s12], $0x200, $0x38;
	[tilespmem:$0x18A00] =	vst v63  }
0x19: {  	_ =	swait.ge [sflag:s3], $0x200  }
0x1a: {  	s2 =	sld [smem:$0x7FA]  }
0x1b: {  	[sflag:s3] =	ssyncset.done $0x0  }
0x1c: {  	s16 =	simm.s32 $0x400;
	[sflag:s3] =	ssyncadd.s32 $0xFFFFFE00  }
0x1d: {  	[tilespmem:s16], [sflag:$0x4] =	stream.linear.gather [hbm4b:s2+s12], $0x200, $0x38;
	[tilespmem:$0x18A00] =	vst v63  }
0x1e: {  	_ =	swait.ge [sflag:s3], $0x200  }
0x1f: {  	[sflag:s3] =	ssyncset.done $0x0  }
0x20: {  	[sflag:s3] =	ssyncadd.s32 $0xFFFFFE00  }
0x21: {  	v0 =	vld [tilespmem:s14+$0x0]  }
0x22: {  	v1 =	vld [tilespmem:s12+$0x0];
	_ =	sdelay $0x1  }
0x23: {  	v3 =	vld [tilespmem:s16+$0x0];
	_ =	sdelay $0x1  }
0x24: {  	v0 =	vshll.u32 v0, $0x4  }
0x25: {  	v2 =	vshll.u32 v1, $0x4;
	(v2sf) =	vpush v0, $0x0  }
0x26: {  	(v2sf) =	vpush v2, $0x0  }
0x27: {  	v63 =	vshll.u32 v3, $0x4  }
0x28: {  	(v2sf) =	vpush v63, $0x0;
	_ =	sdelay $0x1  }
0x29: {  	(v2sf) =	vpush v2, $0x1  }
0x2a: {  	(v2sf) =	vpush v0, $0x1  }
0x2b: {  	(v2sf) =	vpush v63, $0x1;
	_ =	sdelay $0x1  }
0x2c: {  	(v2sf) =	vpush v2, $0x2;
	_ =	sdelay $0x1  }
0x2d: {  	s20 =	simm.s32 $0x2000;
	s22 =	simm.s32 $0x410;
	(v2sf) =	vpush v0, $0x2  }
0x2e: {  	s19 =	simm.s32 $0x0;
	s6 =	simm.s32 $0x700;
	s7 =	simm.s32 $0x600  }
0x2f: {  	s11 =	simm.s32 $0xD00;
	s8 =	simm.s32 $0x8600;
	s1 =	simm.s32 $0x10C00  }
0x30: {  	s25 =	simm.s32 $0x10600;
	s29 =	simm.s32 $0x680;
	s31 =	simm.s32 $0x8680  }
0x31: {  	s0 =	simm.s32 $0x8C00;
	s15 =	simm.s32 $0x10;
	s17 =	spop (v2sf)  }
0x32: {  	s2 =	simm.s32 $0x210;
	s3 =	simm.s32 $0x10780;
	s5 =	spop (v2sf)  }
0x33: {  	(v2sf) =	vpush v63, $0x2;
	s10 =	sand.u32 $0x1FFFFFF0, s17;
	s9 =	sand.u32 $0x1FFFFFF0, s5;
	s5 =	simm.s32 $0x8780  }
0x34: {  	s21 =	spop (v2sf);
	s24 =	sadd.s32 s13, s10;
	s18 =	sadd.s32 s23, s9  }
0x35: {  	(v2sf) =	vpush v2, $0x3;
	[tilespmem:s7], [sflag:$0x1] =	stream.linear.gather [hbm4b:s18+s12], $0x80, $0x38;
	[tilespmem:$0x18A00] =	vst v63  }
0x36: {  	(v2sf) =	vpush v0, $0x3;
	s10 =	simm.s32 $0x10680;
	s26 =	spop (v2sf);
	s7 =	sand.u32 $0x1FFFFFF0, s21  }
0x37: {  	s9 =	sand.u32 $0x1FFFFFF0, s26;
	s28 =	spop (v2sf);
	s21 =	simm.s32 $0x8700  }
0x38: {  	s7 =	sadd.s32 s13, s7;
	s30 =	sand.u32 $0x1FFFFFF0, s28;
	s4 =	spop (v2sf)  }
0x39: {  	[tilespmem:s8], [sflag:$0x2] =	stream.linear.gather [hbm4b:s24+s12], $0x80, $0x38;
	[tilespmem:$0x18A00] =	vst v63  }
0x3a: {  	(v2sf) =	vpush v63, $0x3;
	s9 =	sadd.s32 s23, s9;
	s8 =	sadd.s32 s13, s30;
	s16 =	spop (v2sf)  }
0x3b: {  	[tilespmem:s25], [sflag:$0x3] =	stream.linear.gather [hbm4b:s7+s12], $0x80, $0x38;
	[tilespmem:$0x18A00] =	vst v63  }
0x3c: {  	(v2sf) =	vpush v2, $0x4;
	s14 =	sand.u32 $0x1FFFFFF0, s4;
	s30 =	simm.s32 $0x780;
	s17 =	spop (v2sf)  }
0x3d: {  	[tilespmem:s29], [sflag:$0x1] =	stream.linear.gather [hbm4b:s9+s12], $0x80, $0x38;
	[tilespmem:$0x18A00] =	vst v63  }
0x3e: {  	(v2sf) =	vpush v0, $0x4;
	s7 =	simm.s32 $0x800;
	s18 =	sand.u32 $0x1FFFFFF0, s17;
	s9 =	sand.u32 $0x1FFFFFF0, s16  }
0x3f: {  	[tilespmem:s31], [sflag:$0x2] =	stream.linear.gather [hbm4b:s8+s12], $0x80, $0x38;
	[tilespmem:$0x18A00] =	vst v63  }
0x40: {  	(v2sf) =	vpush v63, $0x4;
	s25 =	simm.s32 $0x10700;
	s9 =	sadd.s32 s23, s9;
	s8 =	sadd.s32 s13, s14  }
0x41: {  	[tilespmem:s10], [sflag:$0x3] =	stream.linear.gather [hbm4b:s8+s12], $0x80, $0x38;
	[tilespmem:$0x18A00] =	vst v63  }
0x42: {  	s8 =	sadd.s32 s13, s18;
	s10 =	simm.s32 $0xC80;
	s24 =	spop (v2sf)  }
0x43: {  	[tilespmem:s6], [sflag:$0x1] =	stream.linear.gather [hbm4b:s9+s12], $0x80, $0x38;
	[tilespmem:$0x18A00] =	vst v63  }
0x44: {  	s18 =	simm.s32 $0x8800;
	(v2sf) =	vpush v2, $0x5;
	s26 =	sand.u32 $0x1FFFFFF0, s24;
	s28 =	spop (v2sf)  }
0x45: {  	(v2sf) =	vpush v0, $0x5;
	s6 =	simm.s32 $0x900;
	s24 =	simm.s32 $0x8880;
	s29 =	spop (v2sf)  }
0x46: {  	[tilespmem:s21], [sflag:$0x2] =	stream.linear.gather [hbm4b:s8+s12], $0x80, $0x38;
	[tilespmem:$0x18A00] =	vst v63  }
0x47: {  	s9 =	sand.u32 $0x1FFFFFF0, s28;
	s8 =	sadd.s32 s13, s26;
	s31 =	sand.u32 $0x1FFFFFF0, s29  }
0x48: {  	[tilespmem:s25], [sflag:$0x3] =	stream.linear.gather [hbm4b:s8+s12], $0x80, $0x38;
	[tilespmem:$0x18A00] =	vst v63  }
0x49: {  	(v2sf) =	vpush v63, $0x5;
	s9 =	sadd.s32 s23, s9;
	s4 =	spop (v2sf);
	s26 =	simm.s32 $0x10800  }
0x4a: {  	(v2sf) =	vpush v2, $0x6;
	[tilespmem:s30], [sflag:$0x1] =	stream.linear.gather [hbm4b:s9+s12], $0x80, $0x38;
	[tilespmem:$0x18A00] =	vst v63  }
0x4b: {  	s14 =	sand.u32 $0x1FFFFFF0, s4;
	s16 =	spop (v2sf);
	s8 =	sadd.s32 s13, s31  }
0x4c: {  	(v2sf) =	vpush v0, $0x6;
	[tilespmem:s5], [sflag:$0x2] =	stream.linear.gather [hbm4b:s8+s12], $0x80, $0x38;
	[tilespmem:$0x18A00] =	vst v63  }
0x4d: {  	s17 =	spop (v2sf);
	(v2sf) =	vpush v63, $0x6;
	s8 =	sand.u32 $0x1FFFFFF0, s16;
	s5 =	sadd.s32 s13, s14  }
0x4e: {  	[tilespmem:s3], [sflag:$0x3] =	stream.linear.gather [hbm4b:s5+s12], $0x80, $0x38;
	[tilespmem:$0x18A00] =	vst v63  }
0x4f: {  	s21 =	sand.u32 $0x1FFFFFF0, s17;
	s25 =	spop (v2sf);
	s8 =	sadd.s32 s23, s8  }
0x50: {  	(v2sf) =	vpush v2, $0x7;
	[tilespmem:s7], [sflag:$0x1] =	stream.linear.gather [hbm4b:s8+s12], $0x80, $0x38;
	[tilespmem:$0x18A00] =	vst v63  }
0x51: {  	s31 =	simm.s32 $0x880;
	s28 =	sand.u32 $0x1FFFFFF0, s25;
	s5 =	sadd.s32 s13, s21  }
0x52: {  	(v2sf) =	vpush v0, $0x7;
	[tilespmem:s18], [sflag:$0x2] =	stream.linear.gather [hbm4b:s5+s12], $0x80, $0x38;
	[tilespmem:$0x18A00] =	vst v63  }
0x53: {  	s9 =	simm.s32 $0x10C80;
	s14 =	simm.s32 $0x10880;
	s29 =	spop (v2sf)  }
0x54: {  	s5 =	sadd.s32 s13, s28;
	s8 =	sand.u32 $0x1FFFFFF0, s29;
	s30 =	spop (v2sf)  }
0x55: {  	[tilespmem:s26], [sflag:$0x3] =	stream.linear.gather [hbm4b:s5+s12], $0x80, $0x38;
	[tilespmem:$0x18A00] =	vst v63  }
0x56: {  	(v2sf) =	vpush v63, $0x7;
	s18 =	simm.s32 $0x980;
	s4 =	sand.u32 $0x1FFFFFF0, s30;
	s8 =	sadd.s32 s23, s8  }
0x57: {  	[tilespmem:s31], [sflag:$0x1] =	stream.linear.gather [hbm4b:s8+s12], $0x80, $0x38;
	[tilespmem:$0x18A00] =	vst v63  }
0x58: {  	(v2sf) =	vpush v2, $0x8;
	s26 =	simm.s32 $0x10900;
	s5 =	sadd.s32 s13, s4;
	s8 =	spop (v2sf)  }
0x59: {  	s31 =	simm.s32 $0x10980;
	s3 =	sand.u32 $0x1FFFFFF0, s8;
	s16 =	spop (v2sf)  }
0x5a: {  	(v2sf) =	vpush v0, $0x8;
	[tilespmem:s24], [sflag:$0x2] =	stream.linear.gather [hbm4b:s5+s12], $0x80, $0x38;
	[tilespmem:$0x18A00] =	vst v63  }
0x5b: {  	s7 =	sand.u32 $0x1FFFFFF0, s16;
	s17 =	spop (v2sf);
	s3 =	sadd.s32 s13, s3  }
0x5c: {  	s24 =	simm.s32 $0x8900;
	s21 =	sand.u32 $0x1FFFFFF0, s17;
	s25 =	spop (v2sf)  }
0x5d: {  	(v2sf) =	vpush v63, $0x8;
	[tilespmem:s14], [sflag:$0x3] =	stream.linear.gather [hbm4b:s3+s12], $0x80, $0x38;
	[tilespmem:$0x18A00] =	vst v63  }
0x5e: {  	s7 =	sadd.s32 s23, s7;
	s5 =	sadd.s32 s13, s21;
	s28 =	sand.u32 $0x1FFFFFF0, s25  }
0x5f: {  	(v2sf) =	vpush v2, $0x9;
	s29 =	spop (v2sf);
	s14 =	simm.s32 $0x8A00;
	s21 =	simm.s32 $0xA00  }
0x60: {  	[tilespmem:s6], [sflag:$0x1] =	stream.linear.gather [hbm4b:s7+s12], $0x80, $0x38;
	[tilespmem:$0x18A00] =	vst v63  }
0x61: {  	(v2sf) =	vpush v0, $0x9;
	s30 =	spop (v2sf);
	s7 =	sand.u32 $0x1FFFFFF0, s29;
	s6 =	sadd.s32 s13, s28  }
0x62: {  	[tilespmem:s24], [sflag:$0x2] =	stream.linear.gather [hbm4b:s5+s12], $0x80, $0x38;
	[tilespmem:$0x18A00] =	vst v63  }
0x63: {  	s4 =	sand.u32 $0x1FFFFFF0, s30;
	s7 =	sadd.s32 s23, s7;
	s5 =	simm.s32 $0x8B00  }
0x64: {  	[tilespmem:s26], [sflag:$0x3] =	stream.linear.gather [hbm4b:s6+s12], $0x80, $0x38;
	[tilespmem:$0x18A00] =	vst v63  }
0x65: {  	(v2sf) =	vpush v63, $0x9;
	s6 =	sadd.s32 s13, s4;
	s26 =	simm.s32 $0x10A00;
	s8 =	spop (v2sf)  }
0x66: {  	[tilespmem:s18], [sflag:$0x1] =	stream.linear.gather [hbm4b:s7+s12], $0x80, $0x38;
	[tilespmem:$0x18A00] =	vst v63  }
0x67: {  	(v2sf) =	vpush v2, $0xA;
	s7 =	simm.s32 $0x8980;
	s16 =	sand.u32 $0x1FFFFFF0, s8;
	s17 =	spop (v2sf)  }
0x68: {  	(v2sf) =	vpush v0, $0xA;
	[tilespmem:s7], [sflag:$0x2] =	stream.linear.gather [hbm4b:s6+s12], $0x80, $0x38;
	[tilespmem:$0x18A00] =	vst v63  }
0x69: {  	s8 =	simm.s32 $0x8A80;
	s18 =	spop (v2sf);
	s7 =	sand.u32 $0x1FFFFFF0, s17  }
0x6a: {  	s6 =	sadd.s32 s13, s16;
	s24 =	sand.u32 $0x1FFFFFF0, s18;
	s16 =	simm.s32 $0x10A80  }
0x6b: {  	[tilespmem:s31], [sflag:$0x3] =	stream.linear.gather [hbm4b:s6+s12], $0x80, $0x38;
	[tilespmem:$0x18A00] =	vst v63  }
0x6c: {  	(v2sf) =	vpush v63, $0xA;
	s7 =	sadd.s32 s23, s7;
	s6 =	sadd.s32 s13, s24;
	s25 =	spop (v2sf)  }
0x6d: {  	[tilespmem:s21], [sflag:$0x1] =	stream.linear.gather [hbm4b:s7+s12], $0x80, $0x38;
	[tilespmem:$0x18A00] =	vst v63  }
0x6e: {  	s31 =	simm.s32 $0xA80;
	(v2sf) =	vpush v2, $0xB;
	s28 =	sand.u32 $0x1FFFFFF0, s25;
	s29 =	spop (v2sf)  }
0x6f: {  	(v2sf) =	vpush v0, $0xB;
	[tilespmem:s14], [sflag:$0x2] =	stream.linear.gather [hbm4b:s6+s12], $0x80, $0x38;
	[tilespmem:$0x18A00] =	vst v63  }
0x70: {  	s7 =	sand.u32 $0x1FFFFFF0, s29;
	s30 =	spop (v2sf);
	s6 =	sadd.s32 s13, s28  }
0x71: {  	(v2sf) =	vpush v63, $0xB;
	[tilespmem:s26], [sflag:$0x3] =	stream.linear.gather [hbm4b:s6+s12], $0x80, $0x38;
	[tilespmem:$0x18A00] =	vst v63  }
0x72: {  	s24 =	simm.s32 $0xB00;
	s4 =	sand.u32 $0x1FFFFFF0, s30;
	s7 =	sadd.s32 s23, s7  }
0x73: {  	(v2sf) =	vpush v2, $0xC;
	[tilespmem:s31], [sflag:$0x1] =	stream.linear.gather [hbm4b:s7+s12], $0x80, $0x38;
	[tilespmem:$0x18A00] =	vst v63  }
0x74: {  	s29 =	simm.s32 $0x10B80;
	s14 =	spop (v2sf);
	s6 =	sadd.s32 s13, s4  }
0x75: {  	(v2sf) =	vpush v0, $0xC;
	[tilespmem:s8], [sflag:$0x2] =	stream.linear.gather [hbm4b:s6+s12], $0x80, $0x38;
	[tilespmem:$0x18A00] =	vst v63  }
0x76: {  	s17 =	sand.u32 $0x1FFFFFF0, s14;
	s14 =	simm.s32 $0xB80;
	s18 =	spop (v2sf)  }
0x77: {  	s6 =	sadd.s32 s13, s17;
	(v2sf) =	vpush v63, $0xC;
	s7 =	sand.u32 $0x1FFFFFF0, s18;
	s21 =	spop (v2sf)  }
0x78: {  	[tilespmem:s16], [sflag:$0x3] =	stream.linear.gather [hbm4b:s6+s12], $0x80, $0x38;
	[tilespmem:$0x18A00] =	vst v63  }
0x79: {  	s26 =	simm.s32 $0x10B00;
	(v2sf) =	vpush v2, $0xD;
	s25 =	sand.u32 $0x1FFFFFF0, s21;
	s7 =	sadd.s32 s23, s7  }
0x7a: {  	[tilespmem:s24], [sflag:$0x1] =	stream.linear.gather [hbm4b:s7+s12], $0x80, $0x38;
	[tilespmem:$0x18A00] =	vst v63  }
0x7b: {  	s17 =	simm.s32 $0x8B80;
	s28 =	spop (v2sf);
	s6 =	sadd.s32 s13, s25  }
0x7c: {  	[tilespmem:s5], [sflag:$0x2] =	stream.linear.gather [hbm4b:s6+s12], $0x80, $0x38;
	[tilespmem:$0x18A00] =	vst v63  }
0x7d: {  	s30 =	sand.u32 $0x1FFFFFF0, s28;
	s25 =	simm.s32 $0xC00;
	s31 =	spop (v2sf);
	(v2sf) =	vpush v0, $0xD  }
0x7e: {  	s6 =	sadd.s32 s13, s30;
	s7 =	sand.u32 $0x1FFFFFF0, s31;
	s4 =	spop (v2sf);
	(v2sf) =	vpush v63, $0xD  }
0x7f: {  	[tilespmem:s26], [sflag:$0x3] =	stream.linear.gather [hbm4b:s6+s12], $0x80, $0x38;
	[tilespmem:$0x18A00] =	vst v63  }
0x80: {  	s16 =	spop (v2sf);
	s7 =	sadd.s32 s23, s7;
	s18 =	sand.u32 $0x1FFFFFF0, s4  }
0x81: {  	[tilespmem:s14], [sflag:$0x1] =	stream.linear.gather [hbm4b:s7+s12], $0x80, $0x38;
	[tilespmem:$0x18A00] =	vst v63  }
0x82: {  	s21 =	spop (v2sf);
	s6 =	sand.u32 $0x1FFFFFF0, s16;
	s7 =	sadd.s32 s13, s18  }
0x83: {  	[tilespmem:s17], [sflag:$0x2] =	stream.linear.gather [hbm4b:s7+s12], $0x80, $0x38;
	[tilespmem:$0x18A00] =	vst v63  }
0x84: {  	s8 =	sand.u32 $0x1FFFFFF0, s21;
	s24 =	spop (v2sf);
	s6 =	sadd.s32 s13, s6  }
0x85: {  	[tilespmem:s29], [sflag:$0x3] =	stream.linear.gather [hbm4b:s6+s12], $0x80, $0x38;
	[tilespmem:$0x18A00] =	vst v63  }
0x86: {  	s28 =	sadd.s32 s23, s8;
	s3 =	sand.u32 $0x1FFFFFF0, s24;
	s26 =	spop (v2sf)  }
0x87: {  	[tilespmem:s25], [sflag:$0x1] =	stream.linear.gather [hbm4b:s28+s12], $0x80, $0x38;
	[tilespmem:$0x18A00] =	vst v63  }
0x88: {  	(v2sf) =	vpush v2, $0xE;
	s3 =	sadd.s32 s13, s3;
	s5 =	sand.u32 $0x1FFFFFF0, s26;
	s29 =	spop (v2sf)  }
0x89: {  	(v2sf) =	vpush v0, $0xE;
	[tilespmem:s0], [sflag:$0x2] =	stream.linear.gather [hbm4b:s3+s12], $0x80, $0x38;
	[tilespmem:$0x18A00] =	vst v63  }
0x8a: {  	s4 =	simm.s32 $0x8D00;
	(v2sf) =	vpush v63, $0xE;
	s30 =	sand.u32 $0x1FFFFFF0, s29;
	s31 =	sadd.s32 s13, s5  }
0x8b: {  	(v2sf) =	vpush v2, $0xF;
	[tilespmem:s1], [sflag:$0x3] =	stream.linear.gather [hbm4b:s31+s12], $0x80, $0x38;
	[tilespmem:$0x18A00] =	vst v63  }
0x8c: {  	s8 =	simm.s32 $0x0;
	(v2sf) =	vpush v0, $0xF;
	s3 =	sadd.s32 s23, s30;
	s0 =	spop (v2sf)  }
0x8d: {  	(v2sf) =	vpush v63, $0xF;
	s12 =	simm.s32 $0x10D00;
	s1 =	simm.s32 $0x8C80;
	s5 =	spop (v2sf)  }
.LBB2_2:
0x8e: {  	_ =	sdelay $0x2  }
0x8f: {  	s6 =	sand.u32 $0x1FFFFFF0, s0  }
0x90: {  	[tilespmem:s10], [sflag:$0x1] =	stream.linear.gather [hbm4b:s3+s8], $0x80, $0x38;
	[tilespmem:$0x18A00] =	vst v63  }
0x91: {  	s5 =	sand.u32 $0x1FFFFFF0, s5;
	s30 =	sadd.s32 s13, s6  }
0x92: {  	[tilespmem:s1], [sflag:$0x2] =	stream.linear.gather [hbm4b:s30+s8], $0x80, $0x38;
	[tilespmem:$0x18A00] =	vst v63  }
0x93: {  	s14 =	sadd.s32 s13, s5  }
0x94: {  	[tilespmem:s9], [sflag:$0x3] =	stream.linear.gather [hbm4b:s14+s8], $0x80, $0x38;
	[tilespmem:$0x18A00] =	vst v63  }
0x95: {  	s7 =	spop (v2sf)  }
0x96: {  	s0 =	smov.u32 s20;
	s10 =	spop (v2sf)  }
0x97: {  	s9 =	sadd.s32 $0x10D80, s19;
	s31 =	sand.u32 $0x1FFFFFF0, s7;
	s16 =	sand.u32 $0x1FFFFFF0, s10  }
0x98: {  	s17 =	spop (v2sf);
	s18 =	sadd.s32 s23, s31;
	s31 =	sadd.s32 $0xD80, s19  }
0x99: {  	[tilespmem:s11], [sflag:$0x1] =	stream.linear.gather [hbm4b:s18+s8], $0x80, $0x38;
	[tilespmem:$0x18A00] =	vst v63  }
0x9a: {  	s5 =	sand.u32 $0x1FFFFFF0, s17;
	s21 =	spop (v2sf);
	s24 =	sadd.s32 s13, s16  }
0x9b: {  	s25 =	sand.u32 $0x1FFFFFF0, s21;
	s26 =	spop (v2sf);
	s28 =	sadd.s32 s13, s5  }
0x9c: {  	[tilespmem:s4], [sflag:$0x2] =	stream.linear.gather [hbm4b:s24+s8], $0x80, $0x38;
	[tilespmem:$0x18A00] =	vst v63  }
0x9d: {  	s29 =	sand.u32 $0x1FFFFFF0, s26;
	s4 =	sadd.s32 $0x8D80, s19;
	s19 =	sshra.s32 s0, $0x2  }
0x9e: {  	s30 =	spop (v2sf);
	s3 =	sadd.s32 s23, s25;
	s0 =	sadd.s32 $0x8C00, s19  }
0x9f: {  	[tilespmem:s12], [sflag:$0x3] =	stream.linear.gather [hbm4b:s28+s8], $0x80, $0x38;
	[tilespmem:$0x18A00] =	vst v63  }
0xa0: {  	s6 =	sand.u32 $0x1FFFFFF0, s30;
	s11 =	sadd.s32 $0xD00, s19;
	[dreg:$0xb] =	wrdreg s0  }
0xa1: {  	[tilespmem:s31], [sflag:$0x1] =	stream.linear.gather [hbm4b:s3+s8], $0x80, $0x38;
	[tilespmem:$0x18A00] =	vst v63  }
0xa2: {  	s7 =	sadd.s32 s13, s29;
	s14 =	sadd.s32 $0x900, s19;
	[smem:$0x7EB] =	sst s11  }
0xa3: {  	[tilespmem:s4], [sflag:$0x2] =	stream.linear.gather [hbm4b:s7+s8], $0x80, $0x38;
	[tilespmem:$0x18A00] =	vst v63  }
0xa4: {  	s16 =	sadd.s32 $0xC80, s19;
	s10 =	sadd.s32 s13, s6;
	[smem:$0x7EE] =	sst s14  }
0xa5: {  	[tilespmem:s9], [sflag:$0x3] =	stream.linear.gather [hbm4b:s10+s8], $0x80, $0x38;
	[tilespmem:$0x18A00] =	vst v63  }
0xa6: {  	s17 =	sadd.s32 $0x8800, s19;
	[smem:$0x7ED] =	sst s16;
	v0 =	vld [tilespmem:s2+$0x0]  }
0xa7: {  	p0 =	sne.s32 s20, $0xE000;
	s18 =	sadd.s32 $0x8880, s19;
	[smem:$0x7E9] =	sst s17;
	v1 =	vld [tilespmem:s15+$0x0]  }
0xa8: {  	s20 =	sadd.s32 $0x2000, s20;
	s29 =	sadd.s32 $0x980, s19;
	[smem:$0x7EC] =	sst s18  }
0xa9: {  	s21 =	simm.s32 $0x0;
	s30 =	sadd.s32 $0x8900, s19;
	[smem:$0x7F1] =	sst s29;
	v3 =	vld [tilespmem:s22+$0x0]  }
0xaa: {  	s26 =	sadd.s32 $0x700, s19;
	s12 =	sadd.s32 $0x10C00, s19;
	[smem:$0x7EF] =	sst s30  }
0xab: {  	s1 =	sadd.s32 $0x600, s19;
	s28 =	sadd.s32 $0x10C80, s19;
	[dreg:$0xc] =	wrdreg s12;
	v0 =	vshll.u32 v0, $0x4  }
0xac: {  	s25 =	sadd.s32 $0x10780, s19;
	s11 =	sadd.s32 $0x8A80, s19;
	[smem:$0x7EA] =	sst s28;
	v2 =	vshll.u32 v1, $0x4;
	(v2sf) =	vpush v0, $0x0  }
0xad: {  	s23 =	sadd.s32 $0x8600, s19;
	s17 =	sadd.s32 $0x10A80, s19;
	[dreg:$0x1e] =	wrdreg s11;
	(v2sf) =	vpush v2, $0x0  }
0xae: {  	s24 =	sadd.s32 $0x800, s19;
	s18 =	sadd.s32 $0xA80, s19;
	[dreg:$0x1a] =	wrdreg s17;
	v63 =	vshll.u32 v3, $0x4  }
0xaf: {  	s5 =	sadd.s32 $0x8D00, s19;
	s29 =	sadd.s32 $0x10B00, s19;
	[smem:$0x7F6] =	sst s18;
	(v2sf) =	vpush v63, $0x0  }
0xb0: {  	s14 =	sadd.s32 $0x680, s19;
	s30 =	sadd.s32 $0x10B80, s19;
	[dreg:$0x18] =	wrdreg s29;
	(v2sf) =	vpush v2, $0x1  }
0xb1: {  	s6 =	sadd.s32 $0x10D00, s19;
	s28 =	sadd.s32 $0xB00, s19;
	[dreg:$0x11] =	wrdreg s30  }
0xb2: {  	s16 =	sadd.s32 $0x8680, s19;
	s18 =	sadd.s32 $0xA00, s19;
	[dreg:$0x19] =	wrdreg s28;
	(v2sf) =	vpush v0, $0x1  }
0xb3: {  	s0 =	sadd.s32 $0x10700, s19;
	s31 =	sadd.s32 $0x10980, s19;
	[smem:$0x7F4] =	sst s18  }
0xb4: {  	s12 =	sadd.s32 $0x780, s19;
	s3 =	sadd.s32 $0x10900, s19;
	[smem:$0x7F3] =	sst s31;
	(v2sf) =	vpush v63, $0x1  }
0xb5: {  	s17 =	sadd.s32 $0x10600, s19;
	s11 =	sadd.s32 $0x880, s19;
	[smem:$0x7F0] =	sst s3  }
0xb6: {  	s31 =	sadd.s32 $0x8980, s19;
	s4 =	sadd.s32 $0x10680, s19;
	s7 =	sadd.s32 $0x10800, s19;
	(v2sf) =	vpush v2, $0x2  }
0xb7: {  	[smem:$0x7F2] =	sst s31;
	s9 =	sadd.s32 $0x8780, s19;
	s8 =	sadd.s32 $0x8A00, s19;
	(v2sf) =	vpush v0, $0x2  }
0xb8: {  	s10 =	sadd.s32 $0x8B00, s19;
	s22 =	sadd.s32 $0x10, s22;
	[smem:$0x7F5] =	sst s8  }
0xb9: {  	s15 =	sadd.s32 $0x10, s15;
	[dreg:$0x14] =	wrdreg s10;
	s8 =	sadd.s32 $0xB80, s19;
	(v2sf) =	vpush v63, $0x2  }
0xba: {  	s2 =	sadd.s32 $0x10, s2;
	s10 =	sadd.s32 $0x8B80, s19;
	[dreg:$0x17] =	wrdreg s8  }
0xbb: {  	s3 =	smov.u32 s2;
	s2 =	smov.u32 s15;
	s30 =	spop (v2sf)  }
0xbc: {  	s15 =	sadd.s32 $0x8700, s19;
	[dreg:$0x15] =	wrdreg s10;
	(v2sf) =	vpush v2, $0x3;
	s28 =	spop (v2sf)  }
0xbd: {  	s10 =	sadd.s32 $0x10880, s19;
	s8 =	sand.u32 $0x1FFFFFF0, s28;
	s28 =	rddreg [dreg:$0xa]  }
0xbe: {  	(v2sf) =	vpush v0, $0x3;
	s30 =	sand.u32 $0x1FFFFFF0, s30;
	s18 =	spop (v2sf);
	s8 =	sadd.s32 s28, s8  }
0xbf: {  	s28 =	sand.u32 $0x1FFFFFF0, s18;
	s29 =	spop (v2sf);
	s18 =	sadd.s32 $0x10A00, s19  }
0xc0: {  	(v2sf) =	vpush v63, $0x3;
	[tilespmem:s1], [sflag:$0x1] =	stream.linear.gather [hbm4b:s8+s21], $0x80, $0x38;
	[tilespmem:$0x18A00] =	vst v63  }
0xc1: {  	s29 =	sand.u32 $0x1FFFFFF0, s29;
	s31 =	spop (v2sf);
	s1 =	sadd.s32 s13, s30  }
0xc2: {  	[tilespmem:s23], [sflag:$0x2] =	stream.linear.gather [hbm4b:s1+s21], $0x80, $0x38;
	[tilespmem:$0x18A00] =	vst v63  }
0xc3: {  	(v2sf) =	vpush v2, $0x4;
	s8 =	sand.u32 $0x1FFFFFF0, s31;
	s31 =	spop (v2sf);
	s1 =	sadd.s32 s13, s28  }
0xc4: {  	[tilespmem:s17], [sflag:$0x3] =	stream.linear.gather [hbm4b:s1+s21], $0x80, $0x38;
	[tilespmem:$0x18A00] =	vst v63  }
0xc5: {  	(v2sf) =	vpush v0, $0x4;
	s23 =	sand.u32 $0x1FFFFFF0, s31;
	s31 =	spop (v2sf);
	s17 =	rddreg [dreg:$0xa]  }
0xc6: {  	(v2sf) =	vpush v63, $0x4;
	s30 =	sadd.s32 s13, s8;
	s1 =	sadd.s32 s17, s29;
	s29 =	spop (v2sf)  }
0xc7: {  	[tilespmem:s14], [sflag:$0x1] =	stream.linear.gather [hbm4b:s1+s21], $0x80, $0x38;
	[tilespmem:$0x18A00] =	vst v63  }
0xc8: {  	s23 =	sadd.s32 s13, s23;
	s17 =	sand.u32 $0x1FFFFFF0, s31;
	s31 =	spop (v2sf)  }
0xc9: {  	s8 =	sand.u32 $0x1FFFFFF0, s29;
	s29 =	rddreg [dreg:$0xa];
	s14 =	sand.u32 $0x1FFFFFF0, s31  }
0xca: {  	(v2sf) =	vpush v2, $0x5;
	[tilespmem:s16], [sflag:$0x2] =	stream.linear.gather [hbm4b:s30+s21], $0x80, $0x38;
	[tilespmem:$0x18A00] =	vst v63  }
0xcb: {  	(v2sf) =	vpush v0, $0x5;
	s28 =	spop (v2sf);
	s1 =	sadd.s32 s29, s17;
	s17 =	sadd.s32 s13, s8  }
0xcc: {  	[tilespmem:s4], [sflag:$0x3] =	stream.linear.gather [hbm4b:s23+s21], $0x80, $0x38;
	[tilespmem:$0x18A00] =	vst v63  }
0xcd: {  	(v2sf) =	vpush v63, $0x5;
	s8 =	simm.s32 $0x0;
	s30 =	sand.u32 $0x1FFFFFF0, s28;
	s31 =	spop (v2sf)  }
0xce: {  	[tilespmem:s26], [sflag:$0x1] =	stream.linear.gather [hbm4b:s1+s21], $0x80, $0x38;
	[tilespmem:$0x18A00] =	vst v63  }
0xcf: {  	s28 =	rddreg [dreg:$0xa];
	s23 =	sand.u32 $0x1FFFFFF0, s31;
	s31 =	spop (v2sf)  }
0xd0: {  	[tilespmem:s15], [sflag:$0x2] =	stream.linear.gather [hbm4b:s17+s21], $0x80, $0x38;
	[tilespmem:$0x18A00] =	vst v63  }
0xd1: {  	s4 =	smov.u32 s5;
	(v2sf) =	vpush v2, $0x6;
	s15 =	sadd.s32 s13, s14;
	s17 =	sand.u32 $0x1FFFFFF0, s31  }
0xd2: {  	s26 =	spop (v2sf);
	s31 =	sadd.s32 s13, s23;
	s23 =	rddreg [dreg:$0xa]  }
0xd3: {  	(v2sf) =	vpush v0, $0x6;
	[tilespmem:s0], [sflag:$0x3] =	stream.linear.gather [hbm4b:s15+s21], $0x80, $0x38;
	[tilespmem:$0x18A00] =	vst v63  }
0xd4: {  	s0 =	sadd.s32 s28, s30;
	s29 =	sand.u32 $0x1FFFFFF0, s26;
	s30 =	spop (v2sf)  }
0xd5: {  	(v2sf) =	vpush v63, $0x6;
	s15 =	smov.u32 s2;
	s2 =	smov.u32 s3;
	s5 =	spop (v2sf)  }
0xd6: {  	(v2sf) =	vpush v2, $0x7;
	[tilespmem:s12], [sflag:$0x1] =	stream.linear.gather [hbm4b:s0+s21], $0x80, $0x38;
	[tilespmem:$0x18A00] =	vst v63  }
0xd7: {  	s14 =	sadd.s32 s13, s17;
	s3 =	sand.u32 $0x1FFFFFF0, s30;
	s16 =	sand.u32 $0x1FFFFFF0, s5  }
0xd8: {  	[tilespmem:s9], [sflag:$0x2] =	stream.linear.gather [hbm4b:s31+s21], $0x80, $0x38;
	[tilespmem:$0x18A00] =	vst v63  }
0xd9: {  	(v2sf) =	vpush v0, $0x7;
	s12 =	smov.u32 s6;
	s6 =	sld [smem:$0x7E9];
	s17 =	spop (v2sf)  }
0xda: {  	s9 =	sld [smem:$0x7EA];
	s26 =	sand.u32 $0x1FFFFFF0, s17;
	s28 =	spop (v2sf)  }
0xdb: {  	(v2sf) =	vpush v63, $0x7;
	[tilespmem:s25], [sflag:$0x3] =	stream.linear.gather [hbm4b:s14+s21], $0x80, $0x38;
	[tilespmem:$0x18A00] =	vst v63  }
0xdc: {  	s25 =	sadd.s32 s23, s29;
	s29 =	sadd.s32 s13, s3;
	s31 =	spop (v2sf)  }
0xdd: {  	[tilespmem:s24], [sflag:$0x1] =	stream.linear.gather [hbm4b:s25+s21], $0x80, $0x38;
	[tilespmem:$0x18A00] =	vst v63  }
0xde: {  	(v2sf) =	vpush v2, $0x8;
	s30 =	sand.u32 $0x1FFFFFF0, s28;
	s14 =	sadd.s32 s13, s16;
	s16 =	sand.u32 $0x1FFFFFF0, s31  }
0xdf: {  	[tilespmem:s6], [sflag:$0x2] =	stream.linear.gather [hbm4b:s29+s21], $0x80, $0x38;
	[tilespmem:$0x18A00] =	vst v63  }
0xe0: {  	(v2sf) =	vpush v0, $0x8;
	s28 =	sadd.s32 s13, s30;
	s31 =	sld [smem:$0x7EC];
	s17 =	spop (v2sf)  }
0xe1: {  	[tilespmem:s7], [sflag:$0x3] =	stream.linear.gather [hbm4b:s14+s21], $0x80, $0x38;
	[tilespmem:$0x18A00] =	vst v63  }
0xe2: {  	s24 =	sadd.s32 s23, s26;
	s25 =	sand.u32 $0x1FFFFFF0, s17;
	s26 =	spop (v2sf)  }
0xe3: {  	[tilespmem:s11], [sflag:$0x1] =	stream.linear.gather [hbm4b:s24+s8], $0x80, $0x38;
	[tilespmem:$0x18A00] =	vst v63  }
0xe4: {  	(v2sf) =	vpush v63, $0x8;
	s14 =	sadd.s32 s13, s16;
	s21 =	sadd.s32 s23, s25;
	s30 =	spop (v2sf)  }
0xe5: {  	s11 =	sld [smem:$0x7EB];
	s29 =	sand.u32 $0x1FFFFFF0, s26;
	s17 =	spop (v2sf)  }
0xe6: {  	(v2sf) =	vpush v2, $0x9;
	[tilespmem:s31], [sflag:$0x2] =	stream.linear.gather [hbm4b:s28+s8], $0x80, $0x38;
	[tilespmem:$0x18A00] =	vst v63  }
0xe7: {  	(v2sf) =	vpush v0, $0x9;
	s26 =	sld [smem:$0x7EE];
	s16 =	sand.u32 $0x1FFFFFF0, s30;
	s24 =	sand.u32 $0x1FFFFFF0, s17  }
0xe8: {  	s25 =	spop (v2sf);
	s28 =	sadd.s32 s13, s29;
	s31 =	sld [smem:$0x7EF]  }
0xe9: {  	(v2sf) =	vpush v63, $0x9;
	[tilespmem:s10], [sflag:$0x3] =	stream.linear.gather [hbm4b:s14+s8], $0x80, $0x38;
	[tilespmem:$0x18A00] =	vst v63  }
0xea: {  	(v2sf) =	vpush v2, $0xA;
	s7 =	sadd.s32 s13, s16;
	s17 =	sld [smem:$0x7F0];
	s30 =	spop (v2sf)  }
0xeb: {  	[tilespmem:s26], [sflag:$0x1] =	stream.linear.gather [hbm4b:s21+s8], $0x80, $0x38;
	[tilespmem:$0x18A00] =	vst v63  }
0xec: {  	s29 =	sand.u32 $0x1FFFFFF0, s25;
	s10 =	sld [smem:$0x7ED];
	s14 =	sand.u32 $0x1FFFFFF0, s30  }
0xed: {  	s16 =	spop (v2sf);
	s21 =	sadd.s32 s23, s24;
	s26 =	sld [smem:$0x7F1]  }
0xee: {  	(v2sf) =	vpush v0, $0xA;
	[tilespmem:s31], [sflag:$0x2] =	stream.linear.gather [hbm4b:s28+s8], $0x80, $0x38;
	[tilespmem:$0x18A00] =	vst v63  }
0xef: {  	(v2sf) =	vpush v63, $0xA;
	s24 =	sand.u32 $0x1FFFFFF0, s16;
	s25 =	spop (v2sf);
	s14 =	sadd.s32 s13, s14  }
0xf0: {  	[tilespmem:s17], [sflag:$0x3] =	stream.linear.gather [hbm4b:s7+s8], $0x80, $0x38;
	[tilespmem:$0x18A00] =	vst v63  }
0xf1: {  	(v2sf) =	vpush v2, $0xB;
	s28 =	sadd.s32 s13, s29;
	s29 =	sand.u32 $0x1FFFFFF0, s25;
	s31 =	sld [smem:$0x7F2]  }
0xf2: {  	[tilespmem:s26], [sflag:$0x1] =	stream.linear.gather [hbm4b:s21+s8], $0x80, $0x38;
	[tilespmem:$0x18A00] =	vst v63  }
0xf3: {  	s24 =	sadd.s32 s23, s24;
	s30 =	spop (v2sf);
	s21 =	sld [smem:$0x7F3]  }
0xf4: {  	[tilespmem:s31], [sflag:$0x2] =	stream.linear.gather [hbm4b:s28+s8], $0x80, $0x38;
	[tilespmem:$0x18A00] =	vst v63  }
0xf5: {  	s29 =	sadd.s32 s13, s29;
	(v2sf) =	vpush v0, $0xB;
	s16 =	sand.u32 $0x1FFFFFF0, s30;
	s17 =	spop (v2sf)  }
0xf6: {  	s28 =	sld [smem:$0x7F4];
	s16 =	sadd.s32 s13, s16;
	s26 =	spop (v2sf)  }
0xf7: {  	(v2sf) =	vpush v63, $0xB;
	[tilespmem:s21], [sflag:$0x3] =	stream.linear.gather [hbm4b:s14+s8], $0x80, $0x38;
	[tilespmem:$0x18A00] =	vst v63  }
0xf8: {  	s25 =	sand.u32 $0x1FFFFFF0, s17;
	s30 =	sand.u32 $0x1FFFFFF0, s26;
	s31 =	spop (v2sf)  }
0xf9: {  	(v2sf) =	vpush v2, $0xC;
	s14 =	sld [smem:$0x7F5];
	s17 =	sand.u32 $0x1FFFFFF0, s31;
	s21 =	spop (v2sf)  }
0xfa: {  	[tilespmem:s28], [sflag:$0x1] =	stream.linear.gather [hbm4b:s24+s8], $0x80, $0x38;
	[tilespmem:$0x18A00] =	vst v63  }
0xfb: {  	s24 =	sadd.s32 s23, s25;
	s25 =	sand.u32 $0x1FFFFFF0, s21;
	s28 =	sld [smem:$0x7F6]  }
0xfc: {  	[tilespmem:s14], [sflag:$0x2] =	stream.linear.gather [hbm4b:s29+s8], $0x80, $0x38;
	[tilespmem:$0x18A00] =	vst v63  }
0xfd: {  	(v2sf) =	vpush v0, $0xC;
	s21 =	rddreg [dreg:$0x1a];
	s26 =	spop (v2sf);
	s29 =	sadd.s32 s13, s30  }
0xfe: {  	s14 =	rddreg [dreg:$0x1e];
	s30 =	sand.u32 $0x1FFFFFF0, s26;
	s31 =	spop (v2sf)  }
0xff: {  	(v2sf) =	vpush v63, $0xC;
	[tilespmem:s18], [sflag:$0x3] =	stream.linear.gather [hbm4b:s16+s8], $0x80, $0x38;
	[tilespmem:$0x18A00] =	vst v63  }
0x100: {  	s16 =	sadd.s32 s13, s17;
	s17 =	sand.u32 $0x1FFFFFF0, s31;
	s18 =	spop (v2sf)  }
0x101: {  	[tilespmem:s28], [sflag:$0x1] =	stream.linear.gather [hbm4b:s24+s8], $0x80, $0x38;
	[tilespmem:$0x18A00] =	vst v63  }
0x102: {  	s24 =	sadd.s32 s23, s25;
	s25 =	sand.u32 $0x1FFFFFF0, s18;
	s28 =	rddreg [dreg:$0x19]  }
0x103: {  	(v2sf) =	vpush v2, $0xD;
	[tilespmem:s14], [sflag:$0x2] =	stream.linear.gather [hbm4b:s29+s8], $0x80, $0x38;
	[tilespmem:$0x18A00] =	vst v63  }
0x104: {  	s29 =	sadd.s32 s13, s30;
	s14 =	rddreg [dreg:$0x14];
	s26 =	spop (v2sf)  }
0x105: {  	[tilespmem:s21], [sflag:$0x3] =	stream.linear.gather [hbm4b:s16+s8], $0x80, $0x38;
	[tilespmem:$0x18A00] =	vst v63  }
0x106: {  	(v2sf) =	vpush v0, $0xD;
	s30 =	sand.u32 $0x1FFFFFF0, s26;
	s16 =	sadd.s32 s13, s17;
	s31 =	spop (v2sf)  }
0x107: {  	[tilespmem:s28], [sflag:$0x1] =	stream.linear.gather [hbm4b:s24+s8], $0x80, $0x38;
	[tilespmem:$0x18A00] =	vst v63  }
0x108: {  	(v2sf) =	vpush v63, $0xD;
	s21 =	rddreg [dreg:$0x18];
	s17 =	sand.u32 $0x1FFFFFF0, s31;
	s18 =	spop (v2sf)  }
0x109: {  	[tilespmem:s14], [sflag:$0x2] =	stream.linear.gather [hbm4b:s29+s8], $0x80, $0x38;
	[tilespmem:$0x18A00] =	vst v63  }
0x10a: {  	s24 =	sadd.s32 s23, s25;
	s28 =	rddreg [dreg:$0x17];
	s25 =	sand.u32 $0x1FFFFFF0, s18  }
0x10b: {  	[tilespmem:s21], [sflag:$0x3] =	stream.linear.gather [hbm4b:s16+s8], $0x80, $0x38;
	[tilespmem:$0x18A00] =	vst v63  }
0x10c: {  	s26 =	spop (v2sf);
	s17 =	sadd.s32 s13, s17;
	s29 =	sadd.s32 s13, s30  }
0x10d: {  	[tilespmem:s28], [sflag:$0x1] =	stream.linear.gather [hbm4b:s24+s8], $0x80, $0x38;
	[tilespmem:$0x18A00] =	vst v63  }
0x10e: {  	s30 =	sadd.s32 $0xC00, s19;
	s31 =	spop (v2sf);
	s14 =	rddreg [dreg:$0x15]  }
0x10f: {  	[tilespmem:s14], [sflag:$0x2] =	stream.linear.gather [hbm4b:s29+s8], $0x80, $0x38;
	[tilespmem:$0x18A00] =	vst v63  }
0x110: {  	s25 =	sadd.s32 s23, s25;
	s26 =	sand.u32 $0x1FFFFFF0, s26;
	s24 =	rddreg [dreg:$0x11]  }
0x111: {  	[tilespmem:s24], [sflag:$0x3] =	stream.linear.gather [hbm4b:s17+s8], $0x80, $0x38;
	[tilespmem:$0x18A00] =	vst v63  }
0x112: {  	s18 =	sand.u32 $0x1FFFFFF0, s31;
	s1 =	sadd.s32 s13, s26;
	s21 =	spop (v2sf)  }
0x113: {  	(v2sf) =	vpush v2, $0xE;
	[tilespmem:s30], [sflag:$0x1] =	stream.linear.gather [hbm4b:s25+s8], $0x80, $0x38;
	[tilespmem:$0x18A00] =	vst v63  }
.Ltmp0:
0x114: {  	(v2sf) =	vpush v0, $0xE;
	s31 =	rddreg [dreg:$0xc];
	s28 =	sand.u32 $0x1FFFFFF0, s21;
	(pc) =	sbr.rel @p0 .LBB2_2-.Ltmp0, $4  }
0x115: {  	(v2sf) =	vpush v63, $0xE;
	s3 =	sadd.s32 s23, s28;
	s0 =	spop (v2sf);
	s29 =	rddreg [dreg:$0xb]  }
0x116: {  	(v2sf) =	vpush v2, $0xF;
	[tilespmem:s29], [sflag:$0x2] =	stream.linear.gather [hbm4b:s1+s8], $0x80, $0x38;
	[tilespmem:$0x18A00] =	vst v63  }
0x117: {  	(v2sf) =	vpush v0, $0xF;
	s30 =	sadd.s32 s13, s18;
	s5 =	spop (v2sf);
	s1 =	sadd.s32 $0x8C80, s19  }
0x118: {  	(v2sf) =	vpush v63, $0xF;
	[tilespmem:s31], [sflag:$0x3] =	stream.linear.gather [hbm4b:s30+s8], $0x80, $0x38;
	[tilespmem:$0x18A00] =	vst v63  }
0x119: {  	_ =	sdelay $0x2  }
0x11a: {  	[tilespmem:s10], [sflag:$0x1] =	stream.linear.gather [hbm4b:s3+s8], $0x80, $0x38;
	[tilespmem:$0x18A00] =	vst v63  }
0x11b: {  	s0 =	sand.u32 $0x1FFFFFF0, s0;
	s15 =	sand.u32 $0x1FFFFFF0, s5;
	s29 =	sadd.s32 $0xD80, s19  }
0x11c: {  	s30 =	sadd.s32 $0x8D80, s19;
	s31 =	sadd.s32 $0x10D80, s19;
	s0 =	sadd.s32 s13, s0  }
0x11d: {  	[tilespmem:s1], [sflag:$0x2] =	stream.linear.gather [hbm4b:s0+s8], $0x80, $0x38;
	[tilespmem:$0x18A00] =	vst v63  }
0x11e: {  	p0 =	por $0x1, $0x1;
	s14 =	simm.s32 $0x80;
	s18 =	sadd.s32 s13, s15  }
0x11f: {  	[tilespmem:s9], [sflag:$0x3] =	stream.linear.gather [hbm4b:s18+s8], $0x80, $0x38;
	[tilespmem:$0x18A00] =	vst v63  }
0x120: {  	s3 =	simm.s32 $0x480;
	s5 =	simm.s32 $0x18800;
	s2 =	spop (v2sf)  }
0x121: {  	p1 =	por $0x0, $0x0;
	s16 =	spop (v2sf);
	s17 =	sand.u32 $0x1FFFFFF0, s2  }
0x122: {  	s20 =	spop (v2sf);
	s21 =	sand.u32 $0x1FFFFFF0, s16;
	s0 =	sadd.s32 s23, s17  }
0x123: {  	[tilespmem:s11], [sflag:$0x1] =	stream.linear.gather [hbm4b:s0+s8], $0x80, $0x38;
	[tilespmem:$0x18A00] =	vst v63  }
0x124: {  	s22 =	spop (v2sf);
	s24 =	sand.u32 $0x1FFFFFF0, s20;
	s1 =	sadd.s32 s13, s21  }
0x125: {  	[tilespmem:s4], [sflag:$0x2] =	stream.linear.gather [hbm4b:s1+s8], $0x80, $0x38;
	[tilespmem:$0x18A00] =	vst v63  }
0x126: {  	s25 =	spop (v2sf);
	s26 =	sand.u32 $0x1FFFFFF0, s22;
	s0 =	sadd.s32 s13, s24  }
0x127: {  	[tilespmem:s12], [sflag:$0x3] =	stream.linear.gather [hbm4b:s0+s8], $0x80, $0x38;
	[tilespmem:$0x18A00] =	vst v63  }
0x128: {  	s2 =	sand.u32 $0x1FFFFFF0, s25;
	s28 =	spop (v2sf);
	s1 =	sadd.s32 s23, s26  }
0x129: {  	[tilespmem:s29], [sflag:$0x1] =	stream.linear.gather [hbm4b:s1+s8], $0x80, $0x38;
	[tilespmem:$0x18A00] =	vst v63  }
0x12a: {  	s15 =	simm.s32 $0x280;
	s2 =	sadd.s32 s13, s2;
	s0 =	sand.u32 $0x1FFFFFF0, s28  }
0x12b: {  	[tilespmem:s30], [sflag:$0x2] =	stream.linear.gather [hbm4b:s2+s8], $0x80, $0x38;
	[tilespmem:$0x18A00] =	vst v63  }
0x12c: {  	s12 =	simm.s32 $0x0;
	s0 =	sadd.s32 s13, s0;
	s2 =	simm.s32 $0x18600  }
0x12d: {  	[tilespmem:s31], [sflag:$0x3] =	stream.linear.gather [hbm4b:s0+s8], $0x80, $0x38;
	[tilespmem:$0x18A00] =	vst v63  }
.LBB2_4:
0x12e: {  	s0 =	simm.s32 $0x1  }
0x12f: {  	_ =	swait.ge [sflag:s0], $0x4000  }
0x130: {  	[sflag:s0] =	ssyncset.done $0x0  }
0x131: {  	s30 =	simm.s32 $0x2;
	[sflag:s0] =	ssyncadd.s32 $0xFFFFC000  }
0x132: {  	p2 =	seq.s32 s8, $0x3;
	_ =	swait.ge [sflag:s30], $0x4000  }
.Ltmp1:
0x133: {  	[sflag:s30] =	ssyncset.done $0x0;
	(pc) =	sbr.rel @p2 .LBB2_8-.Ltmp1, $4  }
0x134: {  	s31 =	simm.s32 $0x3;
	[sflag:s30] =	ssyncadd.s32 $0xFFFFC000  }
0x135: {  	_ =	swait.ge [sflag:s31], $0x4000  }
0x136: {  	[sflag:s31] =	ssyncset.done $0x0  }
0x137: {  	[sflag:s31] =	ssyncadd.s32 $0xFFFFC000  }
0x138: {  	v0 =	vld [tilespmem:s14+$0x0]  }
0x139: {  	v1 =	vld [tilespmem:s15+$0x0]  }
0x13a: {  	v3 =	vld [tilespmem:s3+$0x0];
	_ =	sdelay $0x2  }
0x13b: {  	v2 =	vshll.u32 v0, $0x4  }
0x13c: {  	[smem:$0x7E3] =	sst s5;
	v62 =	vshll.u32 v1, $0x4;
	(v2sf) =	vpush v2, $0x0  }
0x13d: {  	[smem:$0x7E4] =	sst s2;
	v63 =	vshll.u32 v3, $0x4;
	(v2sf) =	vpush v62, $0x0  }
0x13e: {  	[smem:$0x7E5] =	sst s8;
	s0 =	simm.s32 $0x1;
	(v2sf) =	vpush v63, $0x0  }
0x13f: {  	[smem:$0x7E6] =	sst s3;
	s0 =	simm.s32 @!p0 $0x0  }
0x140: {  	[smem:$0x7E7] =	sst s15;
	s0 =	sshll.u32 s0, $0xE;
	(v2sf) =	vpush v2, $0x1  }
0x141: {  	[smem:$0x7E8] =	sst s14;
	s1 =	sor.u32 $0x8600, s0;
	(v2sf) =	vpush v62, $0x1  }
0x142: {  	s10 =	sor.u32 $0x600, s0;
	[dreg:$0x8] =	wrdreg s1  }
0x143: {  	s0 =	sor.u32 $0x10600, s0;
	[dreg:$0x7] =	wrdreg s10;
	(v2sf) =	vpush v63, $0x1  }
0x144: {  	[dreg:$0x9] =	wrdreg s0  }
0x145: {  	s1 =	rddreg [dreg:$0x7]  }
0x146: {  	s11 =	rddreg [dreg:$0x8];
	(v2sf) =	vpush v2, $0x2  }
0x147: {  	s17 =	simm.s32 $0x2000;
	s16 =	sadd.s32 $0x10, s3;
	s10 =	rddreg [dreg:$0x9]  }
0x148: {  	s1 =	sadd.s32 $0x0, s1;
	s26 =	sadd.s32 $0x0, s11;
	s28 =	sadd.s32 $0x0, s10;
	(v2sf) =	vpush v62, $0x2  }
0x149: {  	s7 =	sadd.s32 $0x580, s1;
	s21 =	sadd.s32 $0x680, s1;
	s5 =	sadd.s32 $0x480, s1  }
0x14a: {  	s6 =	sadd.s32 $0x500, s26;
	s2 =	sadd.s32 $0x600, s26;
	s0 =	sadd.s32 $0x380, s26;
	(v2sf) =	vpush v63, $0x2  }
0x14b: {  	s8 =	sadd.s32 $0x480, s26;
	s24 =	sadd.s32 $0x680, s26;
	s18 =	spop (v2sf)  }
0x14c: {  	s19 =	sadd.s32 $0x80, s1;
	s3 =	sand.u32 $0x1FFFFFF0, s18;
	s9 =	spop (v2sf)  }
0x14d: {  	s30 =	sadd.s32 $0x700, s26;
	s3 =	sadd.s32 s23, s3;
	s11 =	spop (v2sf)  }
0x14e: {  	(v2sf) =	vpush v2, $0x3;
	[tilespmem:s1], [sflag:$0x1] =	stream.linear.gather [hbm4b:s3+s12], $0x80, $0x38;
	[tilespmem:$0x18A00] =	vst v63  }
0x14f: {  	s18 =	sadd.s32 $0x80, s26;
	s9 =	sand.u32 $0x1FFFFFF0, s9;
	s22 =	spop (v2sf)  }
0x150: {  	(v2sf) =	vpush v62, $0x3;
	s9 =	sadd.s32 s13, s9;
	s20 =	sand.u32 $0x1FFFFFF0, s11;
	s25 =	spop (v2sf)  }
0x151: {  	(v2sf) =	vpush v63, $0x3;
	[tilespmem:s26], [sflag:$0x2] =	stream.linear.gather [hbm4b:s9+s12], $0x80, $0x38;
	[tilespmem:$0x18A00] =	vst v63  }
0x152: {  	s10 =	sand.u32 $0x1FFFFFF0, s22;
	s22 =	sadd.s32 $0x80, s28;
	s4 =	spop (v2sf)  }
0x153: {  	s9 =	sadd.s32 s13, s20;
	s29 =	sadd.s32 s23, s10;
	s20 =	sand.u32 $0x1FFFFFF0, s4  }
0x154: {  	(v2sf) =	vpush v2, $0x4;
	[tilespmem:s28], [sflag:$0x3] =	stream.linear.gather [hbm4b:s9+s12], $0x80, $0x38;
	[tilespmem:$0x18A00] =	vst v63  }
0x155: {  	s31 =	sand.u32 $0x1FFFFFF0, s25;
	s25 =	spop (v2sf);
	s10 =	sadd.s32 s13, s20  }
0x156: {  	(v2sf) =	vpush v62, $0x4;
	[tilespmem:s19], [sflag:$0x1] =	stream.linear.gather [hbm4b:s29+s12], $0x80, $0x38;
	[tilespmem:$0x18A00] =	vst v63  }
0x157: {  	s9 =	sand.u32 $0x1FFFFFF0, s25;
	s19 =	sadd.s32 s13, s31;
	s31 =	spop (v2sf)  }
0x158: {  	(v2sf) =	vpush v63, $0x4;
	[tilespmem:s18], [sflag:$0x2] =	stream.linear.gather [hbm4b:s19+s12], $0x80, $0x38;
	[tilespmem:$0x18A00] =	vst v63  }
0x159: {  	s9 =	sadd.s32 s23, s9;
	s29 =	sadd.s32 $0x100, s1;
	s4 =	spop (v2sf)  }
0x15a: {  	[tilespmem:s22], [sflag:$0x3] =	stream.linear.gather [hbm4b:s10+s12], $0x80, $0x38;
	[tilespmem:$0x18A00] =	vst v63  }
0x15b: {  	(v2sf) =	vpush v2, $0x5;
	s18 =	sadd.s32 $0x100, s26;
	s20 =	sand.u32 $0x1FFFFFF0, s4;
	s10 =	sand.u32 $0x1FFFFFF0, s31  }
0x15c: {  	[tilespmem:s29], [sflag:$0x1] =	stream.linear.gather [hbm4b:s9+s12], $0x80, $0x38;
	[tilespmem:$0x18A00] =	vst v63  }
0x15d: {  	s25 =	spop (v2sf);
	(v2sf) =	vpush v62, $0x5;
	s22 =	sadd.s32 $0x100, s28;
	s19 =	sadd.s32 s13, s10  }
0x15e: {  	[tilespmem:s18], [sflag:$0x2] =	stream.linear.gather [hbm4b:s19+s12], $0x80, $0x38;
	[tilespmem:$0x18A00] =	vst v63  }
0x15f: {  	(v2sf) =	vpush v63, $0x5;
	s10 =	sadd.s32 s13, s20;
	s9 =	sand.u32 $0x1FFFFFF0, s25;
	s31 =	spop (v2sf)  }
0x160: {  	s29 =	sadd.s32 $0x180, s1;
	s9 =	sadd.s32 s23, s9;
	s4 =	spop (v2sf)  }
0x161: {  	[tilespmem:s22], [sflag:$0x3] =	stream.linear.gather [hbm4b:s10+s12], $0x80, $0x38;
	[tilespmem:$0x18A00] =	vst v63  }
0x162: {  	s18 =	sadd.s32 $0x180, s26;
	(v2sf) =	vpush v2, $0x6;
	s10 =	sand.u32 $0x1FFFFFF0, s31;
	s20 =	sand.u32 $0x1FFFFFF0, s4  }
0x163: {  	s22 =	sadd.s32 $0x180, s28;
	s25 =	spop (v2sf);
	s19 =	sadd.s32 s13, s10  }
0x164: {  	(v2sf) =	vpush v62, $0x6;
	[tilespmem:s29], [sflag:$0x1] =	stream.linear.gather [hbm4b:s9+s12], $0x80, $0x38;
	[tilespmem:$0x18A00] =	vst v63  }
0x165: {  	(v2sf) =	vpush v63, $0x6;
	s10 =	sadd.s32 s13, s20;
	s31 =	spop (v2sf);
	s9 =	sand.u32 $0x1FFFFFF0, s25  }
0x166: {  	[tilespmem:s18], [sflag:$0x2] =	stream.linear.gather [hbm4b:s19+s12], $0x80, $0x38;
	[tilespmem:$0x18A00] =	vst v63  }
0x167: {  	s29 =	sadd.s32 $0x200, s1;
	s4 =	spop (v2sf);
	s9 =	sadd.s32 s23, s9  }
0x168: {  	[tilespmem:s22], [sflag:$0x3] =	stream.linear.gather [hbm4b:s10+s12], $0x80, $0x38;
	[tilespmem:$0x18A00] =	vst v63  }
0x169: {  	(v2sf) =	vpush v2, $0x7;
	s20 =	sand.u32 $0x1FFFFFF0, s4;
	s18 =	sadd.s32 $0x200, s26;
	s10 =	sand.u32 $0x1FFFFFF0, s31  }
0x16a: {  	s22 =	sadd.s32 $0x200, s28;
	s25 =	spop (v2sf);
	s19 =	sadd.s32 s13, s10  }
0x16b: {  	(v2sf) =	vpush v62, $0x7;
	[tilespmem:s29], [sflag:$0x1] =	stream.linear.gather [hbm4b:s9+s12], $0x80, $0x38;
	[tilespmem:$0x18A00] =	vst v63  }
0x16c: {  	s10 =	sadd.s32 s13, s20;
	s31 =	spop (v2sf);
	s9 =	sand.u32 $0x1FFFFFF0, s25  }
0x16d: {  	(v2sf) =	vpush v63, $0x7;
	[tilespmem:s18], [sflag:$0x2] =	stream.linear.gather [hbm4b:s19+s12], $0x80, $0x38;
	[tilespmem:$0x18A00] =	vst v63  }
0x16e: {  	s29 =	sadd.s32 $0x280, s1;
	s4 =	spop (v2sf);
	s9 =	sadd.s32 s23, s9  }
0x16f: {  	[tilespmem:s22], [sflag:$0x3] =	stream.linear.gather [hbm4b:s10+s12], $0x80, $0x38;
	[tilespmem:$0x18A00] =	vst v63  }
0x170: {  	s20 =	sand.u32 $0x1FFFFFF0, s4;
	s18 =	sadd.s32 $0x280, s26;
	s10 =	sand.u32 $0x1FFFFFF0, s31  }
0x171: {  	(v2sf) =	vpush v2, $0x8;
	s22 =	sadd.s32 $0x280, s28;
	s19 =	sadd.s32 s13, s10;
	s25 =	spop (v2sf)  }
0x172: {  	[tilespmem:s29], [sflag:$0x1] =	stream.linear.gather [hbm4b:s9+s12], $0x80, $0x38;
	[tilespmem:$0x18A00] =	vst v63  }
0x173: {  	s10 =	sadd.s32 s13, s20;
	(v2sf) =	vpush v62, $0x8;
	s20 =	sadd.s32 $0x380, s1;
	s31 =	spop (v2sf)  }
0x174: {  	s29 =	sadd.s32 $0x300, s1;
	(v2sf) =	vpush v63, $0x8;
	s9 =	sand.u32 $0x1FFFFFF0, s25;
	s4 =	spop (v2sf)  }
0x175: {  	[tilespmem:s18], [sflag:$0x2] =	stream.linear.gather [hbm4b:s19+s12], $0x80, $0x38;
	[tilespmem:$0x18A00] =	vst v63  }
0x176: {  	s9 =	sadd.s32 s23, s9;
	s11 =	sand.u32 $0x1FFFFFF0, s4;
	s18 =	sadd.s32 $0x300, s28  }
0x177: {  	[tilespmem:s22], [sflag:$0x3] =	stream.linear.gather [hbm4b:s10+s12], $0x80, $0x38;
	[tilespmem:$0x18A00] =	vst v63  }
0x178: {  	(v2sf) =	vpush v2, $0x9;
	s19 =	spop (v2sf);
	s4 =	sadd.s32 $0x380, s28;
	s10 =	sand.u32 $0x1FFFFFF0, s31  }
0x179: {  	[tilespmem:s29], [sflag:$0x1] =	stream.linear.gather [hbm4b:s9+s12], $0x80, $0x38;
	[tilespmem:$0x18A00] =	vst v63  }
0x17a: {  	s22 =	spop (v2sf);
	s10 =	sadd.s32 s13, s10;
	s9 =	sadd.s32 $0x300, s26  }
0x17b: {  	[tilespmem:s9], [sflag:$0x2] =	stream.linear.gather [hbm4b:s10+s12], $0x80, $0x38;
	[tilespmem:$0x18A00] =	vst v63  }
0x17c: {  	(v2sf) =	vpush v62, $0x9;
	s25 =	spop (v2sf);
	s10 =	sadd.s32 s13, s11;
	s9 =	sand.u32 $0x1FFFFFF0, s19  }
0x17d: {  	(v2sf) =	vpush v63, $0x9;
	[tilespmem:s18], [sflag:$0x3] =	stream.linear.gather [hbm4b:s10+s12], $0x80, $0x38;
	[tilespmem:$0x18A00] =	vst v63  }
0x17e: {  	s31 =	sand.u32 $0x1FFFFFF0, s25;
	s9 =	sadd.s32 s23, s9;
	s10 =	sand.u32 $0x1FFFFFF0, s22  }
0x17f: {  	(v2sf) =	vpush v2, $0xA;
	[tilespmem:s20], [sflag:$0x1] =	stream.linear.gather [hbm4b:s9+s12], $0x80, $0x38;
	[tilespmem:$0x18A00] =	vst v63  }
0x180: {  	(v2sf) =	vpush v62, $0xA;
	s11 =	sadd.s32 $0x400, s1;
	s29 =	sadd.s32 s13, s10;
	s10 =	spop (v2sf)  }
0x181: {  	[tilespmem:s0], [sflag:$0x2] =	stream.linear.gather [hbm4b:s29+s12], $0x80, $0x38;
	[tilespmem:$0x18A00] =	vst v63  }
0x182: {  	s9 =	sadd.s32 s13, s31;
	s3 =	sand.u32 $0x1FFFFFF0, s10;
	s18 =	spop (v2sf)  }
0x183: {  	s20 =	sadd.s32 $0x400, s26;
	s3 =	sadd.s32 s23, s3;
	s19 =	spop (v2sf)  }
0x184: {  	(v2sf) =	vpush v63, $0xA;
	[tilespmem:s4], [sflag:$0x3] =	stream.linear.gather [hbm4b:s9+s12], $0x80, $0x38;
	[tilespmem:$0x18A00] =	vst v63  }
0x185: {  	s29 =	sadd.s32 $0x400, s28;
	s9 =	sand.u32 $0x1FFFFFF0, s18;
	s25 =	sand.u32 $0x1FFFFFF0, s19  }
0x186: {  	(v2sf) =	vpush v2, $0xB;
	[tilespmem:s11], [sflag:$0x1] =	stream.linear.gather [hbm4b:s3+s12], $0x80, $0x38;
	[tilespmem:$0x18A00] =	vst v63  }
0x187: {  	s31 =	spop (v2sf);
	s22 =	sadd.s32 s13, s9;
	s9 =	sadd.s32 s13, s25  }
0x188: {  	(v2sf) =	vpush v62, $0xB;
	[tilespmem:s20], [sflag:$0x2] =	stream.linear.gather [hbm4b:s22+s12], $0x80, $0x38;
	[tilespmem:$0x18A00] =	vst v63  }
0x189: {  	s4 =	sand.u32 $0x1FFFFFF0, s31;
	s25 =	sadd.s32 $0x500, s1;
	s11 =	sadd.s32 $0x780, s1  }
0x18a: {  	[tilespmem:s29], [sflag:$0x3] =	stream.linear.gather [hbm4b:s9+s12], $0x80, $0x38;
	[tilespmem:$0x18A00] =	vst v63  }
0x18b: {  	s0 =	sadd.s32 s23, s4;
	s20 =	sadd.s32 $0x480, s28;
	s9 =	spop (v2sf)  }
0x18c: {  	(v2sf) =	vpush v63, $0xB;
	s3 =	sand.u32 $0x1FFFFFF0, s9;
	s10 =	spop (v2sf);
	s9 =	sadd.s32 $0x580, s28  }
0x18d: {  	[tilespmem:s5], [sflag:$0x1] =	stream.linear.gather [hbm4b:s0+s12], $0x80, $0x38;
	[tilespmem:$0x18A00] =	vst v63  }
0x18e: {  	s5 =	sadd.s32 $0x680, s28;
	s18 =	sadd.s32 s13, s3;
	s22 =	spop (v2sf)  }
0x18f: {  	(v2sf) =	vpush v2, $0xC;
	s19 =	sand.u32 $0x1FFFFFF0, s10;
	s0 =	sadd.s32 $0x600, s1;
	s31 =	spop (v2sf)  }
0x190: {  	(v2sf) =	vpush v62, $0xC;
	[tilespmem:s8], [sflag:$0x2] =	stream.linear.gather [hbm4b:s18+s12], $0x80, $0x38;
	[tilespmem:$0x18A00] =	vst v63  }
0x191: {  	s3 =	sadd.s32 s13, s19;
	s29 =	sand.u32 $0x1FFFFFF0, s22;
	s8 =	sand.u32 $0x1FFFFFF0, s31  }
0x192: {  	(v2sf) =	vpush v63, $0xC;
	[tilespmem:s20], [sflag:$0x3] =	stream.linear.gather [hbm4b:s3+s12], $0x80, $0x38;
	[tilespmem:$0x18A00] =	vst v63  }
0x193: {  	s4 =	spop (v2sf);
	s18 =	sadd.s32 $0x500, s28;
	s3 =	sadd.s32 s23, s29  }
0x194: {  	(v2sf) =	vpush v2, $0xD;
	[tilespmem:s25], [sflag:$0x1] =	stream.linear.gather [hbm4b:s3+s12], $0x80, $0x38;
	[tilespmem:$0x18A00] =	vst v63  }
0x195: {  	s8 =	sadd.s32 s13, s8;
	s10 =	sand.u32 $0x1FFFFFF0, s4;
	s19 =	spop (v2sf)  }
0x196: {  	(v2sf) =	vpush v62, $0xD;
	[tilespmem:s6], [sflag:$0x2] =	stream.linear.gather [hbm4b:s8+s12], $0x80, $0x38;
	[tilespmem:$0x18A00] =	vst v63  }
0x197: {  	s22 =	sand.u32 $0x1FFFFFF0, s19;
	s25 =	spop (v2sf);
	s8 =	sadd.s32 s13, s10  }
0x198: {  	[tilespmem:s18], [sflag:$0x3] =	stream.linear.gather [hbm4b:s8+s12], $0x80, $0x38;
	[tilespmem:$0x18A00] =	vst v63  }
0x199: {  	s4 =	sadd.s32 $0x700, s1;
	s29 =	sadd.s32 s23, s22;
	s31 =	sand.u32 $0x1FFFFFF0, s25  }
0x19a: {  	[tilespmem:s7], [sflag:$0x1] =	stream.linear.gather [hbm4b:s29+s12], $0x80, $0x38;
	[tilespmem:$0x18A00] =	vst v63  }
0x19b: {  	s3 =	sadd.s32 $0x580, s26;
	s8 =	sadd.s32 s13, s31;
	s6 =	spop (v2sf)  }
0x19c: {  	[tilespmem:s3], [sflag:$0x2] =	stream.linear.gather [hbm4b:s8+s12], $0x80, $0x38;
	[tilespmem:$0x18A00] =	vst v63  }
0x19d: {  	s1 =	sadd.s32 $0x10, s15;
	s15 =	sadd.s32 $0x10, s14;
	s7 =	sand.u32 $0x1FFFFFF0, s6  }
0x19e: {  	s20 =	sadd.s32 $0x700, s28;
	s10 =	spop (v2sf);
	s7 =	sadd.s32 s13, s7  }
0x19f: {  	(v2sf) =	vpush v63, $0xD;
	s8 =	sand.u32 $0x1FFFFFF0, s10;
	s18 =	spop (v2sf);
	s10 =	sadd.s32 $0x600, s28  }
0x1a0: {  	(v2sf) =	vpush v2, $0xE;
	[tilespmem:s9], [sflag:$0x3] =	stream.linear.gather [hbm4b:s7+s12], $0x80, $0x38;
	[tilespmem:$0x18A00] =	vst v63  }
0x1a1: {  	(v2sf) =	vpush v62, $0xE;
	s19 =	sadd.s32 s23, s8;
	s22 =	sand.u32 $0x1FFFFFF0, s18;
	s25 =	spop (v2sf)  }
0x1a2: {  	(v2sf) =	vpush v63, $0xE;
	[tilespmem:s0], [sflag:$0x1] =	stream.linear.gather [hbm4b:s19+s12], $0x80, $0x38;
	[tilespmem:$0x18A00] =	vst v63  }
0x1a3: {  	(v2sf) =	vpush v2, $0xF;
	s29 =	sadd.s32 s13, s22;
	s31 =	spop (v2sf);
	s0 =	sand.u32 $0x1FFFFFF0, s25  }
0x1a4: {  	(v2sf) =	vpush v62, $0xF;
	[tilespmem:s2], [sflag:$0x2] =	stream.linear.gather [hbm4b:s29+s12], $0x80, $0x38;
	[tilespmem:$0x18A00] =	vst v63  }
0x1a5: {  	(v2sf) =	vpush v63, $0xF;
	s7 =	sadd.s32 s13, s0;
	s0 =	sand.u32 $0x1FFFFFF0, s31;
	s2 =	spop (v2sf)  }
.LBB2_6:
0x1a6: {  	_ =	sdelay $0x2  }
0x1a7: {  	[tilespmem:s10], [sflag:$0x3] =	stream.linear.gather [hbm4b:s7+s12], $0x80, $0x38;
	[tilespmem:$0x18A00] =	vst v63  }
0x1a8: {  	s0 =	sadd.s32 s23, s0;
	s2 =	sand.u32 $0x1FFFFFF0, s2  }
0x1a9: {  	[tilespmem:s21], [sflag:$0x1] =	stream.linear.gather [hbm4b:s0+s12], $0x80, $0x38;
	[tilespmem:$0x18A00] =	vst v63  }
0x1aa: {  	s21 =	sadd.s32 s13, s2  }
0x1ab: {  	[tilespmem:s24], [sflag:$0x2] =	stream.linear.gather [hbm4b:s21+s12], $0x80, $0x38;
	[tilespmem:$0x18A00] =	vst v63  }
0x1ac: {  	s19 =	spop (v2sf)  }
0x1ad: {  	s22 =	sand.u32 $0x1FFFFFF0, s19;
	s25 =	spop (v2sf)  }
0x1ae: {  	s29 =	sadd.s32 s13, s22;
	s3 =	spop (v2sf)  }
0x1af: {  	[tilespmem:s5], [sflag:$0x3] =	stream.linear.gather [hbm4b:s29+s12], $0x80, $0x38;
	[tilespmem:$0x18A00] =	vst v63  }
0x1b0: {  	s26 =	sadd.s32 $0x780, s26;
	s31 =	sand.u32 $0x1FFFFFF0, s25;
	s9 =	spop (v2sf)  }
0x1b1: {  	p2 =	sne.s32 s17, $0xE000;
	s6 =	sadd.s32 s23, s31;
	s18 =	spop (v2sf)  }
0x1b2: {  	[tilespmem:s4], [sflag:$0x1] =	stream.linear.gather [hbm4b:s6+s12], $0x80, $0x38;
	[tilespmem:$0x18A00] =	vst v63  }
0x1b3: {  	s7 =	sadd.s32 $0x2000, s17;
	s8 =	sand.u32 $0x1FFFFFF0, s3;
	s22 =	spop (v2sf)  }
0x1b4: {  	s10 =	sadd.s32 s13, s8;
	s14 =	sand.u32 $0x1FFFFFF0, s9;
	s3 =	spop (v2sf)  }
0x1b5: {  	[tilespmem:s30], [sflag:$0x2] =	stream.linear.gather [hbm4b:s10+s12], $0x80, $0x38;
	[tilespmem:$0x18A00] =	vst v63  }
0x1b6: {  	s19 =	sadd.s32 s13, s14;
	s21 =	sand.u32 $0x1FFFFFF0, s18;
	s3 =	sand.u32 $0x1FFFFFF0, s3  }
0x1b7: {  	s4 =	rddreg [dreg:$0x7];
	s31 =	sadd.s32 s13, s3;
	s3 =	smov.u32 s17  }
0x1b8: {  	[tilespmem:s20], [sflag:$0x3] =	stream.linear.gather [hbm4b:s19+s12], $0x80, $0x38;
	[tilespmem:$0x18A00] =	vst v63  }
0x1b9: {  	s24 =	sadd.s32 s23, s21;
	s25 =	sand.u32 $0x1FFFFFF0, s22;
	s0 =	sshra.s32 s3, $0x2  }
0x1ba: {  	[tilespmem:s11], [sflag:$0x1] =	stream.linear.gather [hbm4b:s24+s12], $0x80, $0x38;
	[tilespmem:$0x18A00] =	vst v63  }
0x1bb: {  	s5 =	rddreg [dreg:$0x8];
	s2 =	sadd.s32 s13, s25;
	s10 =	sadd.s32 s0, s4  }
0x1bc: {  	[tilespmem:s26], [sflag:$0x2] =	stream.linear.gather [hbm4b:s2+s12], $0x80, $0x38;
	[tilespmem:$0x18A00] =	vst v63  }
0x1bd: {  	s29 =	sadd.s32 $0x780, s28;
	s17 =	rddreg [dreg:$0x9];
	s6 =	sadd.s32 $0x680, s10  }
0x1be: {  	[tilespmem:s29], [sflag:$0x3] =	stream.linear.gather [hbm4b:s31+s12], $0x80, $0x38;
	[tilespmem:$0x18A00] =	vst v63  }
0x1bf: {  	s8 =	sadd.s32 $0x480, s10;
	[smem:$0x7D9] =	sst s6;
	v0 =	vld [tilespmem:s15+$0x0]  }
0x1c0: {  	s19 =	sadd.s32 $0x780, s10;
	[dreg:$0x13] =	wrdreg s8  }
0x1c1: {  	s20 =	sadd.s32 $0x280, s10;
	[smem:$0x7D7] =	sst s19;
	v1 =	vld [tilespmem:s1+$0x0]  }
0x1c2: {  	s23 =	sadd.s32 $0x300, s10;
	[smem:$0x7D8] =	sst s20  }
0x1c3: {  	s28 =	sadd.s32 s0, s17;
	s25 =	sadd.s32 $0x380, s10;
	[smem:$0x7DB] =	sst s23;
	v3 =	vld [tilespmem:s16+$0x0]  }
0x1c4: {  	s17 =	sadd.s32 $0x680, s28;
	s3 =	sadd.s32 $0x400, s28;
	[smem:$0x7DE] =	sst s25;
	v2 =	vshll.u32 v0, $0x4  }
0x1c5: {  	s4 =	sadd.s32 $0x480, s28;
	s23 =	sadd.s32 $0x100, s10;
	[smem:$0x7E2] =	sst s3;
	(v2sf) =	vpush v2, $0x0  }
0x1c6: {  	[dreg:$0x1d] =	wrdreg s4;
	s20 =	sadd.s32 $0x700, s28;
	s6 =	sadd.s32 $0x500, s10;
	v1 =	vshll.u32 v1, $0x4  }
0x1c7: {  	s4 =	sadd.s32 $0x700, s10;
	s26 =	sadd.s32 s0, s5;
	s2 =	sadd.s32 $0x580, s10;
	(v2sf) =	vpush v1, $0x0  }
0x1c8: {  	s0 =	sadd.s32 $0x180, s10;
	s5 =	sadd.s32 $0x300, s28;
	[dreg:$0x1b] =	wrdreg s6;
	v63 =	vshll.u32 v3, $0x4  }
0x1c9: {  	s6 =	simm.s32 $0x0;
	[dreg:$0xe] =	wrdreg s2;
	s9 =	sadd.s32 $0x500, s26;
	(v2sf) =	vpush v63, $0x0  }
0x1ca: {  	s11 =	sadd.s32 $0x600, s26;
	s14 =	sadd.s32 $0x480, s26;
	[smem:$0x7DD] =	sst s5  }
0x1cb: {  	s24 =	sadd.s32 $0x680, s26;
	s21 =	sadd.s32 $0x80, s26;
	[dreg:$0xf] =	wrdreg s9  }
0x1cc: {  	s30 =	sadd.s32 $0x700, s26;
	s2 =	sadd.s32 $0x80, s10;
	[dreg:$0xd] =	wrdreg s11;
	(v2sf) =	vpush v2, $0x1  }
0x1cd: {  	s18 =	sadd.s32 $0x300, s26;
	s19 =	sadd.s32 $0x180, s26;
	[dreg:$0x12] =	wrdreg s14  }
0x1ce: {  	s22 =	sadd.s32 $0x280, s26;
	s8 =	sadd.s32 $0x200, s26;
	[smem:$0x7DC] =	sst s18;
	(v2sf) =	vpush v1, $0x1  }
0x1cf: {  	s25 =	sadd.s32 $0x400, s26;
	s12 =	sadd.s32 $0x380, s26;
	[smem:$0x7DA] =	sst s22;
	(v2sf) =	vpush v63, $0x1  }
0x1d0: {  	s14 =	sadd.s32 $0x200, s10;
	s11 =	sadd.s32 $0x200, s28;
	[smem:$0x7E1] =	sst s25  }
0x1d1: {  	s31 =	sadd.s32 $0x180, s28;
	s22 =	sadd.s32 $0x100, s26;
	s25 =	rddreg [dreg:$0xa]  }
0x1d2: {  	s29 =	sadd.s32 $0x380, s28;
	s18 =	sadd.s32 $0x80, s28;
	[smem:$0x7DF] =	sst s12  }
0x1d3: {  	s9 =	sadd.s32 $0x600, s10;
	[smem:$0x7E0] =	sst s29;
	s29 =	sadd.s32 $0x580, s26;
	(v2sf) =	vpush v2, $0x2  }
0x1d4: {  	s16 =	sadd.s32 $0x10, s16;
	[dreg:$0x16] =	wrdreg s29;
	(v2sf) =	vpush v1, $0x2;
	s29 =	spop (v2sf)  }
0x1d5: {  	s12 =	sadd.s32 $0x280, s28;
	[dreg:$0x10] =	wrdreg s9;
	s3 =	sand.u32 $0x1FFFFFF0, s29  }
0x1d6: {  	s5 =	spop (v2sf);
	s3 =	sadd.s32 s25, s3;
	s25 =	sadd.s32 $0x500, s28  }
0x1d7: {  	(v2sf) =	vpush v63, $0x2;
	[tilespmem:s10], [sflag:$0x1] =	stream.linear.gather [hbm4b:s3+s6], $0x80, $0x38;
	[tilespmem:$0x18A00] =	vst v63  }
0x1d8: {  	s5 =	sand.u32 $0x1FFFFFF0, s5;
	[dreg:$0x1f] =	wrdreg s25;
	s25 =	spop (v2sf)  }
0x1d9: {  	(v2sf) =	vpush v2, $0x3;
	s5 =	sadd.s32 s13, s5;
	s3 =	sand.u32 $0x1FFFFFF0, s25;
	s25 =	sadd.s32 $0x580, s28  }
0x1da: {  	[tilespmem:s26], [sflag:$0x2] =	stream.linear.gather [hbm4b:s5+s6], $0x80, $0x38;
	[tilespmem:$0x18A00] =	vst v63  }
0x1db: {  	(v2sf) =	vpush v1, $0x3;
	[dreg:$0x1c] =	wrdreg s25;
	s25 =	spop (v2sf);
	s3 =	sadd.s32 s13, s3  }
0x1dc: {  	[tilespmem:s28], [sflag:$0x3] =	stream.linear.gather [hbm4b:s3+s6], $0x80, $0x38;
	[tilespmem:$0x18A00] =	vst v63  }
0x1dd: {  	s5 =	sand.u32 $0x1FFFFFF0, s25;
	s25 =	spop (v2sf);
	s3 =	rddreg [dreg:$0xa]  }
0x1de: {  	(v2sf) =	vpush v63, $0x3;
	s3 =	sadd.s32 s3, s5;
	s5 =	sand.u32 $0x1FFFFFF0, s25;
	s25 =	spop (v2sf)  }
0x1df: {  	[tilespmem:s2], [sflag:$0x1] =	stream.linear.gather [hbm4b:s3+s6], $0x80, $0x38;
	[tilespmem:$0x18A00] =	vst v63  }
0x1e0: {  	s9 =	sadd.s32 $0x100, s28;
	(v2sf) =	vpush v2, $0x4;
	s3 =	sadd.s32 s13, s5;
	s5 =	sand.u32 $0x1FFFFFF0, s25  }
0x1e1: {  	[tilespmem:s21], [sflag:$0x2] =	stream.linear.gather [hbm4b:s3+s6], $0x80, $0x38;
	[tilespmem:$0x18A00] =	vst v63  }
0x1e2: {  	s1 =	sadd.s32 $0x10, s1;
	(v2sf) =	vpush v1, $0x4;
	s25 =	spop (v2sf);
	s3 =	sadd.s32 s13, s5  }
0x1e3: {  	s5 =	sand.u32 $0x1FFFFFF0, s25;
	s21 =	spop (v2sf);
	s25 =	rddreg [dreg:$0xa]  }
0x1e4: {  	s15 =	sadd.s32 $0x10, s15;
	(v2sf) =	vpush v63, $0x4;
	s2 =	sadd.s32 s25, s5;
	s5 =	sand.u32 $0x1FFFFFF0, s21  }
0x1e5: {  	[tilespmem:s18], [sflag:$0x3] =	stream.linear.gather [hbm4b:s3+s6], $0x80, $0x38;
	[tilespmem:$0x18A00] =	vst v63  }
0x1e6: {  	s29 =	sadd.s32 $0x400, s10;
	(v2sf) =	vpush v2, $0x5;
	s21 =	sadd.s32 s13, s5;
	s18 =	spop (v2sf)  }
0x1e7: {  	[tilespmem:s23], [sflag:$0x1] =	stream.linear.gather [hbm4b:s2+s6], $0x80, $0x38;
	[tilespmem:$0x18A00] =	vst v63  }
0x1e8: {  	s5 =	smov.u32 s17;
	s23 =	sand.u32 $0x1FFFFFF0, s18;
	s25 =	spop (v2sf)  }
0x1e9: {  	[tilespmem:s22], [sflag:$0x2] =	stream.linear.gather [hbm4b:s21+s6], $0x80, $0x38;
	[tilespmem:$0x18A00] =	vst v63  }
0x1ea: {  	s17 =	smov.u32 s7;
	s3 =	sadd.s32 s13, s23;
	s21 =	spop (v2sf)  }
0x1eb: {  	(v2sf) =	vpush v1, $0x5;
	[tilespmem:s9], [sflag:$0x3] =	stream.linear.gather [hbm4b:s3+s6], $0x80, $0x38;
	[tilespmem:$0x18A00] =	vst v63  }
0x1ec: {  	(v2sf) =	vpush v63, $0x5;
	s18 =	sand.u32 $0x1FFFFFF0, s25;
	s22 =	rddreg [dreg:$0xa];
	s23 =	sand.u32 $0x1FFFFFF0, s21  }
0x1ed: {  	s2 =	sadd.s32 s22, s18;
	s25 =	spop (v2sf);
	s3 =	sadd.s32 s13, s23  }
0x1ee: {  	(v2sf) =	vpush v2, $0x6;
	[tilespmem:s0], [sflag:$0x1] =	stream.linear.gather [hbm4b:s2+s6], $0x80, $0x38;
	[tilespmem:$0x18A00] =	vst v63  }
0x1ef: {  	s23 =	rddreg [dreg:$0xa];
	s9 =	sand.u32 $0x1FFFFFF0, s25;
	s18 =	spop (v2sf)  }
0x1f0: {  	[tilespmem:s19], [sflag:$0x2] =	stream.linear.gather [hbm4b:s3+s6], $0x80, $0x38;
	[tilespmem:$0x18A00] =	vst v63  }
0x1f1: {  	(v2sf) =	vpush v1, $0x6;
	s21 =	sand.u32 $0x1FFFFFF0, s18;
	s19 =	sadd.s32 s13, s9;
	s22 =	spop (v2sf)  }
0x1f2: {  	[tilespmem:s31], [sflag:$0x3] =	stream.linear.gather [hbm4b:s19+s6], $0x80, $0x38;
	[tilespmem:$0x18A00] =	vst v63  }
0x1f3: {  	(v2sf) =	vpush v63, $0x6;
	s0 =	sadd.s32 s23, s21;
	s25 =	sand.u32 $0x1FFFFFF0, s22;
	s31 =	spop (v2sf)  }
0x1f4: {  	(v2sf) =	vpush v2, $0x7;
	[tilespmem:s14], [sflag:$0x1] =	stream.linear.gather [hbm4b:s0+s6], $0x80, $0x38;
	[tilespmem:$0x18A00] =	vst v63  }
0x1f5: {  	s23 =	rddreg [dreg:$0xa];
	s7 =	sadd.s32 s13, s25;
	s14 =	spop (v2sf)  }
0x1f6: {  	[tilespmem:s8], [sflag:$0x2] =	stream.linear.gather [hbm4b:s7+s6], $0x80, $0x38;
	[tilespmem:$0x18A00] =	vst v63  }
0x1f7: {  	s9 =	sand.u32 $0x1FFFFFF0, s31;
	s19 =	sand.u32 $0x1FFFFFF0, s14;
	s8 =	sld [smem:$0x7D8]  }
0x1f8: {  	(v2sf) =	vpush v1, $0x7;
	s18 =	sadd.s32 s13, s9;
	s22 =	sadd.s32 s23, s19;
	s19 =	sld [smem:$0x7DA]  }
0x1f9: {  	[tilespmem:s11], [sflag:$0x3] =	stream.linear.gather [hbm4b:s18+s6], $0x80, $0x38;
	[tilespmem:$0x18A00] =	vst v63  }
0x1fa: {  	s10 =	sadd.s32 $0x600, s28;
	(v2sf) =	vpush v63, $0x7;
	s21 =	spop (v2sf);
	s11 =	sld [smem:$0x7D7]  }
0x1fb: {  	s25 =	sand.u32 $0x1FFFFFF0, s21;
	s31 =	spop (v2sf);
	s21 =	sld [smem:$0x7D9]  }
0x1fc: {  	(v2sf) =	vpush v2, $0x8;
	[tilespmem:s8], [sflag:$0x1] =	stream.linear.gather [hbm4b:s22+s6], $0x80, $0x38;
	[tilespmem:$0x18A00] =	vst v63  }
0x1fd: {  	s9 =	sadd.s32 s13, s25;
	s14 =	sand.u32 $0x1FFFFFF0, s31;
	s18 =	spop (v2sf)  }
0x1fe: {  	s22 =	sadd.s32 s13, s14;
	s8 =	sld [smem:$0x7DB];
	s25 =	sand.u32 $0x1FFFFFF0, s18  }
0x1ff: {  	(v2sf) =	vpush v1, $0x8;
	[tilespmem:s19], [sflag:$0x2] =	stream.linear.gather [hbm4b:s9+s6], $0x80, $0x38;
	[tilespmem:$0x18A00] =	vst v63  }
0x200: {  	s31 =	spop (v2sf);
	s2 =	sadd.s32 s23, s25;
	s19 =	sld [smem:$0x7DC]  }
0x201: {  	(v2sf) =	vpush v63, $0x8;
	[tilespmem:s12], [sflag:$0x3] =	stream.linear.gather [hbm4b:s22+s6], $0x80, $0x38;
	[tilespmem:$0x18A00] =	vst v63  }
0x202: {  	s3 =	sand.u32 $0x1FFFFFF0, s31;
	s7 =	spop (v2sf);
	s12 =	simm.s32 $0x0  }
0x203: {  	(v2sf) =	vpush v2, $0x9;
	s9 =	sadd.s32 s13, s3;
	s14 =	sand.u32 $0x1FFFFFF0, s7;
	s18 =	spop (v2sf)  }
0x204: {  	(v2sf) =	vpush v1, $0x9;
	[tilespmem:s8], [sflag:$0x1] =	stream.linear.gather [hbm4b:s2+s12], $0x80, $0x38;
	[tilespmem:$0x18A00] =	vst v63  }
0x205: {  	s7 =	sld [smem:$0x7DD];
	s22 =	sadd.s32 s13, s14;
	s25 =	sand.u32 $0x1FFFFFF0, s18  }
0x206: {  	(v2sf) =	vpush v63, $0x9;
	[tilespmem:s19], [sflag:$0x2] =	stream.linear.gather [hbm4b:s9+s12], $0x80, $0x38;
	[tilespmem:$0x18A00] =	vst v63  }
0x207: {  	s18 =	sld [smem:$0x7DE];
	s31 =	spop (v2sf);
	s8 =	sadd.s32 s23, s25  }
0x208: {  	[tilespmem:s7], [sflag:$0x3] =	stream.linear.gather [hbm4b:s22+s12], $0x80, $0x38;
	[tilespmem:$0x18A00] =	vst v63  }
0x209: {  	(v2sf) =	vpush v2, $0xA;
	s9 =	sand.u32 $0x1FFFFFF0, s31;
	s31 =	sld [smem:$0x7DF];
	s14 =	spop (v2sf)  }
0x20a: {  	[tilespmem:s18], [sflag:$0x1] =	stream.linear.gather [hbm4b:s8+s12], $0x80, $0x38;
	[tilespmem:$0x18A00] =	vst v63  }
0x20b: {  	(v2sf) =	vpush v1, $0xA;
	s19 =	sadd.s32 s13, s9;
	s22 =	sand.u32 $0x1FFFFFF0, s14;
	s25 =	spop (v2sf)  }
0x20c: {  	s9 =	sld [smem:$0x7E0];
	s6 =	sadd.s32 s13, s22;
	s7 =	sand.u32 $0x1FFFFFF0, s25  }
0x20d: {  	[tilespmem:s31], [sflag:$0x2] =	stream.linear.gather [hbm4b:s19+s12], $0x80, $0x38;
	[tilespmem:$0x18A00] =	vst v63  }
0x20e: {  	(v2sf) =	vpush v63, $0xA;
	s8 =	spop (v2sf);
	s14 =	sadd.s32 s23, s7;
	s31 =	sld [smem:$0x7E1]  }
0x20f: {  	[tilespmem:s9], [sflag:$0x3] =	stream.linear.gather [hbm4b:s6+s12], $0x80, $0x38;
	[tilespmem:$0x18A00] =	vst v63  }
0x210: {  	(v2sf) =	vpush v2, $0xB;
	s18 =	sand.u32 $0x1FFFFFF0, s8;
	s8 =	sld [smem:$0x7E2];
	s19 =	spop (v2sf)  }
0x211: {  	[tilespmem:s29], [sflag:$0x1] =	stream.linear.gather [hbm4b:s14+s12], $0x80, $0x38;
	[tilespmem:$0x18A00] =	vst v63  }
0x212: {  	(v2sf) =	vpush v1, $0xB;
	s22 =	sadd.s32 s13, s18;
	s25 =	sand.u32 $0x1FFFFFF0, s19;
	s29 =	spop (v2sf)  }
0x213: {  	s19 =	rddreg [dreg:$0x13];
	s3 =	sand.u32 $0x1FFFFFF0, s29;
	s7 =	spop (v2sf)  }
0x214: {  	[tilespmem:s31], [sflag:$0x2] =	stream.linear.gather [hbm4b:s22+s12], $0x80, $0x38;
	[tilespmem:$0x18A00] =	vst v63  }
0x215: {  	s2 =	sadd.s32 s13, s25;
	(v2sf) =	vpush v63, $0xB;
	s9 =	sadd.s32 s23, s3;
	s18 =	spop (v2sf)  }
0x216: {  	s14 =	sand.u32 $0x1FFFFFF0, s7;
	s31 =	rddreg [dreg:$0x12];
	s25 =	sand.u32 $0x1FFFFFF0, s18  }
0x217: {  	(v2sf) =	vpush v2, $0xC;
	[tilespmem:s8], [sflag:$0x3] =	stream.linear.gather [hbm4b:s2+s12], $0x80, $0x38;
	[tilespmem:$0x18A00] =	vst v63  }
0x218: {  	s22 =	sadd.s32 s13, s14;
	s29 =	spop (v2sf);
	s2 =	sadd.s32 s13, s25  }
0x219: {  	(v2sf) =	vpush v1, $0xC;
	[tilespmem:s19], [sflag:$0x1] =	stream.linear.gather [hbm4b:s9+s12], $0x80, $0x38;
	[tilespmem:$0x18A00] =	vst v63  }
0x21a: {  	s8 =	rddreg [dreg:$0x1d];
	s3 =	sand.u32 $0x1FFFFFF0, s29;
	s7 =	spop (v2sf)  }
0x21b: {  	s9 =	sadd.s32 s23, s3;
	s19 =	rddreg [dreg:$0x1b];
	s14 =	sand.u32 $0x1FFFFFF0, s7  }
0x21c: {  	[tilespmem:s31], [sflag:$0x2] =	stream.linear.gather [hbm4b:s22+s12], $0x80, $0x38;
	[tilespmem:$0x18A00] =	vst v63  }
0x21d: {  	(v2sf) =	vpush v63, $0xC;
	s22 =	sadd.s32 s13, s14;
	s31 =	rddreg [dreg:$0xf];
	s18 =	spop (v2sf)  }
0x21e: {  	(v2sf) =	vpush v2, $0xD;
	[tilespmem:s8], [sflag:$0x3] =	stream.linear.gather [hbm4b:s2+s12], $0x80, $0x38;
	[tilespmem:$0x18A00] =	vst v63  }
0x21f: {  	s25 =	sand.u32 $0x1FFFFFF0, s18;
	s29 =	spop (v2sf);
	s8 =	rddreg [dreg:$0x1f]  }
0x220: {  	(v2sf) =	vpush v1, $0xD;
	[tilespmem:s19], [sflag:$0x1] =	stream.linear.gather [hbm4b:s9+s12], $0x80, $0x38;
	[tilespmem:$0x18A00] =	vst v63  }
0x221: {  	s2 =	sadd.s32 s13, s25;
	s3 =	sand.u32 $0x1FFFFFF0, s29;
	s7 =	spop (v2sf)  }
0x222: {  	s9 =	sadd.s32 s23, s3;
	s19 =	rddreg [dreg:$0xe];
	s14 =	sand.u32 $0x1FFFFFF0, s7  }
0x223: {  	[tilespmem:s31], [sflag:$0x2] =	stream.linear.gather [hbm4b:s22+s12], $0x80, $0x38;
	[tilespmem:$0x18A00] =	vst v63  }
0x224: {  	s22 =	sadd.s32 s13, s14;
	s31 =	rddreg [dreg:$0x16];
	s18 =	spop (v2sf)  }
0x225: {  	[tilespmem:s8], [sflag:$0x3] =	stream.linear.gather [hbm4b:s2+s12], $0x80, $0x38;
	[tilespmem:$0x18A00] =	vst v63  }
0x226: {  	s25 =	sand.u32 $0x1FFFFFF0, s18;
	s29 =	spop (v2sf);
	s8 =	rddreg [dreg:$0x1c]  }
0x227: {  	[tilespmem:s19], [sflag:$0x1] =	stream.linear.gather [hbm4b:s9+s12], $0x80, $0x38;
	[tilespmem:$0x18A00] =	vst v63  }
0x228: {  	s2 =	sadd.s32 s13, s25;
	s3 =	sand.u32 $0x1FFFFFF0, s29;
	s7 =	spop (v2sf)  }
0x229: {  	[tilespmem:s31], [sflag:$0x2] =	stream.linear.gather [hbm4b:s22+s12], $0x80, $0x38;
	[tilespmem:$0x18A00] =	vst v63  }
0x22a: {  	(v2sf) =	vpush v63, $0xD;
	s9 =	sadd.s32 s23, s3;
	s14 =	sand.u32 $0x1FFFFFF0, s7;
	s19 =	rddreg [dreg:$0x10]  }
0x22b: {  	(v2sf) =	vpush v2, $0xE;
	[tilespmem:s8], [sflag:$0x3] =	stream.linear.gather [hbm4b:s2+s12], $0x80, $0x38;
	[tilespmem:$0x18A00] =	vst v63  }
.Ltmp2:
0x22c: {  	(v2sf) =	vpush v1, $0xE;
	s18 =	spop (v2sf);
	s22 =	sadd.s32 s13, s14;
	(pc) =	sbr.rel @p2 .LBB2_6-.Ltmp2, $4  }
0x22d: {  	(v2sf) =	vpush v63, $0xE;
	s25 =	sand.u32 $0x1FFFFFF0, s18;
	s31 =	rddreg [dreg:$0xd];
	s29 =	spop (v2sf)  }
0x22e: {  	(v2sf) =	vpush v2, $0xF;
	[tilespmem:s19], [sflag:$0x1] =	stream.linear.gather [hbm4b:s9+s12], $0x80, $0x38;
	[tilespmem:$0x18A00] =	vst v63  }
0x22f: {  	(v2sf) =	vpush v1, $0xF;
	s7 =	sadd.s32 s13, s25;
	s0 =	sand.u32 $0x1FFFFFF0, s29;
	s2 =	spop (v2sf)  }
0x230: {  	(v2sf) =	vpush v63, $0xF;
	[tilespmem:s31], [sflag:$0x2] =	stream.linear.gather [hbm4b:s22+s12], $0x80, $0x38;
	[tilespmem:$0x18A00] =	vst v63  }
0x231: {  	_ =	sdelay $0x2  }
0x232: {  	[tilespmem:s10], [sflag:$0x3] =	stream.linear.gather [hbm4b:s7+s12], $0x80, $0x38;
	[tilespmem:$0x18A00] =	vst v63  }
0x233: {  	s0 =	sadd.s32 s23, s0;
	s1 =	sand.u32 $0x1FFFFFF0, s2  }
0x234: {  	[tilespmem:s21], [sflag:$0x1] =	stream.linear.gather [hbm4b:s0+s12], $0x80, $0x38;
	[tilespmem:$0x18A00] =	vst v63  }
0x235: {  	s1 =	sadd.s32 s13, s1  }
0x236: {  	[tilespmem:s24], [sflag:$0x2] =	stream.linear.gather [hbm4b:s1+s12], $0x80, $0x38;
	[tilespmem:$0x18A00] =	vst v63  }
0x237: {  	s31 =	spop (v2sf)  }
0x238: {  	s2 =	sand.u32 $0x1FFFFFF0, s31  }
0x239: {  	s29 =	sadd.s32 $0x780, s26;
	s3 =	spop (v2sf);
	s6 =	sadd.s32 s13, s2  }
0x23a: {  	s7 =	sand.u32 $0x1FFFFFF0, s3;
	s8 =	spop (v2sf);
	s3 =	sld [smem:$0x7E6]  }
0x23b: {  	[tilespmem:s5], [sflag:$0x3] =	stream.linear.gather [hbm4b:s6+s12], $0x80, $0x38;
	[tilespmem:$0x18A00] =	vst v63  }
0x23c: {  	s9 =	sadd.s32 s23, s7;
	s10 =	sand.u32 $0x1FFFFFF0, s8;
	s8 =	sld [smem:$0x7E5]  }
0x23d: {  	s14 =	spop (v2sf);
	s5 =	sld [smem:$0x7E3];
	s15 =	sadd.s32 s13, s10  }
0x23e: {  	[tilespmem:s4], [sflag:$0x1] =	stream.linear.gather [hbm4b:s9+s12], $0x80, $0x38;
	[tilespmem:$0x18A00] =	vst v63  }
0x23f: {  	s16 =	sand.u32 $0x1FFFFFF0, s14;
	s17 =	spop (v2sf);
	s14 =	sld [smem:$0x7E8]  }
0x240: {  	[tilespmem:s30], [sflag:$0x2] =	stream.linear.gather [hbm4b:s15+s12], $0x80, $0x38;
	[tilespmem:$0x18A00] =	vst v63  }
0x241: {  	s18 =	sadd.s32 s13, s16;
	s19 =	sand.u32 $0x1FFFFFF0, s17;
	s21 =	spop (v2sf)  }
0x242: {  	[tilespmem:s20], [sflag:$0x3] =	stream.linear.gather [hbm4b:s18+s12], $0x80, $0x38;
	[tilespmem:$0x18A00] =	vst v63  }
0x243: {  	s22 =	sadd.s32 s23, s19;
	s24 =	sand.u32 $0x1FFFFFF0, s21;
	s25 =	spop (v2sf)  }
0x244: {  	[tilespmem:s11], [sflag:$0x1] =	stream.linear.gather [hbm4b:s22+s12], $0x80, $0x38;
	[tilespmem:$0x18A00] =	vst v63  }
0x245: {  	s1 =	sadd.s32 s13, s24;
	s2 =	sand.u32 $0x1FFFFFF0, s25;
	s15 =	sld [smem:$0x7E7]  }
0x246: {  	[tilespmem:s29], [sflag:$0x2] =	stream.linear.gather [hbm4b:s1+s12], $0x80, $0x38;
	[tilespmem:$0x18A00] =	vst v63  }
0x247: {  	s30 =	sadd.s32 $0x780, s28;
	s31 =	sadd.s32 s13, s2;
	s2 =	sld [smem:$0x7E4]  }
0x248: {  	[tilespmem:s30], [sflag:$0x3] =	stream.linear.gather [hbm4b:s31+s12], $0x80, $0x38;
	[tilespmem:$0x18A00] =	vst v63  }
.LBB2_8:
0x249: {  	s0 =	simm.s32 $0x1  }
0x24a: {  	s0 =	simm.s32 @!p1 $0x0  }
0x24b: {  	s1 =	sshll.u32 s0, $0xE  }
0x24c: {  	s0 =	sor.u32 $0x8D90, s1  }
0x24d: {  	v1 =	vmov s0;
	_ =	sdelay $0x2  }
0x24e: {  	s30 =	sor.u32 $0x10D90, s1  }
0x24f: {  	s31 =	simm.s32 $0x0;
	v0 =	vmov s30  }
0x250: {  	v9 =	vld.idx.msk [tilespmem:v1+s31+$0xFFFFFFF0 ss:$0x1], $0xffff  }
0x251: {  	s1 =	sor.u32 $0xD90, s1;
	v12 =	vld.idx.msk [tilespmem:v1+s31+$0x0 ss:$0x1], $0xffff  }
0x252: {  	v2 =	vmov s1;
	v13 =	vld.idx.msk [tilespmem:v1+s31+$0xFFFFFF70 ss:$0x1], $0xffff  }
0x253: {  	v14 =	vld.idx.msk [tilespmem:v1+s31+$0xFFFFFF80 ss:$0x1], $0xffff  }
0x254: {  	v15 =	vld.idx.msk [tilespmem:v0+s31+$0xFFFFFF80 ss:$0x1], $0xffff  }
0x255: {  	v16 =	vld.idx.msk [tilespmem:v0+s31+$0xFFFFFF70 ss:$0x1], $0xffff  }
0x256: {  	v17 =	vld.idx.msk [tilespmem:v1+s31+$0xFFFFFEF0 ss:$0x1], $0xffff  }
0x257: {  	v4 =	vld.idx.msk [tilespmem:v2+s31+$0xFFFFFFF0 ss:$0x1], $0xffff  }
0x258: {  	v5 =	vld.idx.msk [tilespmem:v2+s31+$0x0 ss:$0x1], $0xffff  }
0x259: {  	v18 =	vld.idx.msk [tilespmem:v1+s31+$0xFFFFFF00 ss:$0x1], $0xffff  }
0x25a: {  	v19 =	vld.idx.msk [tilespmem:v2+s31+$0xFFFFFF70 ss:$0x1], $0xffff  }
0x25b: {  	v20 =	vld.idx.msk [tilespmem:v2+s31+$0xFFFFFF80 ss:$0x1], $0xffff  }
0x25c: {  	v21 =	vld.idx.msk [tilespmem:v1+s31+$0xFFFFFE70 ss:$0x1], $0xffff  }
0x25d: {  	v22 =	vld.idx.msk [tilespmem:v1+s31+$0xFFFFFE80 ss:$0x1], $0xffff  }
0x25e: {  	v23 =	vld.idx.msk [tilespmem:v0+s31+$0xFFFFFE80 ss:$0x1], $0xffff  }
0x25f: {  	v24 =	vld.idx.msk [tilespmem:v0+s31+$0xFFFFFE70 ss:$0x1], $0xffff  }
0x260: {  	v6 =	vld.idx.msk [tilespmem:v2+s31+$0xFFFFFEF0 ss:$0x1], $0xffff  }
0x261: {  	v3 =	vld.idx.msk [tilespmem:v2+s31+$0xFFFFFF00 ss:$0x1], $0xffff  }
0x262: {  	v25 =	vld.idx.msk [tilespmem:v1+s31+$0xFFFFFDF0 ss:$0x1], $0xffff  }
0x263: {  	v26 =	vld.idx.msk [tilespmem:v2+s31+$0xFFFFFE70 ss:$0x1], $0xffff  }
0x264: {  	v27 =	vld.idx.msk [tilespmem:v2+s31+$0xFFFFFE80 ss:$0x1], $0xffff  }
0x265: {  	v28 =	vld.idx.msk [tilespmem:v1+s31+$0xFFFFFE00 ss:$0x1], $0xffff  }
0x266: {  	v29 =	vld.idx.msk [tilespmem:v0+s31+$0xFFFFFE00 ss:$0x1], $0xffff  }
0x267: {  	v30 =	vld.idx.msk [tilespmem:v0+s31+$0xFFFFFDF0 ss:$0x1], $0xffff  }
0x268: {  	v31 =	vld.idx.msk [tilespmem:v1+s31+$0xFFFFFD70 ss:$0x1], $0xffff  }
0x269: {  	v32 =	vld.idx.msk [tilespmem:v2+s31+$0xFFFFFDF0 ss:$0x1], $0xffff  }
0x26a: {  	v33 =	vld.idx.msk [tilespmem:v2+s31+$0xFFFFFE00 ss:$0x1], $0xffff  }
0x26b: {  	v34 =	vld.idx.msk [tilespmem:v1+s31+$0xFFFFFD80 ss:$0x1], $0xffff  }
0x26c: {  	v35 =	vld.idx.msk [tilespmem:v1+s31+$0xFFFFFCF0 ss:$0x1], $0xffff  }
0x26d: {  	v36 =	vld.idx.msk [tilespmem:v1+s31+$0xFFFFFD00 ss:$0x1], $0xffff  }
0x26e: {  	v37 =	vld.idx.msk [tilespmem:v0+s31+$0xFFFFFD00 ss:$0x1], $0xffff  }
0x26f: {  	v7 =	vld.idx.msk [tilespmem:v2+s31+$0xFFFFFD70 ss:$0x1], $0xffff  }
0x270: {  	v8 =	vld.idx.msk [tilespmem:v2+s31+$0xFFFFFD80 ss:$0x1], $0xffff  }
0x271: {  	v38 =	vld.idx.msk [tilespmem:v0+s31+$0xFFFFFCF0 ss:$0x1], $0xffff  }
0x272: {  	v39 =	vld.idx.msk [tilespmem:v2+s31+$0xFFFFFCF0 ss:$0x1], $0xffff  }
0x273: {  	v40 =	vld.idx.msk [tilespmem:v2+s31+$0xFFFFFD00 ss:$0x1], $0xffff  }
0x274: {  	v41 =	vld.idx.msk [tilespmem:v1+s31+$0xFFFFFC70 ss:$0x1], $0xffff  }
0x275: {  	v42 =	vld.idx.msk [tilespmem:v1+s31+$0xFFFFFC80 ss:$0x1], $0xffff  }
0x276: {  	v43 =	vld.idx.msk [tilespmem:v0+s31+$0xFFFFFC80 ss:$0x1], $0xffff  }
0x277: {  	v44 =	vld.idx.msk [tilespmem:v0+s31+$0xFFFFFC70 ss:$0x1], $0xffff  }
0x278: {  	v45 =	vld.idx.msk [tilespmem:v2+s31+$0xFFFFFC70 ss:$0x1], $0xffff  }
0x279: {  	v46 =	vld.idx.msk [tilespmem:v2+s31+$0xFFFFFC80 ss:$0x1], $0xffff  }
0x27a: {  	v47 =	vld.idx.msk [tilespmem:v1+s31+$0xFFFFFBF0 ss:$0x1], $0xffff  }
0x27b: {  	v48 =	vld.idx.msk [tilespmem:v1+s31+$0xFFFFFC00 ss:$0x1], $0xffff  }
0x27c: {  	v49 =	vld.idx.msk [tilespmem:v1+s31+$0xFFFFFB70 ss:$0x1], $0xffff  }
0x27d: {  	v50 =	vld.idx.msk [tilespmem:v1+s31+$0xFFFFFB80 ss:$0x1], $0xffff  }
0x27e: {  	v10 =	vld.idx.msk [tilespmem:v2+s31+$0xFFFFFBF0 ss:$0x1], $0xffff  }
0x27f: {  	v11 =	vld.idx.msk [tilespmem:v2+s31+$0xFFFFFC00 ss:$0x1], $0xffff  }
0x280: {  	v51 =	vld.idx.msk [tilespmem:v0+s31+$0xFFFFFB80 ss:$0x1], $0xffff  }
0x281: {  	v52 =	vld.idx.msk [tilespmem:v2+s31+$0xFFFFFB70 ss:$0x1], $0xffff  }
0x282: {  	v53 =	vld.idx.msk [tilespmem:v2+s31+$0xFFFFFB80 ss:$0x1], $0xffff  }
0x283: {  	v54 =	vld.idx.msk [tilespmem:v0+s31+$0xFFFFFB70 ss:$0x1], $0xffff;
	v9 =	vmul.f32 v9, v4;
	v12 =	vmul.f32 v12, v5  }
0x284: {  	v55 =	vld.idx.msk [tilespmem:v1+s31+$0xFFFFFAF0 ss:$0x1], $0xffff;
	v13 =	vmul.f32 v13, v19;
	v14 =	vmul.f32 v14, v20  }
0x285: {  	v56 =	vld.idx.msk [tilespmem:v1+s31+$0xFFFFFB00 ss:$0x1], $0xffff;
	v15 =	vmul.f32 v15, v20;
	v9 =	vadd.f32 v12, v9;
	v12 =	vmul.f32 v16, v19  }
0x286: {  	v57 =	vld.idx.msk [tilespmem:v0+s31+$0xFFFFFB00 ss:$0x1], $0xffff;
	v13 =	vadd.f32 v14, v13  }
0x287: {  	v58 =	vld.idx.msk [tilespmem:v2+s31+$0xFFFFF870 ss:$0x1], $0xffff;
	(xrf2) =	vadd.scan.msk.f32 $0xffff, v9;
	v9 =	vadd.f32 v15, v12  }
0x288: {  	v60 =	vld.idx.msk [tilespmem:v2+s31+$0xFFFFF880 ss:$0x1], $0xffff;
	v12 =	vmul.f32 v17, v6;
	(xrf2) =	vadd.scan.msk.f32 $0xffff, v13;
	v13 =	vmul.f32 v18, v3  }
0x289: {  	v62 =	vld.idx.msk [tilespmem:v0+s31+$0xFFFFF880 ss:$0x1], $0xffff;
	v14 =	vmul.f32 v22, v27;
	(xrf2) =	vadd.scan.msk.f32 $0xffff, v9;
	v9 =	vmul.f32 v21, v26  }
0x28a: {  	v20 =	vld.idx.msk [tilespmem:v0+s31+$0xFFFFFAF0 ss:$0x1], $0xffff;
	v15 =	vmul.f32 v23, v27;
	v12 =	vadd.f32 v13, v12;
	v13 =	vmul.f32 v24, v26  }
0x28b: {  	v16 =	vld.idx.msk [tilespmem:v2+s31+$0xFFFFFAF0 ss:$0x1], $0xffff;
	v22 =	vmul.f32 v25, v32;
	v23 =	vmul.f32 v28, v33;
	v9 =	vadd.f32 v14, v9  }
0x28c: {  	v19 =	vld.idx.msk [tilespmem:v2+s31+$0xFFFFFB00 ss:$0x1], $0xffff;
	(xrf2) =	vadd.scan.msk.f32 $0xffff, v12;
	v12 =	vadd.f32 v15, v13  }
0x28d: {  	v25 =	vld.idx.msk [tilespmem:v2+s31+$0xFFFFFA00 ss:$0x1], $0xffff;
	(xrf2) =	vadd.scan.msk.f32 $0xffff, v9;
	v9 =	vadd.f32 v23, v22  }
0x28e: {  	v17 =	vld.idx.msk [tilespmem:v1+s31+$0xFFFFFA70 ss:$0x1], $0xffff;
	v13 =	vmul.f32 v29, v33;
	(xrf2) =	vadd.scan.msk.f32 $0xffff, v12;
	v12 =	vmul.f32 v30, v32  }
0x28f: {  	v27 =	vld.idx.msk [tilespmem:v0+s31+$0xFFFFFA00 ss:$0x1], $0xffff;
	v24 =	vmul.f32 v34, v8;
	(xrf2) =	vadd.scan.msk.f32 $0xffff, v9;
	v9 =	vmul.f32 v31, v7  }
0x290: {  	v18 =	vld.idx.msk [tilespmem:v1+s31+$0xFFFFFA80 ss:$0x1], $0xffff;
	v26 =	vmul.f32 v36, v40;
	v12 =	vadd.f32 v13, v12;
	v13 =	vmul.f32 v35, v39  }
0x291: {  	v28 =	vmul.f32 v37, v40;
	v21 =	vld.idx.msk [tilespmem:v1+s31+$0xFFFFF9F0 ss:$0x1], $0xffff;
	v9 =	vadd.f32 v24, v9;
	v24 =	vmul.f32 v38, v39  }
0x292: {  	v14 =	vld.idx.msk [tilespmem:v2+s31+$0xFFFFFA70 ss:$0x1], $0xffff;
	(xrf2) =	vadd.scan.msk.f32 $0xffff, v12;
	v12 =	vadd.f32 v26, v13  }
0x293: {  	v59 =	vmul.f32 v56, v19;
	v15 =	vld.idx.msk [tilespmem:v2+s31+$0xFFFFFA80 ss:$0x1], $0xffff;
	(xrf2) =	vadd.scan.msk.f32 $0xffff, v9;
	v9 =	vadd.f32 v28, v24  }
0x294: {  	v29 =	vld.idx.msk [tilespmem:v0+s31+$0xFFFFF9F0 ss:$0x1], $0xffff;
	v13 =	vmul.f32 v42, v46;
	(xrf2) =	vadd.scan.msk.f32 $0xffff, v12;
	v12 =	vmul.f32 v41, v45  }
0x295: {  	v22 =	vld.idx.msk [tilespmem:v1+s31+$0xFFFFFA00 ss:$0x1], $0xffff;
	v30 =	vmul.f32 v43, v46;
	(xrf2) =	vadd.scan.msk.f32 $0xffff, v9;
	v9 =	vmul.f32 v44, v45  }
0x296: {  	v23 =	vld.idx.msk [tilespmem:v2+s31+$0xFFFFF9F0 ss:$0x1], $0xffff;
	v44 =	vmul.f32 v48, v11;
	v12 =	vadd.f32 v13, v12;
	v13 =	vmul.f32 v47, v10  }
0x297: {  	v31 =	vld.idx.msk [tilespmem:v2+s31+$0xFFFFF980 ss:$0x1], $0xffff;
	v46 =	vmul.f32 v49, v52;
	v47 =	vmul.f32 v50, v53;
	v30 =	vadd.f32 v30, v9  }
0x298: {  	v17 =	vmul.f32 v17, v14;
	v26 =	vld.idx.msk [tilespmem:v1+s31+$0xFFFFF970 ss:$0x1], $0xffff;
	(xrf2) =	vadd.scan.msk.f32 $0xffff, v12;
	v13 =	vadd.f32 v44, v13  }
0x299: {  	v18 =	vmul.f32 v18, v15;
	v49 =	vld.idx.msk [tilespmem:v1+s31+$0xFFFFF870 ss:$0x1], $0xffff;
	v9, _, _ =	vpop (xrf2);
	(xrf2) =	vadd.scan.msk.f32 $0xffff, v30;
	v30 =	vadd.f32 v47, v46  }
0x29a: {  	v24 =	vld.idx.msk [tilespmem:v1+s31+$0xFFFFF980 ss:$0x1], $0xffff;
	v37, _, _ =	vpop (xrf2);
	(xrf2) =	vadd.scan.msk.f32 $0xffff, v13;
	v13 =	vmul.f32 v54, v52;
	v54 =	vmul.f32 v51, v53  }
0x29b: {  	v19 =	vmul.f32 v57, v19;
	v28 =	vld.idx.msk [tilespmem:v2+s31+$0xFFFFF970 ss:$0x1], $0xffff;
	v12, _, _ =	vpop (xrf2);
	(xrf2) =	vadd.scan.msk.f32 $0xffff, v30;
	v30 =	vmul.f32 v55, v16  }
0x29c: {  	v17 =	vadd.f32 v18, v17;
	v18 =	vld.idx.msk [tilespmem:v1+s31+$0xFFFFF900 ss:$0x1], $0xffff;
	v16 =	vmul.f32 v20, v16;
	v13 =	vadd.f32 v54, v13  }
0x29d: {  	v45 =	vld.idx.msk [tilespmem:v0+s31+$0xFFFFF980 ss:$0x1], $0xffff;
	v30 =	vadd.f32 v59, v30  }
0x29e: {  	v48 =	vld.idx.msk [tilespmem:v0+s31+$0xFFFFF970 ss:$0x1], $0xffff;
	v61, _, _ =	vpop (xrf2);
	v16 =	vadd.f32 v19, v16;
	(xrf2) =	vadd.scan.msk.f32 $0xffff, v13  }
0x29f: {  	v50 =	vld.idx.msk [tilespmem:v1+s31+$0xFFFFF880 ss:$0x1], $0xffff;
	v63, _, _ =	vpop (xrf2);
	(xrf2) =	vadd.scan.msk.f32 $0xffff, v30  }
0x2a0: {  	v20 =	vld.idx.msk [tilespmem:v1+s31+$0xFFFFF8F0 ss:$0x1], $0xffff;
	v13, _, _ =	vpop (xrf2);
	(xrf2) =	vadd.scan.msk.f32 $0xffff, v16;
	v16 =	vmul.f32 v21, v23;
	v21 =	vmul.f32 v22, v25  }
0x2a1: {  	v19 =	vld.idx.msk [tilespmem:v0+s31+$0xFFFFF870 ss:$0x1], $0xffff;
	v30, _, _ =	vpop (xrf2);
	(xrf2) =	vadd.scan.msk.f32 $0xffff, v17;
	v17 =	vmul.f32 v29, v23;
	v23 =	vmul.f32 v27, v25  }
0x2a2: {  	v24 =	vmul.f32 v24, v31;
	v22 =	vld.idx.msk [tilespmem:v2+s31+$0xFFFFF8F0 ss:$0x1], $0xffff;
	v16 =	vadd.f32 v21, v16;
	v21 =	vmul.f32 v26, v28  }
0x2a3: {  	v25 =	vld.idx.msk [tilespmem:v2+s31+$0xFFFFF900 ss:$0x1], $0xffff;
	v17 =	vadd.f32 v23, v17;
	v23 =	vmul.f32 v48, v28;
	v28 =	vmul.f32 v45, v31  }
0x2a4: {  	v29 =	vld.idx.msk [tilespmem:v0+s31+$0xFFFFF900 ss:$0x1], $0xffff;
	v27, _, _ =	vpop (xrf2)  }
0x2a5: {  	v31, _, _ =	vpop (xrf2);
	(xrf2) =	vadd.scan.msk.f32 $0xffff, v16;
	v16 =	vadd.f32 v24, v21;
	v21 =	vld.idx.msk [tilespmem:v0+s31+$0xFFFFF8F0 ss:$0x1], $0xffff  }
0x2a6: {  	v24, _, _ =	vpop (xrf2);
	(xrf2) =	vadd.scan.msk.f32 $0xffff, v17;
	v17 =	vadd.f32 v28, v23  }
0x2a7: {  	v46 =	vld.idx.msk [tilespmem:v0+s31+$0xFFFFFA70 ss:$0x1], $0xffff;
	v44 =	vmul.f32 v50, v60;
	v28, _, _ =	vpop (xrf2);
	(xrf2) =	vadd.scan.msk.f32 $0xffff, v16;
	v16 =	vmul.f32 v49, v58  }
0x2a8: {  	v45 =	vld.idx.msk [tilespmem:v0+s31+$0xFFFFFA80 ss:$0x1], $0xffff;
	(xrf2) =	vadd.scan.msk.f32 $0xffff, v17;
	v17 =	vmul.f32 v19, v58;
	v19 =	vmul.f32 v62, v60  }
0x2a9: {  	v20 =	vmul.f32 v20, v22;
	v18 =	vmul.f32 v18, v25;
	v47, _, _ =	vpop (xrf2);
	v16 =	vadd.f32 v44, v16  }
0x2aa: {  	v49, _, _ =	vpop (xrf2);
	v21 =	vmul.f32 v21, v22;
	v22 =	vmul.f32 v29, v25;
	v17 =	vadd.f32 v19, v17;
	v19 =	vld.idx.msk [tilespmem:v0+s31+$0xFFFFFC00 ss:$0x1], $0xffff  }
0x2ab: {  	v25, _, _ =	vpop (xrf2);
	(xrf2) =	vadd.scan.msk.f32 $0xffff, v16;
	v16 =	vadd.f32 v18, v20;
	v18 =	vld.idx.msk [tilespmem:v0+s31+$0xFFFFFBF0 ss:$0x1], $0xffff  }
0x2ac: {  	v23 =	vld.idx.msk [tilespmem:v0+s31+$0xFFFFFFF0 ss:$0x1], $0xffff;
	v21 =	vadd.f32 v22, v21  }
0x2ad: {  	v50 =	vld.idx.msk [tilespmem:v0+s31+$0xFFFFFD70 ss:$0x1], $0xffff;
	v14 =	vmul.f32 v46, v14;
	v15 =	vmul.f32 v45, v15;
	v20, _, _ =	vpop (xrf2);
	(xrf2) =	vadd.scan.msk.f32 $0xffff, v17  }
0x2ae: {  	v22, _, _ =	vpop (xrf2);
	(xrf2) =	vadd.scan.msk.f32 $0xffff, v16;
	v16 =	vld.idx.msk [tilespmem:v0+s31+$0xFFFFFD80 ss:$0x1], $0xffff  }
0x2af: {  	v26 =	vld.idx.msk [tilespmem:v0+s31+$0x0 ss:$0x1], $0xffff;
	v14 =	vadd.f32 v15, v14;
	v29, _, _ =	vpop (xrf2);
	(xrf2) =	vadd.scan.msk.f32 $0xffff, v21  }
0x2b0: {  	v48 =	vld.idx.msk [tilespmem:v0+s31+$0xFFFFFEF0 ss:$0x1], $0xffff;
	v21, _, _ =	vpop (xrf2);
	v11 =	vmul.f32 v19, v11;
	v10 =	vmul.f32 v18, v10  }
0x2b1: {  	v4 =	vmul.f32 v23, v4;
	v23, _, _ =	vpop (xrf2)  }
0x2b2: {  	v17 =	vld.idx.msk [tilespmem:v0+s31+$0xFFFFFF00 ss:$0x1], $0xffff;
	(xrf2) =	vadd.scan.msk.f32 $0xffff, v14;
	v18, _, _ =	vpop (xrf2);
	v10 =	vadd.f32 v11, v10  }
0x2b3: {  	v7 =	vmul.f32 v50, v7;
	v14, _, _ =	vpop (xrf2);
	v8 =	vmul.f32 v16, v8  }
0x2b4: {  	v24 =	vbroadcast v24, $0xF;
	v5 =	vmul.f32 v26, v5;
	v26, _, _ =	vpop (xrf2)  }
0x2b5: {  	v6 =	vmul.f32 v48, v6;
	v25 =	vbroadcast v25, $0xF;
	v16, _, _ =	vpop (xrf2)  }
0x2b6: {  	v20 =	vbroadcast v20, $0xF;
	v19 =	vbroadcast v63, $0xF;
	(xrf2) =	vadd.scan.msk.f32 $0xffff, v10;
	v10, _, _ =	vpop (xrf2)  }
0x2b7: {  	v29 =	vbroadcast v29, $0xF;
	v3 =	vmul.f32 v17, v3;
	v7 =	vadd.f32 v8, v7;
	v8, _, _ =	vpop (xrf2)  }
0x2b8: {  	v23 =	vbroadcast v23, $0xF;
	v51, _, _ =	vpop (xrf2);
	v8 =	vbroadcast v8, $0xF  }
0x2b9: {  	v3 =	vadd.f32 v3, v6;
	(xrf2) =	vadd.scan.msk.f32 $0xffff, v7;
	v7 =	vbroadcast v10, $0xF;
	v10 =	vbroadcast v51, $0xF;
	v6, _, _ =	vpop (xrf2)  }
0x2ba: {  	v4 =	vadd.f32 v5, v4;
	v26 =	vbroadcast v26, $0xF;
	v6 =	vbroadcast v6, $0xF  }
0x2bb: {  	v5 =	vsel vm0, v7, v10;
	v7 =	vbroadcast v16, $0xF;
	v10 =	vbroadcast v18, $0xF  }
0x2bc: {  	(xrf2) =	vadd.scan.msk.f32 $0xffff, v3;
	v3 =	vsel vm0, v8, v6;
	v5 =	vsel vm1, v5, v26;
	v6 =	vbroadcast v14, $0xF;
	v8, _, _ =	vpop (xrf2)  }
0x2bd: {  	v3 =	vsel vm1, v3, v7;
	v5 =	vsel vm2, v5, v10;
	v7 =	vbroadcast v8, $0xF  }
0x2be: {  	v11 =	vbroadcast v30, $0xF;
	v3 =	vsel vm2, v3, v6;
	v5 =	vsel vm3, v5, v23  }
0x2bf: {  	v6 =	vbroadcast v21, $0xF;
	v3 =	vsel vm3, v3, v7;
	v7 =	vbroadcast v22, $0xF  }
0x2c0: {  	v30 =	vbroadcast v31, $0xF;
	v31 =	vbroadcast v47, $0xF;
	v8, _, _ =	vpop (xrf2);
	v5 =	vsel vm4, v5, v29  }
0x2c1: {  	(xrf2) =	vadd.scan.msk.f32 $0xffff, v4;
	v3 =	vsel vm4, v3, v6;
	v4 =	vsel vm5, v5, v20;
	v5 =	vbroadcast v8, $0xF  }
0x2c2: {  	v6 =	vbroadcast v49, $0xF;
	v3 =	vsel vm5, v3, v7;
	v4 =	vsel vm6, v4, v25  }
0x2c3: {  	v3 =	vsel vm6, v3, v5;
	v4 =	vsel vm7, v4, v31;
	v5 =	vbroadcast v28, $0xF;
	v7, _, _ =	vpop (xrf2)  }
0x2c4: {  	v3 =	vsel vm7, v3, v6;
	v4 =	vsel vm8, v4, v24;
	v6 =	vbroadcast v7, $0xF  }
0x2c5: {  	v3 =	vsel vm8, v3, v5;
	v4 =	vsel vm9, v4, v30;
	v5 =	vbroadcast v27, $0xF  }
0x2c6: {  	v17 =	vbroadcast v61, $0xF;
	v7, _, _ =	vpop (xrf2);
	v4 =	vsel vm10, v4, v11;
	v3 =	vsel vm9, v3, v6  }
0x2c7: {  	v6 =	vbroadcast v13, $0xF;
	v3 =	vsel vm10, v3, v5;
	v5 =	vbroadcast v7, $0xF  }
0x2c8: {  	v15 =	vbroadcast v37, $0xF;
	v4 =	vsel vm11, v4, v19  }
0x2c9: {  	v4 =	vsel vm12, v4, v17;
	v3 =	vsel vm11, v3, v6;
	v6 =	vbroadcast v12, $0xF  }
0x2ca: {  	v4 =	vsel vm13, v4, v15;
	v3 =	vsel vm12, v3, v5  }
0x2cb: {  	v4 =	vsel vm14, v4, v9;
	v3 =	vsel vm13, v3, v6;
	v5, _, _ =	vpop (xrf2)  }
0x2cc: {  	v4 =	vsub.f32 $0.0e+00, v4;
	v3 =	vsel vm14, v3, v5  }
0x2cd: {  	v3 =	vsub.f32 $0.0e+00, v3  }
0x2ce: {  	v4 =	vmul.f32 $1.442695020e+00, v4  }
0x2cf: {  	v3 =	vmul.f32 $1.442695020e+00, v3  }
0x2d0: {  	(erf) = vpow2.f32 v4  }
0x2d1: {  	(erf) = vpow2.f32 v3;
	_ =	sdelay $0x7  }
0x2d2: {  	v3 =	vpop (erf)  }
0x2d3: {  	v3 =	vadd.f32 $1.000000000e+00, v3;
	v4 =	vpop (erf)  }
0x2d4: {  	v4 =	vadd.f32 $1.000000000e+00, v4  }
0x2d5: {  	(erf) = vrcp.f32 v3  }
0x2d6: {  	(erf) = vrcp.f32 v4;
	_ =	sdelay $0x7  }
0x2d7: {  	v3 =	vpop (erf)  }
0x2d8: {  	[tilespmem:s2+$0x0] =	vst v3;
	v3 =	vpop (erf)  }
0x2d9: {  	s26 =	simm.s32 $0x800;
	[tilespmem:s5+$0x0] =	vst v3  }
0x2da: {  	v3 =	vld.idx.msk [tilespmem:v1+s26+$0xFFFFFFF0 ss:$0x1], $0xffff  }
0x2db: {  	v7 =	vld.idx.msk [tilespmem:v1+s26+$0x0 ss:$0x1], $0xffff  }
0x2dc: {  	v11 =	vld.idx.msk [tilespmem:v1+s26+$0xFFFFFF70 ss:$0x1], $0xffff  }
0x2dd: {  	v12 =	vld.idx.msk [tilespmem:v1+s26+$0xFFFFFF80 ss:$0x1], $0xffff  }
0x2de: {  	v13 =	vld.idx.msk [tilespmem:v0+s26+$0xFFFFFF80 ss:$0x1], $0xffff  }
0x2df: {  	v14 =	vld.idx.msk [tilespmem:v0+s26+$0xFFFFFF70 ss:$0x1], $0xffff  }
0x2e0: {  	v15 =	vld.idx.msk [tilespmem:v1+s26+$0xFFFFFEF0 ss:$0x1], $0xffff  }
0x2e1: {  	v4 =	vld.idx.msk [tilespmem:v2+s26+$0xFFFFFFF0 ss:$0x1], $0xffff  }
0x2e2: {  	v5 =	vld.idx.msk [tilespmem:v2+s26+$0x0 ss:$0x1], $0xffff  }
0x2e3: {  	v16 =	vld.idx.msk [tilespmem:v1+s26+$0xFFFFFF00 ss:$0x1], $0xffff  }
0x2e4: {  	v17 =	vld.idx.msk [tilespmem:v2+s26+$0xFFFFFF70 ss:$0x1], $0xffff  }
0x2e5: {  	v18 =	vld.idx.msk [tilespmem:v2+s26+$0xFFFFFF80 ss:$0x1], $0xffff  }
0x2e6: {  	v19 =	vld.idx.msk [tilespmem:v1+s26+$0xFFFFFE70 ss:$0x1], $0xffff  }
0x2e7: {  	v20 =	vld.idx.msk [tilespmem:v1+s26+$0xFFFFFE80 ss:$0x1], $0xffff  }
0x2e8: {  	v21 =	vld.idx.msk [tilespmem:v0+s26+$0xFFFFFE80 ss:$0x1], $0xffff  }
0x2e9: {  	v22 =	vld.idx.msk [tilespmem:v0+s26+$0xFFFFFE70 ss:$0x1], $0xffff  }
0x2ea: {  	v8 =	vld.idx.msk [tilespmem:v2+s26+$0xFFFFFEF0 ss:$0x1], $0xffff  }
0x2eb: {  	v6 =	vld.idx.msk [tilespmem:v2+s26+$0xFFFFFF00 ss:$0x1], $0xffff  }
0x2ec: {  	v23 =	vld.idx.msk [tilespmem:v1+s26+$0xFFFFFDF0 ss:$0x1], $0xffff  }
0x2ed: {  	v24 =	vld.idx.msk [tilespmem:v2+s26+$0xFFFFFE70 ss:$0x1], $0xffff  }
0x2ee: {  	v25 =	vld.idx.msk [tilespmem:v2+s26+$0xFFFFFE80 ss:$0x1], $0xffff  }
0x2ef: {  	v26 =	vld.idx.msk [tilespmem:v1+s26+$0xFFFFFE00 ss:$0x1], $0xffff  }
0x2f0: {  	v27 =	vld.idx.msk [tilespmem:v0+s26+$0xFFFFFE00 ss:$0x1], $0xffff  }
0x2f1: {  	v28 =	vld.idx.msk [tilespmem:v0+s26+$0xFFFFFDF0 ss:$0x1], $0xffff  }
0x2f2: {  	v29 =	vld.idx.msk [tilespmem:v1+s26+$0xFFFFFD70 ss:$0x1], $0xffff  }
0x2f3: {  	v30 =	vld.idx.msk [tilespmem:v2+s26+$0xFFFFFDF0 ss:$0x1], $0xffff  }
0x2f4: {  	v31 =	vld.idx.msk [tilespmem:v2+s26+$0xFFFFFE00 ss:$0x1], $0xffff  }
0x2f5: {  	v32 =	vld.idx.msk [tilespmem:v1+s26+$0xFFFFFD80 ss:$0x1], $0xffff  }
0x2f6: {  	v33 =	vld.idx.msk [tilespmem:v1+s26+$0xFFFFFCF0 ss:$0x1], $0xffff  }
0x2f7: {  	v34 =	vld.idx.msk [tilespmem:v1+s26+$0xFFFFFD00 ss:$0x1], $0xffff  }
0x2f8: {  	v35 =	vld.idx.msk [tilespmem:v0+s26+$0xFFFFFD00 ss:$0x1], $0xffff  }
0x2f9: {  	v9 =	vld.idx.msk [tilespmem:v2+s26+$0xFFFFFD70 ss:$0x1], $0xffff  }
0x2fa: {  	v10 =	vld.idx.msk [tilespmem:v2+s26+$0xFFFFFD80 ss:$0x1], $0xffff  }
0x2fb: {  	v36 =	vld.idx.msk [tilespmem:v0+s26+$0xFFFFFCF0 ss:$0x1], $0xffff  }
0x2fc: {  	v52 =	vld.idx.msk [tilespmem:v2+s26+$0xFFFFFCF0 ss:$0x1], $0xffff  }
0x2fd: {  	v53 =	vld.idx.msk [tilespmem:v2+s26+$0xFFFFFD00 ss:$0x1], $0xffff  }
0x2fe: {  	v54 =	vld.idx.msk [tilespmem:v1+s26+$0xFFFFFC70 ss:$0x1], $0xffff  }
0x2ff: {  	v55 =	vld.idx.msk [tilespmem:v1+s26+$0xFFFFFC80 ss:$0x1], $0xffff  }
0x300: {  	v56 =	vld.idx.msk [tilespmem:v0+s26+$0xFFFFFC80 ss:$0x1], $0xffff  }
0x301: {  	v57 =	vld.idx.msk [tilespmem:v0+s26+$0xFFFFFC70 ss:$0x1], $0xffff  }
0x302: {  	v58 =	vld.idx.msk [tilespmem:v2+s26+$0xFFFFFC70 ss:$0x1], $0xffff  }
0x303: {  	v59 =	vld.idx.msk [tilespmem:v2+s26+$0xFFFFFC80 ss:$0x1], $0xffff  }
0x304: {  	v60 =	vld.idx.msk [tilespmem:v1+s26+$0xFFFFFBF0 ss:$0x1], $0xffff;
	v3 =	vmul.f32 v3, v4;
	v7 =	vmul.f32 v7, v5  }
0x305: {  	v61 =	vld.idx.msk [tilespmem:v1+s26+$0xFFFFFC00 ss:$0x1], $0xffff;
	v11 =	vmul.f32 v11, v17;
	v12 =	vmul.f32 v12, v18  }
0x306: {  	v62 =	vld.idx.msk [tilespmem:v1+s26+$0xFFFFFB70 ss:$0x1], $0xffff;
	v3 =	vadd.f32 v7, v3;
	v7 =	vmul.f32 v14, v17;
	v17 =	vmul.f32 v13, v18  }
0x307: {  	v63 =	vld.idx.msk [tilespmem:v1+s26+$0xFFFFFB80 ss:$0x1], $0xffff;
	v11 =	vadd.f32 v12, v11;
	v12 =	vmul.f32 v15, v8;
	v15 =	vmul.f32 v16, v6  }
0x308: {  	v13 =	vld.idx.msk [tilespmem:v2+s26+$0xFFFFFBF0 ss:$0x1], $0xffff;
	(xrf2) =	vadd.scan.msk.f32 $0xffff, v3;
	v3 =	vadd.f32 v17, v7  }
0x309: {  	v14 =	vld.idx.msk [tilespmem:v2+s26+$0xFFFFFC00 ss:$0x1], $0xffff;
	(xrf2) =	vadd.scan.msk.f32 $0xffff, v11;
	v11 =	vadd.f32 v15, v12  }
0x30a: {  	v16 =	vld.idx.msk [tilespmem:v2+s26+$0xFFFFFB80 ss:$0x1], $0xffff;
	v15 =	vmul.f32 v20, v25;
	(xrf2) =	vadd.scan.msk.f32 $0xffff, v3;
	v3 =	vmul.f32 v19, v24  }
0x30b: {  	v18 =	vld.idx.msk [tilespmem:v0+s26+$0xFFFFFB70 ss:$0x1], $0xffff;
	v17 =	vmul.f32 v21, v25;
	(xrf2) =	vadd.scan.msk.f32 $0xffff, v11;
	v11 =	vmul.f32 v22, v24  }
0x30c: {  	v7 =	vld.idx.msk [tilespmem:v0+s26+$0xFFFFFB80 ss:$0x1], $0xffff;
	v19 =	vmul.f32 v26, v31;
	v3 =	vadd.f32 v15, v3;
	v15 =	vmul.f32 v23, v30  }
0x30d: {  	v21 =	vmul.f32 v27, v31;
	v27 =	vld.idx.msk [tilespmem:v1+s26+$0xFFFFFA70 ss:$0x1], $0xffff;
	v11 =	vadd.f32 v17, v11;
	v17 =	vmul.f32 v28, v30  }
0x30e: {  	v12 =	vld.idx.msk [tilespmem:v2+s26+$0xFFFFFB70 ss:$0x1], $0xffff;
	(xrf2) =	vadd.scan.msk.f32 $0xffff, v3;
	v3 =	vadd.f32 v19, v15  }
0x30f: {  	v20 =	vld.idx.msk [tilespmem:v1+s26+$0xFFFFFAF0 ss:$0x1], $0xffff;
	(xrf2) =	vadd.scan.msk.f32 $0xffff, v11;
	v11 =	vadd.f32 v21, v17  }
0x310: {  	v25 =	vld.idx.msk [tilespmem:v0+s26+$0xFFFFFAF0 ss:$0x1], $0xffff;
	v15 =	vmul.f32 v32, v10;
	(xrf2) =	vadd.scan.msk.f32 $0xffff, v3;
	v3 =	vmul.f32 v29, v9  }
0x311: {  	v22 =	vld.idx.msk [tilespmem:v1+s26+$0xFFFFFB00 ss:$0x1], $0xffff;
	v17 =	vmul.f32 v34, v53;
	(xrf2) =	vadd.scan.msk.f32 $0xffff, v11;
	v11 =	vmul.f32 v33, v52  }
0x312: {  	v24 =	vmul.f32 v35, v53;
	v23 =	vld.idx.msk [tilespmem:v2+s26+$0xFFFFFB00 ss:$0x1], $0xffff;
	v3 =	vadd.f32 v15, v3;
	v15 =	vmul.f32 v36, v52  }
0x313: {  	v26 =	vmul.f32 v55, v59;
	v28 =	vld.idx.msk [tilespmem:v1+s26+$0xFFFFFA80 ss:$0x1], $0xffff;
	v11 =	vadd.f32 v17, v11  }
0x314: {  	v30 =	vld.idx.msk [tilespmem:v1+s26+$0xFFFFFA00 ss:$0x1], $0xffff;
	v17 =	vmul.f32 v54, v58;
	(xrf2) =	vadd.scan.msk.f32 $0xffff, v3;
	v3 =	vadd.f32 v24, v15  }
0x315: {  	v19 =	vld.idx.msk [tilespmem:v0+s26+$0xFFFFFB00 ss:$0x1], $0xffff;
	(xrf2) =	vadd.scan.msk.f32 $0xffff, v11  }
0x316: {  	v21 =	vld.idx.msk [tilespmem:v2+s26+$0xFFFFFAF0 ss:$0x1], $0xffff;
	v11 =	vadd.f32 v26, v17;
	(xrf2) =	vadd.scan.msk.f32 $0xffff, v3;
	v3 =	vmul.f32 v57, v58  }
0x317: {  	v53 =	vld.idx.msk [tilespmem:v2+s26+$0xFFFFF9F0 ss:$0x1], $0xffff;
	v15 =	vmul.f32 v56, v59  }
0x318: {  	v29 =	vld.idx.msk [tilespmem:v1+s26+$0xFFFFF9F0 ss:$0x1], $0xffff;
	v17 =	vmul.f32 v61, v14;
	(xrf2) =	vadd.scan.msk.f32 $0xffff, v11;
	v11 =	vmul.f32 v60, v13  }
0x319: {  	v51 =	vmul.f32 v62, v12;
	v52 =	vmul.f32 v63, v16;
	v24 =	vld.idx.msk [tilespmem:v2+s26+$0xFFFFFA70 ss:$0x1], $0xffff;
	v31 =	vadd.f32 v15, v3  }
0x31a: {  	v12 =	vmul.f32 v18, v12;
	v16 =	vmul.f32 v7, v16;
	v26 =	vld.idx.msk [tilespmem:v2+s26+$0xFFFFFA80 ss:$0x1], $0xffff;
	v11 =	vadd.f32 v17, v11;
	v3, _, _ =	vpop (xrf2)  }
0x31b: {  	v54 =	vld.idx.msk [tilespmem:v2+s26+$0xFFFFFA00 ss:$0x1], $0xffff;
	v18 =	vadd.f32 v52, v51;
	v15, _, _ =	vpop (xrf2);
	(xrf2) =	vadd.scan.msk.f32 $0xffff, v31  }
0x31c: {  	v7, _, _ =	vpop (xrf2);
	(xrf2) =	vadd.scan.msk.f32 $0xffff, v11;
	v11 =	vadd.f32 v16, v12;
	v12 =	vmul.f32 v20, v21;
	v16 =	vmul.f32 v22, v23  }
0x31d: {  	v20 =	vmul.f32 v25, v21  }
0x31e: {  	v38 =	vld.idx.msk [tilespmem:v0+s26+$0xFFFFF880 ss:$0x1], $0xffff;
	v19 =	vmul.f32 v19, v23;
	v17, _, _ =	vpop (xrf2);
	v12 =	vadd.f32 v16, v12  }
0x31f: {  	v55 =	vld.idx.msk [tilespmem:v0+s26+$0xFFFFF9F0 ss:$0x1], $0xffff;
	v21 =	vmul.f32 v28, v26;
	(xrf2) =	vadd.scan.msk.f32 $0xffff, v18;
	v18, _, _ =	vpop (xrf2);
	v16 =	vmul.f32 v27, v24  }
0x320: {  	v56 =	vld.idx.msk [tilespmem:v1+s26+$0xFFFFF970 ss:$0x1], $0xffff;
	v22 =	vmul.f32 v29, v53;
	(xrf2) =	vadd.scan.msk.f32 $0xffff, v11;
	v11, _, _ =	vpop (xrf2)  }
0x321: {  	v25 =	vmul.f32 v30, v54;
	v19 =	vadd.f32 v19, v20;
	v16 =	vadd.f32 v21, v16;
	v20, _, _ =	vpop (xrf2);
	(xrf2) =	vadd.scan.msk.f32 $0xffff, v12  }
0x322: {  	v31 =	vld.idx.msk [tilespmem:v0+s26+$0xFFFFFA00 ss:$0x1], $0xffff;
	v12, _, _ =	vpop (xrf2)  }
0x323: {  	v57 =	vld.idx.msk [tilespmem:v2+s26+$0xFFFFF980 ss:$0x1], $0xffff;
	(xrf2) =	vadd.scan.msk.f32 $0xffff, v19;
	v19 =	vadd.f32 v25, v22;
	v21, _, _ =	vpop (xrf2)  }
0x324: {  	v23 =	vld.idx.msk [tilespmem:v1+s26+$0xFFFFF980 ss:$0x1], $0xffff;
	v22, _, _ =	vpop (xrf2)  }
0x325: {  	v27 =	vld.idx.msk [tilespmem:v2+s26+$0xFFFFF970 ss:$0x1], $0xffff;
	(xrf2) =	vadd.scan.msk.f32 $0xffff, v16;
	v16, _, _ =	vpop (xrf2)  }
0x326: {  	v30 =	vld.idx.msk [tilespmem:v0+s26+$0xFFFFF980 ss:$0x1], $0xffff;
	v25, _, _ =	vpop (xrf2)  }
0x327: {  	v34 =	vld.idx.msk [tilespmem:v2+s26+$0xFFFFF870 ss:$0x1], $0xffff;
	v32 =	vmul.f32 v55, v53;
	v31 =	vmul.f32 v31, v54;
	(xrf2) =	vadd.scan.msk.f32 $0xffff, v19;
	v19, _, _ =	vpop (xrf2)  }
0x328: {  	v58 =	vld.idx.msk [tilespmem:v0+s26+$0xFFFFF970 ss:$0x1], $0xffff;
	v28, _, _ =	vpop (xrf2)  }
0x329: {  	v36 =	vld.idx.msk [tilespmem:v2+s26+$0xFFFFF880 ss:$0x1], $0xffff;
	v31 =	vadd.f32 v31, v32;
	v29, _, _ =	vpop (xrf2)  }
0x32a: {  	v59 =	vld.idx.msk [tilespmem:v1+s26+$0xFFFFF870 ss:$0x1], $0xffff;
	v62 =	vmul.f32 v23, v57;
	v61 =	vmul.f32 v56, v27;
	v23, _, _ =	vpop (xrf2)  }
0x32b: {  	v60 =	vld.idx.msk [tilespmem:v1+s26+$0xFFFFF880 ss:$0x1], $0xffff;
	v63 =	vmul.f32 v30, v57;
	v30, _, _ =	vpop (xrf2);
	(xrf2) =	vadd.scan.msk.f32 $0xffff, v31  }
0x32c: {  	v41 =	vld.idx.msk [tilespmem:v0+s26+$0xFFFFF870 ss:$0x1], $0xffff;
	v31 =	vadd.f32 v62, v61  }
0x32d: {  	v39 =	vld.idx.msk [tilespmem:v1+s26+$0xFFFFF900 ss:$0x1], $0xffff;
	v40 =	vmul.f32 v58, v27  }
0x32e: {  	v37 =	vld.idx.msk [tilespmem:v2+s26+$0xFFFFF8F0 ss:$0x1], $0xffff;
	v27, _, _ =	vpop (xrf2);
	(xrf2) =	vadd.scan.msk.f32 $0xffff, v31  }
0x32f: {  	v35 =	vld.idx.msk [tilespmem:v1+s26+$0xFFFFF8F0 ss:$0x1], $0xffff;
	v44 =	vadd.f32 v63, v40  }
0x330: {  	v33 =	vld.idx.msk [tilespmem:v0+s26+$0x0 ss:$0x1], $0xffff;
	v42 =	vmul.f32 v59, v34;
	v43 =	vmul.f32 v60, v36  }
0x331: {  	v40 =	vld.idx.msk [tilespmem:v2+s26+$0xFFFFF900 ss:$0x1], $0xffff;
	v32, _, _ =	vpop (xrf2);
	(xrf2) =	vadd.scan.msk.f32 $0xffff, v44  }
0x332: {  	s28 =	simm.s32 $0x4000;
	s25 =	smov.u32 s5;
	s24 =	smov.u32 s2;
	v43 =	vadd.f32 v43, v42;
	v42 =	vld.idx.msk [tilespmem:v0+s26+$0xFFFFF900 ss:$0x1], $0xffff;
	v31, _, _ =	vpop (xrf2)  }
.LBB2_9:
0x333: {  	p2 =	sne.s32 s28, $0xE000;
	v34 =	vmul.f32 v41, v34;
	v36 =	vmul.f32 v38, v36;
	v38 =	vld.idx.msk [tilespmem:v0+s26+$0xFFFFF8F0 ss:$0x1], $0xffff  }
0x334: {  	v41 =	vld.idx.msk [tilespmem:v0+s26+$0xFFFFFFF0 ss:$0x1], $0xffff;
	(xrf2) =	vadd.scan.msk.f32 $0xffff, v43  }
0x335: {  	v34 =	vadd.f32 v36, v34;
	v36 =	vld.idx.msk [tilespmem:v0+s26+$0xFFFFFA80 ss:$0x1], $0xffff;
	v43, _, _ =	vpop (xrf2)  }
0x336: {  	v35 =	vmul.f32 v35, v37;
	v46 =	vmul.f32 v39, v40;
	v44 =	vld.idx.msk [tilespmem:v0+s26+$0xFFFFFA70 ss:$0x1], $0xffff  }
0x337: {  	v45 =	vld.idx.msk [tilespmem:v0+s26+$0xFFFFFEF0 ss:$0x1], $0xffff;
	(xrf2) =	vadd.scan.msk.f32 $0xffff, v34  }
0x338: {  	v34 =	vadd.f32 v46, v35;
	v35 =	vld.idx.msk [tilespmem:v0+s26+$0xFFFFFC00 ss:$0x1], $0xffff;
	v39, _, _ =	vpop (xrf2)  }
0x339: {  	v46 =	vmul.f32 v42, v40;
	v37 =	vmul.f32 v38, v37;
	v40 =	vld.idx.msk [tilespmem:v0+s26+$0xFFFFFBF0 ss:$0x1], $0xffff  }
0x33a: {  	v42 =	vld.idx.msk [tilespmem:v0+s26+$0xFFFFFF00 ss:$0x1], $0xffff;
	(xrf2) =	vadd.scan.msk.f32 $0xffff, v34  }
0x33b: {  	v34 =	vadd.f32 v46, v37;
	v37 =	vld.idx.msk [tilespmem:v0+s26+$0xFFFFFD80 ss:$0x1], $0xffff;
	v38, _, _ =	vpop (xrf2)  }
0x33c: {  	v24 =	vmul.f32 v44, v24;
	v44 =	vmul.f32 v36, v26;
	v36 =	vld.idx.msk [tilespmem:v0+s26+$0xFFFFFD70 ss:$0x1], $0xffff  }
0x33d: {  	v5 =	vmul.f32 v33, v5;
	v4 =	vmul.f32 v41, v4;
	(xrf2) =	vadd.scan.msk.f32 $0xffff, v34  }
0x33e: {  	v15 =	vbroadcast v15, $0xF;
	v8 =	vmul.f32 v45, v8;
	v24 =	vadd.f32 v44, v24;
	v26, _, _ =	vpop (xrf2)  }
0x33f: {  	v14 =	vmul.f32 v35, v14;
	v13 =	vmul.f32 v40, v13  }
0x340: {  	v17 =	vbroadcast v17, $0xF;
	v6 =	vmul.f32 v42, v6;
	(xrf2) =	vadd.scan.msk.f32 $0xffff, v24  }
0x341: {  	v18 =	vbroadcast v18, $0xF;
	v13 =	vadd.f32 v14, v13;
	v14 =	vbroadcast v20, $0xF;
	v20, _, _ =	vpop (xrf2)  }
0x342: {  	v33 =	vmul.f32 v37, v10;
	v9 =	vmul.f32 v36, v9  }
0x343: {  	v22 =	vbroadcast v22, $0xF;
	v21 =	vbroadcast v21, $0xF;
	(xrf2) =	vadd.scan.msk.f32 $0xffff, v13  }
0x344: {  	v24 =	vbroadcast v25, $0xF;
	v13 =	vbroadcast v28, $0xF;
	v9 =	vadd.f32 v33, v9;
	v10, _, _ =	vpop (xrf2)  }
0x345: {  	v25 =	vbroadcast v30, $0xF;
	v28 =	vbroadcast v29, $0xF  }
0x346: {  	v30 =	vbroadcast v32, $0xF;
	v29 =	vbroadcast v39, $0xF;
	(xrf2) =	vadd.scan.msk.f32 $0xffff, v9  }
0x347: {  	v6 =	vadd.f32 v6, v8;
	v10 =	vbroadcast v10, $0xF;
	v9 =	vbroadcast v26, $0xF;
	v8, _, _ =	vpop (xrf2)  }
0x348: {  	v4 =	vadd.f32 v5, v4;
	v26 =	vbroadcast v20, $0xF;
	v8 =	vbroadcast v8, $0xF  }
0x349: {  	v5 =	vsel vm0, v9, v10;
	v9 =	vbroadcast v38, $0xF;
	v10 =	vbroadcast v31, $0xF;
	(xrf2) =	vadd.scan.msk.f32 $0xffff, v6  }
0x34a: {  	v5 =	vsel vm1, v5, v29;
	v6 =	vsel vm0, v26, v8;
	v8 =	vbroadcast v43, $0xF;
	v20, _, _ =	vpop (xrf2)  }
0x34b: {  	v5 =	vsel vm2, v5, v10;
	v6 =	vsel vm1, v6, v9;
	v9 =	vbroadcast v20, $0xF  }
0x34c: {  	v5 =	vsel vm3, v5, v30;
	v6 =	vsel vm2, v6, v8;
	v8 =	vbroadcast v27, $0xF  }
0x34d: {  	v20 =	vbroadcast v23, $0xF;
	v5 =	vsel vm4, v5, v25;
	v6 =	vsel vm3, v6, v9;
	v10, _, _ =	vpop (xrf2);
	(xrf2) =	vadd.scan.msk.f32 $0xffff, v4  }
0x34e: {  	v5 =	vsel vm5, v5, v28;
	v4 =	vsel vm4, v6, v8;
	v6 =	vbroadcast v10, $0xF  }
0x34f: {  	v5 =	vsel vm6, v5, v13;
	v8 =	vbroadcast v19, $0xF;
	v4 =	vsel vm5, v4, v20  }
0x350: {  	v5 =	vsel vm7, v5, v24;
	v4 =	vsel vm6, v4, v6;
	v6 =	vbroadcast v16, $0xF;
	v9, _, _ =	vpop (xrf2)  }
0x351: {  	v5 =	vsel vm8, v5, v22;
	v4 =	vsel vm7, v4, v8;
	v8 =	vbroadcast v9, $0xF  }
0x352: {  	v5 =	vsel vm9, v5, v21;
	v4 =	vsel vm8, v4, v6;
	v6 =	vbroadcast v12, $0xF  }
0x353: {  	v5 =	vsel vm10, v5, v14;
	v4 =	vsel vm9, v4, v8;
	v8 =	vbroadcast v11, $0xF;
	v9, _, _ =	vpop (xrf2)  }
0x354: {  	v5 =	vsel vm11, v5, v18;
	v4 =	vsel vm10, v4, v6;
	v6 =	vbroadcast v9, $0xF  }
0x355: {  	v7 =	vbroadcast v7, $0xF;
	v4 =	vsel vm11, v4, v8;
	v8 =	vsel vm12, v5, v17  }
0x356: {  	v4 =	vsel vm12, v4, v6;
	v6 =	vsel vm13, v8, v15  }
0x357: {  	v4 =	vsel vm13, v4, v7;
	v3 =	vsel vm14, v6, v3;
	v5, _, _ =	vpop (xrf2)  }
0x358: {  	v4 =	vsel vm14, v4, v5;
	v3 =	vsub.f32 $0.0e+00, v3  }
0x359: {  	v4 =	vsub.f32 $0.0e+00, v4  }
0x35a: {  	v3 =	vmul.f32 $1.442695020e+00, v3  }
0x35b: {  	v4 =	vmul.f32 $1.442695020e+00, v4  }
0x35c: {  	(erf) = vpow2.f32 v3  }
0x35d: {  	(erf) = vpow2.f32 v4;
	_ =	sdelay $0x7  }
0x35e: {  	v3 =	vpop (erf)  }
0x35f: {  	v3 =	vadd.f32 $1.000000000e+00, v3;
	v4 =	vpop (erf)  }
0x360: {  	v4 =	vadd.f32 $1.000000000e+00, v4  }
0x361: {  	(erf) = vrcp.f32 v3  }
0x362: {  	(erf) = vrcp.f32 v4;
	_ =	sdelay $0x7  }
0x363: {  	s24 =	sadd.s32 $0x10, s24;
	v3 =	vpop (erf)  }
0x364: {  	s25 =	sadd.s32 $0x10, s25;
	[tilespmem:s24+$0x0] =	vst v3;
	v3 =	vpop (erf)  }
0x365: {  	s26 =	sshra.s32 s28, $0x2;
	[tilespmem:s25+$0x0] =	vst v3  }
0x366: {  	v3 =	vld.idx.msk [tilespmem:v1+s26+$0xFFFFFFF0 ss:$0x1], $0xffff  }
0x367: {  	v6 =	vld.idx.msk [tilespmem:v1+s26+$0x0 ss:$0x1], $0xffff  }
0x368: {  	v7 =	vld.idx.msk [tilespmem:v1+s26+$0xFFFFFF70 ss:$0x1], $0xffff  }
0x369: {  	v9 =	vld.idx.msk [tilespmem:v1+s26+$0xFFFFFF80 ss:$0x1], $0xffff  }
0x36a: {  	v10 =	vld.idx.msk [tilespmem:v0+s26+$0xFFFFFF80 ss:$0x1], $0xffff  }
0x36b: {  	v11 =	vld.idx.msk [tilespmem:v0+s26+$0xFFFFFF70 ss:$0x1], $0xffff  }
0x36c: {  	v12 =	vld.idx.msk [tilespmem:v1+s26+$0xFFFFFEF0 ss:$0x1], $0xffff  }
0x36d: {  	v4 =	vld.idx.msk [tilespmem:v2+s26+$0xFFFFFFF0 ss:$0x1], $0xffff  }
0x36e: {  	v5 =	vld.idx.msk [tilespmem:v2+s26+$0x0 ss:$0x1], $0xffff  }
0x36f: {  	v13 =	vld.idx.msk [tilespmem:v1+s26+$0xFFFFFF00 ss:$0x1], $0xffff  }
0x370: {  	v14 =	vld.idx.msk [tilespmem:v2+s26+$0xFFFFFF70 ss:$0x1], $0xffff  }
0x371: {  	v15 =	vld.idx.msk [tilespmem:v2+s26+$0xFFFFFF80 ss:$0x1], $0xffff  }
0x372: {  	v16 =	vld.idx.msk [tilespmem:v1+s26+$0xFFFFFE70 ss:$0x1], $0xffff  }
0x373: {  	v17 =	vld.idx.msk [tilespmem:v1+s26+$0xFFFFFE80 ss:$0x1], $0xffff  }
0x374: {  	v3 =	vmul.f32 v3, v4;
	v6 =	vmul.f32 v6, v5;
	v18 =	vld.idx.msk [tilespmem:v0+s26+$0xFFFFFE80 ss:$0x1], $0xffff  }
0x375: {  	v19 =	vld.idx.msk [tilespmem:v0+s26+$0xFFFFFE70 ss:$0x1], $0xffff  }
0x376: {  	v3 =	vadd.f32 v6, v3;
	v8 =	vld.idx.msk [tilespmem:v2+s26+$0xFFFFFEF0 ss:$0x1], $0xffff  }
0x377: {  	v7 =	vmul.f32 v7, v14;
	v9 =	vmul.f32 v9, v15;
	v6 =	vld.idx.msk [tilespmem:v2+s26+$0xFFFFFF00 ss:$0x1], $0xffff  }
0x378: {  	v20 =	vld.idx.msk [tilespmem:v1+s26+$0xFFFFFDF0 ss:$0x1], $0xffff;
	(xrf2) =	vadd.scan.msk.f32 $0xffff, v3  }
0x379: {  	v3 =	vadd.f32 v9, v7;
	v21 =	vld.idx.msk [tilespmem:v2+s26+$0xFFFFFE70 ss:$0x1], $0xffff  }
0x37a: {  	v10 =	vmul.f32 v10, v15;
	v9 =	vmul.f32 v11, v14;
	v7 =	vld.idx.msk [tilespmem:v2+s26+$0xFFFFFE80 ss:$0x1], $0xffff  }
0x37b: {  	v11 =	vld.idx.msk [tilespmem:v1+s26+$0xFFFFFE00 ss:$0x1], $0xffff;
	(xrf2) =	vadd.scan.msk.f32 $0xffff, v3  }
0x37c: {  	v3 =	vadd.f32 v10, v9;
	v14 =	vld.idx.msk [tilespmem:v0+s26+$0xFFFFFE00 ss:$0x1], $0xffff  }
0x37d: {  	v9 =	vmul.f32 v12, v8;
	v10 =	vmul.f32 v13, v6;
	v22 =	vld.idx.msk [tilespmem:v0+s26+$0xFFFFFDF0 ss:$0x1], $0xffff  }
0x37e: {  	v12 =	vld.idx.msk [tilespmem:v1+s26+$0xFFFFFD70 ss:$0x1], $0xffff;
	(xrf2) =	vadd.scan.msk.f32 $0xffff, v3  }
0x37f: {  	v15 =	vadd.f32 v10, v9;
	v13 =	vld.idx.msk [tilespmem:v2+s26+$0xFFFFFDF0 ss:$0x1], $0xffff  }
0x380: {  	v9 =	vmul.f32 v16, v21;
	v10 =	vmul.f32 v17, v7;
	v23 =	vld.idx.msk [tilespmem:v2+s26+$0xFFFFFE00 ss:$0x1], $0xffff  }
0x381: {  	v16 =	vld.idx.msk [tilespmem:v1+s26+$0xFFFFFD80 ss:$0x1], $0xffff;
	(xrf2) =	vadd.scan.msk.f32 $0xffff, v15  }
0x382: {  	v9 =	vadd.f32 v10, v9;
	v24 =	vld.idx.msk [tilespmem:v1+s26+$0xFFFFFCF0 ss:$0x1], $0xffff;
	v3, _, _ =	vpop (xrf2)  }
0x383: {  	v7 =	vmul.f32 v18, v7;
	v10 =	vmul.f32 v19, v21;
	v25 =	vld.idx.msk [tilespmem:v1+s26+$0xFFFFFD00 ss:$0x1], $0xffff  }
0x384: {  	v19 =	vld.idx.msk [tilespmem:v0+s26+$0xFFFFFD00 ss:$0x1], $0xffff;
	(xrf2) =	vadd.scan.msk.f32 $0xffff, v9  }
0x385: {  	v18 =	vadd.f32 v7, v10;
	v9 =	vld.idx.msk [tilespmem:v2+s26+$0xFFFFFD70 ss:$0x1], $0xffff;
	v15, _, _ =	vpop (xrf2)  }
0x386: {  	v17 =	vmul.f32 v20, v13;
	v11 =	vmul.f32 v11, v23;
	v10 =	vld.idx.msk [tilespmem:v2+s26+$0xFFFFFD80 ss:$0x1], $0xffff  }
0x387: {  	v20 =	vld.idx.msk [tilespmem:v0+s26+$0xFFFFFCF0 ss:$0x1], $0xffff;
	(xrf2) =	vadd.scan.msk.f32 $0xffff, v18  }
0x388: {  	v11 =	vadd.f32 v11, v17;
	v21 =	vld.idx.msk [tilespmem:v2+s26+$0xFFFFFCF0 ss:$0x1], $0xffff;
	v7, _, _ =	vpop (xrf2)  }
0x389: {  	v13 =	vmul.f32 v22, v13;
	v14 =	vmul.f32 v14, v23;
	v26 =	vld.idx.msk [tilespmem:v2+s26+$0xFFFFFD00 ss:$0x1], $0xffff  }
0x38a: {  	v22 =	vld.idx.msk [tilespmem:v1+s26+$0xFFFFFC70 ss:$0x1], $0xffff;
	(xrf2) =	vadd.scan.msk.f32 $0xffff, v11  }
0x38b: {  	v11 =	vadd.f32 v14, v13;
	v23 =	vld.idx.msk [tilespmem:v1+s26+$0xFFFFFC80 ss:$0x1], $0xffff;
	v17, _, _ =	vpop (xrf2)  }
0x38c: {  	v12 =	vmul.f32 v12, v9;
	v13 =	vmul.f32 v16, v10;
	v27 =	vld.idx.msk [tilespmem:v0+s26+$0xFFFFFC80 ss:$0x1], $0xffff  }
0x38d: {  	v16 =	vld.idx.msk [tilespmem:v0+s26+$0xFFFFFC70 ss:$0x1], $0xffff;
	(xrf2) =	vadd.scan.msk.f32 $0xffff, v11  }
0x38e: {  	v14 =	vadd.f32 v13, v12;
	v28 =	vld.idx.msk [tilespmem:v2+s26+$0xFFFFFC70 ss:$0x1], $0xffff;
	v18, _, _ =	vpop (xrf2)  }
0x38f: {  	v12 =	vmul.f32 v24, v21;
	v13 =	vmul.f32 v25, v26;
	v29 =	vld.idx.msk [tilespmem:v2+s26+$0xFFFFFC80 ss:$0x1], $0xffff  }
0x390: {  	v24 =	vld.idx.msk [tilespmem:v1+s26+$0xFFFFFBF0 ss:$0x1], $0xffff;
	(xrf2) =	vadd.scan.msk.f32 $0xffff, v14  }
0x391: {  	v12 =	vadd.f32 v13, v12;
	v25 =	vld.idx.msk [tilespmem:v1+s26+$0xFFFFFC00 ss:$0x1], $0xffff;
	v11, _, _ =	vpop (xrf2)  }
0x392: {  	v19 =	vmul.f32 v19, v26;
	v14 =	vmul.f32 v20, v21;
	v30 =	vld.idx.msk [tilespmem:v1+s26+$0xFFFFFB70 ss:$0x1], $0xffff  }
0x393: {  	v26 =	vld.idx.msk [tilespmem:v1+s26+$0xFFFFFB80 ss:$0x1], $0xffff;
	(xrf2) =	vadd.scan.msk.f32 $0xffff, v12  }
0x394: {  	v32 =	vadd.f32 v19, v14;
	v13 =	vld.idx.msk [tilespmem:v2+s26+$0xFFFFFBF0 ss:$0x1], $0xffff;
	v20, _, _ =	vpop (xrf2)  }
0x395: {  	v19 =	vmul.f32 v22, v28;
	v21 =	vmul.f32 v23, v29;
	v14 =	vld.idx.msk [tilespmem:v2+s26+$0xFFFFFC00 ss:$0x1], $0xffff  }
0x396: {  	v23 =	vld.idx.msk [tilespmem:v0+s26+$0xFFFFFB80 ss:$0x1], $0xffff;
	(xrf2) =	vadd.scan.msk.f32 $0xffff, v32  }
0x397: {  	v19 =	vadd.f32 v21, v19;
	v31 =	vld.idx.msk [tilespmem:v2+s26+$0xFFFFFB70 ss:$0x1], $0xffff;
	v12, _, _ =	vpop (xrf2)  }
0x398: {  	v16 =	vmul.f32 v16, v28;
	v22 =	vmul.f32 v27, v29;
	v32 =	vld.idx.msk [tilespmem:v2+s26+$0xFFFFFB80 ss:$0x1], $0xffff  }
0x399: {  	v27 =	vld.idx.msk [tilespmem:v0+s26+$0xFFFFFB70 ss:$0x1], $0xffff;
	(xrf2) =	vadd.scan.msk.f32 $0xffff, v19  }
0x39a: {  	v16 =	vadd.f32 v22, v16;
	v19 =	vld.idx.msk [tilespmem:v1+s26+$0xFFFFFAF0 ss:$0x1], $0xffff;
	v21, _, _ =	vpop (xrf2)  }
0x39b: {  	v34 =	vmul.f32 v24, v13;
	v24 =	vmul.f32 v25, v14;
	v28 =	vld.idx.msk [tilespmem:v1+s26+$0xFFFFFB00 ss:$0x1], $0xffff  }
0x39c: {  	v29 =	vld.idx.msk [tilespmem:v0+s26+$0xFFFFFB00 ss:$0x1], $0xffff;
	(xrf2) =	vadd.scan.msk.f32 $0xffff, v16  }
0x39d: {  	v36 =	vadd.f32 v24, v34;
	v33 =	vld.idx.msk [tilespmem:v2+s26+$0xFFFFFAF0 ss:$0x1], $0xffff;
	v22, _, _ =	vpop (xrf2)  }
0x39e: {  	v24 =	vmul.f32 v30, v31;
	v25 =	vmul.f32 v26, v32;
	v34 =	vld.idx.msk [tilespmem:v2+s26+$0xFFFFFB00 ss:$0x1], $0xffff  }
0x39f: {  	v30 =	vld.idx.msk [tilespmem:v0+s26+$0xFFFFFAF0 ss:$0x1], $0xffff;
	(xrf2) =	vadd.scan.msk.f32 $0xffff, v36  }
0x3a0: {  	v24 =	vadd.f32 v25, v24;
	v35 =	vld.idx.msk [tilespmem:v1+s26+$0xFFFFFA70 ss:$0x1], $0xffff;
	v16, _, _ =	vpop (xrf2)  }
0x3a1: {  	v23 =	vmul.f32 v23, v32;
	v26 =	vmul.f32 v27, v31;
	v36 =	vld.idx.msk [tilespmem:v1+s26+$0xFFFFFA80 ss:$0x1], $0xffff  }
0x3a2: {  	v27 =	vld.idx.msk [tilespmem:v1+s26+$0xFFFFF9F0 ss:$0x1], $0xffff;
	(xrf2) =	vadd.scan.msk.f32 $0xffff, v24  }
0x3a3: {  	v23 =	vadd.f32 v23, v26;
	v24 =	vld.idx.msk [tilespmem:v2+s26+$0xFFFFFA70 ss:$0x1], $0xffff;
	v25, _, _ =	vpop (xrf2)  }
0x3a4: {  	v37 =	vmul.f32 v19, v33;
	v28 =	vmul.f32 v28, v34;
	v26 =	vld.idx.msk [tilespmem:v2+s26+$0xFFFFFA80 ss:$0x1], $0xffff  }
0x3a5: {  	v31 =	vld.idx.msk [tilespmem:v1+s26+$0xFFFFFA00 ss:$0x1], $0xffff;
	(xrf2) =	vadd.scan.msk.f32 $0xffff, v23  }
0x3a6: {  	v23 =	vadd.f32 v28, v37;
	v32 =	vld.idx.msk [tilespmem:v2+s26+$0xFFFFF9F0 ss:$0x1], $0xffff;
	v19, _, _ =	vpop (xrf2)  }
0x3a7: {  	v29 =	vmul.f32 v29, v34;
	v38 =	vmul.f32 v30, v33;
	v37 =	vld.idx.msk [tilespmem:v2+s26+$0xFFFFFA00 ss:$0x1], $0xffff  }
0x3a8: {  	v30 =	vld.idx.msk [tilespmem:v0+s26+$0xFFFFFA00 ss:$0x1], $0xffff;
	(xrf2) =	vadd.scan.msk.f32 $0xffff, v23  }
0x3a9: {  	v23 =	vadd.f32 v29, v38;
	v33 =	vld.idx.msk [tilespmem:v0+s26+$0xFFFFF9F0 ss:$0x1], $0xffff;
	v28, _, _ =	vpop (xrf2)  }
0x3aa: {  	v40 =	vmul.f32 v35, v24;
	v34 =	vmul.f32 v36, v26;
	v38 =	vld.idx.msk [tilespmem:v1+s26+$0xFFFFF970 ss:$0x1], $0xffff  }
0x3ab: {  	v35 =	vld.idx.msk [tilespmem:v1+s26+$0xFFFFF980 ss:$0x1], $0xffff;
	(xrf2) =	vadd.scan.msk.f32 $0xffff, v23  }
0x3ac: {  	v34 =	vadd.f32 v34, v40;
	v39 =	vld.idx.msk [tilespmem:v2+s26+$0xFFFFF970 ss:$0x1], $0xffff;
	v29, _, _ =	vpop (xrf2)  }
0x3ad: {  	v27 =	vmul.f32 v27, v32;
	v31 =	vmul.f32 v31, v37;
	v40 =	vld.idx.msk [tilespmem:v2+s26+$0xFFFFF980 ss:$0x1], $0xffff  }
0x3ae: {  	v42 =	vld.idx.msk [tilespmem:v0+s26+$0xFFFFF980 ss:$0x1], $0xffff;
	(xrf2) =	vadd.scan.msk.f32 $0xffff, v34  }
0x3af: {  	v27 =	vadd.f32 v31, v27;
	v43 =	vld.idx.msk [tilespmem:v0+s26+$0xFFFFF970 ss:$0x1], $0xffff;
	v23, _, _ =	vpop (xrf2)  }
0x3b0: {  	v36 =	vmul.f32 v30, v37;
	v32 =	vmul.f32 v33, v32;
	v31 =	vld.idx.msk [tilespmem:v1+s26+$0xFFFFF870 ss:$0x1], $0xffff  }
0x3b1: {  	v33 =	vld.idx.msk [tilespmem:v1+s26+$0xFFFFF880 ss:$0x1], $0xffff;
	(xrf2) =	vadd.scan.msk.f32 $0xffff, v27  }
0x3b2: {  	v41 =	vadd.f32 v36, v32;
	v34 =	vld.idx.msk [tilespmem:v2+s26+$0xFFFFF870 ss:$0x1], $0xffff;
	v30, _, _ =	vpop (xrf2)  }
0x3b3: {  	v32 =	vmul.f32 v38, v39;
	v37 =	vmul.f32 v35, v40;
	v36 =	vld.idx.msk [tilespmem:v2+s26+$0xFFFFF880 ss:$0x1], $0xffff  }
0x3b4: {  	v35 =	vld.idx.msk [tilespmem:v1+s26+$0xFFFFF8F0 ss:$0x1], $0xffff;
	(xrf2) =	vadd.scan.msk.f32 $0xffff, v41  }
0x3b5: {  	v44 =	vadd.f32 v37, v32;
	v38 =	vld.idx.msk [tilespmem:v0+s26+$0xFFFFF880 ss:$0x1], $0xffff;
	v27, _, _ =	vpop (xrf2)  }
0x3b6: {  	v40 =	vmul.f32 v42, v40;
	v43 =	vmul.f32 v43, v39;
	v41 =	vld.idx.msk [tilespmem:v0+s26+$0xFFFFF870 ss:$0x1], $0xffff  }
.Ltmp3:
0x3b7: {  	v39 =	vld.idx.msk [tilespmem:v1+s26+$0xFFFFF900 ss:$0x1], $0xffff;
	(xrf2) =	vadd.scan.msk.f32 $0xffff, v44;
	(pc) =	sbr.rel @p2 .LBB2_9-.Ltmp3, $4  }
0x3b8: {  	v42 =	vadd.f32 v40, v43;
	v37 =	vld.idx.msk [tilespmem:v2+s26+$0xFFFFF8F0 ss:$0x1], $0xffff;
	v32, _, _ =	vpop (xrf2)  }
0x3b9: {  	v44 =	vmul.f32 v31, v34;
	v43 =	vmul.f32 v33, v36;
	v40 =	vld.idx.msk [tilespmem:v2+s26+$0xFFFFF900 ss:$0x1], $0xffff  }
0x3ba: {  	v33 =	vld.idx.msk [tilespmem:v0+s26+$0x0 ss:$0x1], $0xffff;
	(xrf2) =	vadd.scan.msk.f32 $0xffff, v42  }
0x3bb: {  	s28 =	sadd.s32 $0x2000, s28;
	v43 =	vadd.f32 v43, v44;
	v42 =	vld.idx.msk [tilespmem:v0+s26+$0xFFFFF900 ss:$0x1], $0xffff;
	v31, _, _ =	vpop (xrf2)  }
0x3bc: {  	_ =	sdelay $0x3  }
0x3bd: {  	v1 =	vld.idx.msk [tilespmem:v0+s26+$0xFFFFF8F0 ss:$0x1], $0xffff;
	_ =	sdelay $0x1  }
0x3be: {  	v44 =	vld.idx.msk [tilespmem:v0+s26+$0xFFFFFA80 ss:$0x1], $0xffff  }
0x3bf: {  	v34 =	vmul.f32 v41, v34;
	v36 =	vmul.f32 v38, v36;
	v47 =	vld.idx.msk [tilespmem:v0+s26+$0xFFFFFA70 ss:$0x1], $0xffff  }
0x3c0: {  	v35 =	vmul.f32 v35, v37;
	v39 =	vmul.f32 v39, v40  }
0x3c1: {  	v49 =	vld.idx.msk [tilespmem:v0+s26+$0xFFFFFC00 ss:$0x1], $0xffff;
	v34 =	vadd.f32 v36, v34;
	v50 =	vmul.f32 v42, v40;
	v1 =	vmul.f32 v1, v37  }
0x3c2: {  	v51 =	vld.idx.msk [tilespmem:v0+s26+$0xFFFFFBF0 ss:$0x1], $0xffff;
	(xrf2) =	vadd.scan.msk.f32 $0xffff, v43;
	v35 =	vadd.f32 v39, v35  }
0x3c3: {  	v2 =	vld.idx.msk [tilespmem:v0+s26+$0xFFFFFFF0 ss:$0x1], $0xffff;
	v59 =	vbroadcast v20, $0xF;
	(xrf2) =	vadd.scan.msk.f32 $0xffff, v34;
	v1 =	vadd.f32 v50, v1  }
0x3c4: {  	v53 =	vld.idx.msk [tilespmem:v0+s26+$0xFFFFFD80 ss:$0x1], $0xffff;
	v24 =	vmul.f32 v47, v24;
	v26 =	vmul.f32 v44, v26;
	(xrf2) =	vadd.scan.msk.f32 $0xffff, v35  }
0x3c5: {  	v54 =	vld.idx.msk [tilespmem:v0+s26+$0xFFFFFD70 ss:$0x1], $0xffff;
	v63 =	vbroadcast v22, $0xF;
	v21 =	vbroadcast v21, $0xF;
	(xrf2) =	vadd.scan.msk.f32 $0xffff, v1  }
0x3c6: {  	v48 =	vld.idx.msk [tilespmem:v0+s26+$0xFFFFFEF0 ss:$0x1], $0xffff;
	v38 =	vbroadcast v29, $0xF;
	v45 =	vbroadcast v31, $0xF;
	v56 =	vadd.f32 v26, v24  }
0x3c7: {  	v52 =	vld.idx.msk [tilespmem:v0+s26+$0xFFFFFF00 ss:$0x1], $0xffff;
	v13 =	vmul.f32 v51, v13;
	v14 =	vmul.f32 v49, v14  }
0x3c8: {  	v55 =	vmul.f32 v33, v5;
	v34 =	vbroadcast v28, $0xF;
	(xrf2) =	vadd.scan.msk.f32 $0xffff, v56  }
0x3c9: {  	v58, _, _ =	vpop (xrf2);
	v40 =	vbroadcast v32, $0xF;
	v2 =	vmul.f32 v2, v4;
	v13 =	vadd.f32 v14, v13  }
0x3ca: {  	v60, _, _ =	vpop (xrf2);
	v0 =	vmul.f32 v54, v9;
	v61 =	vmul.f32 v53, v10  }
0x3cb: {  	v57 =	vmul.f32 v48, v8;
	v8 =	vbroadcast v15, $0xF;
	v62, _, _ =	vpop (xrf2);
	(xrf2) =	vadd.scan.msk.f32 $0xffff, v13  }
0x3cc: {  	v6 =	vmul.f32 v52, v6;
	v15 =	vbroadcast v17, $0xF;
	v0 =	vadd.f32 v61, v0;
	v33, _, _ =	vpop (xrf2)  }
0x3cd: {  	v17 =	vbroadcast v18, $0xF;
	v37 =	vbroadcast v30, $0xF;
	v36, _, _ =	vpop (xrf2)  }
0x3ce: {  	v49 =	vbroadcast v27, $0xF;
	v18 =	vbroadcast v60, $0xF;
	(xrf2) =	vadd.scan.msk.f32 $0xffff, v0;
	v39, _, _ =	vpop (xrf2)  }
0x3cf: {  	v5 =	vadd.f32 v6, v57;
	v41 =	vbroadcast v33, $0xF;
	v42 =	vbroadcast v39, $0xF;
	v43, _, _ =	vpop (xrf2)  }
0x3d0: {  	v9 =	vbroadcast v36, $0xF;
	v6 =	vbroadcast v43, $0xF  }
0x3d1: {  	v2 =	vadd.f32 v55, v2;
	v44 =	vbroadcast v62, $0xF;
	(xrf2) =	vadd.scan.msk.f32 $0xffff, v5;
	v0 =	vsel vm0, v41, v42  }
0x3d2: {  	v1 =	vbroadcast v58, $0xF;
	v0 =	vsel vm1, v0, v18;
	v47, _, _ =	vpop (xrf2);
	v46 =	vsel vm0, v9, v6  }
0x3d3: {  	v0 =	vsel vm2, v0, v45;
	v48 =	vbroadcast v47, $0xF;
	v4 =	vsel vm1, v46, v44  }
0x3d4: {  	v35 =	vbroadcast v25, $0xF;
	v0 =	vsel vm3, v0, v40;
	v1 =	vsel vm2, v4, v1  }
0x3d5: {  	v50 =	vbroadcast v23, $0xF;
	v51, _, _ =	vpop (xrf2);
	(xrf2) =	vadd.scan.msk.f32 $0xffff, v2;
	v0 =	vsel vm4, v0, v37;
	v1 =	vsel vm3, v1, v48  }
0x3d6: {  	v52 =	vbroadcast v51, $0xF;
	v0 =	vsel vm5, v0, v38;
	v1 =	vsel vm4, v1, v49  }
0x3d7: {  	v53 =	vbroadcast v19, $0xF;
	v0 =	vsel vm6, v0, v34;
	v1 =	vsel vm5, v1, v50  }
0x3d8: {  	v54 =	vbroadcast v16, $0xF;
	v55, _, _ =	vpop (xrf2);
	v0 =	vsel vm7, v0, v35;
	v1 =	vsel vm6, v1, v52  }
0x3d9: {  	v56 =	vbroadcast v55, $0xF;
	v0 =	vsel vm8, v0, v63;
	v1 =	vsel vm7, v1, v53  }
0x3da: {  	v57 =	vbroadcast v12, $0xF;
	v0 =	vsel vm9, v0, v21;
	v1 =	vsel vm8, v1, v54  }
0x3db: {  	v58 =	vbroadcast v11, $0xF;
	v0 =	vsel vm10, v0, v59;
	v59, _, _ =	vpop (xrf2);
	v1 =	vsel vm9, v1, v56  }
0x3dc: {  	v0 =	vsel vm11, v0, v17;
	v60 =	vbroadcast v59, $0xF;
	v1 =	vsel vm10, v1, v57  }
0x3dd: {  	v61 =	vbroadcast v7, $0xF;
	v0 =	vsel vm12, v0, v15;
	v1 =	vsel vm11, v1, v58  }
0x3de: {  	v0 =	vsel vm13, v0, v8;
	v1 =	vsel vm12, v1, v60  }
0x3df: {  	v62, _, _ =	vpop (xrf2);
	v0 =	vsel vm14, v0, v3;
	v1 =	vsel vm13, v1, v61  }
0x3e0: {  	v0 =	vsub.f32 $0.0e+00, v0;
	v1 =	vsel vm14, v1, v62  }
0x3e1: {  	v1 =	vsub.f32 $0.0e+00, v1  }
0x3e2: {  	v0 =	vmul.f32 $1.442695020e+00, v0  }
0x3e3: {  	v1 =	vmul.f32 $1.442695020e+00, v1  }
0x3e4: {  	(erf) = vpow2.f32 v0  }
0x3e5: {  	(erf) = vpow2.f32 v1;
	_ =	sdelay $0x7  }
0x3e6: {  	v0 =	vpop (erf)  }
0x3e7: {  	v0 =	vadd.f32 $1.000000000e+00, v0;
	v1 =	vpop (erf)  }
0x3e8: {  	v1 =	vadd.f32 $1.000000000e+00, v1  }
0x3e9: {  	(erf) = vrcp.f32 v0  }
0x3ea: {  	(erf) = vrcp.f32 v1;
	_ =	sdelay $0x3  }
0x3eb: {  	s8 =	sadd.s32 $0x1, s8  }
0x3ec: {  	p2 =	sne.s32 s8, $0x4  }
.Ltmp4:
0x3ed: {  	_ = 	snop;
	(pc) =	sbr.rel @p2 .LBB2_4-.Ltmp4, $4  }
0x3ee: {  	_ = 	snop  }
0x3ef: {  	s0 =	sadd.s32 $0x10, s24;
	s1 =	sadd.s32 $0x10, s25;
	p0 =	por !p0, !p0;
	v0 =	vpop (erf)  }
0x3f0: {  	s14 =	sadd.s32 $0x80, s14;
	s15 =	sadd.s32 $0x80, s15;
	s3 =	sadd.s32 $0x80, s3;
	[tilespmem:s0+$0x0] =	vst v0;
	v63 =	vpop (erf)  }
0x3f1: {  	s2 =	sadd.s32 $0x80, s2;
	s5 =	sadd.s32 $0x80, s5;
	p1 =	por !p1, !p1;
	[tilespmem:s1+$0x0] =	vst v63  }
0x3f2: {  	s0 =	sld [smem:$0x7FB];
	_ =	sdelay $0x1  }
0x3f3: {  	s1 =	simm.s32 $0x18600;
	s3 =	simm.s32 $0x4  }
0x3f4: {  	[hbm4b:s0+s12] =	stream.linear.scatter [tilespmem:s1], [sflag:$0x4], $0x200, $0x38;
	[tilespmem:$0x18A00] =	vst v63  }
0x3f5: {  	_ =	swait.ge [sflag:s3], $0x200  }
0x3f6: {  	s28 =	sld [smem:$0x7FC]  }
0x3f7: {  	[sflag:s3] =	ssyncset.done $0x0  }
0x3f8: {  	s29 =	simm.s32 $0x18800;
	[sflag:s3] =	ssyncadd.s32 $0xFFFFFE00  }
0x3f9: {  	[hbm4b:s28+s12] =	stream.linear.scatter [tilespmem:s29], [sflag:$0x4], $0x200, $0x38;
	[tilespmem:$0x18A00] =	vst v63  }
0x3fa: {  	_ =	swait.ge [sflag:s3], $0x200  }
0x3fb: {  	s30 =	sld [smem:$0x7F7]  }
0x3fc: {  	s31 =	sld [smem:$0x7FD];
	_ =	sdelay $0x1  }
0x3fd: {  	s1 =	sadd.s32 $0x1, s30  }
0x3fe: {  	p0 =	sne.s32 s1, s31  }
.Ltmp5:
0x3ff: {  	_ = 	snop;
	(pc) =	sbr.rel @p0 .LBB2_1-.Ltmp5, $3  }
0x400: {  	_ =	sdelay $0x1  }
0x401: {  	[sflag:s3] =	ssyncset.done $0x0  }
0x402: {  	[sflag:s3] =	ssyncadd.s32 $0xFFFFFE00  }
0x403: {  	_ =	sfence.sel $0x180000  }
0x404: {  	[bflag:$0x0] =	sbarrier.arrive $0xFFFF  }
0x405: {  	_ =	strace $0x90000047  }
0x406: {  	s0 =	stileid.u32;
	[bflag:$0x2] =	sbarrier.arrive $0xFFFF  }
0x407: {  	p0 =	sne.s32 s0, $0x0;
	s0 =	rddreg [dreg:$0x6]  }
0x408: {  	s0 =	sadd.s32 @!p0 $0x100000, s0  }
0x409: {  	[sflag:s0] =	ssyncadd.tile.s32 @!p0 $0x1;
	_ =	shalt  }
.Lfunc_end2:
_tile_overlayer_lowered:
.L_overlay_start_2:
0x40a: {  	(tag) =	ssettag $0x2  }
0x40b: {  	s0 =	rddreg [dreg:$0x0];
	s2 =	stileid.u32  }
0x40c: {  	s1 =	rddreg [dreg:$0x1];
	p0 =	sne.s32 s2, $0x0  }
0x40d: {  	s3 =	rddreg [dreg:$0x2];
	[bflag:$0x3] =	sbarrier.arrive $0xFFFF;
	s2 =	simm.s32 @!p0 $0x1C04  }
0x40e: {  	[timem:s3], [sflag:s2] =	dma.local @!p0 [hbm:s0], s1  }
0x40f: {  	s0 =	simm.s32 @!p0 $0x4  }
0x410: {  	_ =	swait.ge @!p0 [sflag:s0], s1  }
0x411: {  	s1 =	ssub.s32 @!p0 $0x0, s1;
	[sflag:s0] =	ssyncset.done @!p0 $0x0  }
0x412: {  	[sflag:s0] =	ssyncadd.s32 @!p0 s1  }
0x413: {  	[bflag:$0x3] =	sbarrier.arrive $0xFFFF  }
0x414: {  	_ =	shalt  }

</sc_bundles>
